<compile_context>
chip_gen: v7x
topology: tpu7x:2x2x1
jax: 0.10.2.dev20260603
libtpu: 0.0.44.dev20260713+nightly
codegen_flags: <defaults>
</compile_context>

<pallas_src>
import functools

import numpy as np
import jax
import jax.numpy as jnp
from jax import lax
from jax.experimental import pallas as pl
from jax.experimental.pallas import tpu as pltpu
from jax.experimental.pallas import tpu_sc as plsc

N = 10000
E = 320000
D = 128

NC = 2
NS = 16
NW = NC * NS
G = 128
GPT = (-(-E // (NW * G)) + 7) // 8 * 8
E_PAD = NW * GPT * G
IC = 8
NCH = GPT // IC
N_ACC = 10112
RPT = N_ACC // NS
CW = 16


def _make_segsum(with_counts: bool):
    mesh = plsc.VectorSubcoreMesh(core_axis_name="c", subcore_axis_name="s")

    out_type = [jax.ShapeDtypeStruct((NC, N_ACC, D), jnp.float32)]
    scratch = [
        pltpu.VMEM((2, IC, G), jnp.int32),
        pltpu.VMEM((2, IC, G), jnp.int32),
        pltpu.VMEM((G, D), jnp.float32),
        pltpu.VMEM((G, D), jnp.float32),
        pltpu.VMEM_SHARED((N_ACC, D), jnp.float32),
        pltpu.SemaphoreType.DMA,
        pltpu.SemaphoreType.DMA,
        pltpu.SemaphoreType.DMA,
        pltpu.SemaphoreType.DMA,
        pltpu.SemaphoreType.DMA,
        pltpu.SemaphoreType.DMA,
    ]
    if with_counts:
        out_type.append(jax.ShapeDtypeStruct((NC, N_ACC, CW), jnp.float32))
        scratch += [
            pltpu.VMEM((G, CW), jnp.float32),
            pltpu.VMEM_SHARED((N_ACC, CW), jnp.float32),
            pltpu.SemaphoreType.DMA,
        ]

    @functools.partial(pl.kernel,
                       out_type=tuple(out_type) if with_counts else out_type[0],
                       mesh=mesh,
                       scratch_types=scratch,
                       compiler_params=pltpu.CompilerParams(
                           use_tc_tiling_on_sc=False))
    def segsum(table, src2d, dst2d, *refs):
        if with_counts:
            (out, outc, idx_s, idx_d, rows0, rows1, acc,
             semg0, semg1, sems0, sems1, semi0, semi1,
             ones, accc, semc) = refs
        else:
            (out, idx_s, idx_d, rows0, rows1, acc,
             semg0, semg1, sems0, sems1, semi0, semi1) = refs
        c = lax.axis_index("c")
        s = lax.axis_index("s")
        rows = (rows0, rows1)
        semg = (semg0, semg1)
        sems = (sems0, sems1)
        semi = (semi0, semi1)
        gbase = (s * NC + c) * GPT

        def src_sl(t):
            return src2d.at[pl.ds(gbase + t * IC, IC)]

        def dst_sl(t):
            return dst2d.at[pl.ds(gbase + t * IC, IC)]

        pltpu.async_copy(src_sl(0), idx_s.at[0], semi0)
        pltpu.async_copy(dst_sl(0), idx_d.at[0], semi0)

        def zero_row(i, carry):
            for j in range(D // 16):
                rows0[i, pl.ds(j * 16, 16)] = jnp.zeros((16,), jnp.float32)
            return carry

        lax.fori_loop(0, G, zero_row, 0)
        nfull, rem = RPT // G, RPT % G
        for k in range(nfull):
            pltpu.sync_copy(rows0, acc.at[pl.ds(s * RPT + k * G, G)])
        if rem:
            pltpu.sync_copy(rows0.at[pl.ds(0, rem)],
                            acc.at[pl.ds(s * RPT + nfull * G, rem)])

        if with_counts:
            def zero_ones(i, carry):
                ones[i, pl.ds(0, CW)] = jnp.zeros((CW,), jnp.float32)
                return carry

            lax.fori_loop(0, G, zero_ones, 0)
            for k in range(nfull):
                pltpu.sync_copy(ones.at[pl.ds(0, G)],
                                accc.at[pl.ds(s * RPT + k * G, G)])
            if rem:
                pltpu.sync_copy(ones.at[pl.ds(0, rem)],
                                accc.at[pl.ds(s * RPT + nfull * G, rem)])

            def one_ones(i, carry):
                ones[i, pl.ds(0, CW)] = jnp.full((CW,), 1.0, jnp.float32)
                return carry

            lax.fori_loop(0, G, one_ones, 0)
        plsc.subcore_barrier()

        def chunk(t, p):
            pltpu.make_async_copy(src_sl(t), idx_s.at[p], semi[p]).wait()
            pltpu.make_async_copy(dst_sl(t), idx_d.at[p], semi[p]).wait()
            for i in range(IC):
                b = i % 2

                def _wait_scatter(b=b, i=i):
                    pltpu.make_async_copy(rows[b], acc.at[idx_d.at[p].at[i]],
                                          sems[b]).wait()

                if i >= 2:
                    _wait_scatter()
                else:
                    pl.when(t > 0)(_wait_scatter)

                if with_counts and i == 0:
                    def _drain_counts():
                        for j in range(IC):
                            pltpu.make_async_copy(
                                ones, accc.at[idx_d.at[1 - p].at[j]],
                                semc).wait()

                    pl.when(t > 0)(_drain_counts)

                pltpu.async_copy(table.at[idx_s.at[p].at[i]], rows[b], semg[b])

                pp, pi = (p, i - 1) if i > 0 else (1 - p, IC - 1)

                def _scatter_prev(pp=pp, pi=pi, b=b):
                    pltpu.make_async_copy(table.at[idx_s.at[pp].at[pi]],
                                          rows[1 - b], semg[1 - b]).wait()
                    pltpu.async_copy(rows[1 - b], acc.at[idx_d.at[pp].at[pi]],
                                     sems[1 - b], add=True)

                if i == 0:
                    pl.when(t > 0)(_scatter_prev)
                else:
                    _scatter_prev()

                if with_counts:
                    def _scatter_cnt(i=i):
                        pltpu.async_copy(ones, accc.at[idx_d.at[p].at[i]],
                                         semc, add=True)

                    _scatter_cnt()

                if i == 1:
                    def _prefetch():
                        pltpu.async_copy(src_sl(t + 1), idx_s.at[1 - p],
                                         semi[1 - p])
                        pltpu.async_copy(dst_sl(t + 1), idx_d.at[1 - p],
                                         semi[1 - p])

                    pl.when(t < NCH - 1)(_prefetch)

        def chunk_body(t, carry):
            pl.when(t % 2 == 0)(lambda: chunk(t, 0))
            pl.when(t % 2 == 1)(lambda: chunk(t, 1))
            return carry

        lax.fori_loop(0, NCH, chunk_body, 0)

        lp = 1
        lb = (IC - 1) % 2
        pltpu.make_async_copy(table.at[idx_s.at[lp].at[IC - 1]],
                              rows[lb], semg[lb]).wait()
        pltpu.sync_copy(rows[lb], acc.at[idx_d.at[lp].at[IC - 1]], add=True)
        pltpu.make_async_copy(rows[1 - lb], acc.at[idx_d.at[lp].at[IC - 2]],
                              sems[1 - lb]).wait()
        if with_counts:
            for j in range(IC):
                pltpu.make_async_copy(ones, accc.at[idx_d.at[lp].at[j]],
                                      semc).wait()

        plsc.subcore_barrier()
        pltpu.sync_copy(acc.at[pl.ds(s * RPT, RPT)],
                        out.at[c].at[pl.ds(s * RPT, RPT)])
        if with_counts:
            pltpu.sync_copy(accc.at[pl.ds(s * RPT, RPT)],
                            outc.at[c].at[pl.ds(s * RPT, RPT)])

    return segsum


_segsum_l1 = _make_segsum(True)
_segsum_l2 = _make_segsum(False)

BR = 1000


def _mm_body(x_ref, w_ref, o_ref):
    o_ref[...] = lax.dot_general(x_ref[...], w_ref[...],
                                 (((1,), (1,)), ((), ())),
                                 preferred_element_type=jnp.float32)


def _mid_body(p_ref, cnt_ref, x_ref, w1r_ref, b1l_ref, w2l_ref,
              h_ref, y2_ref, inv_ref):
    sums = p_ref[0] + p_ref[1]
    cnt = cnt_ref[0, :, 0:1] + cnt_ref[1, :, 0:1]
    inv = 1.0 / jnp.maximum(cnt, 1.0)
    inv_ref[...] = inv
    xr = lax.dot_general(x_ref[...], w1r_ref[...], (((1,), (1,)), ((), ())),
                         preferred_element_type=jnp.float32)
    h = jnp.maximum(sums * inv + b1l_ref[...] + xr, 0.0)
    h_ref[...] = h
    y2_ref[...] = lax.dot_general(h, w2l_ref[...], (((1,), (1,)), ((), ())),
                                  preferred_element_type=jnp.float32)


def _out_body(p2_ref, inv_ref, h_ref, w2r_ref, b2l_ref, o_ref):
    sums = p2_ref[0] + p2_ref[1]
    inv = inv_ref[...]
    hr = lax.dot_general(h_ref[...], w2r_ref[...], (((1,), (1,)), ((), ())),
                         preferred_element_type=jnp.float32)
    o_ref[...] = sums * inv + b2l_ref[...] + hr


def _full(shape):
    return pl.BlockSpec(shape, lambda i: tuple(0 for _ in shape))


def kernel(x, edge_index, W1l, b1l, W1r, W2l, b2l, W2r):
    pad = E_PAD - E
    pad_src = jnp.asarray(np.arange(pad, dtype=np.int32) % N)
    pad_dst = jnp.asarray(N + np.arange(pad, dtype=np.int32) % (N_ACC - N))
    src2d = jnp.concatenate([edge_index[0], pad_src]).reshape(-1, G)
    dst2d = jnp.concatenate([edge_index[1], pad_dst]).reshape(-1, G)
    b1l2 = b1l.reshape(1, D)
    b2l2 = b2l.reshape(1, D)
    grid = (N // BR,)

    y1 = pl.pallas_call(
        _mm_body,
        grid=grid,
        in_specs=[pl.BlockSpec((BR, D), lambda i: (i, 0)), _full((D, D))],
        out_specs=pl.BlockSpec((BR, D), lambda i: (i, 0)),
        out_shape=jax.ShapeDtypeStruct((N, D), jnp.float32),
    )(x, W1l)

    p1, cnt = _segsum_l1(y1, src2d, dst2d)

    h, y2, inv = pl.pallas_call(
        _mid_body,
        grid=grid,
        in_specs=[
            pl.BlockSpec((NC, BR, D), lambda i: (0, i, 0)),
            pl.BlockSpec((NC, BR, CW), lambda i: (0, i, 0)),
            pl.BlockSpec((BR, D), lambda i: (i, 0)),
            _full((D, D)),
            _full((1, D)),
            _full((D, D)),
        ],
        out_specs=[
            pl.BlockSpec((BR, D), lambda i: (i, 0)),
            pl.BlockSpec((BR, D), lambda i: (i, 0)),
            pl.BlockSpec((BR, 1), lambda i: (i, 0)),
        ],
        out_shape=[
            jax.ShapeDtypeStruct((N, D), jnp.float32),
            jax.ShapeDtypeStruct((N, D), jnp.float32),
            jax.ShapeDtypeStruct((N, 1), jnp.float32),
        ],
    )(p1, cnt, x, W1r, b1l2, W2l)

    p2 = _segsum_l2(y2, src2d, dst2d)

    out = pl.pallas_call(
        _out_body,
        grid=grid,
        in_specs=[
            pl.BlockSpec((NC, BR, D), lambda i: (0, i, 0)),
            pl.BlockSpec((BR, 1), lambda i: (i, 0)),
            pl.BlockSpec((BR, D), lambda i: (i, 0)),
            _full((D, D)),
            _full((1, D)),
        ],
        out_specs=pl.BlockSpec((BR, D), lambda i: (i, 0)),
        out_shape=jax.ShapeDtypeStruct((N, D), jnp.float32),
    )(p2, inv, h, W2r, b2l2)

    return out

# --- scband reference (transcript-rebuilt; emitter-appended) ---
"""Pipeline reference for scband-sage-9483287789791 (READ-ONLY COPY).

The authoritative reference and input builder live on the scoring server;
editing this copy changes nothing except your own understanding.
"""

import jax, jax.numpy as jnp
import numpy as np

N = 10000
E = 320000
D_IN = 128
D_HID = 128
D_OUT = 128


def _uniform(key, shape, fan_in):
    bound = 1.0 / np.sqrt(fan_in)
    return jax.random.uniform(key, shape, jnp.float32, -bound, bound)


def setup_inputs(seed: int = 0) -> dict:
    key = jax.random.key(seed)
    ks = jax.random.split(key, 9)
    x = jax.random.normal(ks[0], (N, D_IN), jnp.float32)
    edge_index = jax.random.randint(ks[1], (2, E), 0, N, dtype=jnp.int32)
    # Layer 1: SAGEConv(in=128, out=128): lin_l (aggregated msgs, with bias), lin_r (root, no bias)
    W1l = _uniform(ks[2], (D_HID, D_IN), D_IN)
    b1l = _uniform(ks[3], (D_HID,), D_IN)
    W1r = _uniform(ks[4], (D_HID, D_IN), D_IN)
    # Layer 2: SAGEConv(in=128, out=128)
    W2l = _uniform(ks[5], (D_OUT, D_HID), D_HID)
    b2l = _uniform(ks[6], (D_OUT,), D_HID)
    W2r = _uniform(ks[7], (D_OUT, D_HID), D_HID)
    return {"x": x, "edge_index": edge_index, "W1l": W1l, "b1l": b1l, "W1r": W1r,
            "W2l": W2l, "b2l": b2l, "W2r": W2r}


def _sage_conv(x, edge_index, Wl, bl, Wr):
    src = edge_index[0]
    dst = edge_index[1]
    msgs = jnp.take(x, src, axis=0)                       # gather: E x D
    sums = jax.ops.segment_sum(msgs, dst, num_segments=x.shape[0])   # scatter-add
    cnts = jax.ops.segment_sum(jnp.ones((edge_index.shape[1],), x.dtype), dst,
                               num_segments=x.shape[0])
    mean = sums / jnp.clip(cnts, 1.0)[:, None]            # mean aggregation
    return mean @ Wl.T + bl + x @ Wr.T


def reference(x, edge_index, W1l, b1l, W1r, W2l, b2l, W2r):
    h = _sage_conv(x, edge_index, W1l, b1l, W1r)
    h = jax.nn.relu(h)
    # dropout p=0.0 (eval) -> identity
    out = _sage_conv(h, edge_index, W2l, b2l, W2r)
    return out

if __name__ == "__main__":
    import jax
    _d = setup_inputs()
    print(jax.jit(kernel)(*tuple(_d.values())))

</pallas_src>

<mosaic_0001>
#map = affine_map<(d0, d1) -> (0, 0)>
#map1 = affine_map<(d0, d1) -> (0, 0, 0)>
module attributes {stable_mosaic.version = 14 : i64} {
  func.func @segsum(%arg0: i32, %arg1: i32, %arg2: memref<10000x128xf32, #tpu.memory_space<hbm>>, %arg3: memref<2560x128xi32, #tpu.memory_space<hbm>>, %arg4: memref<2560x128xi32, #tpu.memory_space<hbm>>, %arg5: memref<2x10112x128xf32, #tpu.memory_space<hbm>>, %arg6: memref<2x8x128xi32, #tpu.memory_space<vmem>>, %arg7: memref<2x8x128xi32, #tpu.memory_space<vmem>>, %arg8: memref<128x128xf32, #tpu.memory_space<vmem>>, %arg9: memref<128x128xf32, #tpu.memory_space<vmem>>, %arg10: memref<10112x128xf32, #tpu.memory_space<vmem_shared>>, %arg11: memref<!tpu.dma_semaphore, #tpu.memory_space<semaphore_mem>>, %arg12: memref<!tpu.dma_semaphore, #tpu.memory_space<semaphore_mem>>, %arg13: memref<!tpu.dma_semaphore, #tpu.memory_space<semaphore_mem>>, %arg14: memref<!tpu.dma_semaphore, #tpu.memory_space<semaphore_mem>>, %arg15: memref<!tpu.dma_semaphore, #tpu.memory_space<semaphore_mem>>, %arg16: memref<!tpu.dma_semaphore, #tpu.memory_space<semaphore_mem>>) attributes {dimension_semantics = [#tpu.dimension_semantics<core_parallel>, #tpu.dimension_semantics<subcore_parallel>], iteration_bounds = array<i64: 2, 16>, scalar_prefetch = 0 : i64, scratch_operands = 11 : i64, tpu.core_type = #tpu.core_type<sc_vector_subcore>, window_params = [{transform_indices = #map}, {transform_indices = #map}, {transform_indices = #map}, {transform_indices = #map1}]} {
    %mul3A = arith.constant 2 : i32
    %mul3A_0 = arith.muli %arg1, %mul3A : i32
    %add3A = arith.addi %mul3A_0, %arg0 : i32
    %mul3A_1 = arith.constant 80 : i32
    %mul3A_2 = arith.muli %add3A, %mul3A_1 : i32
    %add3A_3 = arith.constant 0 : i32
    %add3A_4 = arith.addi %mul3A_2, %add3A_3 : i32
    %dma_start3A = arith.constant 0 : i32
    %dma_start3A_5 = arith.constant 0 : i32
    %dma_start3A_6 = arith.constant 0 : i32
    %dma_start3A_7 = tpu.memref_slice %arg6[%dma_start3A, %dma_start3A_5, %dma_start3A_6] : memref<2x8x128xi32, #tpu.memory_space<vmem>> -> memref<1x8x128xi32, #tpu.memory_space<vmem>>
    %dma_start3A_8 = tpu.memref_squeeze %dma_start3A_7 : memref<1x8x128xi32, #tpu.memory_space<vmem>> -> memref<8x128xi32, #tpu.memory_space<vmem>>
    %dma_start3A_9 = arith.constant 0 : i32
    %dma_start3A_10 = tpu.memref_slice %arg3[%add3A_4, %dma_start3A_9] : memref<2560x128xi32, #tpu.memory_space<hbm>> -> memref<8x128xi32, #tpu.memory_space<hbm>>
    %dma_start3A_11 = arith.constant 0 : i32
    %dma_start3A_12 = arith.constant 0 : i32
    %dma_start3A_13 = tpu.memref_slice %arg6[%dma_start3A, %dma_start3A_11, %dma_start3A_12] : memref<2x8x128xi32, #tpu.memory_space<vmem>> -> memref<1x8x128xi32, #tpu.memory_space<vmem>>
    %dma_start3A_14 = tpu.memref_squeeze %dma_start3A_13 : memref<1x8x128xi32, #tpu.memory_space<vmem>> -> memref<8x128xi32, #tpu.memory_space<vmem>>
    %dma_start3A_15 = arith.constant 0 : i32
    %dma_start3A_16 = tpu.memref_slice %arg3[%add3A_4, %dma_start3A_15] : memref<2560x128xi32, #tpu.memory_space<hbm>> -> memref<8x128xi32, #tpu.memory_space<hbm>>
    tpu.enqueue_dma source(%dma_start3A_16 : memref<8x128xi32, #tpu.memory_space<hbm>>) target(%dma_start3A_14 : memref<8x128xi32, #tpu.memory_space<vmem>>) target_semaphore(%arg15 : memref<!tpu.dma_semaphore, #tpu.memory_space<semaphore_mem>>)
    %add3A_17 = arith.constant 0 : i32
    %add3A_18 = arith.addi %mul3A_2, %add3A_17 : i32
    %dma_start3A_19 = arith.constant 0 : i32
    %dma_start3A_20 = arith.constant 0 : i32
    %dma_start3A_21 = arith.constant 0 : i32
    %dma_start3A_22 = tpu.memref_slice %arg7[%dma_start3A_19, %dma_start3A_20, %dma_start3A_21] : memref<2x8x128xi32, #tpu.memory_space<vmem>> -> memref<1x8x128xi32, #tpu.memory_space<vmem>>
    %dma_start3A_23 = tpu.memref_squeeze %dma_start3A_22 : memref<1x8x128xi32, #tpu.memory_space<vmem>> -> memref<8x128xi32, #tpu.memory_space<vmem>>
    %dma_start3A_24 = arith.constant 0 : i32
    %dma_start3A_25 = tpu.memref_slice %arg4[%add3A_18, %dma_start3A_24] : memref<2560x128xi32, #tpu.memory_space<hbm>> -> memref<8x128xi32, #tpu.memory_space<hbm>>
    %dma_start3A_26 = arith.constant 0 : i32
    %dma_start3A_27 = arith.constant 0 : i32
    %dma_start3A_28 = tpu.memref_slice %arg7[%dma_start3A_19, %dma_start3A_26, %dma_start3A_27] : memref<2x8x128xi32, #tpu.memory_space<vmem>> -> memref<1x8x128xi32, #tpu.memory_space<vmem>>
    %dma_start3A_29 = tpu.memref_squeeze %dma_start3A_28 : memref<1x8x128xi32, #tpu.memory_space<vmem>> -> memref<8x128xi32, #tpu.memory_space<vmem>>
    %dma_start3A_30 = arith.constant 0 : i32
    %dma_start3A_31 = tpu.memref_slice %arg4[%add3A_18, %dma_start3A_30] : memref<2560x128xi32, #tpu.memory_space<hbm>> -> memref<8x128xi32, #tpu.memory_space<hbm>>
    tpu.enqueue_dma source(%dma_start3A_31 : memref<8x128xi32, #tpu.memory_space<hbm>>) target(%dma_start3A_29 : memref<8x128xi32, #tpu.memory_space<vmem>>) target_semaphore(%arg15 : memref<!tpu.dma_semaphore, #tpu.memory_space<semaphore_mem>>)
    %scan3A = arith.constant 0 : i32
    %scan3A_32 = arith.constant 0 : i32
    %scan3A_33 = arith.constant 128 : i32
    %scan3A_34 = arith.addi %scan3A_32, %scan3A_33 : i32
    %scan3A_35 = arith.constant 1 : i32
    scf.for %scan3A_92 = %scan3A_32 to %scan3A_34 step %scan3A_35  : i32 {
      %broadcast_in_dim3A = arith.constant 0.000000e+00 : f32
      %broadcast_in_dim3A_93 = vector.broadcast %broadcast_in_dim3A : f32 to vector<16xf32>
      %swap3A = arith.index_cast %scan3A_92 : i32 to index
      %swap3A_94 = arith.constant 0 : index
      %swap3A_95 = tpu.vector_load %arg8[%swap3A, %swap3A_94] {strides = array<i32>} : memref<128x128xf32, #tpu.memory_space<vmem>>, vector<1x16xf32>,
      %swap3A_96 = vector.shape_cast %swap3A_95 : vector<1x16xf32> to vector<16xf32>
      %swap3A_97 = vector.shape_cast %broadcast_in_dim3A_93 : vector<16xf32> to vector<1x16xf32>
      tpu.vector_store %arg8[%swap3A, %swap3A_94], %swap3A_97 {strides = array<i32>} : memref<128x128xf32, #tpu.memory_space<vmem>>, vector<1x16xf32>,
      %broadcast_in_dim3A_98 = arith.constant 0.000000e+00 : f32
      %broadcast_in_dim3A_99 = vector.broadcast %broadcast_in_dim3A_98 : f32 to vector<16xf32>
      %swap3A_100 = arith.index_cast %scan3A_92 : i32 to index
      %swap3A_101 = arith.constant 16 : index
      %swap3A_102 = tpu.vector_load %arg8[%swap3A_100, %swap3A_101] {strides = array<i32>} : memref<128x128xf32, #tpu.memory_space<vmem>>, vector<1x16xf32>,
      %swap3A_103 = vector.shape_cast %swap3A_102 : vector<1x16xf32> to vector<16xf32>
      %swap3A_104 = vector.shape_cast %broadcast_in_dim3A_99 : vector<16xf32> to vector<1x16xf32>
      tpu.vector_store %arg8[%swap3A_100, %swap3A_101], %swap3A_104 {strides = array<i32>} : memref<128x128xf32, #tpu.memory_space<vmem>>, vector<1x16xf32>,
      %broadcast_in_dim3A_105 = arith.constant 0.000000e+00 : f32
      %broadcast_in_dim3A_106 = vector.broadcast %broadcast_in_dim3A_105 : f32 to vector<16xf32>
      %swap3A_107 = arith.index_cast %scan3A_92 : i32 to index
      %swap3A_108 = arith.constant 32 : index
      %swap3A_109 = tpu.vector_load %arg8[%swap3A_107, %swap3A_108] {strides = array<i32>} : memref<128x128xf32, #tpu.memory_space<vmem>>, vector<1x16xf32>,
      %swap3A_110 = vector.shape_cast %swap3A_109 : vector<1x16xf32> to vector<16xf32>
      %swap3A_111 = vector.shape_cast %broadcast_in_dim3A_106 : vector<16xf32> to vector<1x16xf32>
      tpu.vector_store %arg8[%swap3A_107, %swap3A_108], %swap3A_111 {strides = array<i32>} : memref<128x128xf32, #tpu.memory_space<vmem>>, vector<1x16xf32>,
      %broadcast_in_dim3A_112 = arith.constant 0.000000e+00 : f32
      %broadcast_in_dim3A_113 = vector.broadcast %broadcast_in_dim3A_112 : f32 to vector<16xf32>
      %swap3A_114 = arith.index_cast %scan3A_92 : i32 to index
      %swap3A_115 = arith.constant 48 : index
      %swap3A_116 = tpu.vector_load %arg8[%swap3A_114, %swap3A_115] {strides = array<i32>} : memref<128x128xf32, #tpu.memory_space<vmem>>, vector<1x16xf32>,
      %swap3A_117 = vector.shape_cast %swap3A_116 : vector<1x16xf32> to vector<16xf32>
      %swap3A_118 = vector.shape_cast %broadcast_in_dim3A_113 : vector<16xf32> to vector<1x16xf32>
      tpu.vector_store %arg8[%swap3A_114, %swap3A_115], %swap3A_118 {strides = array<i32>} : memref<128x128xf32, #tpu.memory_space<vmem>>, vector<1x16xf32>,
      %broadcast_in_dim3A_119 = arith.constant 0.000000e+00 : f32
      %broadcast_in_dim3A_120 = vector.broadcast %broadcast_in_dim3A_119 : f32 to vector<16xf32>
      %swap3A_121 = arith.index_cast %scan3A_92 : i32 to index
      %swap3A_122 = arith.constant 64 : index
      %swap3A_123 = tpu.vector_load %arg8[%swap3A_121, %swap3A_122] {strides = array<i32>} : memref<128x128xf32, #tpu.memory_space<vmem>>, vector<1x16xf32>,
      %swap3A_124 = vector.shape_cast %swap3A_123 : vector<1x16xf32> to vector<16xf32>
      %swap3A_125 = vector.shape_cast %broadcast_in_dim3A_120 : vector<16xf32> to vector<1x16xf32>
      tpu.vector_store %arg8[%swap3A_121, %swap3A_122], %swap3A_125 {strides = array<i32>} : memref<128x128xf32, #tpu.memory_space<vmem>>, vector<1x16xf32>,
      %broadcast_in_dim3A_126 = arith.constant 0.000000e+00 : f32
      %broadcast_in_dim3A_127 = vector.broadcast %broadcast_in_dim3A_126 : f32 to vector<16xf32>
      %swap3A_128 = arith.index_cast %scan3A_92 : i32 to index
      %swap3A_129 = arith.constant 80 : index
      %swap3A_130 = tpu.vector_load %arg8[%swap3A_128, %swap3A_129] {strides = array<i32>} : memref<128x128xf32, #tpu.memory_space<vmem>>, vector<1x16xf32>,
      %swap3A_131 = vector.shape_cast %swap3A_130 : vector<1x16xf32> to vector<16xf32>
      %swap3A_132 = vector.shape_cast %broadcast_in_dim3A_127 : vector<16xf32> to vector<1x16xf32>
      tpu.vector_store %arg8[%swap3A_128, %swap3A_129], %swap3A_132 {strides = array<i32>} : memref<128x128xf32, #tpu.memory_space<vmem>>, vector<1x16xf32>,
      %broadcast_in_dim3A_133 = arith.constant 0.000000e+00 : f32
      %broadcast_in_dim3A_134 = vector.broadcast %broadcast_in_dim3A_133 : f32 to vector<16xf32>
      %swap3A_135 = arith.index_cast %scan3A_92 : i32 to index
      %swap3A_136 = arith.constant 96 : index
      %swap3A_137 = tpu.vector_load %arg8[%swap3A_135, %swap3A_136] {strides = array<i32>} : memref<128x128xf32, #tpu.memory_space<vmem>>, vector<1x16xf32>,
      %swap3A_138 = vector.shape_cast %swap3A_137 : vector<1x16xf32> to vector<16xf32>
      %swap3A_139 = vector.shape_cast %broadcast_in_dim3A_134 : vector<16xf32> to vector<1x16xf32>
      tpu.vector_store %arg8[%swap3A_135, %swap3A_136], %swap3A_139 {strides = array<i32>} : memref<128x128xf32, #tpu.memory_space<vmem>>, vector<1x16xf32>,
      %broadcast_in_dim3A_140 = arith.constant 0.000000e+00 : f32
      %broadcast_in_dim3A_141 = vector.broadcast %broadcast_in_dim3A_140 : f32 to vector<16xf32>
      %swap3A_142 = arith.index_cast %scan3A_92 : i32 to index
      %swap3A_143 = arith.constant 112 : index
      %swap3A_144 = tpu.vector_load %arg8[%swap3A_142, %swap3A_143] {strides = array<i32>} : memref<128x128xf32, #tpu.memory_space<vmem>>, vector<1x16xf32>,
      %swap3A_145 = vector.shape_cast %swap3A_144 : vector<1x16xf32> to vector<16xf32>
      %swap3A_146 = vector.shape_cast %broadcast_in_dim3A_141 : vector<16xf32> to vector<1x16xf32>
      tpu.vector_store %arg8[%swap3A_142, %swap3A_143], %swap3A_146 {strides = array<i32>} : memref<128x128xf32, #tpu.memory_space<vmem>>, vector<1x16xf32>,
    }
    %scan3A_36 = arith.constant 128 : i32
    %mul3A_37 = arith.constant 632 : i32
    %mul3A_38 = arith.muli %arg1, %mul3A_37 : i32
    %add3A_39 = arith.constant 0 : i32
    %add3A_40 = arith.addi %mul3A_38, %add3A_39 : i32
    "tpu.region"() ({
      %run_scoped3A_92 = tpu.sem_alloc : memref<!tpu.dma_semaphore, #tpu.memory_space<semaphore_mem>>
      %dma_start3A_93 = arith.constant 0 : i32
      %dma_start3A_94 = tpu.memref_slice %arg10[%add3A_40, %dma_start3A_93] : memref<10112x128xf32, #tpu.memory_space<vmem_shared>> -> memref<128x128xf32, #tpu.memory_space<vmem_shared>>
      %dma_start3A_95 = arith.constant 0 : i32
      %dma_start3A_96 = tpu.memref_slice %arg10[%add3A_40, %dma_start3A_95] : memref<10112x128xf32, #tpu.memory_space<vmem_shared>> -> memref<128x128xf32, #tpu.memory_space<vmem_shared>>
      tpu.enqueue_dma source(%arg8 : memref<128x128xf32, #tpu.memory_space<vmem>>) target(%dma_start3A_96 : memref<128x128xf32, #tpu.memory_space<vmem_shared>>) target_semaphore(%run_scoped3A_92 : memref<!tpu.dma_semaphore, #tpu.memory_space<semaphore_mem>>)
      %dma_wait3A_97 = arith.constant 0 : i32
      %dma_wait3A_98 = tpu.memref_slice %arg10[%add3A_40, %dma_wait3A_97] : memref<10112x128xf32, #tpu.memory_space<vmem_shared>> -> memref<128x128xf32, #tpu.memory_space<vmem_shared>>
      %dma_wait3A_99 = arith.constant 0 : i32
      %dma_wait3A_100 = tpu.memref_slice %arg10[%add3A_40, %dma_wait3A_99] : memref<10112x128xf32, #tpu.memory_space<vmem_shared>> -> memref<128x128xf32, #tpu.memory_space<vmem_shared>>
      tpu.wait_dma2 semaphore(%run_scoped3A_92 : memref<!tpu.dma_semaphore, #tpu.memory_space<semaphore_mem>>) src(%arg8 : memref<128x128xf32, #tpu.memory_space<vmem>>) dst(%dma_wait3A_100 : memref<128x128xf32, #tpu.memory_space<vmem_shared>>)
      tpu.yield
    }) : () -> ()
    %mul3A_41 = arith.constant 632 : i32
    %mul3A_42 = arith.muli %arg1, %mul3A_41 : i32
    %add3A_43 = arith.constant 128 : i32
    %add3A_44 = arith.addi %mul3A_42, %add3A_43 : i32
    "tpu.region"() ({
      %run_scoped3A_92 = tpu.sem_alloc : memref<!tpu.dma_semaphore, #tpu.memory_space<semaphore_mem>>
      %dma_start3A_93 = arith.constant 0 : i32
      %dma_start3A_94 = tpu.memref_slice %arg10[%add3A_44, %dma_start3A_93] : memref<10112x128xf32, #tpu.memory_space<vmem_shared>> -> memref<128x128xf32, #tpu.memory_space<vmem_shared>>
      %dma_start3A_95 = arith.constant 0 : i32
      %dma_start3A_96 = tpu.memref_slice %arg10[%add3A_44, %dma_start3A_95] : memref<10112x128xf32, #tpu.memory_space<vmem_shared>> -> memref<128x128xf32, #tpu.memory_space<vmem_shared>>
      tpu.enqueue_dma source(%arg8 : memref<128x128xf32, #tpu.memory_space<vmem>>) target(%dma_start3A_96 : memref<128x128xf32, #tpu.memory_space<vmem_shared>>) target_semaphore(%run_scoped3A_92 : memref<!tpu.dma_semaphore, #tpu.memory_space<semaphore_mem>>)
      %dma_wait3A_97 = arith.constant 0 : i32
      %dma_wait3A_98 = tpu.memref_slice %arg10[%add3A_44, %dma_wait3A_97] : memref<10112x128xf32, #tpu.memory_space<vmem_shared>> -> memref<128x128xf32, #tpu.memory_space<vmem_shared>>
      %dma_wait3A_99 = arith.constant 0 : i32
      %dma_wait3A_100 = tpu.memref_slice %arg10[%add3A_44, %dma_wait3A_99] : memref<10112x128xf32, #tpu.memory_space<vmem_shared>> -> memref<128x128xf32, #tpu.memory_space<vmem_shared>>
      tpu.wait_dma2 semaphore(%run_scoped3A_92 : memref<!tpu.dma_semaphore, #tpu.memory_space<semaphore_mem>>) src(%arg8 : memref<128x128xf32, #tpu.memory_space<vmem>>) dst(%dma_wait3A_100 : memref<128x128xf32, #tpu.memory_space<vmem_shared>>)
      tpu.yield
    }) : () -> ()
    %mul3A_45 = arith.constant 632 : i32
    %mul3A_46 = arith.muli %arg1, %mul3A_45 : i32
    %add3A_47 = arith.constant 256 : i32
    %add3A_48 = arith.addi %mul3A_46, %add3A_47 : i32
    "tpu.region"() ({
      %run_scoped3A_92 = tpu.sem_alloc : memref<!tpu.dma_semaphore, #tpu.memory_space<semaphore_mem>>
      %dma_start3A_93 = arith.constant 0 : i32
      %dma_start3A_94 = tpu.memref_slice %arg10[%add3A_48, %dma_start3A_93] : memref<10112x128xf32, #tpu.memory_space<vmem_shared>> -> memref<128x128xf32, #tpu.memory_space<vmem_shared>>
      %dma_start3A_95 = arith.constant 0 : i32
      %dma_start3A_96 = tpu.memref_slice %arg10[%add3A_48, %dma_start3A_95] : memref<10112x128xf32, #tpu.memory_space<vmem_shared>> -> memref<128x128xf32, #tpu.memory_space<vmem_shared>>
      tpu.enqueue_dma source(%arg8 : memref<128x128xf32, #tpu.memory_space<vmem>>) target(%dma_start3A_96 : memref<128x128xf32, #tpu.memory_space<vmem_shared>>) target_semaphore(%run_scoped3A_92 : memref<!tpu.dma_semaphore, #tpu.memory_space<semaphore_mem>>)
      %dma_wait3A_97 = arith.constant 0 : i32
      %dma_wait3A_98 = tpu.memref_slice %arg10[%add3A_48, %dma_wait3A_97] : memref<10112x128xf32, #tpu.memory_space<vmem_shared>> -> memref<128x128xf32, #tpu.memory_space<vmem_shared>>
      %dma_wait3A_99 = arith.constant 0 : i32
      %dma_wait3A_100 = tpu.memref_slice %arg10[%add3A_48, %dma_wait3A_99] : memref<10112x128xf32, #tpu.memory_space<vmem_shared>> -> memref<128x128xf32, #tpu.memory_space<vmem_shared>>
      tpu.wait_dma2 semaphore(%run_scoped3A_92 : memref<!tpu.dma_semaphore, #tpu.memory_space<semaphore_mem>>) src(%arg8 : memref<128x128xf32, #tpu.memory_space<vmem>>) dst(%dma_wait3A_100 : memref<128x128xf32, #tpu.memory_space<vmem_shared>>)
      tpu.yield
    }) : () -> ()
    %mul3A_49 = arith.constant 632 : i32
    %mul3A_50 = arith.muli %arg1, %mul3A_49 : i32
    %add3A_51 = arith.constant 384 : i32
    %add3A_52 = arith.addi %mul3A_50, %add3A_51 : i32
    "tpu.region"() ({
      %run_scoped3A_92 = tpu.sem_alloc : memref<!tpu.dma_semaphore, #tpu.memory_space<semaphore_mem>>
      %dma_start3A_93 = arith.constant 0 : i32
      %dma_start3A_94 = tpu.memref_slice %arg10[%add3A_52, %dma_start3A_93] : memref<10112x128xf32, #tpu.memory_space<vmem_shared>> -> memref<128x128xf32, #tpu.memory_space<vmem_shared>>
      %dma_start3A_95 = arith.constant 0 : i32
      %dma_start3A_96 = tpu.memref_slice %arg10[%add3A_52, %dma_start3A_95] : memref<10112x128xf32, #tpu.memory_space<vmem_shared>> -> memref<128x128xf32, #tpu.memory_space<vmem_shared>>
      tpu.enqueue_dma source(%arg8 : memref<128x128xf32, #tpu.memory_space<vmem>>) target(%dma_start3A_96 : memref<128x128xf32, #tpu.memory_space<vmem_shared>>) target_semaphore(%run_scoped3A_92 : memref<!tpu.dma_semaphore, #tpu.memory_space<semaphore_mem>>)
      %dma_wait3A_97 = arith.constant 0 : i32
      %dma_wait3A_98 = tpu.memref_slice %arg10[%add3A_52, %dma_wait3A_97] : memref<10112x128xf32, #tpu.memory_space<vmem_shared>> -> memref<128x128xf32, #tpu.memory_space<vmem_shared>>
      %dma_wait3A_99 = arith.constant 0 : i32
      %dma_wait3A_100 = tpu.memref_slice %arg10[%add3A_52, %dma_wait3A_99] : memref<10112x128xf32, #tpu.memory_space<vmem_shared>> -> memref<128x128xf32, #tpu.memory_space<vmem_shared>>
      tpu.wait_dma2 semaphore(%run_scoped3A_92 : memref<!tpu.dma_semaphore, #tpu.memory_space<semaphore_mem>>) src(%arg8 : memref<128x128xf32, #tpu.memory_space<vmem>>) dst(%dma_wait3A_100 : memref<128x128xf32, #tpu.memory_space<vmem_shared>>)
      tpu.yield
    }) : () -> ()
    %mul3A_53 = arith.constant 632 : i32
    %mul3A_54 = arith.muli %arg1, %mul3A_53 : i32
    %add3A_55 = arith.constant 512 : i32
    %add3A_56 = arith.addi %mul3A_54, %add3A_55 : i32
    "tpu.region"() ({
      %run_scoped3A_92 = tpu.sem_alloc : memref<!tpu.dma_semaphore, #tpu.memory_space<semaphore_mem>>
      %dma_start3A_93 = arith.constant 0 : i32
      %dma_start3A_94 = arith.constant 0 : i32
      %dma_start3A_95 = tpu.memref_slice %arg8[%dma_start3A_93, %dma_start3A_94] : memref<128x128xf32, #tpu.memory_space<vmem>> -> memref<120x128xf32, #tpu.memory_space<vmem>>
      %dma_start3A_96 = arith.constant 0 : i32
      %dma_start3A_97 = tpu.memref_slice %arg10[%add3A_56, %dma_start3A_96] : memref<10112x128xf32, #tpu.memory_space<vmem_shared>> -> memref<120x128xf32, #tpu.memory_space<vmem_shared>>
      %dma_start3A_98 = arith.constant 0 : i32
      %dma_start3A_99 = tpu.memref_slice %arg10[%add3A_56, %dma_start3A_98] : memref<10112x128xf32, #tpu.memory_space<vmem_shared>> -> memref<120x128xf32, #tpu.memory_space<vmem_shared>>
      %dma_start3A_100 = arith.constant 0 : i32
      %dma_start3A_101 = arith.constant 0 : i32
      %dma_start3A_102 = tpu.memref_slice %arg8[%dma_start3A_100, %dma_start3A_101] : memref<128x128xf32, #tpu.memory_space<vmem>> -> memref<120x128xf32, #tpu.memory_space<vmem>>
      tpu.enqueue_dma source(%dma_start3A_102 : memref<120x128xf32, #tpu.memory_space<vmem>>) target(%dma_start3A_99 : memref<120x128xf32, #tpu.memory_space<vmem_shared>>) target_semaphore(%run_scoped3A_92 : memref<!tpu.dma_semaphore, #tpu.memory_space<semaphore_mem>>)
      %dma_wait3A_103 = arith.constant 0 : i32
      %dma_wait3A_104 = arith.constant 0 : i32
      %dma_wait3A_105 = tpu.memref_slice %arg8[%dma_wait3A_103, %dma_wait3A_104] : memref<128x128xf32, #tpu.memory_space<vmem>> -> memref<120x128xf32, #tpu.memory_space<vmem>>
      %dma_wait3A_106 = arith.constant 0 : i32
      %dma_wait3A_107 = tpu.memref_slice %arg10[%add3A_56, %dma_wait3A_106] : memref<10112x128xf32, #tpu.memory_space<vmem_shared>> -> memref<120x128xf32, #tpu.memory_space<vmem_shared>>
      %dma_wait3A_108 = arith.constant 0 : i32
      %dma_wait3A_109 = tpu.memref_slice %arg10[%add3A_56, %dma_wait3A_108] : memref<10112x128xf32, #tpu.memory_space<vmem_shared>> -> memref<120x128xf32, #tpu.memory_space<vmem_shared>>
      %dma_wait3A_110 = arith.constant 0 : i32
      %dma_wait3A_111 = arith.constant 0 : i32
      %dma_wait3A_112 = tpu.memref_slice %arg8[%dma_wait3A_110, %dma_wait3A_111] : memref<128x128xf32, #tpu.memory_space<vmem>> -> memref<120x128xf32, #tpu.memory_space<vmem>>
      tpu.wait_dma2 semaphore(%run_scoped3A_92 : memref<!tpu.dma_semaphore, #tpu.memory_space<semaphore_mem>>) src(%dma_wait3A_112 : memref<120x128xf32, #tpu.memory_space<vmem>>) dst(%dma_wait3A_109 : memref<120x128xf32, #tpu.memory_space<vmem_shared>>)
      tpu.yield
    }) : () -> ()
    %barrier3A = arith.constant 0 : index
    tpu.barrier barrier_id(%barrier3A)
    %scan3A_57 = arith.constant 0 : i32
    %scan3A_58 = arith.constant 0 : i32
    %scan3A_59 = arith.constant 10 : i32
    %scan3A_60 = arith.addi %scan3A_58, %scan3A_59 : i32
    %scan3A_61 = arith.constant 1 : i32
    scf.for %scan3A_92 = %scan3A_58 to %scan3A_60 step %scan3A_61  : i32 {
      %jit3A = arith.constant 2 : i32
      %eq3A = arith.constant 0 : i32
      %eq3A_93 = arith.cmpi eq, %jit3A, %eq3A : i32
      %jit3A_94 = arith.constant 1 : i32
      %select_n3A = arith.select %eq3A_93, %jit3A_94, %jit3A : i32
      %rem3A = arith.remsi %scan3A_92, %select_n3A : i32
      %ne3A = arith.constant 0 : i32
      %ne3A_95 = arith.cmpi ne, %rem3A, %ne3A : i32
      %lt3A = arith.constant 0 : i32
      %lt3A_96 = arith.cmpi slt, %rem3A, %lt3A : i32
      %lt3A_97 = arith.constant 0 : i32
      %lt3A_98 = arith.cmpi slt, %select_n3A, %lt3A_97 : i32
      %ne3A_99 = arith.xori %lt3A_96, %lt3A_98 : i1
      %and3A = arith.andi %ne3A_99, %ne3A_95 : i1
      %add3A_100 = arith.addi %rem3A, %select_n3A : i32
      %select_n3A_101 = arith.select %and3A, %add3A_100, %rem3A : i32
      %eq3A_102 = arith.constant 0 : i32
      %eq3A_103 = arith.cmpi eq, %select_n3A_101, %eq3A_102 : i32
      %convert_element_type3A = arith.extui %eq3A_103 : i1 to i32
      %cond3A = arith.constant 0 : i32
      %cond3A_104 = arith.cmpi ne, %convert_element_type3A, %cond3A : i32
      scf.if %cond3A_104 {
        %mul3A_126 = arith.constant 8 : i32
        %mul3A_127 = arith.muli %scan3A_92, %mul3A_126 : i32
        %add3A_128 = arith.addi %mul3A_2, %mul3A_127 : i32
        %dma_wait3A_129 = arith.constant 0 : i32
        %dma_wait3A_130 = arith.constant 0 : i32
        %dma_wait3A_131 = arith.constant 0 : i32
        %dma_wait3A_132 = tpu.memref_slice %arg6[%dma_wait3A_129, %dma_wait3A_130, %dma_wait3A_131] : memref<2x8x128xi32, #tpu.memory_space<vmem>> -> memref<1x8x128xi32, #tpu.memory_space<vmem>>
        %dma_wait3A_133 = tpu.memref_squeeze %dma_wait3A_132 : memref<1x8x128xi32, #tpu.memory_space<vmem>> -> memref<8x128xi32, #tpu.memory_space<vmem>>
        %dma_wait3A_134 = arith.constant 0 : i32
        %dma_wait3A_135 = tpu.memref_slice %arg3[%add3A_128, %dma_wait3A_134] : memref<2560x128xi32, #tpu.memory_space<hbm>> -> memref<8x128xi32, #tpu.memory_space<hbm>>
        %dma_wait3A_136 = arith.constant 0 : i32
        %dma_wait3A_137 = arith.constant 0 : i32
        %dma_wait3A_138 = tpu.memref_slice %arg6[%dma_wait3A_129, %dma_wait3A_136, %dma_wait3A_137] : memref<2x8x128xi32, #tpu.memory_space<vmem>> -> memref<1x8x128xi32, #tpu.memory_space<vmem>>
        %dma_wait3A_139 = tpu.memref_squeeze %dma_wait3A_138 : memref<1x8x128xi32, #tpu.memory_space<vmem>> -> memref<8x128xi32, #tpu.memory_space<vmem>>
        %dma_wait3A_140 = arith.constant 0 : i32
        %dma_wait3A_141 = tpu.memref_slice %arg3[%add3A_128, %dma_wait3A_140] : memref<2560x128xi32, #tpu.memory_space<hbm>> -> memref<8x128xi32, #tpu.memory_space<hbm>>
        tpu.wait_dma2 semaphore(%arg15 : memref<!tpu.dma_semaphore, #tpu.memory_space<semaphore_mem>>) src(%dma_wait3A_141 : memref<8x128xi32, #tpu.memory_space<hbm>>) dst(%dma_wait3A_139 : memref<8x128xi32, #tpu.memory_space<vmem>>)
        %mul3A_142 = arith.constant 8 : i32
        %mul3A_143 = arith.muli %scan3A_92, %mul3A_142 : i32
        %add3A_144 = arith.addi %mul3A_2, %mul3A_143 : i32
        %dma_wait3A_145 = arith.constant 0 : i32
        %dma_wait3A_146 = arith.constant 0 : i32
        %dma_wait3A_147 = arith.constant 0 : i32
        %dma_wait3A_148 = tpu.memref_slice %arg7[%dma_wait3A_145, %dma_wait3A_146, %dma_wait3A_147] : memref<2x8x128xi32, #tpu.memory_space<vmem>> -> memref<1x8x128xi32, #tpu.memory_space<vmem>>
        %dma_wait3A_149 = tpu.memref_squeeze %dma_wait3A_148 : memref<1x8x128xi32, #tpu.memory_space<vmem>> -> memref<8x128xi32, #tpu.memory_space<vmem>>
        %dma_wait3A_150 = arith.constant 0 : i32
        %dma_wait3A_151 = tpu.memref_slice %arg4[%add3A_144, %dma_wait3A_150] : memref<2560x128xi32, #tpu.memory_space<hbm>> -> memref<8x128xi32, #tpu.memory_space<hbm>>
        %dma_wait3A_152 = arith.constant 0 : i32
        %dma_wait3A_153 = arith.constant 0 : i32
        %dma_wait3A_154 = tpu.memref_slice %arg7[%dma_wait3A_145, %dma_wait3A_152, %dma_wait3A_153] : memref<2x8x128xi32, #tpu.memory_space<vmem>> -> memref<1x8x128xi32, #tpu.memory_space<vmem>>
        %dma_wait3A_155 = tpu.memref_squeeze %dma_wait3A_154 : memref<1x8x128xi32, #tpu.memory_space<vmem>> -> memref<8x128xi32, #tpu.memory_space<vmem>>
        %dma_wait3A_156 = arith.constant 0 : i32
        %dma_wait3A_157 = tpu.memref_slice %arg4[%add3A_144, %dma_wait3A_156] : memref<2560x128xi32, #tpu.memory_space<hbm>> -> memref<8x128xi32, #tpu.memory_space<hbm>>
        tpu.wait_dma2 semaphore(%arg15 : memref<!tpu.dma_semaphore, #tpu.memory_space<semaphore_mem>>) src(%dma_wait3A_157 : memref<8x128xi32, #tpu.memory_space<hbm>>) dst(%dma_wait3A_155 : memref<8x128xi32, #tpu.memory_space<vmem>>)
        %gt3A = arith.constant 0 : i32
        %gt3A_158 = arith.cmpi sgt, %scan3A_92, %gt3A : i32
        %convert_element_type3A_159 = arith.extui %gt3A_158 : i1 to i32
        %cond3A_160 = arith.constant 0 : i32
        %cond3A_161 = arith.cmpi ne, %convert_element_type3A_159, %cond3A_160 : i32
        scf.if %cond3A_161 {
          %dma_wait3A_513 = arith.constant 0 : i32
          %dma_wait3A_514 = arith.constant 0 : i32
          %dma_wait3A_515 = arith.constant 0 : i32
          %dma_wait3A_516 = arith.constant 0 : i32
          %dma_wait3A_517 = tpu.memref_slice %arg7[%dma_wait3A_513, %dma_wait3A_515, %dma_wait3A_516] : memref<2x8x128xi32, #tpu.memory_space<vmem>> -> memref<1x8x128xi32, #tpu.memory_space<vmem>>
          %dma_wait3A_518 = tpu.memref_squeeze %dma_wait3A_517 : memref<1x8x128xi32, #tpu.memory_space<vmem>> -> memref<8x128xi32, #tpu.memory_space<vmem>>
          %dma_wait3A_519 = arith.constant 0 : i32
          %dma_wait3A_520 = tpu.memref_slice %dma_wait3A_518[%dma_wait3A_514, %dma_wait3A_519] : memref<8x128xi32, #tpu.memory_space<vmem>> -> memref<1x128xi32, #tpu.memory_space<vmem>>
          %dma_wait3A_521 = tpu.memref_squeeze %dma_wait3A_520 : memref<1x128xi32, #tpu.memory_space<vmem>> -> memref<128xi32, #tpu.memory_space<vmem>>
          %dma_wait3A_522 = arith.constant 0 : i32
          %dma_wait3A_523 = arith.constant 0 : i32
          %dma_wait3A_524 = tpu.memref_slice %arg10[%dma_wait3A_522, %dma_wait3A_523] : memref<10112x128xf32, #tpu.memory_space<vmem_shared>> -> memref<10112x128xf32, #tpu.memory_space<vmem_shared>>
          tpu.wait_indirect_dma semaphore(%arg13 : memref<!tpu.dma_semaphore, #tpu.memory_space<semaphore_mem>>) src(%arg8 : memref<128x128xf32, #tpu.memory_space<vmem>>) dst(%dma_wait3A_524 : memref<10112x128xf32, #tpu.memory_space<vmem_shared>>)
        } else {
        }
        %dma_start3A_162 = arith.constant 0 : i32
        %dma_start3A_163 = arith.constant 0 : i32
        %dma_start3A_164 = arith.constant 0 : i32
        %dma_start3A_165 = arith.constant 0 : i32
        %dma_start3A_166 = tpu.memref_slice %arg6[%dma_start3A_162, %dma_start3A_164, %dma_start3A_165] : memref<2x8x128xi32, #tpu.memory_space<vmem>> -> memref<1x8x128xi32, #tpu.memory_space<vmem>>
        %dma_start3A_167 = tpu.memref_squeeze %dma_start3A_166 : memref<1x8x128xi32, #tpu.memory_space<vmem>> -> memref<8x128xi32, #tpu.memory_space<vmem>>
        %dma_start3A_168 = arith.constant 0 : i32
        %dma_start3A_169 = tpu.memref_slice %dma_start3A_167[%dma_start3A_163, %dma_start3A_168] : memref<8x128xi32, #tpu.memory_space<vmem>> -> memref<1x128xi32, #tpu.memory_space<vmem>>
        %dma_start3A_170 = tpu.memref_squeeze %dma_start3A_169 : memref<1x128xi32, #tpu.memory_space<vmem>> -> memref<128xi32, #tpu.memory_space<vmem>>
        %dma_start3A_171 = arith.constant 0 : i32
        %dma_start3A_172 = arith.constant 0 : i32
        %dma_start3A_173 = tpu.memref_slice %arg2[%dma_start3A_171, %dma_start3A_172] : memref<10000x128xf32, #tpu.memory_space<hbm>> -> memref<10000x128xf32, #tpu.memory_space<hbm>>
        tpu.enqueue_indirect_dma source(%dma_start3A_173 : memref<10000x128xf32, #tpu.memory_space<hbm>>) target(%arg8 : memref<128x128xf32, #tpu.memory_space<vmem>>) offsets(%dma_start3A_170 : memref<128xi32, #tpu.memory_space<vmem>>) semaphore(%arg11 : memref<!tpu.dma_semaphore, #tpu.memory_space<semaphore_mem>>)
        %gt3A_174 = arith.constant 0 : i32
        %gt3A_175 = arith.cmpi sgt, %scan3A_92, %gt3A_174 : i32
        %convert_element_type3A_176 = arith.extui %gt3A_175 : i1 to i32
        %cond3A_177 = arith.constant 0 : i32
        %cond3A_178 = arith.cmpi ne, %convert_element_type3A_176, %cond3A_177 : i32
        scf.if %cond3A_178 {
          %dma_wait3A_513 = arith.constant 1 : i32
          %dma_wait3A_514 = arith.constant 7 : i32
          %dma_wait3A_515 = arith.constant 0 : i32
          %dma_wait3A_516 = arith.constant 0 : i32
          %dma_wait3A_517 = tpu.memref_slice %arg6[%dma_wait3A_513, %dma_wait3A_515, %dma_wait3A_516] : memref<2x8x128xi32, #tpu.memory_space<vmem>> -> memref<1x8x128xi32, #tpu.memory_space<vmem>>
          %dma_wait3A_518 = tpu.memref_squeeze %dma_wait3A_517 : memref<1x8x128xi32, #tpu.memory_space<vmem>> -> memref<8x128xi32, #tpu.memory_space<vmem>>
          %dma_wait3A_519 = arith.constant 0 : i32
          %dma_wait3A_520 = tpu.memref_slice %dma_wait3A_518[%dma_wait3A_514, %dma_wait3A_519] : memref<8x128xi32, #tpu.memory_space<vmem>> -> memref<1x128xi32, #tpu.memory_space<vmem>>
          %dma_wait3A_521 = tpu.memref_squeeze %dma_wait3A_520 : memref<1x128xi32, #tpu.memory_space<vmem>> -> memref<128xi32, #tpu.memory_space<vmem>>
          %dma_wait3A_522 = arith.constant 0 : i32
          %dma_wait3A_523 = arith.constant 0 : i32
          %dma_wait3A_524 = tpu.memref_slice %arg2[%dma_wait3A_522, %dma_wait3A_523] : memref<10000x128xf32, #tpu.memory_space<hbm>> -> memref<10000x128xf32, #tpu.memory_space<hbm>>
          tpu.wait_indirect_dma semaphore(%arg12 : memref<!tpu.dma_semaphore, #tpu.memory_space<semaphore_mem>>) src(%dma_wait3A_524 : memref<10000x128xf32, #tpu.memory_space<hbm>>) dst(%arg9 : memref<128x128xf32, #tpu.memory_space<vmem>>)
          %dma_start3A_525 = arith.constant 1 : i32
          %dma_start3A_526 = arith.constant 7 : i32
          %dma_start3A_527 = arith.constant 0 : i32
          %dma_start3A_528 = arith.constant 0 : i32
          %dma_start3A_529 = tpu.memref_slice %arg7[%dma_start3A_525, %dma_start3A_527, %dma_start3A_528] : memref<2x8x128xi32, #tpu.memory_space<vmem>> -> memref<1x8x128xi32, #tpu.memory_space<vmem>>
          %dma_start3A_530 = tpu.memref_squeeze %dma_start3A_529 : memref<1x8x128xi32, #tpu.memory_space<vmem>> -> memref<8x128xi32, #tpu.memory_space<vmem>>
          %dma_start3A_531 = arith.constant 0 : i32
          %dma_start3A_532 = tpu.memref_slice %dma_start3A_530[%dma_start3A_526, %dma_start3A_531] : memref<8x128xi32, #tpu.memory_space<vmem>> -> memref<1x128xi32, #tpu.memory_space<vmem>>
          %dma_start3A_533 = tpu.memref_squeeze %dma_start3A_532 : memref<1x128xi32, #tpu.memory_space<vmem>> -> memref<128xi32, #tpu.memory_space<vmem>>
          %dma_start3A_534 = arith.constant 0 : i32
          %dma_start3A_535 = arith.constant 0 : i32
          %dma_start3A_536 = tpu.memref_slice %arg10[%dma_start3A_534, %dma_start3A_535] : memref<10112x128xf32, #tpu.memory_space<vmem_shared>> -> memref<10112x128xf32, #tpu.memory_space<vmem_shared>>
          tpu.enqueue_indirect_dma source(%arg9 : memref<128x128xf32, #tpu.memory_space<vmem>>) target(%dma_start3A_536 : memref<10112x128xf32, #tpu.memory_space<vmem_shared>>) offsets(%dma_start3A_533 : memref<128xi32, #tpu.memory_space<vmem>>) semaphore(%arg14 : memref<!tpu.dma_semaphore, #tpu.memory_space<semaphore_mem>>) {add = true}
        } else {
        }
        %gt3A_179 = arith.constant 0 : i32
        %gt3A_180 = arith.cmpi sgt, %scan3A_92, %gt3A_179 : i32
        %convert_element_type3A_181 = arith.extui %gt3A_180 : i1 to i32
        %cond3A_182 = arith.constant 0 : i32
        %cond3A_183 = arith.cmpi ne, %convert_element_type3A_181, %cond3A_182 : i32
        scf.if %cond3A_183 {
          %dma_wait3A_513 = arith.constant 0 : i32
          %dma_wait3A_514 = arith.constant 1 : i32
          %dma_wait3A_515 = arith.constant 0 : i32
          %dma_wait3A_516 = arith.constant 0 : i32
          %dma_wait3A_517 = tpu.memref_slice %arg7[%dma_wait3A_513, %dma_wait3A_515, %dma_wait3A_516] : memref<2x8x128xi32, #tpu.memory_space<vmem>> -> memref<1x8x128xi32, #tpu.memory_space<vmem>>
          %dma_wait3A_518 = tpu.memref_squeeze %dma_wait3A_517 : memref<1x8x128xi32, #tpu.memory_space<vmem>> -> memref<8x128xi32, #tpu.memory_space<vmem>>
          %dma_wait3A_519 = arith.constant 0 : i32
          %dma_wait3A_520 = tpu.memref_slice %dma_wait3A_518[%dma_wait3A_514, %dma_wait3A_519] : memref<8x128xi32, #tpu.memory_space<vmem>> -> memref<1x128xi32, #tpu.memory_space<vmem>>
          %dma_wait3A_521 = tpu.memref_squeeze %dma_wait3A_520 : memref<1x128xi32, #tpu.memory_space<vmem>> -> memref<128xi32, #tpu.memory_space<vmem>>
          %dma_wait3A_522 = arith.constant 0 : i32
          %dma_wait3A_523 = arith.constant 0 : i32
          %dma_wait3A_524 = tpu.memref_slice %arg10[%dma_wait3A_522, %dma_wait3A_523] : memref<10112x128xf32, #tpu.memory_space<vmem_shared>> -> memref<10112x128xf32, #tpu.memory_space<vmem_shared>>
          tpu.wait_indirect_dma semaphore(%arg14 : memref<!tpu.dma_semaphore, #tpu.memory_space<semaphore_mem>>) src(%arg9 : memref<128x128xf32, #tpu.memory_space<vmem>>) dst(%dma_wait3A_524 : memref<10112x128xf32, #tpu.memory_space<vmem_shared>>)
        } else {
        }
        %dma_start3A_184 = arith.constant 0 : i32
        %dma_start3A_185 = arith.constant 1 : i32
        %dma_start3A_186 = arith.constant 0 : i32
        %dma_start3A_187 = arith.constant 0 : i32
        %dma_start3A_188 = tpu.memref_slice %arg6[%dma_start3A_184, %dma_start3A_186, %dma_start3A_187] : memref<2x8x128xi32, #tpu.memory_space<vmem>> -> memref<1x8x128xi32, #tpu.memory_space<vmem>>
        %dma_start3A_189 = tpu.memref_squeeze %dma_start3A_188 : memref<1x8x128xi32, #tpu.memory_space<vmem>> -> memref<8x128xi32, #tpu.memory_space<vmem>>
        %dma_start3A_190 = arith.constant 0 : i32
        %dma_start3A_191 = tpu.memref_slice %dma_start3A_189[%dma_start3A_185, %dma_start3A_190] : memref<8x128xi32, #tpu.memory_space<vmem>> -> memref<1x128xi32, #tpu.memory_space<vmem>>
        %dma_start3A_192 = tpu.memref_squeeze %dma_start3A_191 : memref<1x128xi32, #tpu.memory_space<vmem>> -> memref<128xi32, #tpu.memory_space<vmem>>
        %dma_start3A_193 = arith.constant 0 : i32
        %dma_start3A_194 = arith.constant 0 : i32
        %dma_start3A_195 = tpu.memref_slice %arg2[%dma_start3A_193, %dma_start3A_194] : memref<10000x128xf32, #tpu.memory_space<hbm>> -> memref<10000x128xf32, #tpu.memory_space<hbm>>
        tpu.enqueue_indirect_dma source(%dma_start3A_195 : memref<10000x128xf32, #tpu.memory_space<hbm>>) target(%arg9 : memref<128x128xf32, #tpu.memory_space<vmem>>) offsets(%dma_start3A_192 : memref<128xi32, #tpu.memory_space<vmem>>) semaphore(%arg12 : memref<!tpu.dma_semaphore, #tpu.memory_space<semaphore_mem>>)
        %dma_wait3A_196 = arith.constant 0 : i32
        %dma_wait3A_197 = arith.constant 0 : i32
        %dma_wait3A_198 = arith.constant 0 : i32
        %dma_wait3A_199 = arith.constant 0 : i32
        %dma_wait3A_200 = tpu.memref_slice %arg6[%dma_wait3A_196, %dma_wait3A_198, %dma_wait3A_199] : memref<2x8x128xi32, #tpu.memory_space<vmem>> -> memref<1x8x128xi32, #tpu.memory_space<vmem>>
        %dma_wait3A_201 = tpu.memref_squeeze %dma_wait3A_200 : memref<1x8x128xi32, #tpu.memory_space<vmem>> -> memref<8x128xi32, #tpu.memory_space<vmem>>
        %dma_wait3A_202 = arith.constant 0 : i32
        %dma_wait3A_203 = tpu.memref_slice %dma_wait3A_201[%dma_wait3A_197, %dma_wait3A_202] : memref<8x128xi32, #tpu.memory_space<vmem>> -> memref<1x128xi32, #tpu.memory_space<vmem>>
        %dma_wait3A_204 = tpu.memref_squeeze %dma_wait3A_203 : memref<1x128xi32, #tpu.memory_space<vmem>> -> memref<128xi32, #tpu.memory_space<vmem>>
        %dma_wait3A_205 = arith.constant 0 : i32
        %dma_wait3A_206 = arith.constant 0 : i32
        %dma_wait3A_207 = tpu.memref_slice %arg2[%dma_wait3A_205, %dma_wait3A_206] : memref<10000x128xf32, #tpu.memory_space<hbm>> -> memref<10000x128xf32, #tpu.memory_space<hbm>>
        tpu.wait_indirect_dma semaphore(%arg11 : memref<!tpu.dma_semaphore, #tpu.memory_space<semaphore_mem>>) src(%dma_wait3A_207 : memref<10000x128xf32, #tpu.memory_space<hbm>>) dst(%arg8 : memref<128x128xf32, #tpu.memory_space<vmem>>)
        %dma_start3A_208 = arith.constant 0 : i32
        %dma_start3A_209 = arith.constant 0 : i32
        %dma_start3A_210 = arith.constant 0 : i32
        %dma_start3A_211 = arith.constant 0 : i32
        %dma_start3A_212 = tpu.memref_slice %arg7[%dma_start3A_208, %dma_start3A_210, %dma_start3A_211] : memref<2x8x128xi32, #tpu.memory_space<vmem>> -> memref<1x8x128xi32, #tpu.memory_space<vmem>>
        %dma_start3A_213 = tpu.memref_squeeze %dma_start3A_212 : memref<1x8x128xi32, #tpu.memory_space<vmem>> -> memref<8x128xi32, #tpu.memory_space<vmem>>
        %dma_start3A_214 = arith.constant 0 : i32
        %dma_start3A_215 = tpu.memref_slice %dma_start3A_213[%dma_start3A_209, %dma_start3A_214] : memref<8x128xi32, #tpu.memory_space<vmem>> -> memref<1x128xi32, #tpu.memory_space<vmem>>
        %dma_start3A_216 = tpu.memref_squeeze %dma_start3A_215 : memref<1x128xi32, #tpu.memory_space<vmem>> -> memref<128xi32, #tpu.memory_space<vmem>>
        %dma_start3A_217 = arith.constant 0 : i32
        %dma_start3A_218 = arith.constant 0 : i32
        %dma_start3A_219 = tpu.memref_slice %arg10[%dma_start3A_217, %dma_start3A_218] : memref<10112x128xf32, #tpu.memory_space<vmem_shared>> -> memref<10112x128xf32, #tpu.memory_space<vmem_shared>>
        tpu.enqueue_indirect_dma source(%arg8 : memref<128x128xf32, #tpu.memory_space<vmem>>) target(%dma_start3A_219 : memref<10112x128xf32, #tpu.memory_space<vmem_shared>>) offsets(%dma_start3A_216 : memref<128xi32, #tpu.memory_space<vmem>>) semaphore(%arg13 : memref<!tpu.dma_semaphore, #tpu.memory_space<semaphore_mem>>) {add = true}
        %lt3A_220 = arith.constant 9 : i32
        %lt3A_221 = arith.cmpi slt, %scan3A_92, %lt3A_220 : i32
        %convert_element_type3A_222 = arith.extui %lt3A_221 : i1 to i32
        %cond3A_223 = arith.constant 0 : i32
        %cond3A_224 = arith.cmpi ne, %convert_element_type3A_222, %cond3A_223 : i32
        scf.if %cond3A_224 {
          %add3A_513 = arith.constant 1 : i32
          %add3A_514 = arith.addi %scan3A_92, %add3A_513 : i32
          %mul3A_515 = arith.constant 8 : i32
          %mul3A_516 = arith.muli %add3A_514, %mul3A_515 : i32
          %add3A_517 = arith.addi %mul3A_2, %mul3A_516 : i32
          %dma_start3A_518 = arith.constant 1 : i32
          %dma_start3A_519 = arith.constant 0 : i32
          %dma_start3A_520 = arith.constant 0 : i32
          %dma_start3A_521 = tpu.memref_slice %arg6[%dma_start3A_518, %dma_start3A_519, %dma_start3A_520] : memref<2x8x128xi32, #tpu.memory_space<vmem>> -> memref<1x8x128xi32, #tpu.memory_space<vmem>>
          %dma_start3A_522 = tpu.memref_squeeze %dma_start3A_521 : memref<1x8x128xi32, #tpu.memory_space<vmem>> -> memref<8x128xi32, #tpu.memory_space<vmem>>
          %dma_start3A_523 = arith.constant 0 : i32
          %dma_start3A_524 = tpu.memref_slice %arg3[%add3A_517, %dma_start3A_523] : memref<2560x128xi32, #tpu.memory_space<hbm>> -> memref<8x128xi32, #tpu.memory_space<hbm>>
          %dma_start3A_525 = arith.constant 0 : i32
          %dma_start3A_526 = arith.constant 0 : i32
          %dma_start3A_527 = tpu.memref_slice %arg6[%dma_start3A_518, %dma_start3A_525, %dma_start3A_526] : memref<2x8x128xi32, #tpu.memory_space<vmem>> -> memref<1x8x128xi32, #tpu.memory_space<vmem>>
          %dma_start3A_528 = tpu.memref_squeeze %dma_start3A_527 : memref<1x8x128xi32, #tpu.memory_space<vmem>> -> memref<8x128xi32, #tpu.memory_space<vmem>>
          %dma_start3A_529 = arith.constant 0 : i32
          %dma_start3A_530 = tpu.memref_slice %arg3[%add3A_517, %dma_start3A_529] : memref<2560x128xi32, #tpu.memory_space<hbm>> -> memref<8x128xi32, #tpu.memory_space<hbm>>
          tpu.enqueue_dma source(%dma_start3A_530 : memref<8x128xi32, #tpu.memory_space<hbm>>) target(%dma_start3A_528 : memref<8x128xi32, #tpu.memory_space<vmem>>) target_semaphore(%arg16 : memref<!tpu.dma_semaphore, #tpu.memory_space<semaphore_mem>>)
          %add3A_531 = arith.constant 1 : i32
          %add3A_532 = arith.addi %scan3A_92, %add3A_531 : i32
          %mul3A_533 = arith.constant 8 : i32
          %mul3A_534 = arith.muli %add3A_532, %mul3A_533 : i32
          %add3A_535 = arith.addi %mul3A_2, %mul3A_534 : i32
          %dma_start3A_536 = arith.constant 1 : i32
          %dma_start3A_537 = arith.constant 0 : i32
          %dma_start3A_538 = arith.constant 0 : i32
          %dma_start3A_539 = tpu.memref_slice %arg7[%dma_start3A_536, %dma_start3A_537, %dma_start3A_538] : memref<2x8x128xi32, #tpu.memory_space<vmem>> -> memref<1x8x128xi32, #tpu.memory_space<vmem>>
          %dma_start3A_540 = tpu.memref_squeeze %dma_start3A_539 : memref<1x8x128xi32, #tpu.memory_space<vmem>> -> memref<8x128xi32, #tpu.memory_space<vmem>>
          %dma_start3A_541 = arith.constant 0 : i32
          %dma_start3A_542 = tpu.memref_slice %arg4[%add3A_535, %dma_start3A_541] : memref<2560x128xi32, #tpu.memory_space<hbm>> -> memref<8x128xi32, #tpu.memory_space<hbm>>
          %dma_start3A_543 = arith.constant 0 : i32
          %dma_start3A_544 = arith.constant 0 : i32
          %dma_start3A_545 = tpu.memref_slice %arg7[%dma_start3A_536, %dma_start3A_543, %dma_start3A_544] : memref<2x8x128xi32, #tpu.memory_space<vmem>> -> memref<1x8x128xi32, #tpu.memory_space<vmem>>
          %dma_start3A_546 = tpu.memref_squeeze %dma_start3A_545 : memref<1x8x128xi32, #tpu.memory_space<vmem>> -> memref<8x128xi32, #tpu.memory_space<vmem>>
          %dma_start3A_547 = arith.constant 0 : i32
          %dma_start3A_548 = tpu.memref_slice %arg4[%add3A_535, %dma_start3A_547] : memref<2560x128xi32, #tpu.memory_space<hbm>> -> memref<8x128xi32, #tpu.memory_space<hbm>>
          tpu.enqueue_dma source(%dma_start3A_548 : memref<8x128xi32, #tpu.memory_space<hbm>>) target(%dma_start3A_546 : memref<8x128xi32, #tpu.memory_space<vmem>>) target_semaphore(%arg16 : memref<!tpu.dma_semaphore, #tpu.memory_space<semaphore_mem>>)
        } else {
        }
        %dma_wait3A_225 = arith.constant 0 : i32
        %dma_wait3A_226 = arith.constant 2 : i32
        %dma_wait3A_227 = arith.constant 0 : i32
        %dma_wait3A_228 = arith.constant 0 : i32
        %dma_wait3A_229 = tpu.memref_slice %arg7[%dma_wait3A_225, %dma_wait3A_227, %dma_wait3A_228] : memref<2x8x128xi32, #tpu.memory_space<vmem>> -> memref<1x8x128xi32, #tpu.memory_space<vmem>>
        %dma_wait3A_230 = tpu.memref_squeeze %dma_wait3A_229 : memref<1x8x128xi32, #tpu.memory_space<vmem>> -> memref<8x128xi32, #tpu.memory_space<vmem>>
        %dma_wait3A_231 = arith.constant 0 : i32
        %dma_wait3A_232 = tpu.memref_slice %dma_wait3A_230[%dma_wait3A_226, %dma_wait3A_231] : memref<8x128xi32, #tpu.memory_space<vmem>> -> memref<1x128xi32, #tpu.memory_space<vmem>>
        %dma_wait3A_233 = tpu.memref_squeeze %dma_wait3A_232 : memref<1x128xi32, #tpu.memory_space<vmem>> -> memref<128xi32, #tpu.memory_space<vmem>>
        %dma_wait3A_234 = arith.constant 0 : i32
        %dma_wait3A_235 = arith.constant 0 : i32
        %dma_wait3A_236 = tpu.memref_slice %arg10[%dma_wait3A_234, %dma_wait3A_235] : memref<10112x128xf32, #tpu.memory_space<vmem_shared>> -> memref<10112x128xf32, #tpu.memory_space<vmem_shared>>
        tpu.wait_indirect_dma semaphore(%arg13 : memref<!tpu.dma_semaphore, #tpu.memory_space<semaphore_mem>>) src(%arg8 : memref<128x128xf32, #tpu.memory_space<vmem>>) dst(%dma_wait3A_236 : memref<10112x128xf32, #tpu.memory_space<vmem_shared>>)
        %dma_start3A_237 = arith.constant 0 : i32
        %dma_start3A_238 = arith.constant 2 : i32
        %dma_start3A_239 = arith.constant 0 : i32
        %dma_start3A_240 = arith.constant 0 : i32
        %dma_start3A_241 = tpu.memref_slice %arg6[%dma_start3A_237, %dma_start3A_239, %dma_start3A_240] : memref<2x8x128xi32, #tpu.memory_space<vmem>> -> memref<1x8x128xi32, #tpu.memory_space<vmem>>
        %dma_start3A_242 = tpu.memref_squeeze %dma_start3A_241 : memref<1x8x128xi32, #tpu.memory_space<vmem>> -> memref<8x128xi32, #tpu.memory_space<vmem>>
        %dma_start3A_243 = arith.constant 0 : i32
        %dma_start3A_244 = tpu.memref_slice %dma_start3A_242[%dma_start3A_238, %dma_start3A_243] : memref<8x128xi32, #tpu.memory_space<vmem>> -> memref<1x128xi32, #tpu.memory_space<vmem>>
        %dma_start3A_245 = tpu.memref_squeeze %dma_start3A_244 : memref<1x128xi32, #tpu.memory_space<vmem>> -> memref<128xi32, #tpu.memory_space<vmem>>
        %dma_start3A_246 = arith.constant 0 : i32
        %dma_start3A_247 = arith.constant 0 : i32
        %dma_start3A_248 = tpu.memref_slice %arg2[%dma_start3A_246, %dma_start3A_247] : memref<10000x128xf32, #tpu.memory_space<hbm>> -> memref<10000x128xf32, #tpu.memory_space<hbm>>
        tpu.enqueue_indirect_dma source(%dma_start3A_248 : memref<10000x128xf32, #tpu.memory_space<hbm>>) target(%arg8 : memref<128x128xf32, #tpu.memory_space<vmem>>) offsets(%dma_start3A_245 : memref<128xi32, #tpu.memory_space<vmem>>) semaphore(%arg11 : memref<!tpu.dma_semaphore, #tpu.memory_space<semaphore_mem>>)
        %dma_wait3A_249 = arith.constant 0 : i32
        %dma_wait3A_250 = arith.constant 1 : i32
        %dma_wait3A_251 = arith.constant 0 : i32
        %dma_wait3A_252 = arith.constant 0 : i32
        %dma_wait3A_253 = tpu.memref_slice %arg6[%dma_wait3A_249, %dma_wait3A_251, %dma_wait3A_252] : memref<2x8x128xi32, #tpu.memory_space<vmem>> -> memref<1x8x128xi32, #tpu.memory_space<vmem>>
        %dma_wait3A_254 = tpu.memref_squeeze %dma_wait3A_253 : memref<1x8x128xi32, #tpu.memory_space<vmem>> -> memref<8x128xi32, #tpu.memory_space<vmem>>
        %dma_wait3A_255 = arith.constant 0 : i32
        %dma_wait3A_256 = tpu.memref_slice %dma_wait3A_254[%dma_wait3A_250, %dma_wait3A_255] : memref<8x128xi32, #tpu.memory_space<vmem>> -> memref<1x128xi32, #tpu.memory_space<vmem>>
        %dma_wait3A_257 = tpu.memref_squeeze %dma_wait3A_256 : memref<1x128xi32, #tpu.memory_space<vmem>> -> memref<128xi32, #tpu.memory_space<vmem>>
        %dma_wait3A_258 = arith.constant 0 : i32
        %dma_wait3A_259 = arith.constant 0 : i32
        %dma_wait3A_260 = tpu.memref_slice %arg2[%dma_wait3A_258, %dma_wait3A_259] : memref<10000x128xf32, #tpu.memory_space<hbm>> -> memref<10000x128xf32, #tpu.memory_space<hbm>>
        tpu.wait_indirect_dma semaphore(%arg12 : memref<!tpu.dma_semaphore, #tpu.memory_space<semaphore_mem>>) src(%dma_wait3A_260 : memref<10000x128xf32, #tpu.memory_space<hbm>>) dst(%arg9 : memref<128x128xf32, #tpu.memory_space<vmem>>)
        %dma_start3A_261 = arith.constant 0 : i32
        %dma_start3A_262 = arith.constant 1 : i32
        %dma_start3A_263 = arith.constant 0 : i32
        %dma_start3A_264 = arith.constant 0 : i32
        %dma_start3A_265 = tpu.memref_slice %arg7[%dma_start3A_261, %dma_start3A_263, %dma_start3A_264] : memref<2x8x128xi32, #tpu.memory_space<vmem>> -> memref<1x8x128xi32, #tpu.memory_space<vmem>>
        %dma_start3A_266 = tpu.memref_squeeze %dma_start3A_265 : memref<1x8x128xi32, #tpu.memory_space<vmem>> -> memref<8x128xi32, #tpu.memory_space<vmem>>
        %dma_start3A_267 = arith.constant 0 : i32
        %dma_start3A_268 = tpu.memref_slice %dma_start3A_266[%dma_start3A_262, %dma_start3A_267] : memref<8x128xi32, #tpu.memory_space<vmem>> -> memref<1x128xi32, #tpu.memory_space<vmem>>
        %dma_start3A_269 = tpu.memref_squeeze %dma_start3A_268 : memref<1x128xi32, #tpu.memory_space<vmem>> -> memref<128xi32, #tpu.memory_space<vmem>>
        %dma_start3A_270 = arith.constant 0 : i32
        %dma_start3A_271 = arith.constant 0 : i32
        %dma_start3A_272 = tpu.memref_slice %arg10[%dma_start3A_270, %dma_start3A_271] : memref<10112x128xf32, #tpu.memory_space<vmem_shared>> -> memref<10112x128xf32, #tpu.memory_space<vmem_shared>>
        tpu.enqueue_indirect_dma source(%arg9 : memref<128x128xf32, #tpu.memory_space<vmem>>) target(%dma_start3A_272 : memref<10112x128xf32, #tpu.memory_space<vmem_shared>>) offsets(%dma_start3A_269 : memref<128xi32, #tpu.memory_space<vmem>>) semaphore(%arg14 : memref<!tpu.dma_semaphore, #tpu.memory_space<semaphore_mem>>) {add = true}
        %dma_wait3A_273 = arith.constant 0 : i32
        %dma_wait3A_274 = arith.constant 3 : i32
        %dma_wait3A_275 = arith.constant 0 : i32
        %dma_wait3A_276 = arith.constant 0 : i32
        %dma_wait3A_277 = tpu.memref_slice %arg7[%dma_wait3A_273, %dma_wait3A_275, %dma_wait3A_276] : memref<2x8x128xi32, #tpu.memory_space<vmem>> -> memref<1x8x128xi32, #tpu.memory_space<vmem>>
        %dma_wait3A_278 = tpu.memref_squeeze %dma_wait3A_277 : memref<1x8x128xi32, #tpu.memory_space<vmem>> -> memref<8x128xi32, #tpu.memory_space<vmem>>
        %dma_wait3A_279 = arith.constant 0 : i32
        %dma_wait3A_280 = tpu.memref_slice %dma_wait3A_278[%dma_wait3A_274, %dma_wait3A_279] : memref<8x128xi32, #tpu.memory_space<vmem>> -> memref<1x128xi32, #tpu.memory_space<vmem>>
        %dma_wait3A_281 = tpu.memref_squeeze %dma_wait3A_280 : memref<1x128xi32, #tpu.memory_space<vmem>> -> memref<128xi32, #tpu.memory_space<vmem>>
        %dma_wait3A_282 = arith.constant 0 : i32
        %dma_wait3A_283 = arith.constant 0 : i32
        %dma_wait3A_284 = tpu.memref_slice %arg10[%dma_wait3A_282, %dma_wait3A_283] : memref<10112x128xf32, #tpu.memory_space<vmem_shared>> -> memref<10112x128xf32, #tpu.memory_space<vmem_shared>>
        tpu.wait_indirect_dma semaphore(%arg14 : memref<!tpu.dma_semaphore, #tpu.memory_space<semaphore_mem>>) src(%arg9 : memref<128x128xf32, #tpu.memory_space<vmem>>) dst(%dma_wait3A_284 : memref<10112x128xf32, #tpu.memory_space<vmem_shared>>)
        %dma_start3A_285 = arith.constant 0 : i32
        %dma_start3A_286 = arith.constant 3 : i32
        %dma_start3A_287 = arith.constant 0 : i32
        %dma_start3A_288 = arith.constant 0 : i32
        %dma_start3A_289 = tpu.memref_slice %arg6[%dma_start3A_285, %dma_start3A_287, %dma_start3A_288] : memref<2x8x128xi32, #tpu.memory_space<vmem>> -> memref<1x8x128xi32, #tpu.memory_space<vmem>>
        %dma_start3A_290 = tpu.memref_squeeze %dma_start3A_289 : memref<1x8x128xi32, #tpu.memory_space<vmem>> -> memref<8x128xi32, #tpu.memory_space<vmem>>
        %dma_start3A_291 = arith.constant 0 : i32
        %dma_start3A_292 = tpu.memref_slice %dma_start3A_290[%dma_start3A_286, %dma_start3A_291] : memref<8x128xi32, #tpu.memory_space<vmem>> -> memref<1x128xi32, #tpu.memory_space<vmem>>
        %dma_start3A_293 = tpu.memref_squeeze %dma_start3A_292 : memref<1x128xi32, #tpu.memory_space<vmem>> -> memref<128xi32, #tpu.memory_space<vmem>>
        %dma_start3A_294 = arith.constant 0 : i32
        %dma_start3A_295 = arith.constant 0 : i32
        %dma_start3A_296 = tpu.memref_slice %arg2[%dma_start3A_294, %dma_start3A_295] : memref<10000x128xf32, #tpu.memory_space<hbm>> -> memref<10000x128xf32, #tpu.memory_space<hbm>>
        tpu.enqueue_indirect_dma source(%dma_start3A_296 : memref<10000x128xf32, #tpu.memory_space<hbm>>) target(%arg9 : memref<128x128xf32, #tpu.memory_space<vmem>>) offsets(%dma_start3A_293 : memref<128xi32, #tpu.memory_space<vmem>>) semaphore(%arg12 : memref<!tpu.dma_semaphore, #tpu.memory_space<semaphore_mem>>)
        %dma_wait3A_297 = arith.constant 0 : i32
        %dma_wait3A_298 = arith.constant 2 : i32
        %dma_wait3A_299 = arith.constant 0 : i32
        %dma_wait3A_300 = arith.constant 0 : i32
        %dma_wait3A_301 = tpu.memref_slice %arg6[%dma_wait3A_297, %dma_wait3A_299, %dma_wait3A_300] : memref<2x8x128xi32, #tpu.memory_space<vmem>> -> memref<1x8x128xi32, #tpu.memory_space<vmem>>
        %dma_wait3A_302 = tpu.memref_squeeze %dma_wait3A_301 : memref<1x8x128xi32, #tpu.memory_space<vmem>> -> memref<8x128xi32, #tpu.memory_space<vmem>>
        %dma_wait3A_303 = arith.constant 0 : i32
        %dma_wait3A_304 = tpu.memref_slice %dma_wait3A_302[%dma_wait3A_298, %dma_wait3A_303] : memref<8x128xi32, #tpu.memory_space<vmem>> -> memref<1x128xi32, #tpu.memory_space<vmem>>
        %dma_wait3A_305 = tpu.memref_squeeze %dma_wait3A_304 : memref<1x128xi32, #tpu.memory_space<vmem>> -> memref<128xi32, #tpu.memory_space<vmem>>
        %dma_wait3A_306 = arith.constant 0 : i32
        %dma_wait3A_307 = arith.constant 0 : i32
        %dma_wait3A_308 = tpu.memref_slice %arg2[%dma_wait3A_306, %dma_wait3A_307] : memref<10000x128xf32, #tpu.memory_space<hbm>> -> memref<10000x128xf32, #tpu.memory_space<hbm>>
        tpu.wait_indirect_dma semaphore(%arg11 : memref<!tpu.dma_semaphore, #tpu.memory_space<semaphore_mem>>) src(%dma_wait3A_308 : memref<10000x128xf32, #tpu.memory_space<hbm>>) dst(%arg8 : memref<128x128xf32, #tpu.memory_space<vmem>>)
        %dma_start3A_309 = arith.constant 0 : i32
        %dma_start3A_310 = arith.constant 2 : i32
        %dma_start3A_311 = arith.constant 0 : i32
        %dma_start3A_312 = arith.constant 0 : i32
        %dma_start3A_313 = tpu.memref_slice %arg7[%dma_start3A_309, %dma_start3A_311, %dma_start3A_312] : memref<2x8x128xi32, #tpu.memory_space<vmem>> -> memref<1x8x128xi32, #tpu.memory_space<vmem>>
        %dma_start3A_314 = tpu.memref_squeeze %dma_start3A_313 : memref<1x8x128xi32, #tpu.memory_space<vmem>> -> memref<8x128xi32, #tpu.memory_space<vmem>>
        %dma_start3A_315 = arith.constant 0 : i32
        %dma_start3A_316 = tpu.memref_slice %dma_start3A_314[%dma_start3A_310, %dma_start3A_315] : memref<8x128xi32, #tpu.memory_space<vmem>> -> memref<1x128xi32, #tpu.memory_space<vmem>>
        %dma_start3A_317 = tpu.memref_squeeze %dma_start3A_316 : memref<1x128xi32, #tpu.memory_space<vmem>> -> memref<128xi32, #tpu.memory_space<vmem>>
        %dma_start3A_318 = arith.constant 0 : i32
        %dma_start3A_319 = arith.constant 0 : i32
        %dma_start3A_320 = tpu.memref_slice %arg10[%dma_start3A_318, %dma_start3A_319] : memref<10112x128xf32, #tpu.memory_space<vmem_shared>> -> memref<10112x128xf32, #tpu.memory_space<vmem_shared>>
        tpu.enqueue_indirect_dma source(%arg8 : memref<128x128xf32, #tpu.memory_space<vmem>>) target(%dma_start3A_320 : memref<10112x128xf32, #tpu.memory_space<vmem_shared>>) offsets(%dma_start3A_317 : memref<128xi32, #tpu.memory_space<vmem>>) semaphore(%arg13 : memref<!tpu.dma_semaphore, #tpu.memory_space<semaphore_mem>>) {add = true}
        %dma_wait3A_321 = arith.constant 0 : i32
        %dma_wait3A_322 = arith.constant 4 : i32
        %dma_wait3A_323 = arith.constant 0 : i32
        %dma_wait3A_324 = arith.constant 0 : i32
        %dma_wait3A_325 = tpu.memref_slice %arg7[%dma_wait3A_321, %dma_wait3A_323, %dma_wait3A_324] : memref<2x8x128xi32, #tpu.memory_space<vmem>> -> memref<1x8x128xi32, #tpu.memory_space<vmem>>
        %dma_wait3A_326 = tpu.memref_squeeze %dma_wait3A_325 : memref<1x8x128xi32, #tpu.memory_space<vmem>> -> memref<8x128xi32, #tpu.memory_space<vmem>>
        %dma_wait3A_327 = arith.constant 0 : i32
        %dma_wait3A_328 = tpu.memref_slice %dma_wait3A_326[%dma_wait3A_322, %dma_wait3A_327] : memref<8x128xi32, #tpu.memory_space<vmem>> -> memref<1x128xi32, #tpu.memory_space<vmem>>
        %dma_wait3A_329 = tpu.memref_squeeze %dma_wait3A_328 : memref<1x128xi32, #tpu.memory_space<vmem>> -> memref<128xi32, #tpu.memory_space<vmem>>
        %dma_wait3A_330 = arith.constant 0 : i32
        %dma_wait3A_331 = arith.constant 0 : i32
        %dma_wait3A_332 = tpu.memref_slice %arg10[%dma_wait3A_330, %dma_wait3A_331] : memref<10112x128xf32, #tpu.memory_space<vmem_shared>> -> memref<10112x128xf32, #tpu.memory_space<vmem_shared>>
        tpu.wait_indirect_dma semaphore(%arg13 : memref<!tpu.dma_semaphore, #tpu.memory_space<semaphore_mem>>) src(%arg8 : memref<128x128xf32, #tpu.memory_space<vmem>>) dst(%dma_wait3A_332 : memref<10112x128xf32, #tpu.memory_space<vmem_shared>>)
        %dma_start3A_333 = arith.constant 0 : i32
        %dma_start3A_334 = arith.constant 4 : i32
        %dma_start3A_335 = arith.constant 0 : i32
        %dma_start3A_336 = arith.constant 0 : i32
        %dma_start3A_337 = tpu.memref_slice %arg6[%dma_start3A_333, %dma_start3A_335, %dma_start3A_336] : memref<2x8x128xi32, #tpu.memory_space<vmem>> -> memref<1x8x128xi32, #tpu.memory_space<vmem>>
        %dma_start3A_338 = tpu.memref_squeeze %dma_start3A_337 : memref<1x8x128xi32, #tpu.memory_space<vmem>> -> memref<8x128xi32, #tpu.memory_space<vmem>>
        %dma_start3A_339 = arith.constant 0 : i32
        %dma_start3A_340 = tpu.memref_slice %dma_start3A_338[%dma_start3A_334, %dma_start3A_339] : memref<8x128xi32, #tpu.memory_space<vmem>> -> memref<1x128xi32, #tpu.memory_space<vmem>>
        %dma_start3A_341 = tpu.memref_squeeze %dma_start3A_340 : memref<1x128xi32, #tpu.memory_space<vmem>> -> memref<128xi32, #tpu.memory_space<vmem>>
        %dma_start3A_342 = arith.constant 0 : i32
        %dma_start3A_343 = arith.constant 0 : i32
        %dma_start3A_344 = tpu.memref_slice %arg2[%dma_start3A_342, %dma_start3A_343] : memref<10000x128xf32, #tpu.memory_space<hbm>> -> memref<10000x128xf32, #tpu.memory_space<hbm>>
        tpu.enqueue_indirect_dma source(%dma_start3A_344 : memref<10000x128xf32, #tpu.memory_space<hbm>>) target(%arg8 : memref<128x128xf32, #tpu.memory_space<vmem>>) offsets(%dma_start3A_341 : memref<128xi32, #tpu.memory_space<vmem>>) semaphore(%arg11 : memref<!tpu.dma_semaphore, #tpu.memory_space<semaphore_mem>>)
        %dma_wait3A_345 = arith.constant 0 : i32
        %dma_wait3A_346 = arith.constant 3 : i32
        %dma_wait3A_347 = arith.constant 0 : i32
        %dma_wait3A_348 = arith.constant 0 : i32
        %dma_wait3A_349 = tpu.memref_slice %arg6[%dma_wait3A_345, %dma_wait3A_347, %dma_wait3A_348] : memref<2x8x128xi32, #tpu.memory_space<vmem>> -> memref<1x8x128xi32, #tpu.memory_space<vmem>>
        %dma_wait3A_350 = tpu.memref_squeeze %dma_wait3A_349 : memref<1x8x128xi32, #tpu.memory_space<vmem>> -> memref<8x128xi32, #tpu.memory_space<vmem>>
        %dma_wait3A_351 = arith.constant 0 : i32
        %dma_wait3A_352 = tpu.memref_slice %dma_wait3A_350[%dma_wait3A_346, %dma_wait3A_351] : memref<8x128xi32, #tpu.memory_space<vmem>> -> memref<1x128xi32, #tpu.memory_space<vmem>>
        %dma_wait3A_353 = tpu.memref_squeeze %dma_wait3A_352 : memref<1x128xi32, #tpu.memory_space<vmem>> -> memref<128xi32, #tpu.memory_space<vmem>>
        %dma_wait3A_354 = arith.constant 0 : i32
        %dma_wait3A_355 = arith.constant 0 : i32
        %dma_wait3A_356 = tpu.memref_slice %arg2[%dma_wait3A_354, %dma_wait3A_355] : memref<10000x128xf32, #tpu.memory_space<hbm>> -> memref<10000x128xf32, #tpu.memory_space<hbm>>
        tpu.wait_indirect_dma semaphore(%arg12 : memref<!tpu.dma_semaphore, #tpu.memory_space<semaphore_mem>>) src(%dma_wait3A_356 : memref<10000x128xf32, #tpu.memory_space<hbm>>) dst(%arg9 : memref<128x128xf32, #tpu.memory_space<vmem>>)
        %dma_start3A_357 = arith.constant 0 : i32
        %dma_start3A_358 = arith.constant 3 : i32
        %dma_start3A_359 = arith.constant 0 : i32
        %dma_start3A_360 = arith.constant 0 : i32
        %dma_start3A_361 = tpu.memref_slice %arg7[%dma_start3A_357, %dma_start3A_359, %dma_start3A_360] : memref<2x8x128xi32, #tpu.memory_space<vmem>> -> memref<1x8x128xi32, #tpu.memory_space<vmem>>
        %dma_start3A_362 = tpu.memref_squeeze %dma_start3A_361 : memref<1x8x128xi32, #tpu.memory_space<vmem>> -> memref<8x128xi32, #tpu.memory_space<vmem>>
        %dma_start3A_363 = arith.constant 0 : i32
        %dma_start3A_364 = tpu.memref_slice %dma_start3A_362[%dma_start3A_358, %dma_start3A_363] : memref<8x128xi32, #tpu.memory_space<vmem>> -> memref<1x128xi32, #tpu.memory_space<vmem>>
        %dma_start3A_365 = tpu.memref_squeeze %dma_start3A_364 : memref<1x128xi32, #tpu.memory_space<vmem>> -> memref<128xi32, #tpu.memory_space<vmem>>
        %dma_start3A_366 = arith.constant 0 : i32
        %dma_start3A_367 = arith.constant 0 : i32
        %dma_start3A_368 = tpu.memref_slice %arg10[%dma_start3A_366, %dma_start3A_367] : memref<10112x128xf32, #tpu.memory_space<vmem_shared>> -> memref<10112x128xf32, #tpu.memory_space<vmem_shared>>
        tpu.enqueue_indirect_dma source(%arg9 : memref<128x128xf32, #tpu.memory_space<vmem>>) target(%dma_start3A_368 : memref<10112x128xf32, #tpu.memory_space<vmem_shared>>) offsets(%dma_start3A_365 : memref<128xi32, #tpu.memory_space<vmem>>) semaphore(%arg14 : memref<!tpu.dma_semaphore, #tpu.memory_space<semaphore_mem>>) {add = true}
        %dma_wait3A_369 = arith.constant 0 : i32
        %dma_wait3A_370 = arith.constant 5 : i32
        %dma_wait3A_371 = arith.constant 0 : i32
        %dma_wait3A_372 = arith.constant 0 : i32
        %dma_wait3A_373 = tpu.memref_slice %arg7[%dma_wait3A_369, %dma_wait3A_371, %dma_wait3A_372] : memref<2x8x128xi32, #tpu.memory_space<vmem>> -> memref<1x8x128xi32, #tpu.memory_space<vmem>>
        %dma_wait3A_374 = tpu.memref_squeeze %dma_wait3A_373 : memref<1x8x128xi32, #tpu.memory_space<vmem>> -> memref<8x128xi32, #tpu.memory_space<vmem>>
        %dma_wait3A_375 = arith.constant 0 : i32
        %dma_wait3A_376 = tpu.memref_slice %dma_wait3A_374[%dma_wait3A_370, %dma_wait3A_375] : memref<8x128xi32, #tpu.memory_space<vmem>> -> memref<1x128xi32, #tpu.memory_space<vmem>>
        %dma_wait3A_377 = tpu.memref_squeeze %dma_wait3A_376 : memref<1x128xi32, #tpu.memory_space<vmem>> -> memref<128xi32, #tpu.memory_space<vmem>>
        %dma_wait3A_378 = arith.constant 0 : i32
        %dma_wait3A_379 = arith.constant 0 : i32
        %dma_wait3A_380 = tpu.memref_slice %arg10[%dma_wait3A_378, %dma_wait3A_379] : memref<10112x128xf32, #tpu.memory_space<vmem_shared>> -> memref<10112x128xf32, #tpu.memory_space<vmem_shared>>
        tpu.wait_indirect_dma semaphore(%arg14 : memref<!tpu.dma_semaphore, #tpu.memory_space<semaphore_mem>>) src(%arg9 : memref<128x128xf32, #tpu.memory_space<vmem>>) dst(%dma_wait3A_380 : memref<10112x128xf32, #tpu.memory_space<vmem_shared>>)
        %dma_start3A_381 = arith.constant 0 : i32
        %dma_start3A_382 = arith.constant 5 : i32
        %dma_start3A_383 = arith.constant 0 : i32
        %dma_start3A_384 = arith.constant 0 : i32
        %dma_start3A_385 = tpu.memref_slice %arg6[%dma_start3A_381, %dma_start3A_383, %dma_start3A_384] : memref<2x8x128xi32, #tpu.memory_space<vmem>> -> memref<1x8x128xi32, #tpu.memory_space<vmem>>
        %dma_start3A_386 = tpu.memref_squeeze %dma_start3A_385 : memref<1x8x128xi32, #tpu.memory_space<vmem>> -> memref<8x128xi32, #tpu.memory_space<vmem>>
        %dma_start3A_387 = arith.constant 0 : i32
        %dma_start3A_388 = tpu.memref_slice %dma_start3A_386[%dma_start3A_382, %dma_start3A_387] : memref<8x128xi32, #tpu.memory_space<vmem>> -> memref<1x128xi32, #tpu.memory_space<vmem>>
        %dma_start3A_389 = tpu.memref_squeeze %dma_start3A_388 : memref<1x128xi32, #tpu.memory_space<vmem>> -> memref<128xi32, #tpu.memory_space<vmem>>
        %dma_start3A_390 = arith.constant 0 : i32
        %dma_start3A_391 = arith.constant 0 : i32
        %dma_start3A_392 = tpu.memref_slice %arg2[%dma_start3A_390, %dma_start3A_391] : memref<10000x128xf32, #tpu.memory_space<hbm>> -> memref<10000x128xf32, #tpu.memory_space<hbm>>
        tpu.enqueue_indirect_dma source(%dma_start3A_392 : memref<10000x128xf32, #tpu.memory_space<hbm>>) target(%arg9 : memref<128x128xf32, #tpu.memory_space<vmem>>) offsets(%dma_start3A_389 : memref<128xi32, #tpu.memory_space<vmem>>) semaphore(%arg12 : memref<!tpu.dma_semaphore, #tpu.memory_space<semaphore_mem>>)
        %dma_wait3A_393 = arith.constant 0 : i32
        %dma_wait3A_394 = arith.constant 4 : i32
        %dma_wait3A_395 = arith.constant 0 : i32
        %dma_wait3A_396 = arith.constant 0 : i32
        %dma_wait3A_397 = tpu.memref_slice %arg6[%dma_wait3A_393, %dma_wait3A_395, %dma_wait3A_396] : memref<2x8x128xi32, #tpu.memory_space<vmem>> -> memref<1x8x128xi32, #tpu.memory_space<vmem>>
        %dma_wait3A_398 = tpu.memref_squeeze %dma_wait3A_397 : memref<1x8x128xi32, #tpu.memory_space<vmem>> -> memref<8x128xi32, #tpu.memory_space<vmem>>
        %dma_wait3A_399 = arith.constant 0 : i32
        %dma_wait3A_400 = tpu.memref_slice %dma_wait3A_398[%dma_wait3A_394, %dma_wait3A_399] : memref<8x128xi32, #tpu.memory_space<vmem>> -> memref<1x128xi32, #tpu.memory_space<vmem>>
        %dma_wait3A_401 = tpu.memref_squeeze %dma_wait3A_400 : memref<1x128xi32, #tpu.memory_space<vmem>> -> memref<128xi32, #tpu.memory_space<vmem>>
        %dma_wait3A_402 = arith.constant 0 : i32
        %dma_wait3A_403 = arith.constant 0 : i32
        %dma_wait3A_404 = tpu.memref_slice %arg2[%dma_wait3A_402, %dma_wait3A_403] : memref<10000x128xf32, #tpu.memory_space<hbm>> -> memref<10000x128xf32, #tpu.memory_space<hbm>>
        tpu.wait_indirect_dma semaphore(%arg11 : memref<!tpu.dma_semaphore, #tpu.memory_space<semaphore_mem>>) src(%dma_wait3A_404 : memref<10000x128xf32, #tpu.memory_space<hbm>>) dst(%arg8 : memref<128x128xf32, #tpu.memory_space<vmem>>)
        %dma_start3A_405 = arith.constant 0 : i32
        %dma_start3A_406 = arith.constant 4 : i32
        %dma_start3A_407 = arith.constant 0 : i32
        %dma_start3A_408 = arith.constant 0 : i32
        %dma_start3A_409 = tpu.memref_slice %arg7[%dma_start3A_405, %dma_start3A_407, %dma_start3A_408] : memref<2x8x128xi32, #tpu.memory_space<vmem>> -> memref<1x8x128xi32, #tpu.memory_space<vmem>>
        %dma_start3A_410 = tpu.memref_squeeze %dma_start3A_409 : memref<1x8x128xi32, #tpu.memory_space<vmem>> -> memref<8x128xi32, #tpu.memory_space<vmem>>
        %dma_start3A_411 = arith.constant 0 : i32
        %dma_start3A_412 = tpu.memref_slice %dma_start3A_410[%dma_start3A_406, %dma_start3A_411] : memref<8x128xi32, #tpu.memory_space<vmem>> -> memref<1x128xi32, #tpu.memory_space<vmem>>
        %dma_start3A_413 = tpu.memref_squeeze %dma_start3A_412 : memref<1x128xi32, #tpu.memory_space<vmem>> -> memref<128xi32, #tpu.memory_space<vmem>>
        %dma_start3A_414 = arith.constant 0 : i32
        %dma_start3A_415 = arith.constant 0 : i32
        %dma_start3A_416 = tpu.memref_slice %arg10[%dma_start3A_414, %dma_start3A_415] : memref<10112x128xf32, #tpu.memory_space<vmem_shared>> -> memref<10112x128xf32, #tpu.memory_space<vmem_shared>>
        tpu.enqueue_indirect_dma source(%arg8 : memref<128x128xf32, #tpu.memory_space<vmem>>) target(%dma_start3A_416 : memref<10112x128xf32, #tpu.memory_space<vmem_shared>>) offsets(%dma_start3A_413 : memref<128xi32, #tpu.memory_space<vmem>>) semaphore(%arg13 : memref<!tpu.dma_semaphore, #tpu.memory_space<semaphore_mem>>) {add = true}
        %dma_wait3A_417 = arith.constant 0 : i32
        %dma_wait3A_418 = arith.constant 6 : i32
        %dma_wait3A_419 = arith.constant 0 : i32
        %dma_wait3A_420 = arith.constant 0 : i32
        %dma_wait3A_421 = tpu.memref_slice %arg7[%dma_wait3A_417, %dma_wait3A_419, %dma_wait3A_420] : memref<2x8x128xi32, #tpu.memory_space<vmem>> -> memref<1x8x128xi32, #tpu.memory_space<vmem>>
        %dma_wait3A_422 = tpu.memref_squeeze %dma_wait3A_421 : memref<1x8x128xi32, #tpu.memory_space<vmem>> -> memref<8x128xi32, #tpu.memory_space<vmem>>
        %dma_wait3A_423 = arith.constant 0 : i32
        %dma_wait3A_424 = tpu.memref_slice %dma_wait3A_422[%dma_wait3A_418, %dma_wait3A_423] : memref<8x128xi32, #tpu.memory_space<vmem>> -> memref<1x128xi32, #tpu.memory_space<vmem>>
        %dma_wait3A_425 = tpu.memref_squeeze %dma_wait3A_424 : memref<1x128xi32, #tpu.memory_space<vmem>> -> memref<128xi32, #tpu.memory_space<vmem>>
        %dma_wait3A_426 = arith.constant 0 : i32
        %dma_wait3A_427 = arith.constant 0 : i32
        %dma_wait3A_428 = tpu.memref_slice %arg10[%dma_wait3A_426, %dma_wait3A_427] : memref<10112x128xf32, #tpu.memory_space<vmem_shared>> -> memref<10112x128xf32, #tpu.memory_space<vmem_shared>>
        tpu.wait_indirect_dma semaphore(%arg13 : memref<!tpu.dma_semaphore, #tpu.memory_space<semaphore_mem>>) src(%arg8 : memref<128x128xf32, #tpu.memory_space<vmem>>) dst(%dma_wait3A_428 : memref<10112x128xf32, #tpu.memory_space<vmem_shared>>)
        %dma_start3A_429 = arith.constant 0 : i32
        %dma_start3A_430 = arith.constant 6 : i32
        %dma_start3A_431 = arith.constant 0 : i32
        %dma_start3A_432 = arith.constant 0 : i32
        %dma_start3A_433 = tpu.memref_slice %arg6[%dma_start3A_429, %dma_start3A_431, %dma_start3A_432] : memref<2x8x128xi32, #tpu.memory_space<vmem>> -> memref<1x8x128xi32, #tpu.memory_space<vmem>>
        %dma_start3A_434 = tpu.memref_squeeze %dma_start3A_433 : memref<1x8x128xi32, #tpu.memory_space<vmem>> -> memref<8x128xi32, #tpu.memory_space<vmem>>
        %dma_start3A_435 = arith.constant 0 : i32
        %dma_start3A_436 = tpu.memref_slice %dma_start3A_434[%dma_start3A_430, %dma_start3A_435] : memref<8x128xi32, #tpu.memory_space<vmem>> -> memref<1x128xi32, #tpu.memory_space<vmem>>
        %dma_start3A_437 = tpu.memref_squeeze %dma_start3A_436 : memref<1x128xi32, #tpu.memory_space<vmem>> -> memref<128xi32, #tpu.memory_space<vmem>>
        %dma_start3A_438 = arith.constant 0 : i32
        %dma_start3A_439 = arith.constant 0 : i32
        %dma_start3A_440 = tpu.memref_slice %arg2[%dma_start3A_438, %dma_start3A_439] : memref<10000x128xf32, #tpu.memory_space<hbm>> -> memref<10000x128xf32, #tpu.memory_space<hbm>>
        tpu.enqueue_indirect_dma source(%dma_start3A_440 : memref<10000x128xf32, #tpu.memory_space<hbm>>) target(%arg8 : memref<128x128xf32, #tpu.memory_space<vmem>>) offsets(%dma_start3A_437 : memref<128xi32, #tpu.memory_space<vmem>>) semaphore(%arg11 : memref<!tpu.dma_semaphore, #tpu.memory_space<semaphore_mem>>)
        %dma_wait3A_441 = arith.constant 0 : i32
        %dma_wait3A_442 = arith.constant 5 : i32
        %dma_wait3A_443 = arith.constant 0 : i32
        %dma_wait3A_444 = arith.constant 0 : i32
        %dma_wait3A_445 = tpu.memref_slice %arg6[%dma_wait3A_441, %dma_wait3A_443, %dma_wait3A_444] : memref<2x8x128xi32, #tpu.memory_space<vmem>> -> memref<1x8x128xi32, #tpu.memory_space<vmem>>
        %dma_wait3A_446 = tpu.memref_squeeze %dma_wait3A_445 : memref<1x8x128xi32, #tpu.memory_space<vmem>> -> memref<8x128xi32, #tpu.memory_space<vmem>>
        %dma_wait3A_447 = arith.constant 0 : i32
        %dma_wait3A_448 = tpu.memref_slice %dma_wait3A_446[%dma_wait3A_442, %dma_wait3A_447] : memref<8x128xi32, #tpu.memory_space<vmem>> -> memref<1x128xi32, #tpu.memory_space<vmem>>
        %dma_wait3A_449 = tpu.memref_squeeze %dma_wait3A_448 : memref<1x128xi32, #tpu.memory_space<vmem>> -> memref<128xi32, #tpu.memory_space<vmem>>
        %dma_wait3A_450 = arith.constant 0 : i32
        %dma_wait3A_451 = arith.constant 0 : i32
        %dma_wait3A_452 = tpu.memref_slice %arg2[%dma_wait3A_450, %dma_wait3A_451] : memref<10000x128xf32, #tpu.memory_space<hbm>> -> memref<10000x128xf32, #tpu.memory_space<hbm>>
        tpu.wait_indirect_dma semaphore(%arg12 : memref<!tpu.dma_semaphore, #tpu.memory_space<semaphore_mem>>) src(%dma_wait3A_452 : memref<10000x128xf32, #tpu.memory_space<hbm>>) dst(%arg9 : memref<128x128xf32, #tpu.memory_space<vmem>>)
        %dma_start3A_453 = arith.constant 0 : i32
        %dma_start3A_454 = arith.constant 5 : i32
        %dma_start3A_455 = arith.constant 0 : i32
        %dma_start3A_456 = arith.constant 0 : i32
        %dma_start3A_457 = tpu.memref_slice %arg7[%dma_start3A_453, %dma_start3A_455, %dma_start3A_456] : memref<2x8x128xi32, #tpu.memory_space<vmem>> -> memref<1x8x128xi32, #tpu.memory_space<vmem>>
        %dma_start3A_458 = tpu.memref_squeeze %dma_start3A_457 : memref<1x8x128xi32, #tpu.memory_space<vmem>> -> memref<8x128xi32, #tpu.memory_space<vmem>>
        %dma_start3A_459 = arith.constant 0 : i32
        %dma_start3A_460 = tpu.memref_slice %dma_start3A_458[%dma_start3A_454, %dma_start3A_459] : memref<8x128xi32, #tpu.memory_space<vmem>> -> memref<1x128xi32, #tpu.memory_space<vmem>>
        %dma_start3A_461 = tpu.memref_squeeze %dma_start3A_460 : memref<1x128xi32, #tpu.memory_space<vmem>> -> memref<128xi32, #tpu.memory_space<vmem>>
        %dma_start3A_462 = arith.constant 0 : i32
        %dma_start3A_463 = arith.constant 0 : i32
        %dma_start3A_464 = tpu.memref_slice %arg10[%dma_start3A_462, %dma_start3A_463] : memref<10112x128xf32, #tpu.memory_space<vmem_shared>> -> memref<10112x128xf32, #tpu.memory_space<vmem_shared>>
        tpu.enqueue_indirect_dma source(%arg9 : memref<128x128xf32, #tpu.memory_space<vmem>>) target(%dma_start3A_464 : memref<10112x128xf32, #tpu.memory_space<vmem_shared>>) offsets(%dma_start3A_461 : memref<128xi32, #tpu.memory_space<vmem>>) semaphore(%arg14 : memref<!tpu.dma_semaphore, #tpu.memory_space<semaphore_mem>>) {add = true}
        %dma_wait3A_465 = arith.constant 0 : i32
        %dma_wait3A_466 = arith.constant 7 : i32
        %dma_wait3A_467 = arith.constant 0 : i32
        %dma_wait3A_468 = arith.constant 0 : i32
        %dma_wait3A_469 = tpu.memref_slice %arg7[%dma_wait3A_465, %dma_wait3A_467, %dma_wait3A_468] : memref<2x8x128xi32, #tpu.memory_space<vmem>> -> memref<1x8x128xi32, #tpu.memory_space<vmem>>
        %dma_wait3A_470 = tpu.memref_squeeze %dma_wait3A_469 : memref<1x8x128xi32, #tpu.memory_space<vmem>> -> memref<8x128xi32, #tpu.memory_space<vmem>>
        %dma_wait3A_471 = arith.constant 0 : i32
        %dma_wait3A_472 = tpu.memref_slice %dma_wait3A_470[%dma_wait3A_466, %dma_wait3A_471] : memref<8x128xi32, #tpu.memory_space<vmem>> -> memref<1x128xi32, #tpu.memory_space<vmem>>
        %dma_wait3A_473 = tpu.memref_squeeze %dma_wait3A_472 : memref<1x128xi32, #tpu.memory_space<vmem>> -> memref<128xi32, #tpu.memory_space<vmem>>
        %dma_wait3A_474 = arith.constant 0 : i32
        %dma_wait3A_475 = arith.constant 0 : i32
        %dma_wait3A_476 = tpu.memref_slice %arg10[%dma_wait3A_474, %dma_wait3A_475] : memref<10112x128xf32, #tpu.memory_space<vmem_shared>> -> memref<10112x128xf32, #tpu.memory_space<vmem_shared>>
        tpu.wait_indirect_dma semaphore(%arg14 : memref<!tpu.dma_semaphore, #tpu.memory_space<semaphore_mem>>) src(%arg9 : memref<128x128xf32, #tpu.memory_space<vmem>>) dst(%dma_wait3A_476 : memref<10112x128xf32, #tpu.memory_space<vmem_shared>>)
        %dma_start3A_477 = arith.constant 0 : i32
        %dma_start3A_478 = arith.constant 7 : i32
        %dma_start3A_479 = arith.constant 0 : i32
        %dma_start3A_480 = arith.constant 0 : i32
        %dma_start3A_481 = tpu.memref_slice %arg6[%dma_start3A_477, %dma_start3A_479, %dma_start3A_480] : memref<2x8x128xi32, #tpu.memory_space<vmem>> -> memref<1x8x128xi32, #tpu.memory_space<vmem>>
        %dma_start3A_482 = tpu.memref_squeeze %dma_start3A_481 : memref<1x8x128xi32, #tpu.memory_space<vmem>> -> memref<8x128xi32, #tpu.memory_space<vmem>>
        %dma_start3A_483 = arith.constant 0 : i32
        %dma_start3A_484 = tpu.memref_slice %dma_start3A_482[%dma_start3A_478, %dma_start3A_483] : memref<8x128xi32, #tpu.memory_space<vmem>> -> memref<1x128xi32, #tpu.memory_space<vmem>>
        %dma_start3A_485 = tpu.memref_squeeze %dma_start3A_484 : memref<1x128xi32, #tpu.memory_space<vmem>> -> memref<128xi32, #tpu.memory_space<vmem>>
        %dma_start3A_486 = arith.constant 0 : i32
        %dma_start3A_487 = arith.constant 0 : i32
        %dma_start3A_488 = tpu.memref_slice %arg2[%dma_start3A_486, %dma_start3A_487] : memref<10000x128xf32, #tpu.memory_space<hbm>> -> memref<10000x128xf32, #tpu.memory_space<hbm>>
        tpu.enqueue_indirect_dma source(%dma_start3A_488 : memref<10000x128xf32, #tpu.memory_space<hbm>>) target(%arg9 : memref<128x128xf32, #tpu.memory_space<vmem>>) offsets(%dma_start3A_485 : memref<128xi32, #tpu.memory_space<vmem>>) semaphore(%arg12 : memref<!tpu.dma_semaphore, #tpu.memory_space<semaphore_mem>>)
        %dma_wait3A_489 = arith.constant 0 : i32
        %dma_wait3A_490 = arith.constant 6 : i32
        %dma_wait3A_491 = arith.constant 0 : i32
        %dma_wait3A_492 = arith.constant 0 : i32
        %dma_wait3A_493 = tpu.memref_slice %arg6[%dma_wait3A_489, %dma_wait3A_491, %dma_wait3A_492] : memref<2x8x128xi32, #tpu.memory_space<vmem>> -> memref<1x8x128xi32, #tpu.memory_space<vmem>>
        %dma_wait3A_494 = tpu.memref_squeeze %dma_wait3A_493 : memref<1x8x128xi32, #tpu.memory_space<vmem>> -> memref<8x128xi32, #tpu.memory_space<vmem>>
        %dma_wait3A_495 = arith.constant 0 : i32
        %dma_wait3A_496 = tpu.memref_slice %dma_wait3A_494[%dma_wait3A_490, %dma_wait3A_495] : memref<8x128xi32, #tpu.memory_space<vmem>> -> memref<1x128xi32, #tpu.memory_space<vmem>>
        %dma_wait3A_497 = tpu.memref_squeeze %dma_wait3A_496 : memref<1x128xi32, #tpu.memory_space<vmem>> -> memref<128xi32, #tpu.memory_space<vmem>>
        %dma_wait3A_498 = arith.constant 0 : i32
        %dma_wait3A_499 = arith.constant 0 : i32
        %dma_wait3A_500 = tpu.memref_slice %arg2[%dma_wait3A_498, %dma_wait3A_499] : memref<10000x128xf32, #tpu.memory_space<hbm>> -> memref<10000x128xf32, #tpu.memory_space<hbm>>
        tpu.wait_indirect_dma semaphore(%arg11 : memref<!tpu.dma_semaphore, #tpu.memory_space<semaphore_mem>>) src(%dma_wait3A_500 : memref<10000x128xf32, #tpu.memory_space<hbm>>) dst(%arg8 : memref<128x128xf32, #tpu.memory_space<vmem>>)
        %dma_start3A_501 = arith.constant 0 : i32
        %dma_start3A_502 = arith.constant 6 : i32
        %dma_start3A_503 = arith.constant 0 : i32
        %dma_start3A_504 = arith.constant 0 : i32
        %dma_start3A_505 = tpu.memref_slice %arg7[%dma_start3A_501, %dma_start3A_503, %dma_start3A_504] : memref<2x8x128xi32, #tpu.memory_space<vmem>> -> memref<1x8x128xi32, #tpu.memory_space<vmem>>
        %dma_start3A_506 = tpu.memref_squeeze %dma_start3A_505 : memref<1x8x128xi32, #tpu.memory_space<vmem>> -> memref<8x128xi32, #tpu.memory_space<vmem>>
        %dma_start3A_507 = arith.constant 0 : i32
        %dma_start3A_508 = tpu.memref_slice %dma_start3A_506[%dma_start3A_502, %dma_start3A_507] : memref<8x128xi32, #tpu.memory_space<vmem>> -> memref<1x128xi32, #tpu.memory_space<vmem>>
        %dma_start3A_509 = tpu.memref_squeeze %dma_start3A_508 : memref<1x128xi32, #tpu.memory_space<vmem>> -> memref<128xi32, #tpu.memory_space<vmem>>
        %dma_start3A_510 = arith.constant 0 : i32
        %dma_start3A_511 = arith.constant 0 : i32
        %dma_start3A_512 = tpu.memref_slice %arg10[%dma_start3A_510, %dma_start3A_511] : memref<10112x128xf32, #tpu.memory_space<vmem_shared>> -> memref<10112x128xf32, #tpu.memory_space<vmem_shared>>
        tpu.enqueue_indirect_dma source(%arg8 : memref<128x128xf32, #tpu.memory_space<vmem>>) target(%dma_start3A_512 : memref<10112x128xf32, #tpu.memory_space<vmem_shared>>) offsets(%dma_start3A_509 : memref<128xi32, #tpu.memory_space<vmem>>) semaphore(%arg13 : memref<!tpu.dma_semaphore, #tpu.memory_space<semaphore_mem>>) {add = true}
      } else {
      }
      %jit3A_105 = arith.constant 2 : i32
      %eq3A_106 = arith.constant 0 : i32
      %eq3A_107 = arith.cmpi eq, %jit3A_105, %eq3A_106 : i32
      %jit3A_108 = arith.constant 1 : i32
      %select_n3A_109 = arith.select %eq3A_107, %jit3A_108, %jit3A_105 : i32
      %rem3A_110 = arith.remsi %scan3A_92, %select_n3A_109 : i32
      %ne3A_111 = arith.constant 0 : i32
      %ne3A_112 = arith.cmpi ne, %rem3A_110, %ne3A_111 : i32
      %lt3A_113 = arith.constant 0 : i32
      %lt3A_114 = arith.cmpi slt, %rem3A_110, %lt3A_113 : i32
      %lt3A_115 = arith.constant 0 : i32
      %lt3A_116 = arith.cmpi slt, %select_n3A_109, %lt3A_115 : i32
      %ne3A_117 = arith.xori %lt3A_114, %lt3A_116 : i1
      %and3A_118 = arith.andi %ne3A_117, %ne3A_112 : i1
      %add3A_119 = arith.addi %rem3A_110, %select_n3A_109 : i32
      %select_n3A_120 = arith.select %and3A_118, %add3A_119, %rem3A_110 : i32
      %eq3A_121 = arith.constant 1 : i32
      %eq3A_122 = arith.cmpi eq, %select_n3A_120, %eq3A_121 : i32
      %convert_element_type3A_123 = arith.extui %eq3A_122 : i1 to i32
      %cond3A_124 = arith.constant 0 : i32
      %cond3A_125 = arith.cmpi ne, %convert_element_type3A_123, %cond3A_124 : i32
      scf.if %cond3A_125 {
        %mul3A_126 = arith.constant 8 : i32
        %mul3A_127 = arith.muli %scan3A_92, %mul3A_126 : i32
        %add3A_128 = arith.addi %mul3A_2, %mul3A_127 : i32
        %dma_wait3A_129 = arith.constant 1 : i32
        %dma_wait3A_130 = arith.constant 0 : i32
        %dma_wait3A_131 = arith.constant 0 : i32
        %dma_wait3A_132 = tpu.memref_slice %arg6[%dma_wait3A_129, %dma_wait3A_130, %dma_wait3A_131] : memref<2x8x128xi32, #tpu.memory_space<vmem>> -> memref<1x8x128xi32, #tpu.memory_space<vmem>>
        %dma_wait3A_133 = tpu.memref_squeeze %dma_wait3A_132 : memref<1x8x128xi32, #tpu.memory_space<vmem>> -> memref<8x128xi32, #tpu.memory_space<vmem>>
        %dma_wait3A_134 = arith.constant 0 : i32
        %dma_wait3A_135 = tpu.memref_slice %arg3[%add3A_128, %dma_wait3A_134] : memref<2560x128xi32, #tpu.memory_space<hbm>> -> memref<8x128xi32, #tpu.memory_space<hbm>>
        %dma_wait3A_136 = arith.constant 0 : i32
        %dma_wait3A_137 = arith.constant 0 : i32
        %dma_wait3A_138 = tpu.memref_slice %arg6[%dma_wait3A_129, %dma_wait3A_136, %dma_wait3A_137] : memref<2x8x128xi32, #tpu.memory_space<vmem>> -> memref<1x8x128xi32, #tpu.memory_space<vmem>>
        %dma_wait3A_139 = tpu.memref_squeeze %dma_wait3A_138 : memref<1x8x128xi32, #tpu.memory_space<vmem>> -> memref<8x128xi32, #tpu.memory_space<vmem>>
        %dma_wait3A_140 = arith.constant 0 : i32
        %dma_wait3A_141 = tpu.memref_slice %arg3[%add3A_128, %dma_wait3A_140] : memref<2560x128xi32, #tpu.memory_space<hbm>> -> memref<8x128xi32, #tpu.memory_space<hbm>>
        tpu.wait_dma2 semaphore(%arg16 : memref<!tpu.dma_semaphore, #tpu.memory_space<semaphore_mem>>) src(%dma_wait3A_141 : memref<8x128xi32, #tpu.memory_space<hbm>>) dst(%dma_wait3A_139 : memref<8x128xi32, #tpu.memory_space<vmem>>)
        %mul3A_142 = arith.constant 8 : i32
        %mul3A_143 = arith.muli %scan3A_92, %mul3A_142 : i32
        %add3A_144 = arith.addi %mul3A_2, %mul3A_143 : i32
        %dma_wait3A_145 = arith.constant 1 : i32
        %dma_wait3A_146 = arith.constant 0 : i32
        %dma_wait3A_147 = arith.constant 0 : i32
        %dma_wait3A_148 = tpu.memref_slice %arg7[%dma_wait3A_145, %dma_wait3A_146, %dma_wait3A_147] : memref<2x8x128xi32, #tpu.memory_space<vmem>> -> memref<1x8x128xi32, #tpu.memory_space<vmem>>
        %dma_wait3A_149 = tpu.memref_squeeze %dma_wait3A_148 : memref<1x8x128xi32, #tpu.memory_space<vmem>> -> memref<8x128xi32, #tpu.memory_space<vmem>>
        %dma_wait3A_150 = arith.constant 0 : i32
        %dma_wait3A_151 = tpu.memref_slice %arg4[%add3A_144, %dma_wait3A_150] : memref<2560x128xi32, #tpu.memory_space<hbm>> -> memref<8x128xi32, #tpu.memory_space<hbm>>
        %dma_wait3A_152 = arith.constant 0 : i32
        %dma_wait3A_153 = arith.constant 0 : i32
        %dma_wait3A_154 = tpu.memref_slice %arg7[%dma_wait3A_145, %dma_wait3A_152, %dma_wait3A_153] : memref<2x8x128xi32, #tpu.memory_space<vmem>> -> memref<1x8x128xi32, #tpu.memory_space<vmem>>
        %dma_wait3A_155 = tpu.memref_squeeze %dma_wait3A_154 : memref<1x8x128xi32, #tpu.memory_space<vmem>> -> memref<8x128xi32, #tpu.memory_space<vmem>>
        %dma_wait3A_156 = arith.constant 0 : i32
        %dma_wait3A_157 = tpu.memref_slice %arg4[%add3A_144, %dma_wait3A_156] : memref<2560x128xi32, #tpu.memory_space<hbm>> -> memref<8x128xi32, #tpu.memory_space<hbm>>
        tpu.wait_dma2 semaphore(%arg16 : memref<!tpu.dma_semaphore, #tpu.memory_space<semaphore_mem>>) src(%dma_wait3A_157 : memref<8x128xi32, #tpu.memory_space<hbm>>) dst(%dma_wait3A_155 : memref<8x128xi32, #tpu.memory_space<vmem>>)
        %gt3A = arith.constant 0 : i32
        %gt3A_158 = arith.cmpi sgt, %scan3A_92, %gt3A : i32
        %convert_element_type3A_159 = arith.extui %gt3A_158 : i1 to i32
        %cond3A_160 = arith.constant 0 : i32
        %cond3A_161 = arith.cmpi ne, %convert_element_type3A_159, %cond3A_160 : i32
        scf.if %cond3A_161 {
          %dma_wait3A_513 = arith.constant 1 : i32
          %dma_wait3A_514 = arith.constant 0 : i32
          %dma_wait3A_515 = arith.constant 0 : i32
          %dma_wait3A_516 = arith.constant 0 : i32
          %dma_wait3A_517 = tpu.memref_slice %arg7[%dma_wait3A_513, %dma_wait3A_515, %dma_wait3A_516] : memref<2x8x128xi32, #tpu.memory_space<vmem>> -> memref<1x8x128xi32, #tpu.memory_space<vmem>>
          %dma_wait3A_518 = tpu.memref_squeeze %dma_wait3A_517 : memref<1x8x128xi32, #tpu.memory_space<vmem>> -> memref<8x128xi32, #tpu.memory_space<vmem>>
          %dma_wait3A_519 = arith.constant 0 : i32
          %dma_wait3A_520 = tpu.memref_slice %dma_wait3A_518[%dma_wait3A_514, %dma_wait3A_519] : memref<8x128xi32, #tpu.memory_space<vmem>> -> memref<1x128xi32, #tpu.memory_space<vmem>>
          %dma_wait3A_521 = tpu.memref_squeeze %dma_wait3A_520 : memref<1x128xi32, #tpu.memory_space<vmem>> -> memref<128xi32, #tpu.memory_space<vmem>>
          %dma_wait3A_522 = arith.constant 0 : i32
          %dma_wait3A_523 = arith.constant 0 : i32
          %dma_wait3A_524 = tpu.memref_slice %arg10[%dma_wait3A_522, %dma_wait3A_523] : memref<10112x128xf32, #tpu.memory_space<vmem_shared>> -> memref<10112x128xf32, #tpu.memory_space<vmem_shared>>
          tpu.wait_indirect_dma semaphore(%arg13 : memref<!tpu.dma_semaphore, #tpu.memory_space<semaphore_mem>>) src(%arg8 : memref<128x128xf32, #tpu.memory_space<vmem>>) dst(%dma_wait3A_524 : memref<10112x128xf32, #tpu.memory_space<vmem_shared>>)
        } else {
        }
        %dma_start3A_162 = arith.constant 1 : i32
        %dma_start3A_163 = arith.constant 0 : i32
        %dma_start3A_164 = arith.constant 0 : i32
        %dma_start3A_165 = arith.constant 0 : i32
        %dma_start3A_166 = tpu.memref_slice %arg6[%dma_start3A_162, %dma_start3A_164, %dma_start3A_165] : memref<2x8x128xi32, #tpu.memory_space<vmem>> -> memref<1x8x128xi32, #tpu.memory_space<vmem>>
        %dma_start3A_167 = tpu.memref_squeeze %dma_start3A_166 : memref<1x8x128xi32, #tpu.memory_space<vmem>> -> memref<8x128xi32, #tpu.memory_space<vmem>>
        %dma_start3A_168 = arith.constant 0 : i32
        %dma_start3A_169 = tpu.memref_slice %dma_start3A_167[%dma_start3A_163, %dma_start3A_168] : memref<8x128xi32, #tpu.memory_space<vmem>> -> memref<1x128xi32, #tpu.memory_space<vmem>>
        %dma_start3A_170 = tpu.memref_squeeze %dma_start3A_169 : memref<1x128xi32, #tpu.memory_space<vmem>> -> memref<128xi32, #tpu.memory_space<vmem>>
        %dma_start3A_171 = arith.constant 0 : i32
        %dma_start3A_172 = arith.constant 0 : i32
        %dma_start3A_173 = tpu.memref_slice %arg2[%dma_start3A_171, %dma_start3A_172] : memref<10000x128xf32, #tpu.memory_space<hbm>> -> memref<10000x128xf32, #tpu.memory_space<hbm>>
        tpu.enqueue_indirect_dma source(%dma_start3A_173 : memref<10000x128xf32, #tpu.memory_space<hbm>>) target(%arg8 : memref<128x128xf32, #tpu.memory_space<vmem>>) offsets(%dma_start3A_170 : memref<128xi32, #tpu.memory_space<vmem>>) semaphore(%arg11 : memref<!tpu.dma_semaphore, #tpu.memory_space<semaphore_mem>>)
        %gt3A_174 = arith.constant 0 : i32
        %gt3A_175 = arith.cmpi sgt, %scan3A_92, %gt3A_174 : i32
        %convert_element_type3A_176 = arith.extui %gt3A_175 : i1 to i32
        %cond3A_177 = arith.constant 0 : i32
        %cond3A_178 = arith.cmpi ne, %convert_element_type3A_176, %cond3A_177 : i32
        scf.if %cond3A_178 {
          %dma_wait3A_513 = arith.constant 0 : i32
          %dma_wait3A_514 = arith.constant 7 : i32
          %dma_wait3A_515 = arith.constant 0 : i32
          %dma_wait3A_516 = arith.constant 0 : i32
          %dma_wait3A_517 = tpu.memref_slice %arg6[%dma_wait3A_513, %dma_wait3A_515, %dma_wait3A_516] : memref<2x8x128xi32, #tpu.memory_space<vmem>> -> memref<1x8x128xi32, #tpu.memory_space<vmem>>
          %dma_wait3A_518 = tpu.memref_squeeze %dma_wait3A_517 : memref<1x8x128xi32, #tpu.memory_space<vmem>> -> memref<8x128xi32, #tpu.memory_space<vmem>>
          %dma_wait3A_519 = arith.constant 0 : i32
          %dma_wait3A_520 = tpu.memref_slice %dma_wait3A_518[%dma_wait3A_514, %dma_wait3A_519] : memref<8x128xi32, #tpu.memory_space<vmem>> -> memref<1x128xi32, #tpu.memory_space<vmem>>
          %dma_wait3A_521 = tpu.memref_squeeze %dma_wait3A_520 : memref<1x128xi32, #tpu.memory_space<vmem>> -> memref<128xi32, #tpu.memory_space<vmem>>
          %dma_wait3A_522 = arith.constant 0 : i32
          %dma_wait3A_523 = arith.constant 0 : i32
          %dma_wait3A_524 = tpu.memref_slice %arg2[%dma_wait3A_522, %dma_wait3A_523] : memref<10000x128xf32, #tpu.memory_space<hbm>> -> memref<10000x128xf32, #tpu.memory_space<hbm>>
          tpu.wait_indirect_dma semaphore(%arg12 : memref<!tpu.dma_semaphore, #tpu.memory_space<semaphore_mem>>) src(%dma_wait3A_524 : memref<10000x128xf32, #tpu.memory_space<hbm>>) dst(%arg9 : memref<128x128xf32, #tpu.memory_space<vmem>>)
          %dma_start3A_525 = arith.constant 0 : i32
          %dma_start3A_526 = arith.constant 7 : i32
          %dma_start3A_527 = arith.constant 0 : i32
          %dma_start3A_528 = arith.constant 0 : i32
          %dma_start3A_529 = tpu.memref_slice %arg7[%dma_start3A_525, %dma_start3A_527, %dma_start3A_528] : memref<2x8x128xi32, #tpu.memory_space<vmem>> -> memref<1x8x128xi32, #tpu.memory_space<vmem>>
          %dma_start3A_530 = tpu.memref_squeeze %dma_start3A_529 : memref<1x8x128xi32, #tpu.memory_space<vmem>> -> memref<8x128xi32, #tpu.memory_space<vmem>>
          %dma_start3A_531 = arith.constant 0 : i32
          %dma_start3A_532 = tpu.memref_slice %dma_start3A_530[%dma_start3A_526, %dma_start3A_531] : memref<8x128xi32, #tpu.memory_space<vmem>> -> memref<1x128xi32, #tpu.memory_space<vmem>>
          %dma_start3A_533 = tpu.memref_squeeze %dma_start3A_532 : memref<1x128xi32, #tpu.memory_space<vmem>> -> memref<128xi32, #tpu.memory_space<vmem>>
          %dma_start3A_534 = arith.constant 0 : i32
          %dma_start3A_535 = arith.constant 0 : i32
          %dma_start3A_536 = tpu.memref_slice %arg10[%dma_start3A_534, %dma_start3A_535] : memref<10112x128xf32, #tpu.memory_space<vmem_shared>> -> memref<10112x128xf32, #tpu.memory_space<vmem_shared>>
          tpu.enqueue_indirect_dma source(%arg9 : memref<128x128xf32, #tpu.memory_space<vmem>>) target(%dma_start3A_536 : memref<10112x128xf32, #tpu.memory_space<vmem_shared>>) offsets(%dma_start3A_533 : memref<128xi32, #tpu.memory_space<vmem>>) semaphore(%arg14 : memref<!tpu.dma_semaphore, #tpu.memory_space<semaphore_mem>>) {add = true}
        } else {
        }
        %gt3A_179 = arith.constant 0 : i32
        %gt3A_180 = arith.cmpi sgt, %scan3A_92, %gt3A_179 : i32
        %convert_element_type3A_181 = arith.extui %gt3A_180 : i1 to i32
        %cond3A_182 = arith.constant 0 : i32
        %cond3A_183 = arith.cmpi ne, %convert_element_type3A_181, %cond3A_182 : i32
        scf.if %cond3A_183 {
          %dma_wait3A_513 = arith.constant 1 : i32
          %dma_wait3A_514 = arith.constant 1 : i32
          %dma_wait3A_515 = arith.constant 0 : i32
          %dma_wait3A_516 = arith.constant 0 : i32
          %dma_wait3A_517 = tpu.memref_slice %arg7[%dma_wait3A_513, %dma_wait3A_515, %dma_wait3A_516] : memref<2x8x128xi32, #tpu.memory_space<vmem>> -> memref<1x8x128xi32, #tpu.memory_space<vmem>>
          %dma_wait3A_518 = tpu.memref_squeeze %dma_wait3A_517 : memref<1x8x128xi32, #tpu.memory_space<vmem>> -> memref<8x128xi32, #tpu.memory_space<vmem>>
          %dma_wait3A_519 = arith.constant 0 : i32
          %dma_wait3A_520 = tpu.memref_slice %dma_wait3A_518[%dma_wait3A_514, %dma_wait3A_519] : memref<8x128xi32, #tpu.memory_space<vmem>> -> memref<1x128xi32, #tpu.memory_space<vmem>>
          %dma_wait3A_521 = tpu.memref_squeeze %dma_wait3A_520 : memref<1x128xi32, #tpu.memory_space<vmem>> -> memref<128xi32, #tpu.memory_space<vmem>>
          %dma_wait3A_522 = arith.constant 0 : i32
          %dma_wait3A_523 = arith.constant 0 : i32
          %dma_wait3A_524 = tpu.memref_slice %arg10[%dma_wait3A_522, %dma_wait3A_523] : memref<10112x128xf32, #tpu.memory_space<vmem_shared>> -> memref<10112x128xf32, #tpu.memory_space<vmem_shared>>
          tpu.wait_indirect_dma semaphore(%arg14 : memref<!tpu.dma_semaphore, #tpu.memory_space<semaphore_mem>>) src(%arg9 : memref<128x128xf32, #tpu.memory_space<vmem>>) dst(%dma_wait3A_524 : memref<10112x128xf32, #tpu.memory_space<vmem_shared>>)
        } else {
        }
        %dma_start3A_184 = arith.constant 1 : i32
        %dma_start3A_185 = arith.constant 1 : i32
        %dma_start3A_186 = arith.constant 0 : i32
        %dma_start3A_187 = arith.constant 0 : i32
        %dma_start3A_188 = tpu.memref_slice %arg6[%dma_start3A_184, %dma_start3A_186, %dma_start3A_187] : memref<2x8x128xi32, #tpu.memory_space<vmem>> -> memref<1x8x128xi32, #tpu.memory_space<vmem>>
        %dma_start3A_189 = tpu.memref_squeeze %dma_start3A_188 : memref<1x8x128xi32, #tpu.memory_space<vmem>> -> memref<8x128xi32, #tpu.memory_space<vmem>>
        %dma_start3A_190 = arith.constant 0 : i32
        %dma_start3A_191 = tpu.memref_slice %dma_start3A_189[%dma_start3A_185, %dma_start3A_190] : memref<8x128xi32, #tpu.memory_space<vmem>> -> memref<1x128xi32, #tpu.memory_space<vmem>>
        %dma_start3A_192 = tpu.memref_squeeze %dma_start3A_191 : memref<1x128xi32, #tpu.memory_space<vmem>> -> memref<128xi32, #tpu.memory_space<vmem>>
        %dma_start3A_193 = arith.constant 0 : i32
        %dma_start3A_194 = arith.constant 0 : i32
        %dma_start3A_195 = tpu.memref_slice %arg2[%dma_start3A_193, %dma_start3A_194] : memref<10000x128xf32, #tpu.memory_space<hbm>> -> memref<10000x128xf32, #tpu.memory_space<hbm>>
        tpu.enqueue_indirect_dma source(%dma_start3A_195 : memref<10000x128xf32, #tpu.memory_space<hbm>>) target(%arg9 : memref<128x128xf32, #tpu.memory_space<vmem>>) offsets(%dma_start3A_192 : memref<128xi32, #tpu.memory_space<vmem>>) semaphore(%arg12 : memref<!tpu.dma_semaphore, #tpu.memory_space<semaphore_mem>>)
        %dma_wait3A_196 = arith.constant 1 : i32
        %dma_wait3A_197 = arith.constant 0 : i32
        %dma_wait3A_198 = arith.constant 0 : i32
        %dma_wait3A_199 = arith.constant 0 : i32
        %dma_wait3A_200 = tpu.memref_slice %arg6[%dma_wait3A_196, %dma_wait3A_198, %dma_wait3A_199] : memref<2x8x128xi32, #tpu.memory_space<vmem>> -> memref<1x8x128xi32, #tpu.memory_space<vmem>>
        %dma_wait3A_201 = tpu.memref_squeeze %dma_wait3A_200 : memref<1x8x128xi32, #tpu.memory_space<vmem>> -> memref<8x128xi32, #tpu.memory_space<vmem>>
        %dma_wait3A_202 = arith.constant 0 : i32
        %dma_wait3A_203 = tpu.memref_slice %dma_wait3A_201[%dma_wait3A_197, %dma_wait3A_202] : memref<8x128xi32, #tpu.memory_space<vmem>> -> memref<1x128xi32, #tpu.memory_space<vmem>>
        %dma_wait3A_204 = tpu.memref_squeeze %dma_wait3A_203 : memref<1x128xi32, #tpu.memory_space<vmem>> -> memref<128xi32, #tpu.memory_space<vmem>>
        %dma_wait3A_205 = arith.constant 0 : i32
        %dma_wait3A_206 = arith.constant 0 : i32
        %dma_wait3A_207 = tpu.memref_slice %arg2[%dma_wait3A_205, %dma_wait3A_206] : memref<10000x128xf32, #tpu.memory_space<hbm>> -> memref<10000x128xf32, #tpu.memory_space<hbm>>
        tpu.wait_indirect_dma semaphore(%arg11 : memref<!tpu.dma_semaphore, #tpu.memory_space<semaphore_mem>>) src(%dma_wait3A_207 : memref<10000x128xf32, #tpu.memory_space<hbm>>) dst(%arg8 : memref<128x128xf32, #tpu.memory_space<vmem>>)
        %dma_start3A_208 = arith.constant 1 : i32
        %dma_start3A_209 = arith.constant 0 : i32
        %dma_start3A_210 = arith.constant 0 : i32
        %dma_start3A_211 = arith.constant 0 : i32
        %dma_start3A_212 = tpu.memref_slice %arg7[%dma_start3A_208, %dma_start3A_210, %dma_start3A_211] : memref<2x8x128xi32, #tpu.memory_space<vmem>> -> memref<1x8x128xi32, #tpu.memory_space<vmem>>
        %dma_start3A_213 = tpu.memref_squeeze %dma_start3A_212 : memref<1x8x128xi32, #tpu.memory_space<vmem>> -> memref<8x128xi32, #tpu.memory_space<vmem>>
        %dma_start3A_214 = arith.constant 0 : i32
        %dma_start3A_215 = tpu.memref_slice %dma_start3A_213[%dma_start3A_209, %dma_start3A_214] : memref<8x128xi32, #tpu.memory_space<vmem>> -> memref<1x128xi32, #tpu.memory_space<vmem>>
        %dma_start3A_216 = tpu.memref_squeeze %dma_start3A_215 : memref<1x128xi32, #tpu.memory_space<vmem>> -> memref<128xi32, #tpu.memory_space<vmem>>
        %dma_start3A_217 = arith.constant 0 : i32
        %dma_start3A_218 = arith.constant 0 : i32
        %dma_start3A_219 = tpu.memref_slice %arg10[%dma_start3A_217, %dma_start3A_218] : memref<10112x128xf32, #tpu.memory_space<vmem_shared>> -> memref<10112x128xf32, #tpu.memory_space<vmem_shared>>
        tpu.enqueue_indirect_dma source(%arg8 : memref<128x128xf32, #tpu.memory_space<vmem>>) target(%dma_start3A_219 : memref<10112x128xf32, #tpu.memory_space<vmem_shared>>) offsets(%dma_start3A_216 : memref<128xi32, #tpu.memory_space<vmem>>) semaphore(%arg13 : memref<!tpu.dma_semaphore, #tpu.memory_space<semaphore_mem>>) {add = true}
        %lt3A_220 = arith.constant 9 : i32
        %lt3A_221 = arith.cmpi slt, %scan3A_92, %lt3A_220 : i32
        %convert_element_type3A_222 = arith.extui %lt3A_221 : i1 to i32
        %cond3A_223 = arith.constant 0 : i32
        %cond3A_224 = arith.cmpi ne, %convert_element_type3A_222, %cond3A_223 : i32
        scf.if %cond3A_224 {
          %add3A_513 = arith.constant 1 : i32
          %add3A_514 = arith.addi %scan3A_92, %add3A_513 : i32
          %mul3A_515 = arith.constant 8 : i32
          %mul3A_516 = arith.muli %add3A_514, %mul3A_515 : i32
          %add3A_517 = arith.addi %mul3A_2, %mul3A_516 : i32
          %dma_start3A_518 = arith.constant 0 : i32
          %dma_start3A_519 = arith.constant 0 : i32
          %dma_start3A_520 = arith.constant 0 : i32
          %dma_start3A_521 = tpu.memref_slice %arg6[%dma_start3A_518, %dma_start3A_519, %dma_start3A_520] : memref<2x8x128xi32, #tpu.memory_space<vmem>> -> memref<1x8x128xi32, #tpu.memory_space<vmem>>
          %dma_start3A_522 = tpu.memref_squeeze %dma_start3A_521 : memref<1x8x128xi32, #tpu.memory_space<vmem>> -> memref<8x128xi32, #tpu.memory_space<vmem>>
          %dma_start3A_523 = arith.constant 0 : i32
          %dma_start3A_524 = tpu.memref_slice %arg3[%add3A_517, %dma_start3A_523] : memref<2560x128xi32, #tpu.memory_space<hbm>> -> memref<8x128xi32, #tpu.memory_space<hbm>>
          %dma_start3A_525 = arith.constant 0 : i32
          %dma_start3A_526 = arith.constant 0 : i32
          %dma_start3A_527 = tpu.memref_slice %arg6[%dma_start3A_518, %dma_start3A_525, %dma_start3A_526] : memref<2x8x128xi32, #tpu.memory_space<vmem>> -> memref<1x8x128xi32, #tpu.memory_space<vmem>>
          %dma_start3A_528 = tpu.memref_squeeze %dma_start3A_527 : memref<1x8x128xi32, #tpu.memory_space<vmem>> -> memref<8x128xi32, #tpu.memory_space<vmem>>
          %dma_start3A_529 = arith.constant 0 : i32
          %dma_start3A_530 = tpu.memref_slice %arg3[%add3A_517, %dma_start3A_529] : memref<2560x128xi32, #tpu.memory_space<hbm>> -> memref<8x128xi32, #tpu.memory_space<hbm>>
          tpu.enqueue_dma source(%dma_start3A_530 : memref<8x128xi32, #tpu.memory_space<hbm>>) target(%dma_start3A_528 : memref<8x128xi32, #tpu.memory_space<vmem>>) target_semaphore(%arg15 : memref<!tpu.dma_semaphore, #tpu.memory_space<semaphore_mem>>)
          %add3A_531 = arith.constant 1 : i32
          %add3A_532 = arith.addi %scan3A_92, %add3A_531 : i32
          %mul3A_533 = arith.constant 8 : i32
          %mul3A_534 = arith.muli %add3A_532, %mul3A_533 : i32
          %add3A_535 = arith.addi %mul3A_2, %mul3A_534 : i32
          %dma_start3A_536 = arith.constant 0 : i32
          %dma_start3A_537 = arith.constant 0 : i32
          %dma_start3A_538 = arith.constant 0 : i32
          %dma_start3A_539 = tpu.memref_slice %arg7[%dma_start3A_536, %dma_start3A_537, %dma_start3A_538] : memref<2x8x128xi32, #tpu.memory_space<vmem>> -> memref<1x8x128xi32, #tpu.memory_space<vmem>>
          %dma_start3A_540 = tpu.memref_squeeze %dma_start3A_539 : memref<1x8x128xi32, #tpu.memory_space<vmem>> -> memref<8x128xi32, #tpu.memory_space<vmem>>
          %dma_start3A_541 = arith.constant 0 : i32
          %dma_start3A_542 = tpu.memref_slice %arg4[%add3A_535, %dma_start3A_541] : memref<2560x128xi32, #tpu.memory_space<hbm>> -> memref<8x128xi32, #tpu.memory_space<hbm>>
          %dma_start3A_543 = arith.constant 0 : i32
          %dma_start3A_544 = arith.constant 0 : i32
          %dma_start3A_545 = tpu.memref_slice %arg7[%dma_start3A_536, %dma_start3A_543, %dma_start3A_544] : memref<2x8x128xi32, #tpu.memory_space<vmem>> -> memref<1x8x128xi32, #tpu.memory_space<vmem>>
          %dma_start3A_546 = tpu.memref_squeeze %dma_start3A_545 : memref<1x8x128xi32, #tpu.memory_space<vmem>> -> memref<8x128xi32, #tpu.memory_space<vmem>>
          %dma_start3A_547 = arith.constant 0 : i32
          %dma_start3A_548 = tpu.memref_slice %arg4[%add3A_535, %dma_start3A_547] : memref<2560x128xi32, #tpu.memory_space<hbm>> -> memref<8x128xi32, #tpu.memory_space<hbm>>
          tpu.enqueue_dma source(%dma_start3A_548 : memref<8x128xi32, #tpu.memory_space<hbm>>) target(%dma_start3A_546 : memref<8x128xi32, #tpu.memory_space<vmem>>) target_semaphore(%arg15 : memref<!tpu.dma_semaphore, #tpu.memory_space<semaphore_mem>>)
        } else {
        }
        %dma_wait3A_225 = arith.constant 1 : i32
        %dma_wait3A_226 = arith.constant 2 : i32
        %dma_wait3A_227 = arith.constant 0 : i32
        %dma_wait3A_228 = arith.constant 0 : i32
        %dma_wait3A_229 = tpu.memref_slice %arg7[%dma_wait3A_225, %dma_wait3A_227, %dma_wait3A_228] : memref<2x8x128xi32, #tpu.memory_space<vmem>> -> memref<1x8x128xi32, #tpu.memory_space<vmem>>
        %dma_wait3A_230 = tpu.memref_squeeze %dma_wait3A_229 : memref<1x8x128xi32, #tpu.memory_space<vmem>> -> memref<8x128xi32, #tpu.memory_space<vmem>>
        %dma_wait3A_231 = arith.constant 0 : i32
        %dma_wait3A_232 = tpu.memref_slice %dma_wait3A_230[%dma_wait3A_226, %dma_wait3A_231] : memref<8x128xi32, #tpu.memory_space<vmem>> -> memref<1x128xi32, #tpu.memory_space<vmem>>
        %dma_wait3A_233 = tpu.memref_squeeze %dma_wait3A_232 : memref<1x128xi32, #tpu.memory_space<vmem>> -> memref<128xi32, #tpu.memory_space<vmem>>
        %dma_wait3A_234 = arith.constant 0 : i32
        %dma_wait3A_235 = arith.constant 0 : i32
        %dma_wait3A_236 = tpu.memref_slice %arg10[%dma_wait3A_234, %dma_wait3A_235] : memref<10112x128xf32, #tpu.memory_space<vmem_shared>> -> memref<10112x128xf32, #tpu.memory_space<vmem_shared>>
        tpu.wait_indirect_dma semaphore(%arg13 : memref<!tpu.dma_semaphore, #tpu.memory_space<semaphore_mem>>) src(%arg8 : memref<128x128xf32, #tpu.memory_space<vmem>>) dst(%dma_wait3A_236 : memref<10112x128xf32, #tpu.memory_space<vmem_shared>>)
        %dma_start3A_237 = arith.constant 1 : i32
        %dma_start3A_238 = arith.constant 2 : i32
        %dma_start3A_239 = arith.constant 0 : i32
        %dma_start3A_240 = arith.constant 0 : i32
        %dma_start3A_241 = tpu.memref_slice %arg6[%dma_start3A_237, %dma_start3A_239, %dma_start3A_240] : memref<2x8x128xi32, #tpu.memory_space<vmem>> -> memref<1x8x128xi32, #tpu.memory_space<vmem>>
        %dma_start3A_242 = tpu.memref_squeeze %dma_start3A_241 : memref<1x8x128xi32, #tpu.memory_space<vmem>> -> memref<8x128xi32, #tpu.memory_space<vmem>>
        %dma_start3A_243 = arith.constant 0 : i32
        %dma_start3A_244 = tpu.memref_slice %dma_start3A_242[%dma_start3A_238, %dma_start3A_243] : memref<8x128xi32, #tpu.memory_space<vmem>> -> memref<1x128xi32, #tpu.memory_space<vmem>>
        %dma_start3A_245 = tpu.memref_squeeze %dma_start3A_244 : memref<1x128xi32, #tpu.memory_space<vmem>> -> memref<128xi32, #tpu.memory_space<vmem>>
        %dma_start3A_246 = arith.constant 0 : i32
        %dma_start3A_247 = arith.constant 0 : i32
        %dma_start3A_248 = tpu.memref_slice %arg2[%dma_start3A_246, %dma_start3A_247] : memref<10000x128xf32, #tpu.memory_space<hbm>> -> memref<10000x128xf32, #tpu.memory_space<hbm>>
        tpu.enqueue_indirect_dma source(%dma_start3A_248 : memref<10000x128xf32, #tpu.memory_space<hbm>>) target(%arg8 : memref<128x128xf32, #tpu.memory_space<vmem>>) offsets(%dma_start3A_245 : memref<128xi32, #tpu.memory_space<vmem>>) semaphore(%arg11 : memref<!tpu.dma_semaphore, #tpu.memory_space<semaphore_mem>>)
        %dma_wait3A_249 = arith.constant 1 : i32
        %dma_wait3A_250 = arith.constant 1 : i32
        %dma_wait3A_251 = arith.constant 0 : i32
        %dma_wait3A_252 = arith.constant 0 : i32
        %dma_wait3A_253 = tpu.memref_slice %arg6[%dma_wait3A_249, %dma_wait3A_251, %dma_wait3A_252] : memref<2x8x128xi32, #tpu.memory_space<vmem>> -> memref<1x8x128xi32, #tpu.memory_space<vmem>>
        %dma_wait3A_254 = tpu.memref_squeeze %dma_wait3A_253 : memref<1x8x128xi32, #tpu.memory_space<vmem>> -> memref<8x128xi32, #tpu.memory_space<vmem>>
        %dma_wait3A_255 = arith.constant 0 : i32
        %dma_wait3A_256 = tpu.memref_slice %dma_wait3A_254[%dma_wait3A_250, %dma_wait3A_255] : memref<8x128xi32, #tpu.memory_space<vmem>> -> memref<1x128xi32, #tpu.memory_space<vmem>>
        %dma_wait3A_257 = tpu.memref_squeeze %dma_wait3A_256 : memref<1x128xi32, #tpu.memory_space<vmem>> -> memref<128xi32, #tpu.memory_space<vmem>>
        %dma_wait3A_258 = arith.constant 0 : i32
        %dma_wait3A_259 = arith.constant 0 : i32
        %dma_wait3A_260 = tpu.memref_slice %arg2[%dma_wait3A_258, %dma_wait3A_259] : memref<10000x128xf32, #tpu.memory_space<hbm>> -> memref<10000x128xf32, #tpu.memory_space<hbm>>
        tpu.wait_indirect_dma semaphore(%arg12 : memref<!tpu.dma_semaphore, #tpu.memory_space<semaphore_mem>>) src(%dma_wait3A_260 : memref<10000x128xf32, #tpu.memory_space<hbm>>) dst(%arg9 : memref<128x128xf32, #tpu.memory_space<vmem>>)
        %dma_start3A_261 = arith.constant 1 : i32
        %dma_start3A_262 = arith.constant 1 : i32
        %dma_start3A_263 = arith.constant 0 : i32
        %dma_start3A_264 = arith.constant 0 : i32
        %dma_start3A_265 = tpu.memref_slice %arg7[%dma_start3A_261, %dma_start3A_263, %dma_start3A_264] : memref<2x8x128xi32, #tpu.memory_space<vmem>> -> memref<1x8x128xi32, #tpu.memory_space<vmem>>
        %dma_start3A_266 = tpu.memref_squeeze %dma_start3A_265 : memref<1x8x128xi32, #tpu.memory_space<vmem>> -> memref<8x128xi32, #tpu.memory_space<vmem>>
        %dma_start3A_267 = arith.constant 0 : i32
        %dma_start3A_268 = tpu.memref_slice %dma_start3A_266[%dma_start3A_262, %dma_start3A_267] : memref<8x128xi32, #tpu.memory_space<vmem>> -> memref<1x128xi32, #tpu.memory_space<vmem>>
        %dma_start3A_269 = tpu.memref_squeeze %dma_start3A_268 : memref<1x128xi32, #tpu.memory_space<vmem>> -> memref<128xi32, #tpu.memory_space<vmem>>
        %dma_start3A_270 = arith.constant 0 : i32
        %dma_start3A_271 = arith.constant 0 : i32
        %dma_start3A_272 = tpu.memref_slice %arg10[%dma_start3A_270, %dma_start3A_271] : memref<10112x128xf32, #tpu.memory_space<vmem_shared>> -> memref<10112x128xf32, #tpu.memory_space<vmem_shared>>
        tpu.enqueue_indirect_dma source(%arg9 : memref<128x128xf32, #tpu.memory_space<vmem>>) target(%dma_start3A_272 : memref<10112x128xf32, #tpu.memory_space<vmem_shared>>) offsets(%dma_start3A_269 : memref<128xi32, #tpu.memory_space<vmem>>) semaphore(%arg14 : memref<!tpu.dma_semaphore, #tpu.memory_space<semaphore_mem>>) {add = true}
        %dma_wait3A_273 = arith.constant 1 : i32
        %dma_wait3A_274 = arith.constant 3 : i32
        %dma_wait3A_275 = arith.constant 0 : i32
        %dma_wait3A_276 = arith.constant 0 : i32
        %dma_wait3A_277 = tpu.memref_slice %arg7[%dma_wait3A_273, %dma_wait3A_275, %dma_wait3A_276] : memref<2x8x128xi32, #tpu.memory_space<vmem>> -> memref<1x8x128xi32, #tpu.memory_space<vmem>>
        %dma_wait3A_278 = tpu.memref_squeeze %dma_wait3A_277 : memref<1x8x128xi32, #tpu.memory_space<vmem>> -> memref<8x128xi32, #tpu.memory_space<vmem>>
        %dma_wait3A_279 = arith.constant 0 : i32
        %dma_wait3A_280 = tpu.memref_slice %dma_wait3A_278[%dma_wait3A_274, %dma_wait3A_279] : memref<8x128xi32, #tpu.memory_space<vmem>> -> memref<1x128xi32, #tpu.memory_space<vmem>>
        %dma_wait3A_281 = tpu.memref_squeeze %dma_wait3A_280 : memref<1x128xi32, #tpu.memory_space<vmem>> -> memref<128xi32, #tpu.memory_space<vmem>>
        %dma_wait3A_282 = arith.constant 0 : i32
        %dma_wait3A_283 = arith.constant 0 : i32
        %dma_wait3A_284 = tpu.memref_slice %arg10[%dma_wait3A_282, %dma_wait3A_283] : memref<10112x128xf32, #tpu.memory_space<vmem_shared>> -> memref<10112x128xf32, #tpu.memory_space<vmem_shared>>
        tpu.wait_indirect_dma semaphore(%arg14 : memref<!tpu.dma_semaphore, #tpu.memory_space<semaphore_mem>>) src(%arg9 : memref<128x128xf32, #tpu.memory_space<vmem>>) dst(%dma_wait3A_284 : memref<10112x128xf32, #tpu.memory_space<vmem_shared>>)
        %dma_start3A_285 = arith.constant 1 : i32
        %dma_start3A_286 = arith.constant 3 : i32
        %dma_start3A_287 = arith.constant 0 : i32
        %dma_start3A_288 = arith.constant 0 : i32
        %dma_start3A_289 = tpu.memref_slice %arg6[%dma_start3A_285, %dma_start3A_287, %dma_start3A_288] : memref<2x8x128xi32, #tpu.memory_space<vmem>> -> memref<1x8x128xi32, #tpu.memory_space<vmem>>
        %dma_start3A_290 = tpu.memref_squeeze %dma_start3A_289 : memref<1x8x128xi32, #tpu.memory_space<vmem>> -> memref<8x128xi32, #tpu.memory_space<vmem>>
        %dma_start3A_291 = arith.constant 0 : i32
        %dma_start3A_292 = tpu.memref_slice %dma_start3A_290[%dma_start3A_286, %dma_start3A_291] : memref<8x128xi32, #tpu.memory_space<vmem>> -> memref<1x128xi32, #tpu.memory_space<vmem>>
        %dma_start3A_293 = tpu.memref_squeeze %dma_start3A_292 : memref<1x128xi32, #tpu.memory_space<vmem>> -> memref<128xi32, #tpu.memory_space<vmem>>
        %dma_start3A_294 = arith.constant 0 : i32
        %dma_start3A_295 = arith.constant 0 : i32
        %dma_start3A_296 = tpu.memref_slice %arg2[%dma_start3A_294, %dma_start3A_295] : memref<10000x128xf32, #tpu.memory_space<hbm>> -> memref<10000x128xf32, #tpu.memory_space<hbm>>
        tpu.enqueue_indirect_dma source(%dma_start3A_296 : memref<10000x128xf32, #tpu.memory_space<hbm>>) target(%arg9 : memref<128x128xf32, #tpu.memory_space<vmem>>) offsets(%dma_start3A_293 : memref<128xi32, #tpu.memory_space<vmem>>) semaphore(%arg12 : memref<!tpu.dma_semaphore, #tpu.memory_space<semaphore_mem>>)
        %dma_wait3A_297 = arith.constant 1 : i32
        %dma_wait3A_298 = arith.constant 2 : i32
        %dma_wait3A_299 = arith.constant 0 : i32
        %dma_wait3A_300 = arith.constant 0 : i32
        %dma_wait3A_301 = tpu.memref_slice %arg6[%dma_wait3A_297, %dma_wait3A_299, %dma_wait3A_300] : memref<2x8x128xi32, #tpu.memory_space<vmem>> -> memref<1x8x128xi32, #tpu.memory_space<vmem>>
        %dma_wait3A_302 = tpu.memref_squeeze %dma_wait3A_301 : memref<1x8x128xi32, #tpu.memory_space<vmem>> -> memref<8x128xi32, #tpu.memory_space<vmem>>
        %dma_wait3A_303 = arith.constant 0 : i32
        %dma_wait3A_304 = tpu.memref_slice %dma_wait3A_302[%dma_wait3A_298, %dma_wait3A_303] : memref<8x128xi32, #tpu.memory_space<vmem>> -> memref<1x128xi32, #tpu.memory_space<vmem>>
        %dma_wait3A_305 = tpu.memref_squeeze %dma_wait3A_304 : memref<1x128xi32, #tpu.memory_space<vmem>> -> memref<128xi32, #tpu.memory_space<vmem>>
        %dma_wait3A_306 = arith.constant 0 : i32
        %dma_wait3A_307 = arith.constant 0 : i32
        %dma_wait3A_308 = tpu.memref_slice %arg2[%dma_wait3A_306, %dma_wait3A_307] : memref<10000x128xf32, #tpu.memory_space<hbm>> -> memref<10000x128xf32, #tpu.memory_space<hbm>>
        tpu.wait_indirect_dma semaphore(%arg11 : memref<!tpu.dma_semaphore, #tpu.memory_space<semaphore_mem>>) src(%dma_wait3A_308 : memref<10000x128xf32, #tpu.memory_space<hbm>>) dst(%arg8 : memref<128x128xf32, #tpu.memory_space<vmem>>)
        %dma_start3A_309 = arith.constant 1 : i32
        %dma_start3A_310 = arith.constant 2 : i32
        %dma_start3A_311 = arith.constant 0 : i32
        %dma_start3A_312 = arith.constant 0 : i32
        %dma_start3A_313 = tpu.memref_slice %arg7[%dma_start3A_309, %dma_start3A_311, %dma_start3A_312] : memref<2x8x128xi32, #tpu.memory_space<vmem>> -> memref<1x8x128xi32, #tpu.memory_space<vmem>>
        %dma_start3A_314 = tpu.memref_squeeze %dma_start3A_313 : memref<1x8x128xi32, #tpu.memory_space<vmem>> -> memref<8x128xi32, #tpu.memory_space<vmem>>
        %dma_start3A_315 = arith.constant 0 : i32
        %dma_start3A_316 = tpu.memref_slice %dma_start3A_314[%dma_start3A_310, %dma_start3A_315] : memref<8x128xi32, #tpu.memory_space<vmem>> -> memref<1x128xi32, #tpu.memory_space<vmem>>
        %dma_start3A_317 = tpu.memref_squeeze %dma_start3A_316 : memref<1x128xi32, #tpu.memory_space<vmem>> -> memref<128xi32, #tpu.memory_space<vmem>>
        %dma_start3A_318 = arith.constant 0 : i32
        %dma_start3A_319 = arith.constant 0 : i32
        %dma_start3A_320 = tpu.memref_slice %arg10[%dma_start3A_318, %dma_start3A_319] : memref<10112x128xf32, #tpu.memory_space<vmem_shared>> -> memref<10112x128xf32, #tpu.memory_space<vmem_shared>>
        tpu.enqueue_indirect_dma source(%arg8 : memref<128x128xf32, #tpu.memory_space<vmem>>) target(%dma_start3A_320 : memref<10112x128xf32, #tpu.memory_space<vmem_shared>>) offsets(%dma_start3A_317 : memref<128xi32, #tpu.memory_space<vmem>>) semaphore(%arg13 : memref<!tpu.dma_semaphore, #tpu.memory_space<semaphore_mem>>) {add = true}
        %dma_wait3A_321 = arith.constant 1 : i32
        %dma_wait3A_322 = arith.constant 4 : i32
        %dma_wait3A_323 = arith.constant 0 : i32
        %dma_wait3A_324 = arith.constant 0 : i32
        %dma_wait3A_325 = tpu.memref_slice %arg7[%dma_wait3A_321, %dma_wait3A_323, %dma_wait3A_324] : memref<2x8x128xi32, #tpu.memory_space<vmem>> -> memref<1x8x128xi32, #tpu.memory_space<vmem>>
        %dma_wait3A_326 = tpu.memref_squeeze %dma_wait3A_325 : memref<1x8x128xi32, #tpu.memory_space<vmem>> -> memref<8x128xi32, #tpu.memory_space<vmem>>
        %dma_wait3A_327 = arith.constant 0 : i32
        %dma_wait3A_328 = tpu.memref_slice %dma_wait3A_326[%dma_wait3A_322, %dma_wait3A_327] : memref<8x128xi32, #tpu.memory_space<vmem>> -> memref<1x128xi32, #tpu.memory_space<vmem>>
        %dma_wait3A_329 = tpu.memref_squeeze %dma_wait3A_328 : memref<1x128xi32, #tpu.memory_space<vmem>> -> memref<128xi32, #tpu.memory_space<vmem>>
        %dma_wait3A_330 = arith.constant 0 : i32
        %dma_wait3A_331 = arith.constant 0 : i32
        %dma_wait3A_332 = tpu.memref_slice %arg10[%dma_wait3A_330, %dma_wait3A_331] : memref<10112x128xf32, #tpu.memory_space<vmem_shared>> -> memref<10112x128xf32, #tpu.memory_space<vmem_shared>>
        tpu.wait_indirect_dma semaphore(%arg13 : memref<!tpu.dma_semaphore, #tpu.memory_space<semaphore_mem>>) src(%arg8 : memref<128x128xf32, #tpu.memory_space<vmem>>) dst(%dma_wait3A_332 : memref<10112x128xf32, #tpu.memory_space<vmem_shared>>)
        %dma_start3A_333 = arith.constant 1 : i32
        %dma_start3A_334 = arith.constant 4 : i32
        %dma_start3A_335 = arith.constant 0 : i32
        %dma_start3A_336 = arith.constant 0 : i32
        %dma_start3A_337 = tpu.memref_slice %arg6[%dma_start3A_333, %dma_start3A_335, %dma_start3A_336] : memref<2x8x128xi32, #tpu.memory_space<vmem>> -> memref<1x8x128xi32, #tpu.memory_space<vmem>>
        %dma_start3A_338 = tpu.memref_squeeze %dma_start3A_337 : memref<1x8x128xi32, #tpu.memory_space<vmem>> -> memref<8x128xi32, #tpu.memory_space<vmem>>
        %dma_start3A_339 = arith.constant 0 : i32
        %dma_start3A_340 = tpu.memref_slice %dma_start3A_338[%dma_start3A_334, %dma_start3A_339] : memref<8x128xi32, #tpu.memory_space<vmem>> -> memref<1x128xi32, #tpu.memory_space<vmem>>
        %dma_start3A_341 = tpu.memref_squeeze %dma_start3A_340 : memref<1x128xi32, #tpu.memory_space<vmem>> -> memref<128xi32, #tpu.memory_space<vmem>>
        %dma_start3A_342 = arith.constant 0 : i32
        %dma_start3A_343 = arith.constant 0 : i32
        %dma_start3A_344 = tpu.memref_slice %arg2[%dma_start3A_342, %dma_start3A_343] : memref<10000x128xf32, #tpu.memory_space<hbm>> -> memref<10000x128xf32, #tpu.memory_space<hbm>>
        tpu.enqueue_indirect_dma source(%dma_start3A_344 : memref<10000x128xf32, #tpu.memory_space<hbm>>) target(%arg8 : memref<128x128xf32, #tpu.memory_space<vmem>>) offsets(%dma_start3A_341 : memref<128xi32, #tpu.memory_space<vmem>>) semaphore(%arg11 : memref<!tpu.dma_semaphore, #tpu.memory_space<semaphore_mem>>)
        %dma_wait3A_345 = arith.constant 1 : i32
        %dma_wait3A_346 = arith.constant 3 : i32
        %dma_wait3A_347 = arith.constant 0 : i32
        %dma_wait3A_348 = arith.constant 0 : i32
        %dma_wait3A_349 = tpu.memref_slice %arg6[%dma_wait3A_345, %dma_wait3A_347, %dma_wait3A_348] : memref<2x8x128xi32, #tpu.memory_space<vmem>> -> memref<1x8x128xi32, #tpu.memory_space<vmem>>
        %dma_wait3A_350 = tpu.memref_squeeze %dma_wait3A_349 : memref<1x8x128xi32, #tpu.memory_space<vmem>> -> memref<8x128xi32, #tpu.memory_space<vmem>>
        %dma_wait3A_351 = arith.constant 0 : i32
        %dma_wait3A_352 = tpu.memref_slice %dma_wait3A_350[%dma_wait3A_346, %dma_wait3A_351] : memref<8x128xi32, #tpu.memory_space<vmem>> -> memref<1x128xi32, #tpu.memory_space<vmem>>
        %dma_wait3A_353 = tpu.memref_squeeze %dma_wait3A_352 : memref<1x128xi32, #tpu.memory_space<vmem>> -> memref<128xi32, #tpu.memory_space<vmem>>
        %dma_wait3A_354 = arith.constant 0 : i32
        %dma_wait3A_355 = arith.constant 0 : i32
        %dma_wait3A_356 = tpu.memref_slice %arg2[%dma_wait3A_354, %dma_wait3A_355] : memref<10000x128xf32, #tpu.memory_space<hbm>> -> memref<10000x128xf32, #tpu.memory_space<hbm>>
        tpu.wait_indirect_dma semaphore(%arg12 : memref<!tpu.dma_semaphore, #tpu.memory_space<semaphore_mem>>) src(%dma_wait3A_356 : memref<10000x128xf32, #tpu.memory_space<hbm>>) dst(%arg9 : memref<128x128xf32, #tpu.memory_space<vmem>>)
        %dma_start3A_357 = arith.constant 1 : i32
        %dma_start3A_358 = arith.constant 3 : i32
        %dma_start3A_359 = arith.constant 0 : i32
        %dma_start3A_360 = arith.constant 0 : i32
        %dma_start3A_361 = tpu.memref_slice %arg7[%dma_start3A_357, %dma_start3A_359, %dma_start3A_360] : memref<2x8x128xi32, #tpu.memory_space<vmem>> -> memref<1x8x128xi32, #tpu.memory_space<vmem>>
        %dma_start3A_362 = tpu.memref_squeeze %dma_start3A_361 : memref<1x8x128xi32, #tpu.memory_space<vmem>> -> memref<8x128xi32, #tpu.memory_space<vmem>>
        %dma_start3A_363 = arith.constant 0 : i32
        %dma_start3A_364 = tpu.memref_slice %dma_start3A_362[%dma_start3A_358, %dma_start3A_363] : memref<8x128xi32, #tpu.memory_space<vmem>> -> memref<1x128xi32, #tpu.memory_space<vmem>>
        %dma_start3A_365 = tpu.memref_squeeze %dma_start3A_364 : memref<1x128xi32, #tpu.memory_space<vmem>> -> memref<128xi32, #tpu.memory_space<vmem>>
        %dma_start3A_366 = arith.constant 0 : i32
        %dma_start3A_367 = arith.constant 0 : i32
        %dma_start3A_368 = tpu.memref_slice %arg10[%dma_start3A_366, %dma_start3A_367] : memref<10112x128xf32, #tpu.memory_space<vmem_shared>> -> memref<10112x128xf32, #tpu.memory_space<vmem_shared>>
        tpu.enqueue_indirect_dma source(%arg9 : memref<128x128xf32, #tpu.memory_space<vmem>>) target(%dma_start3A_368 : memref<10112x128xf32, #tpu.memory_space<vmem_shared>>) offsets(%dma_start3A_365 : memref<128xi32, #tpu.memory_space<vmem>>) semaphore(%arg14 : memref<!tpu.dma_semaphore, #tpu.memory_space<semaphore_mem>>) {add = true}
        %dma_wait3A_369 = arith.constant 1 : i32
        %dma_wait3A_370 = arith.constant 5 : i32
        %dma_wait3A_371 = arith.constant 0 : i32
        %dma_wait3A_372 = arith.constant 0 : i32
        %dma_wait3A_373 = tpu.memref_slice %arg7[%dma_wait3A_369, %dma_wait3A_371, %dma_wait3A_372] : memref<2x8x128xi32, #tpu.memory_space<vmem>> -> memref<1x8x128xi32, #tpu.memory_space<vmem>>
        %dma_wait3A_374 = tpu.memref_squeeze %dma_wait3A_373 : memref<1x8x128xi32, #tpu.memory_space<vmem>> -> memref<8x128xi32, #tpu.memory_space<vmem>>
        %dma_wait3A_375 = arith.constant 0 : i32
        %dma_wait3A_376 = tpu.memref_slice %dma_wait3A_374[%dma_wait3A_370, %dma_wait3A_375] : memref<8x128xi32, #tpu.memory_space<vmem>> -> memref<1x128xi32, #tpu.memory_space<vmem>>
        %dma_wait3A_377 = tpu.memref_squeeze %dma_wait3A_376 : memref<1x128xi32, #tpu.memory_space<vmem>> -> memref<128xi32, #tpu.memory_space<vmem>>
        %dma_wait3A_378 = arith.constant 0 : i32
        %dma_wait3A_379 = arith.constant 0 : i32
        %dma_wait3A_380 = tpu.memref_slice %arg10[%dma_wait3A_378, %dma_wait3A_379] : memref<10112x128xf32, #tpu.memory_space<vmem_shared>> -> memref<10112x128xf32, #tpu.memory_space<vmem_shared>>
        tpu.wait_indirect_dma semaphore(%arg14 : memref<!tpu.dma_semaphore, #tpu.memory_space<semaphore_mem>>) src(%arg9 : memref<128x128xf32, #tpu.memory_space<vmem>>) dst(%dma_wait3A_380 : memref<10112x128xf32, #tpu.memory_space<vmem_shared>>)
        %dma_start3A_381 = arith.constant 1 : i32
        %dma_start3A_382 = arith.constant 5 : i32
        %dma_start3A_383 = arith.constant 0 : i32
        %dma_start3A_384 = arith.constant 0 : i32
        %dma_start3A_385 = tpu.memref_slice %arg6[%dma_start3A_381, %dma_start3A_383, %dma_start3A_384] : memref<2x8x128xi32, #tpu.memory_space<vmem>> -> memref<1x8x128xi32, #tpu.memory_space<vmem>>
        %dma_start3A_386 = tpu.memref_squeeze %dma_start3A_385 : memref<1x8x128xi32, #tpu.memory_space<vmem>> -> memref<8x128xi32, #tpu.memory_space<vmem>>
        %dma_start3A_387 = arith.constant 0 : i32
        %dma_start3A_388 = tpu.memref_slice %dma_start3A_386[%dma_start3A_382, %dma_start3A_387] : memref<8x128xi32, #tpu.memory_space<vmem>> -> memref<1x128xi32, #tpu.memory_space<vmem>>
        %dma_start3A_389 = tpu.memref_squeeze %dma_start3A_388 : memref<1x128xi32, #tpu.memory_space<vmem>> -> memref<128xi32, #tpu.memory_space<vmem>>
        %dma_start3A_390 = arith.constant 0 : i32
        %dma_start3A_391 = arith.constant 0 : i32
        %dma_start3A_392 = tpu.memref_slice %arg2[%dma_start3A_390, %dma_start3A_391] : memref<10000x128xf32, #tpu.memory_space<hbm>> -> memref<10000x128xf32, #tpu.memory_space<hbm>>
        tpu.enqueue_indirect_dma source(%dma_start3A_392 : memref<10000x128xf32, #tpu.memory_space<hbm>>) target(%arg9 : memref<128x128xf32, #tpu.memory_space<vmem>>) offsets(%dma_start3A_389 : memref<128xi32, #tpu.memory_space<vmem>>) semaphore(%arg12 : memref<!tpu.dma_semaphore, #tpu.memory_space<semaphore_mem>>)
        %dma_wait3A_393 = arith.constant 1 : i32
        %dma_wait3A_394 = arith.constant 4 : i32
        %dma_wait3A_395 = arith.constant 0 : i32
        %dma_wait3A_396 = arith.constant 0 : i32
        %dma_wait3A_397 = tpu.memref_slice %arg6[%dma_wait3A_393, %dma_wait3A_395, %dma_wait3A_396] : memref<2x8x128xi32, #tpu.memory_space<vmem>> -> memref<1x8x128xi32, #tpu.memory_space<vmem>>
        %dma_wait3A_398 = tpu.memref_squeeze %dma_wait3A_397 : memref<1x8x128xi32, #tpu.memory_space<vmem>> -> memref<8x128xi32, #tpu.memory_space<vmem>>
        %dma_wait3A_399 = arith.constant 0 : i32
        %dma_wait3A_400 = tpu.memref_slice %dma_wait3A_398[%dma_wait3A_394, %dma_wait3A_399] : memref<8x128xi32, #tpu.memory_space<vmem>> -> memref<1x128xi32, #tpu.memory_space<vmem>>
        %dma_wait3A_401 = tpu.memref_squeeze %dma_wait3A_400 : memref<1x128xi32, #tpu.memory_space<vmem>> -> memref<128xi32, #tpu.memory_space<vmem>>
        %dma_wait3A_402 = arith.constant 0 : i32
        %dma_wait3A_403 = arith.constant 0 : i32
        %dma_wait3A_404 = tpu.memref_slice %arg2[%dma_wait3A_402, %dma_wait3A_403] : memref<10000x128xf32, #tpu.memory_space<hbm>> -> memref<10000x128xf32, #tpu.memory_space<hbm>>
        tpu.wait_indirect_dma semaphore(%arg11 : memref<!tpu.dma_semaphore, #tpu.memory_space<semaphore_mem>>) src(%dma_wait3A_404 : memref<10000x128xf32, #tpu.memory_space<hbm>>) dst(%arg8 : memref<128x128xf32, #tpu.memory_space<vmem>>)
        %dma_start3A_405 = arith.constant 1 : i32
        %dma_start3A_406 = arith.constant 4 : i32
        %dma_start3A_407 = arith.constant 0 : i32
        %dma_start3A_408 = arith.constant 0 : i32
        %dma_start3A_409 = tpu.memref_slice %arg7[%dma_start3A_405, %dma_start3A_407, %dma_start3A_408] : memref<2x8x128xi32, #tpu.memory_space<vmem>> -> memref<1x8x128xi32, #tpu.memory_space<vmem>>
        %dma_start3A_410 = tpu.memref_squeeze %dma_start3A_409 : memref<1x8x128xi32, #tpu.memory_space<vmem>> -> memref<8x128xi32, #tpu.memory_space<vmem>>
        %dma_start3A_411 = arith.constant 0 : i32
        %dma_start3A_412 = tpu.memref_slice %dma_start3A_410[%dma_start3A_406, %dma_start3A_411] : memref<8x128xi32, #tpu.memory_space<vmem>> -> memref<1x128xi32, #tpu.memory_space<vmem>>
        %dma_start3A_413 = tpu.memref_squeeze %dma_start3A_412 : memref<1x128xi32, #tpu.memory_space<vmem>> -> memref<128xi32, #tpu.memory_space<vmem>>
        %dma_start3A_414 = arith.constant 0 : i32
        %dma_start3A_415 = arith.constant 0 : i32
        %dma_start3A_416 = tpu.memref_slice %arg10[%dma_start3A_414, %dma_start3A_415] : memref<10112x128xf32, #tpu.memory_space<vmem_shared>> -> memref<10112x128xf32, #tpu.memory_space<vmem_shared>>
        tpu.enqueue_indirect_dma source(%arg8 : memref<128x128xf32, #tpu.memory_space<vmem>>) target(%dma_start3A_416 : memref<10112x128xf32, #tpu.memory_space<vmem_shared>>) offsets(%dma_start3A_413 : memref<128xi32, #tpu.memory_space<vmem>>) semaphore(%arg13 : memref<!tpu.dma_semaphore, #tpu.memory_space<semaphore_mem>>) {add = true}
        %dma_wait3A_417 = arith.constant 1 : i32
        %dma_wait3A_418 = arith.constant 6 : i32
        %dma_wait3A_419 = arith.constant 0 : i32
        %dma_wait3A_420 = arith.constant 0 : i32
        %dma_wait3A_421 = tpu.memref_slice %arg7[%dma_wait3A_417, %dma_wait3A_419, %dma_wait3A_420] : memref<2x8x128xi32, #tpu.memory_space<vmem>> -> memref<1x8x128xi32, #tpu.memory_space<vmem>>
        %dma_wait3A_422 = tpu.memref_squeeze %dma_wait3A_421 : memref<1x8x128xi32, #tpu.memory_space<vmem>> -> memref<8x128xi32, #tpu.memory_space<vmem>>
        %dma_wait3A_423 = arith.constant 0 : i32
        %dma_wait3A_424 = tpu.memref_slice %dma_wait3A_422[%dma_wait3A_418, %dma_wait3A_423] : memref<8x128xi32, #tpu.memory_space<vmem>> -> memref<1x128xi32, #tpu.memory_space<vmem>>
        %dma_wait3A_425 = tpu.memref_squeeze %dma_wait3A_424 : memref<1x128xi32, #tpu.memory_space<vmem>> -> memref<128xi32, #tpu.memory_space<vmem>>
        %dma_wait3A_426 = arith.constant 0 : i32
        %dma_wait3A_427 = arith.constant 0 : i32
        %dma_wait3A_428 = tpu.memref_slice %arg10[%dma_wait3A_426, %dma_wait3A_427] : memref<10112x128xf32, #tpu.memory_space<vmem_shared>> -> memref<10112x128xf32, #tpu.memory_space<vmem_shared>>
        tpu.wait_indirect_dma semaphore(%arg13 : memref<!tpu.dma_semaphore, #tpu.memory_space<semaphore_mem>>) src(%arg8 : memref<128x128xf32, #tpu.memory_space<vmem>>) dst(%dma_wait3A_428 : memref<10112x128xf32, #tpu.memory_space<vmem_shared>>)
        %dma_start3A_429 = arith.constant 1 : i32
        %dma_start3A_430 = arith.constant 6 : i32
        %dma_start3A_431 = arith.constant 0 : i32
        %dma_start3A_432 = arith.constant 0 : i32
        %dma_start3A_433 = tpu.memref_slice %arg6[%dma_start3A_429, %dma_start3A_431, %dma_start3A_432] : memref<2x8x128xi32, #tpu.memory_space<vmem>> -> memref<1x8x128xi32, #tpu.memory_space<vmem>>
        %dma_start3A_434 = tpu.memref_squeeze %dma_start3A_433 : memref<1x8x128xi32, #tpu.memory_space<vmem>> -> memref<8x128xi32, #tpu.memory_space<vmem>>
        %dma_start3A_435 = arith.constant 0 : i32
        %dma_start3A_436 = tpu.memref_slice %dma_start3A_434[%dma_start3A_430, %dma_start3A_435] : memref<8x128xi32, #tpu.memory_space<vmem>> -> memref<1x128xi32, #tpu.memory_space<vmem>>
        %dma_start3A_437 = tpu.memref_squeeze %dma_start3A_436 : memref<1x128xi32, #tpu.memory_space<vmem>> -> memref<128xi32, #tpu.memory_space<vmem>>
        %dma_start3A_438 = arith.constant 0 : i32
        %dma_start3A_439 = arith.constant 0 : i32
        %dma_start3A_440 = tpu.memref_slice %arg2[%dma_start3A_438, %dma_start3A_439] : memref<10000x128xf32, #tpu.memory_space<hbm>> -> memref<10000x128xf32, #tpu.memory_space<hbm>>
        tpu.enqueue_indirect_dma source(%dma_start3A_440 : memref<10000x128xf32, #tpu.memory_space<hbm>>) target(%arg8 : memref<128x128xf32, #tpu.memory_space<vmem>>) offsets(%dma_start3A_437 : memref<128xi32, #tpu.memory_space<vmem>>) semaphore(%arg11 : memref<!tpu.dma_semaphore, #tpu.memory_space<semaphore_mem>>)
        %dma_wait3A_441 = arith.constant 1 : i32
        %dma_wait3A_442 = arith.constant 5 : i32
        %dma_wait3A_443 = arith.constant 0 : i32
        %dma_wait3A_444 = arith.constant 0 : i32
        %dma_wait3A_445 = tpu.memref_slice %arg6[%dma_wait3A_441, %dma_wait3A_443, %dma_wait3A_444] : memref<2x8x128xi32, #tpu.memory_space<vmem>> -> memref<1x8x128xi32, #tpu.memory_space<vmem>>
        %dma_wait3A_446 = tpu.memref_squeeze %dma_wait3A_445 : memref<1x8x128xi32, #tpu.memory_space<vmem>> -> memref<8x128xi32, #tpu.memory_space<vmem>>
        %dma_wait3A_447 = arith.constant 0 : i32
        %dma_wait3A_448 = tpu.memref_slice %dma_wait3A_446[%dma_wait3A_442, %dma_wait3A_447] : memref<8x128xi32, #tpu.memory_space<vmem>> -> memref<1x128xi32, #tpu.memory_space<vmem>>
        %dma_wait3A_449 = tpu.memref_squeeze %dma_wait3A_448 : memref<1x128xi32, #tpu.memory_space<vmem>> -> memref<128xi32, #tpu.memory_space<vmem>>
        %dma_wait3A_450 = arith.constant 0 : i32
        %dma_wait3A_451 = arith.constant 0 : i32
        %dma_wait3A_452 = tpu.memref_slice %arg2[%dma_wait3A_450, %dma_wait3A_451] : memref<10000x128xf32, #tpu.memory_space<hbm>> -> memref<10000x128xf32, #tpu.memory_space<hbm>>
        tpu.wait_indirect_dma semaphore(%arg12 : memref<!tpu.dma_semaphore, #tpu.memory_space<semaphore_mem>>) src(%dma_wait3A_452 : memref<10000x128xf32, #tpu.memory_space<hbm>>) dst(%arg9 : memref<128x128xf32, #tpu.memory_space<vmem>>)
        %dma_start3A_453 = arith.constant 1 : i32
        %dma_start3A_454 = arith.constant 5 : i32
        %dma_start3A_455 = arith.constant 0 : i32
        %dma_start3A_456 = arith.constant 0 : i32
        %dma_start3A_457 = tpu.memref_slice %arg7[%dma_start3A_453, %dma_start3A_455, %dma_start3A_456] : memref<2x8x128xi32, #tpu.memory_space<vmem>> -> memref<1x8x128xi32, #tpu.memory_space<vmem>>
        %dma_start3A_458 = tpu.memref_squeeze %dma_start3A_457 : memref<1x8x128xi32, #tpu.memory_space<vmem>> -> memref<8x128xi32, #tpu.memory_space<vmem>>
        %dma_start3A_459 = arith.constant 0 : i32
        %dma_start3A_460 = tpu.memref_slice %dma_start3A_458[%dma_start3A_454, %dma_start3A_459] : memref<8x128xi32, #tpu.memory_space<vmem>> -> memref<1x128xi32, #tpu.memory_space<vmem>>
        %dma_start3A_461 = tpu.memref_squeeze %dma_start3A_460 : memref<1x128xi32, #tpu.memory_space<vmem>> -> memref<128xi32, #tpu.memory_space<vmem>>
        %dma_start3A_462 = arith.constant 0 : i32
        %dma_start3A_463 = arith.constant 0 : i32
        %dma_start3A_464 = tpu.memref_slice %arg10[%dma_start3A_462, %dma_start3A_463] : memref<10112x128xf32, #tpu.memory_space<vmem_shared>> -> memref<10112x128xf32, #tpu.memory_space<vmem_shared>>
        tpu.enqueue_indirect_dma source(%arg9 : memref<128x128xf32, #tpu.memory_space<vmem>>) target(%dma_start3A_464 : memref<10112x128xf32, #tpu.memory_space<vmem_shared>>) offsets(%dma_start3A_461 : memref<128xi32, #tpu.memory_space<vmem>>) semaphore(%arg14 : memref<!tpu.dma_semaphore, #tpu.memory_space<semaphore_mem>>) {add = true}
        %dma_wait3A_465 = arith.constant 1 : i32
        %dma_wait3A_466 = arith.constant 7 : i32
        %dma_wait3A_467 = arith.constant 0 : i32
        %dma_wait3A_468 = arith.constant 0 : i32
        %dma_wait3A_469 = tpu.memref_slice %arg7[%dma_wait3A_465, %dma_wait3A_467, %dma_wait3A_468] : memref<2x8x128xi32, #tpu.memory_space<vmem>> -> memref<1x8x128xi32, #tpu.memory_space<vmem>>
        %dma_wait3A_470 = tpu.memref_squeeze %dma_wait3A_469 : memref<1x8x128xi32, #tpu.memory_space<vmem>> -> memref<8x128xi32, #tpu.memory_space<vmem>>
        %dma_wait3A_471 = arith.constant 0 : i32
        %dma_wait3A_472 = tpu.memref_slice %dma_wait3A_470[%dma_wait3A_466, %dma_wait3A_471] : memref<8x128xi32, #tpu.memory_space<vmem>> -> memref<1x128xi32, #tpu.memory_space<vmem>>
        %dma_wait3A_473 = tpu.memref_squeeze %dma_wait3A_472 : memref<1x128xi32, #tpu.memory_space<vmem>> -> memref<128xi32, #tpu.memory_space<vmem>>
        %dma_wait3A_474 = arith.constant 0 : i32
        %dma_wait3A_475 = arith.constant 0 : i32
        %dma_wait3A_476 = tpu.memref_slice %arg10[%dma_wait3A_474, %dma_wait3A_475] : memref<10112x128xf32, #tpu.memory_space<vmem_shared>> -> memref<10112x128xf32, #tpu.memory_space<vmem_shared>>
        tpu.wait_indirect_dma semaphore(%arg14 : memref<!tpu.dma_semaphore, #tpu.memory_space<semaphore_mem>>) src(%arg9 : memref<128x128xf32, #tpu.memory_space<vmem>>) dst(%dma_wait3A_476 : memref<10112x128xf32, #tpu.memory_space<vmem_shared>>)
        %dma_start3A_477 = arith.constant 1 : i32
        %dma_start3A_478 = arith.constant 7 : i32
        %dma_start3A_479 = arith.constant 0 : i32
        %dma_start3A_480 = arith.constant 0 : i32
        %dma_start3A_481 = tpu.memref_slice %arg6[%dma_start3A_477, %dma_start3A_479, %dma_start3A_480] : memref<2x8x128xi32, #tpu.memory_space<vmem>> -> memref<1x8x128xi32, #tpu.memory_space<vmem>>
        %dma_start3A_482 = tpu.memref_squeeze %dma_start3A_481 : memref<1x8x128xi32, #tpu.memory_space<vmem>> -> memref<8x128xi32, #tpu.memory_space<vmem>>
        %dma_start3A_483 = arith.constant 0 : i32
        %dma_start3A_484 = tpu.memref_slice %dma_start3A_482[%dma_start3A_478, %dma_start3A_483] : memref<8x128xi32, #tpu.memory_space<vmem>> -> memref<1x128xi32, #tpu.memory_space<vmem>>
        %dma_start3A_485 = tpu.memref_squeeze %dma_start3A_484 : memref<1x128xi32, #tpu.memory_space<vmem>> -> memref<128xi32, #tpu.memory_space<vmem>>
        %dma_start3A_486 = arith.constant 0 : i32
        %dma_start3A_487 = arith.constant 0 : i32
        %dma_start3A_488 = tpu.memref_slice %arg2[%dma_start3A_486, %dma_start3A_487] : memref<10000x128xf32, #tpu.memory_space<hbm>> -> memref<10000x128xf32, #tpu.memory_space<hbm>>
        tpu.enqueue_indirect_dma source(%dma_start3A_488 : memref<10000x128xf32, #tpu.memory_space<hbm>>) target(%arg9 : memref<128x128xf32, #tpu.memory_space<vmem>>) offsets(%dma_start3A_485 : memref<128xi32, #tpu.memory_space<vmem>>) semaphore(%arg12 : memref<!tpu.dma_semaphore, #tpu.memory_space<semaphore_mem>>)
        %dma_wait3A_489 = arith.constant 1 : i32
        %dma_wait3A_490 = arith.constant 6 : i32
        %dma_wait3A_491 = arith.constant 0 : i32
        %dma_wait3A_492 = arith.constant 0 : i32
        %dma_wait3A_493 = tpu.memref_slice %arg6[%dma_wait3A_489, %dma_wait3A_491, %dma_wait3A_492] : memref<2x8x128xi32, #tpu.memory_space<vmem>> -> memref<1x8x128xi32, #tpu.memory_space<vmem>>
        %dma_wait3A_494 = tpu.memref_squeeze %dma_wait3A_493 : memref<1x8x128xi32, #tpu.memory_space<vmem>> -> memref<8x128xi32, #tpu.memory_space<vmem>>
        %dma_wait3A_495 = arith.constant 0 : i32
        %dma_wait3A_496 = tpu.memref_slice %dma_wait3A_494[%dma_wait3A_490, %dma_wait3A_495] : memref<8x128xi32, #tpu.memory_space<vmem>> -> memref<1x128xi32, #tpu.memory_space<vmem>>
        %dma_wait3A_497 = tpu.memref_squeeze %dma_wait3A_496 : memref<1x128xi32, #tpu.memory_space<vmem>> -> memref<128xi32, #tpu.memory_space<vmem>>
        %dma_wait3A_498 = arith.constant 0 : i32
        %dma_wait3A_499 = arith.constant 0 : i32
        %dma_wait3A_500 = tpu.memref_slice %arg2[%dma_wait3A_498, %dma_wait3A_499] : memref<10000x128xf32, #tpu.memory_space<hbm>> -> memref<10000x128xf32, #tpu.memory_space<hbm>>
        tpu.wait_indirect_dma semaphore(%arg11 : memref<!tpu.dma_semaphore, #tpu.memory_space<semaphore_mem>>) src(%dma_wait3A_500 : memref<10000x128xf32, #tpu.memory_space<hbm>>) dst(%arg8 : memref<128x128xf32, #tpu.memory_space<vmem>>)
        %dma_start3A_501 = arith.constant 1 : i32
        %dma_start3A_502 = arith.constant 6 : i32
        %dma_start3A_503 = arith.constant 0 : i32
        %dma_start3A_504 = arith.constant 0 : i32
        %dma_start3A_505 = tpu.memref_slice %arg7[%dma_start3A_501, %dma_start3A_503, %dma_start3A_504] : memref<2x8x128xi32, #tpu.memory_space<vmem>> -> memref<1x8x128xi32, #tpu.memory_space<vmem>>
        %dma_start3A_506 = tpu.memref_squeeze %dma_start3A_505 : memref<1x8x128xi32, #tpu.memory_space<vmem>> -> memref<8x128xi32, #tpu.memory_space<vmem>>
        %dma_start3A_507 = arith.constant 0 : i32
        %dma_start3A_508 = tpu.memref_slice %dma_start3A_506[%dma_start3A_502, %dma_start3A_507] : memref<8x128xi32, #tpu.memory_space<vmem>> -> memref<1x128xi32, #tpu.memory_space<vmem>>
        %dma_start3A_509 = tpu.memref_squeeze %dma_start3A_508 : memref<1x128xi32, #tpu.memory_space<vmem>> -> memref<128xi32, #tpu.memory_space<vmem>>
        %dma_start3A_510 = arith.constant 0 : i32
        %dma_start3A_511 = arith.constant 0 : i32
        %dma_start3A_512 = tpu.memref_slice %arg10[%dma_start3A_510, %dma_start3A_511] : memref<10112x128xf32, #tpu.memory_space<vmem_shared>> -> memref<10112x128xf32, #tpu.memory_space<vmem_shared>>
        tpu.enqueue_indirect_dma source(%arg8 : memref<128x128xf32, #tpu.memory_space<vmem>>) target(%dma_start3A_512 : memref<10112x128xf32, #tpu.memory_space<vmem_shared>>) offsets(%dma_start3A_509 : memref<128xi32, #tpu.memory_space<vmem>>) semaphore(%arg13 : memref<!tpu.dma_semaphore, #tpu.memory_space<semaphore_mem>>) {add = true}
      } else {
      }
    }
    %scan3A_62 = arith.constant 10 : i32
    %dma_wait3A = arith.constant 1 : i32
    %dma_wait3A_63 = arith.constant 7 : i32
    %dma_wait3A_64 = arith.constant 0 : i32
    %dma_wait3A_65 = arith.constant 0 : i32
    %dma_wait3A_66 = tpu.memref_slice %arg6[%dma_wait3A, %dma_wait3A_64, %dma_wait3A_65] : memref<2x8x128xi32, #tpu.memory_space<vmem>> -> memref<1x8x128xi32, #tpu.memory_space<vmem>>
    %dma_wait3A_67 = tpu.memref_squeeze %dma_wait3A_66 : memref<1x8x128xi32, #tpu.memory_space<vmem>> -> memref<8x128xi32, #tpu.memory_space<vmem>>
    %dma_wait3A_68 = arith.constant 0 : i32
    %dma_wait3A_69 = tpu.memref_slice %dma_wait3A_67[%dma_wait3A_63, %dma_wait3A_68] : memref<8x128xi32, #tpu.memory_space<vmem>> -> memref<1x128xi32, #tpu.memory_space<vmem>>
    %dma_wait3A_70 = tpu.memref_squeeze %dma_wait3A_69 : memref<1x128xi32, #tpu.memory_space<vmem>> -> memref<128xi32, #tpu.memory_space<vmem>>
    %dma_wait3A_71 = arith.constant 0 : i32
    %dma_wait3A_72 = arith.constant 0 : i32
    %dma_wait3A_73 = tpu.memref_slice %arg2[%dma_wait3A_71, %dma_wait3A_72] : memref<10000x128xf32, #tpu.memory_space<hbm>> -> memref<10000x128xf32, #tpu.memory_space<hbm>>
    tpu.wait_indirect_dma semaphore(%arg12 : memref<!tpu.dma_semaphore, #tpu.memory_space<semaphore_mem>>) src(%dma_wait3A_73 : memref<10000x128xf32, #tpu.memory_space<hbm>>) dst(%arg9 : memref<128x128xf32, #tpu.memory_space<vmem>>)
    %run_scoped3A = arith.constant 1 : i32
    %run_scoped3A_74 = arith.constant 7 : i32
    "tpu.region"() ({
      %run_scoped3A_92 = tpu.sem_alloc : memref<!tpu.dma_semaphore, #tpu.memory_space<semaphore_mem>>
      %dma_start3A_93 = arith.constant 0 : i32
      %dma_start3A_94 = arith.constant 0 : i32
      %dma_start3A_95 = tpu.memref_slice %arg7[%run_scoped3A, %dma_start3A_93, %dma_start3A_94] : memref<2x8x128xi32, #tpu.memory_space<vmem>> -> memref<1x8x128xi32, #tpu.memory_space<vmem>>
      %dma_start3A_96 = tpu.memref_squeeze %dma_start3A_95 : memref<1x8x128xi32, #tpu.memory_space<vmem>> -> memref<8x128xi32, #tpu.memory_space<vmem>>
      %dma_start3A_97 = arith.constant 0 : i32
      %dma_start3A_98 = tpu.memref_slice %dma_start3A_96[%run_scoped3A_74, %dma_start3A_97] : memref<8x128xi32, #tpu.memory_space<vmem>> -> memref<1x128xi32, #tpu.memory_space<vmem>>
      %dma_start3A_99 = tpu.memref_squeeze %dma_start3A_98 : memref<1x128xi32, #tpu.memory_space<vmem>> -> memref<128xi32, #tpu.memory_space<vmem>>
      %dma_start3A_100 = arith.constant 0 : i32
      %dma_start3A_101 = arith.constant 0 : i32
      %dma_start3A_102 = tpu.memref_slice %arg10[%dma_start3A_100, %dma_start3A_101] : memref<10112x128xf32, #tpu.memory_space<vmem_shared>> -> memref<10112x128xf32, #tpu.memory_space<vmem_shared>>
      tpu.enqueue_indirect_dma source(%arg9 : memref<128x128xf32, #tpu.memory_space<vmem>>) target(%dma_start3A_102 : memref<10112x128xf32, #tpu.memory_space<vmem_shared>>) offsets(%dma_start3A_99 : memref<128xi32, #tpu.memory_space<vmem>>) semaphore(%run_scoped3A_92 : memref<!tpu.dma_semaphore, #tpu.memory_space<semaphore_mem>>) {add = true}
      %dma_wait3A_103 = arith.constant 0 : i32
      %dma_wait3A_104 = arith.constant 0 : i32
      %dma_wait3A_105 = tpu.memref_slice %arg7[%run_scoped3A, %dma_wait3A_103, %dma_wait3A_104] : memref<2x8x128xi32, #tpu.memory_space<vmem>> -> memref<1x8x128xi32, #tpu.memory_space<vmem>>
      %dma_wait3A_106 = tpu.memref_squeeze %dma_wait3A_105 : memref<1x8x128xi32, #tpu.memory_space<vmem>> -> memref<8x128xi32, #tpu.memory_space<vmem>>
      %dma_wait3A_107 = arith.constant 0 : i32
      %dma_wait3A_108 = tpu.memref_slice %dma_wait3A_106[%run_scoped3A_74, %dma_wait3A_107] : memref<8x128xi32, #tpu.memory_space<vmem>> -> memref<1x128xi32, #tpu.memory_space<vmem>>
      %dma_wait3A_109 = tpu.memref_squeeze %dma_wait3A_108 : memref<1x128xi32, #tpu.memory_space<vmem>> -> memref<128xi32, #tpu.memory_space<vmem>>
      %dma_wait3A_110 = arith.constant 0 : i32
      %dma_wait3A_111 = arith.constant 0 : i32
      %dma_wait3A_112 = tpu.memref_slice %arg10[%dma_wait3A_110, %dma_wait3A_111] : memref<10112x128xf32, #tpu.memory_space<vmem_shared>> -> memref<10112x128xf32, #tpu.memory_space<vmem_shared>>
      tpu.wait_indirect_dma semaphore(%run_scoped3A_92 : memref<!tpu.dma_semaphore, #tpu.memory_space<semaphore_mem>>) src(%arg9 : memref<128x128xf32, #tpu.memory_space<vmem>>) dst(%dma_wait3A_112 : memref<10112x128xf32, #tpu.memory_space<vmem_shared>>)
      tpu.yield
    }) : () -> ()
    %dma_wait3A_75 = arith.constant 1 : i32
    %dma_wait3A_76 = arith.constant 6 : i32
    %dma_wait3A_77 = arith.constant 0 : i32
    %dma_wait3A_78 = arith.constant 0 : i32
    %dma_wait3A_79 = tpu.memref_slice %arg7[%dma_wait3A_75, %dma_wait3A_77, %dma_wait3A_78] : memref<2x8x128xi32, #tpu.memory_space<vmem>> -> memref<1x8x128xi32, #tpu.memory_space<vmem>>
    %dma_wait3A_80 = tpu.memref_squeeze %dma_wait3A_79 : memref<1x8x128xi32, #tpu.memory_space<vmem>> -> memref<8x128xi32, #tpu.memory_space<vmem>>
    %dma_wait3A_81 = arith.constant 0 : i32
    %dma_wait3A_82 = tpu.memref_slice %dma_wait3A_80[%dma_wait3A_76, %dma_wait3A_81] : memref<8x128xi32, #tpu.memory_space<vmem>> -> memref<1x128xi32, #tpu.memory_space<vmem>>
    %dma_wait3A_83 = tpu.memref_squeeze %dma_wait3A_82 : memref<1x128xi32, #tpu.memory_space<vmem>> -> memref<128xi32, #tpu.memory_space<vmem>>
    %dma_wait3A_84 = arith.constant 0 : i32
    %dma_wait3A_85 = arith.constant 0 : i32
    %dma_wait3A_86 = tpu.memref_slice %arg10[%dma_wait3A_84, %dma_wait3A_85] : memref<10112x128xf32, #tpu.memory_space<vmem_shared>> -> memref<10112x128xf32, #tpu.memory_space<vmem_shared>>
    tpu.wait_indirect_dma semaphore(%arg13 : memref<!tpu.dma_semaphore, #tpu.memory_space<semaphore_mem>>) src(%arg8 : memref<128x128xf32, #tpu.memory_space<vmem>>) dst(%dma_wait3A_86 : memref<10112x128xf32, #tpu.memory_space<vmem_shared>>)
    %barrier3A_87 = arith.constant 0 : index
    tpu.barrier barrier_id(%barrier3A_87)
    %mul3A_88 = arith.constant 632 : i32
    %mul3A_89 = arith.muli %arg1, %mul3A_88 : i32
    %mul3A_90 = arith.constant 632 : i32
    %mul3A_91 = arith.muli %arg1, %mul3A_90 : i32
    "tpu.region"() ({
      %run_scoped3A_92 = tpu.sem_alloc : memref<!tpu.dma_semaphore, #tpu.memory_space<semaphore_mem>>
      %dma_start3A_93 = arith.constant 0 : i32
      %dma_start3A_94 = arith.constant 0 : i32
      %dma_start3A_95 = tpu.memref_slice %arg5[%arg0, %dma_start3A_93, %dma_start3A_94] : memref<2x10112x128xf32, #tpu.memory_space<hbm>> -> memref<1x10112x128xf32, #tpu.memory_space<hbm>>
      %dma_start3A_96 = tpu.memref_squeeze %dma_start3A_95 : memref<1x10112x128xf32, #tpu.memory_space<hbm>> -> memref<10112x128xf32, #tpu.memory_space<hbm>>
      %dma_start3A_97 = arith.constant 0 : i32
      %dma_start3A_98 = tpu.memref_slice %dma_start3A_96[%mul3A_91, %dma_start3A_97] : memref<10112x128xf32, #tpu.memory_space<hbm>> -> memref<632x128xf32, #tpu.memory_space<hbm>>
      %dma_start3A_99 = arith.constant 0 : i32
      %dma_start3A_100 = tpu.memref_slice %arg10[%mul3A_89, %dma_start3A_99] : memref<10112x128xf32, #tpu.memory_space<vmem_shared>> -> memref<632x128xf32, #tpu.memory_space<vmem_shared>>
      tpu.enqueue_dma source(%dma_start3A_100 : memref<632x128xf32, #tpu.memory_space<vmem_shared>>) target(%dma_start3A_98 : memref<632x128xf32, #tpu.memory_space<hbm>>) target_semaphore(%run_scoped3A_92 : memref<!tpu.dma_semaphore, #tpu.memory_space<semaphore_mem>>)
      %dma_wait3A_101 = arith.constant 0 : i32
      %dma_wait3A_102 = arith.constant 0 : i32
      %dma_wait3A_103 = tpu.memref_slice %arg5[%arg0, %dma_wait3A_101, %dma_wait3A_102] : memref<2x10112x128xf32, #tpu.memory_space<hbm>> -> memref<1x10112x128xf32, #tpu.memory_space<hbm>>
      %dma_wait3A_104 = tpu.memref_squeeze %dma_wait3A_103 : memref<1x10112x128xf32, #tpu.memory_space<hbm>> -> memref<10112x128xf32, #tpu.memory_space<hbm>>
      %dma_wait3A_105 = arith.constant 0 : i32
      %dma_wait3A_106 = tpu.memref_slice %dma_wait3A_104[%mul3A_91, %dma_wait3A_105] : memref<10112x128xf32, #tpu.memory_space<hbm>> -> memref<632x128xf32, #tpu.memory_space<hbm>>
      %dma_wait3A_107 = arith.constant 0 : i32
      %dma_wait3A_108 = tpu.memref_slice %arg10[%mul3A_89, %dma_wait3A_107] : memref<10112x128xf32, #tpu.memory_space<vmem_shared>> -> memref<632x128xf32, #tpu.memory_space<vmem_shared>>
      tpu.wait_dma2 semaphore(%run_scoped3A_92 : memref<!tpu.dma_semaphore, #tpu.memory_space<semaphore_mem>>) src(%dma_wait3A_108 : memref<632x128xf32, #tpu.memory_space<vmem_shared>>) dst(%dma_wait3A_106 : memref<632x128xf32, #tpu.memory_space<hbm>>)
      tpu.yield
    }) : () -> ()
    return
  }
}

#map = affine_map<(d0, d1) -> (0, 0)>
#map1 = affine_map<(d0, d1) -> (0, 0, 0)>
module attributes {stable_mosaic.version = 14 : i64} {
  func.func @segsum(%arg0: i32, %arg1: i32, %arg2: memref<10000x128xf32, #tpu.memory_space<hbm>>, %arg3: memref<2560x128xi32, #tpu.memory_space<hbm>>, %arg4: memref<2560x128xi32, #tpu.memory_space<hbm>>, %arg5: memref<2x10112x128xf32, #tpu.memory_space<hbm>>, %arg6: memref<2x10112x16xf32, #tpu.memory_space<hbm>>, %arg7: memref<2x8x128xi32, #tpu.memory_space<vmem>>, %arg8: memref<2x8x128xi32, #tpu.memory_space<vmem>>, %arg9: memref<128x128xf32, #tpu.memory_space<vmem>>, %arg10: memref<128x128xf32, #tpu.memory_space<vmem>>, %arg11: memref<10112x128xf32, #tpu.memory_space<vmem_shared>>, %arg12: memref<!tpu.dma_semaphore, #tpu.memory_space<semaphore_mem>>, %arg13: memref<!tpu.dma_semaphore, #tpu.memory_space<semaphore_mem>>, %arg14: memref<!tpu.dma_semaphore, #tpu.memory_space<semaphore_mem>>, %arg15: memref<!tpu.dma_semaphore, #tpu.memory_space<semaphore_mem>>, %arg16: memref<!tpu.dma_semaphore, #tpu.memory_space<semaphore_mem>>, %arg17: memref<!tpu.dma_semaphore, #tpu.memory_space<semaphore_mem>>, %arg18: memref<128x16xf32, #tpu.memory_space<vmem>>, %arg19: memref<10112x16xf32, #tpu.memory_space<vmem_shared>>, %arg20: memref<!tpu.dma_semaphore, #tpu.memory_space<semaphore_mem>>) attributes {dimension_semantics = [#tpu.dimension_semantics<core_parallel>, #tpu.dimension_semantics<subcore_parallel>], iteration_bounds = array<i64: 2, 16>, scalar_prefetch = 0 : i64, scratch_operands = 14 : i64, tpu.core_type = #tpu.core_type<sc_vector_subcore>, window_params = [{transform_indices = #map}, {transform_indices = #map}, {transform_indices = #map}, {transform_indices = #map1}, {transform_indices = #map1}]} {
    %mul3A = arith.constant 2 : i32
    %mul3A_0 = arith.muli %arg1, %mul3A : i32
    %add3A = arith.addi %mul3A_0, %arg0 : i32
    %mul3A_1 = arith.constant 80 : i32
    %mul3A_2 = arith.muli %add3A, %mul3A_1 : i32
    %add3A_3 = arith.constant 0 : i32
    %add3A_4 = arith.addi %mul3A_2, %add3A_3 : i32
    %dma_start3A = arith.constant 0 : i32
    %dma_start3A_5 = arith.constant 0 : i32
    %dma_start3A_6 = arith.constant 0 : i32
    %dma_start3A_7 = tpu.memref_slice %arg7[%dma_start3A, %dma_start3A_5, %dma_start3A_6] : memref<2x8x128xi32, #tpu.memory_space<vmem>> -> memref<1x8x128xi32, #tpu.memory_space<vmem>>
    %dma_start3A_8 = tpu.memref_squeeze %dma_start3A_7 : memref<1x8x128xi32, #tpu.memory_space<vmem>> -> memref<8x128xi32, #tpu.memory_space<vmem>>
    %dma_start3A_9 = arith.constant 0 : i32
    %dma_start3A_10 = tpu.memref_slice %arg3[%add3A_4, %dma_start3A_9] : memref<2560x128xi32, #tpu.memory_space<hbm>> -> memref<8x128xi32, #tpu.memory_space<hbm>>
    %dma_start3A_11 = arith.constant 0 : i32
    %dma_start3A_12 = arith.constant 0 : i32
    %dma_start3A_13 = tpu.memref_slice %arg7[%dma_start3A, %dma_start3A_11, %dma_start3A_12] : memref<2x8x128xi32, #tpu.memory_space<vmem>> -> memref<1x8x128xi32, #tpu.memory_space<vmem>>
    %dma_start3A_14 = tpu.memref_squeeze %dma_start3A_13 : memref<1x8x128xi32, #tpu.memory_space<vmem>> -> memref<8x128xi32, #tpu.memory_space<vmem>>
    %dma_start3A_15 = arith.constant 0 : i32
    %dma_start3A_16 = tpu.memref_slice %arg3[%add3A_4, %dma_start3A_15] : memref<2560x128xi32, #tpu.memory_space<hbm>> -> memref<8x128xi32, #tpu.memory_space<hbm>>
    tpu.enqueue_dma source(%dma_start3A_16 : memref<8x128xi32, #tpu.memory_space<hbm>>) target(%dma_start3A_14 : memref<8x128xi32, #tpu.memory_space<vmem>>) target_semaphore(%arg16 : memref<!tpu.dma_semaphore, #tpu.memory_space<semaphore_mem>>)
    %add3A_17 = arith.constant 0 : i32
    %add3A_18 = arith.addi %mul3A_2, %add3A_17 : i32
    %dma_start3A_19 = arith.constant 0 : i32
    %dma_start3A_20 = arith.constant 0 : i32
    %dma_start3A_21 = arith.constant 0 : i32
    %dma_start3A_22 = tpu.memref_slice %arg8[%dma_start3A_19, %dma_start3A_20, %dma_start3A_21] : memref<2x8x128xi32, #tpu.memory_space<vmem>> -> memref<1x8x128xi32, #tpu.memory_space<vmem>>
    %dma_start3A_23 = tpu.memref_squeeze %dma_start3A_22 : memref<1x8x128xi32, #tpu.memory_space<vmem>> -> memref<8x128xi32, #tpu.memory_space<vmem>>
    %dma_start3A_24 = arith.constant 0 : i32
    %dma_start3A_25 = tpu.memref_slice %arg4[%add3A_18, %dma_start3A_24] : memref<2560x128xi32, #tpu.memory_space<hbm>> -> memref<8x128xi32, #tpu.memory_space<hbm>>
    %dma_start3A_26 = arith.constant 0 : i32
    %dma_start3A_27 = arith.constant 0 : i32
    %dma_start3A_28 = tpu.memref_slice %arg8[%dma_start3A_19, %dma_start3A_26, %dma_start3A_27] : memref<2x8x128xi32, #tpu.memory_space<vmem>> -> memref<1x8x128xi32, #tpu.memory_space<vmem>>
    %dma_start3A_29 = tpu.memref_squeeze %dma_start3A_28 : memref<1x8x128xi32, #tpu.memory_space<vmem>> -> memref<8x128xi32, #tpu.memory_space<vmem>>
    %dma_start3A_30 = arith.constant 0 : i32
    %dma_start3A_31 = tpu.memref_slice %arg4[%add3A_18, %dma_start3A_30] : memref<2560x128xi32, #tpu.memory_space<hbm>> -> memref<8x128xi32, #tpu.memory_space<hbm>>
    tpu.enqueue_dma source(%dma_start3A_31 : memref<8x128xi32, #tpu.memory_space<hbm>>) target(%dma_start3A_29 : memref<8x128xi32, #tpu.memory_space<vmem>>) target_semaphore(%arg16 : memref<!tpu.dma_semaphore, #tpu.memory_space<semaphore_mem>>)
    %scan3A = arith.constant 0 : i32
    %scan3A_32 = arith.constant 0 : i32
    %scan3A_33 = arith.constant 128 : i32
    %scan3A_34 = arith.addi %scan3A_32, %scan3A_33 : i32
    %scan3A_35 = arith.constant 1 : i32
    scf.for %scan3A_224 = %scan3A_32 to %scan3A_34 step %scan3A_35  : i32 {
      %broadcast_in_dim3A = arith.constant 0.000000e+00 : f32
      %broadcast_in_dim3A_225 = vector.broadcast %broadcast_in_dim3A : f32 to vector<16xf32>
      %swap3A = arith.index_cast %scan3A_224 : i32 to index
      %swap3A_226 = arith.constant 0 : index
      %swap3A_227 = tpu.vector_load %arg9[%swap3A, %swap3A_226] {strides = array<i32>} : memref<128x128xf32, #tpu.memory_space<vmem>>, vector<1x16xf32>,
      %swap3A_228 = vector.shape_cast %swap3A_227 : vector<1x16xf32> to vector<16xf32>
      %swap3A_229 = vector.shape_cast %broadcast_in_dim3A_225 : vector<16xf32> to vector<1x16xf32>
      tpu.vector_store %arg9[%swap3A, %swap3A_226], %swap3A_229 {strides = array<i32>} : memref<128x128xf32, #tpu.memory_space<vmem>>, vector<1x16xf32>,
      %broadcast_in_dim3A_230 = arith.constant 0.000000e+00 : f32
      %broadcast_in_dim3A_231 = vector.broadcast %broadcast_in_dim3A_230 : f32 to vector<16xf32>
      %swap3A_232 = arith.index_cast %scan3A_224 : i32 to index
      %swap3A_233 = arith.constant 16 : index
      %swap3A_234 = tpu.vector_load %arg9[%swap3A_232, %swap3A_233] {strides = array<i32>} : memref<128x128xf32, #tpu.memory_space<vmem>>, vector<1x16xf32>,
      %swap3A_235 = vector.shape_cast %swap3A_234 : vector<1x16xf32> to vector<16xf32>
      %swap3A_236 = vector.shape_cast %broadcast_in_dim3A_231 : vector<16xf32> to vector<1x16xf32>
      tpu.vector_store %arg9[%swap3A_232, %swap3A_233], %swap3A_236 {strides = array<i32>} : memref<128x128xf32, #tpu.memory_space<vmem>>, vector<1x16xf32>,
      %broadcast_in_dim3A_237 = arith.constant 0.000000e+00 : f32
      %broadcast_in_dim3A_238 = vector.broadcast %broadcast_in_dim3A_237 : f32 to vector<16xf32>
      %swap3A_239 = arith.index_cast %scan3A_224 : i32 to index
      %swap3A_240 = arith.constant 32 : index
      %swap3A_241 = tpu.vector_load %arg9[%swap3A_239, %swap3A_240] {strides = array<i32>} : memref<128x128xf32, #tpu.memory_space<vmem>>, vector<1x16xf32>,
      %swap3A_242 = vector.shape_cast %swap3A_241 : vector<1x16xf32> to vector<16xf32>
      %swap3A_243 = vector.shape_cast %broadcast_in_dim3A_238 : vector<16xf32> to vector<1x16xf32>
      tpu.vector_store %arg9[%swap3A_239, %swap3A_240], %swap3A_243 {strides = array<i32>} : memref<128x128xf32, #tpu.memory_space<vmem>>, vector<1x16xf32>,
      %broadcast_in_dim3A_244 = arith.constant 0.000000e+00 : f32
      %broadcast_in_dim3A_245 = vector.broadcast %broadcast_in_dim3A_244 : f32 to vector<16xf32>
      %swap3A_246 = arith.index_cast %scan3A_224 : i32 to index
      %swap3A_247 = arith.constant 48 : index
      %swap3A_248 = tpu.vector_load %arg9[%swap3A_246, %swap3A_247] {strides = array<i32>} : memref<128x128xf32, #tpu.memory_space<vmem>>, vector<1x16xf32>,
      %swap3A_249 = vector.shape_cast %swap3A_248 : vector<1x16xf32> to vector<16xf32>
      %swap3A_250 = vector.shape_cast %broadcast_in_dim3A_245 : vector<16xf32> to vector<1x16xf32>
      tpu.vector_store %arg9[%swap3A_246, %swap3A_247], %swap3A_250 {strides = array<i32>} : memref<128x128xf32, #tpu.memory_space<vmem>>, vector<1x16xf32>,
      %broadcast_in_dim3A_251 = arith.constant 0.000000e+00 : f32
      %broadcast_in_dim3A_252 = vector.broadcast %broadcast_in_dim3A_251 : f32 to vector<16xf32>
      %swap3A_253 = arith.index_cast %scan3A_224 : i32 to index
      %swap3A_254 = arith.constant 64 : index
      %swap3A_255 = tpu.vector_load %arg9[%swap3A_253, %swap3A_254] {strides = array<i32>} : memref<128x128xf32, #tpu.memory_space<vmem>>, vector<1x16xf32>,
      %swap3A_256 = vector.shape_cast %swap3A_255 : vector<1x16xf32> to vector<16xf32>
      %swap3A_257 = vector.shape_cast %broadcast_in_dim3A_252 : vector<16xf32> to vector<1x16xf32>
      tpu.vector_store %arg9[%swap3A_253, %swap3A_254], %swap3A_257 {strides = array<i32>} : memref<128x128xf32, #tpu.memory_space<vmem>>, vector<1x16xf32>,
      %broadcast_in_dim3A_258 = arith.constant 0.000000e+00 : f32
      %broadcast_in_dim3A_259 = vector.broadcast %broadcast_in_dim3A_258 : f32 to vector<16xf32>
      %swap3A_260 = arith.index_cast %scan3A_224 : i32 to index
      %swap3A_261 = arith.constant 80 : index
      %swap3A_262 = tpu.vector_load %arg9[%swap3A_260, %swap3A_261] {strides = array<i32>} : memref<128x128xf32, #tpu.memory_space<vmem>>, vector<1x16xf32>,
      %swap3A_263 = vector.shape_cast %swap3A_262 : vector<1x16xf32> to vector<16xf32>
      %swap3A_264 = vector.shape_cast %broadcast_in_dim3A_259 : vector<16xf32> to vector<1x16xf32>
      tpu.vector_store %arg9[%swap3A_260, %swap3A_261], %swap3A_264 {strides = array<i32>} : memref<128x128xf32, #tpu.memory_space<vmem>>, vector<1x16xf32>,
      %broadcast_in_dim3A_265 = arith.constant 0.000000e+00 : f32
      %broadcast_in_dim3A_266 = vector.broadcast %broadcast_in_dim3A_265 : f32 to vector<16xf32>
      %swap3A_267 = arith.index_cast %scan3A_224 : i32 to index
      %swap3A_268 = arith.constant 96 : index
      %swap3A_269 = tpu.vector_load %arg9[%swap3A_267, %swap3A_268] {strides = array<i32>} : memref<128x128xf32, #tpu.memory_space<vmem>>, vector<1x16xf32>,
      %swap3A_270 = vector.shape_cast %swap3A_269 : vector<1x16xf32> to vector<16xf32>
      %swap3A_271 = vector.shape_cast %broadcast_in_dim3A_266 : vector<16xf32> to vector<1x16xf32>
      tpu.vector_store %arg9[%swap3A_267, %swap3A_268], %swap3A_271 {strides = array<i32>} : memref<128x128xf32, #tpu.memory_space<vmem>>, vector<1x16xf32>,
      %broadcast_in_dim3A_272 = arith.constant 0.000000e+00 : f32
      %broadcast_in_dim3A_273 = vector.broadcast %broadcast_in_dim3A_272 : f32 to vector<16xf32>
      %swap3A_274 = arith.index_cast %scan3A_224 : i32 to index
      %swap3A_275 = arith.constant 112 : index
      %swap3A_276 = tpu.vector_load %arg9[%swap3A_274, %swap3A_275] {strides = array<i32>} : memref<128x128xf32, #tpu.memory_space<vmem>>, vector<1x16xf32>,
      %swap3A_277 = vector.shape_cast %swap3A_276 : vector<1x16xf32> to vector<16xf32>
      %swap3A_278 = vector.shape_cast %broadcast_in_dim3A_273 : vector<16xf32> to vector<1x16xf32>
      tpu.vector_store %arg9[%swap3A_274, %swap3A_275], %swap3A_278 {strides = array<i32>} : memref<128x128xf32, #tpu.memory_space<vmem>>, vector<1x16xf32>,
    }
    %scan3A_36 = arith.constant 128 : i32
    %mul3A_37 = arith.constant 632 : i32
    %mul3A_38 = arith.muli %arg1, %mul3A_37 : i32
    %add3A_39 = arith.constant 0 : i32
    %add3A_40 = arith.addi %mul3A_38, %add3A_39 : i32
    "tpu.region"() ({
      %run_scoped3A_224 = tpu.sem_alloc : memref<!tpu.dma_semaphore, #tpu.memory_space<semaphore_mem>>
      %dma_start3A_225 = arith.constant 0 : i32
      %dma_start3A_226 = tpu.memref_slice %arg11[%add3A_40, %dma_start3A_225] : memref<10112x128xf32, #tpu.memory_space<vmem_shared>> -> memref<128x128xf32, #tpu.memory_space<vmem_shared>>
      %dma_start3A_227 = arith.constant 0 : i32
      %dma_start3A_228 = tpu.memref_slice %arg11[%add3A_40, %dma_start3A_227] : memref<10112x128xf32, #tpu.memory_space<vmem_shared>> -> memref<128x128xf32, #tpu.memory_space<vmem_shared>>
      tpu.enqueue_dma source(%arg9 : memref<128x128xf32, #tpu.memory_space<vmem>>) target(%dma_start3A_228 : memref<128x128xf32, #tpu.memory_space<vmem_shared>>) target_semaphore(%run_scoped3A_224 : memref<!tpu.dma_semaphore, #tpu.memory_space<semaphore_mem>>)
      %dma_wait3A_229 = arith.constant 0 : i32
      %dma_wait3A_230 = tpu.memref_slice %arg11[%add3A_40, %dma_wait3A_229] : memref<10112x128xf32, #tpu.memory_space<vmem_shared>> -> memref<128x128xf32, #tpu.memory_space<vmem_shared>>
      %dma_wait3A_231 = arith.constant 0 : i32
      %dma_wait3A_232 = tpu.memref_slice %arg11[%add3A_40, %dma_wait3A_231] : memref<10112x128xf32, #tpu.memory_space<vmem_shared>> -> memref<128x128xf32, #tpu.memory_space<vmem_shared>>
      tpu.wait_dma2 semaphore(%run_scoped3A_224 : memref<!tpu.dma_semaphore, #tpu.memory_space<semaphore_mem>>) src(%arg9 : memref<128x128xf32, #tpu.memory_space<vmem>>) dst(%dma_wait3A_232 : memref<128x128xf32, #tpu.memory_space<vmem_shared>>)
      tpu.yield
    }) : () -> ()
    %mul3A_41 = arith.constant 632 : i32
    %mul3A_42 = arith.muli %arg1, %mul3A_41 : i32
    %add3A_43 = arith.constant 128 : i32
    %add3A_44 = arith.addi %mul3A_42, %add3A_43 : i32
    "tpu.region"() ({
      %run_scoped3A_224 = tpu.sem_alloc : memref<!tpu.dma_semaphore, #tpu.memory_space<semaphore_mem>>
      %dma_start3A_225 = arith.constant 0 : i32
      %dma_start3A_226 = tpu.memref_slice %arg11[%add3A_44, %dma_start3A_225] : memref<10112x128xf32, #tpu.memory_space<vmem_shared>> -> memref<128x128xf32, #tpu.memory_space<vmem_shared>>
      %dma_start3A_227 = arith.constant 0 : i32
      %dma_start3A_228 = tpu.memref_slice %arg11[%add3A_44, %dma_start3A_227] : memref<10112x128xf32, #tpu.memory_space<vmem_shared>> -> memref<128x128xf32, #tpu.memory_space<vmem_shared>>
      tpu.enqueue_dma source(%arg9 : memref<128x128xf32, #tpu.memory_space<vmem>>) target(%dma_start3A_228 : memref<128x128xf32, #tpu.memory_space<vmem_shared>>) target_semaphore(%run_scoped3A_224 : memref<!tpu.dma_semaphore, #tpu.memory_space<semaphore_mem>>)
      %dma_wait3A_229 = arith.constant 0 : i32
      %dma_wait3A_230 = tpu.memref_slice %arg11[%add3A_44, %dma_wait3A_229] : memref<10112x128xf32, #tpu.memory_space<vmem_shared>> -> memref<128x128xf32, #tpu.memory_space<vmem_shared>>
      %dma_wait3A_231 = arith.constant 0 : i32
      %dma_wait3A_232 = tpu.memref_slice %arg11[%add3A_44, %dma_wait3A_231] : memref<10112x128xf32, #tpu.memory_space<vmem_shared>> -> memref<128x128xf32, #tpu.memory_space<vmem_shared>>
      tpu.wait_dma2 semaphore(%run_scoped3A_224 : memref<!tpu.dma_semaphore, #tpu.memory_space<semaphore_mem>>) src(%arg9 : memref<128x128xf32, #tpu.memory_space<vmem>>) dst(%dma_wait3A_232 : memref<128x128xf32, #tpu.memory_space<vmem_shared>>)
      tpu.yield
    }) : () -> ()
    %mul3A_45 = arith.constant 632 : i32
    %mul3A_46 = arith.muli %arg1, %mul3A_45 : i32
    %add3A_47 = arith.constant 256 : i32
    %add3A_48 = arith.addi %mul3A_46, %add3A_47 : i32
    "tpu.region"() ({
      %run_scoped3A_224 = tpu.sem_alloc : memref<!tpu.dma_semaphore, #tpu.memory_space<semaphore_mem>>
      %dma_start3A_225 = arith.constant 0 : i32
      %dma_start3A_226 = tpu.memref_slice %arg11[%add3A_48, %dma_start3A_225] : memref<10112x128xf32, #tpu.memory_space<vmem_shared>> -> memref<128x128xf32, #tpu.memory_space<vmem_shared>>
      %dma_start3A_227 = arith.constant 0 : i32
      %dma_start3A_228 = tpu.memref_slice %arg11[%add3A_48, %dma_start3A_227] : memref<10112x128xf32, #tpu.memory_space<vmem_shared>> -> memref<128x128xf32, #tpu.memory_space<vmem_shared>>
      tpu.enqueue_dma source(%arg9 : memref<128x128xf32, #tpu.memory_space<vmem>>) target(%dma_start3A_228 : memref<128x128xf32, #tpu.memory_space<vmem_shared>>) target_semaphore(%run_scoped3A_224 : memref<!tpu.dma_semaphore, #tpu.memory_space<semaphore_mem>>)
      %dma_wait3A_229 = arith.constant 0 : i32
      %dma_wait3A_230 = tpu.memref_slice %arg11[%add3A_48, %dma_wait3A_229] : memref<10112x128xf32, #tpu.memory_space<vmem_shared>> -> memref<128x128xf32, #tpu.memory_space<vmem_shared>>
      %dma_wait3A_231 = arith.constant 0 : i32
      %dma_wait3A_232 = tpu.memref_slice %arg11[%add3A_48, %dma_wait3A_231] : memref<10112x128xf32, #tpu.memory_space<vmem_shared>> -> memref<128x128xf32, #tpu.memory_space<vmem_shared>>
      tpu.wait_dma2 semaphore(%run_scoped3A_224 : memref<!tpu.dma_semaphore, #tpu.memory_space<semaphore_mem>>) src(%arg9 : memref<128x128xf32, #tpu.memory_space<vmem>>) dst(%dma_wait3A_232 : memref<128x128xf32, #tpu.memory_space<vmem_shared>>)
      tpu.yield
    }) : () -> ()
    %mul3A_49 = arith.constant 632 : i32
    %mul3A_50 = arith.muli %arg1, %mul3A_49 : i32
    %add3A_51 = arith.constant 384 : i32
    %add3A_52 = arith.addi %mul3A_50, %add3A_51 : i32
    "tpu.region"() ({
      %run_scoped3A_224 = tpu.sem_alloc : memref<!tpu.dma_semaphore, #tpu.memory_space<semaphore_mem>>
      %dma_start3A_225 = arith.constant 0 : i32
      %dma_start3A_226 = tpu.memref_slice %arg11[%add3A_52, %dma_start3A_225] : memref<10112x128xf32, #tpu.memory_space<vmem_shared>> -> memref<128x128xf32, #tpu.memory_space<vmem_shared>>
      %dma_start3A_227 = arith.constant 0 : i32
      %dma_start3A_228 = tpu.memref_slice %arg11[%add3A_52, %dma_start3A_227] : memref<10112x128xf32, #tpu.memory_space<vmem_shared>> -> memref<128x128xf32, #tpu.memory_space<vmem_shared>>
      tpu.enqueue_dma source(%arg9 : memref<128x128xf32, #tpu.memory_space<vmem>>) target(%dma_start3A_228 : memref<128x128xf32, #tpu.memory_space<vmem_shared>>) target_semaphore(%run_scoped3A_224 : memref<!tpu.dma_semaphore, #tpu.memory_space<semaphore_mem>>)
      %dma_wait3A_229 = arith.constant 0 : i32
      %dma_wait3A_230 = tpu.memref_slice %arg11[%add3A_52, %dma_wait3A_229] : memref<10112x128xf32, #tpu.memory_space<vmem_shared>> -> memref<128x128xf32, #tpu.memory_space<vmem_shared>>
      %dma_wait3A_231 = arith.constant 0 : i32
      %dma_wait3A_232 = tpu.memref_slice %arg11[%add3A_52, %dma_wait3A_231] : memref<10112x128xf32, #tpu.memory_space<vmem_shared>> -> memref<128x128xf32, #tpu.memory_space<vmem_shared>>
      tpu.wait_dma2 semaphore(%run_scoped3A_224 : memref<!tpu.dma_semaphore, #tpu.memory_space<semaphore_mem>>) src(%arg9 : memref<128x128xf32, #tpu.memory_space<vmem>>) dst(%dma_wait3A_232 : memref<128x128xf32, #tpu.memory_space<vmem_shared>>)
      tpu.yield
    }) : () -> ()
    %mul3A_53 = arith.constant 632 : i32
    %mul3A_54 = arith.muli %arg1, %mul3A_53 : i32
    %add3A_55 = arith.constant 512 : i32
    %add3A_56 = arith.addi %mul3A_54, %add3A_55 : i32
    "tpu.region"() ({
      %run_scoped3A_224 = tpu.sem_alloc : memref<!tpu.dma_semaphore, #tpu.memory_space<semaphore_mem>>
      %dma_start3A_225 = arith.constant 0 : i32
      %dma_start3A_226 = arith.constant 0 : i32
      %dma_start3A_227 = tpu.memref_slice %arg9[%dma_start3A_225, %dma_start3A_226] : memref<128x128xf32, #tpu.memory_space<vmem>> -> memref<120x128xf32, #tpu.memory_space<vmem>>
      %dma_start3A_228 = arith.constant 0 : i32
      %dma_start3A_229 = tpu.memref_slice %arg11[%add3A_56, %dma_start3A_228] : memref<10112x128xf32, #tpu.memory_space<vmem_shared>> -> memref<120x128xf32, #tpu.memory_space<vmem_shared>>
      %dma_start3A_230 = arith.constant 0 : i32
      %dma_start3A_231 = tpu.memref_slice %arg11[%add3A_56, %dma_start3A_230] : memref<10112x128xf32, #tpu.memory_space<vmem_shared>> -> memref<120x128xf32, #tpu.memory_space<vmem_shared>>
      %dma_start3A_232 = arith.constant 0 : i32
      %dma_start3A_233 = arith.constant 0 : i32
      %dma_start3A_234 = tpu.memref_slice %arg9[%dma_start3A_232, %dma_start3A_233] : memref<128x128xf32, #tpu.memory_space<vmem>> -> memref<120x128xf32, #tpu.memory_space<vmem>>
      tpu.enqueue_dma source(%dma_start3A_234 : memref<120x128xf32, #tpu.memory_space<vmem>>) target(%dma_start3A_231 : memref<120x128xf32, #tpu.memory_space<vmem_shared>>) target_semaphore(%run_scoped3A_224 : memref<!tpu.dma_semaphore, #tpu.memory_space<semaphore_mem>>)
      %dma_wait3A_235 = arith.constant 0 : i32
      %dma_wait3A_236 = arith.constant 0 : i32
      %dma_wait3A_237 = tpu.memref_slice %arg9[%dma_wait3A_235, %dma_wait3A_236] : memref<128x128xf32, #tpu.memory_space<vmem>> -> memref<120x128xf32, #tpu.memory_space<vmem>>
      %dma_wait3A_238 = arith.constant 0 : i32
      %dma_wait3A_239 = tpu.memref_slice %arg11[%add3A_56, %dma_wait3A_238] : memref<10112x128xf32, #tpu.memory_space<vmem_shared>> -> memref<120x128xf32, #tpu.memory_space<vmem_shared>>
      %dma_wait3A_240 = arith.constant 0 : i32
      %dma_wait3A_241 = tpu.memref_slice %arg11[%add3A_56, %dma_wait3A_240] : memref<10112x128xf32, #tpu.memory_space<vmem_shared>> -> memref<120x128xf32, #tpu.memory_space<vmem_shared>>
      %dma_wait3A_242 = arith.constant 0 : i32
      %dma_wait3A_243 = arith.constant 0 : i32
      %dma_wait3A_244 = tpu.memref_slice %arg9[%dma_wait3A_242, %dma_wait3A_243] : memref<128x128xf32, #tpu.memory_space<vmem>> -> memref<120x128xf32, #tpu.memory_space<vmem>>
      tpu.wait_dma2 semaphore(%run_scoped3A_224 : memref<!tpu.dma_semaphore, #tpu.memory_space<semaphore_mem>>) src(%dma_wait3A_244 : memref<120x128xf32, #tpu.memory_space<vmem>>) dst(%dma_wait3A_241 : memref<120x128xf32, #tpu.memory_space<vmem_shared>>)
      tpu.yield
    }) : () -> ()
    %scan3A_57 = arith.constant 0 : i32
    %scan3A_58 = arith.constant 0 : i32
    %scan3A_59 = arith.constant 128 : i32
    %scan3A_60 = arith.addi %scan3A_58, %scan3A_59 : i32
    %scan3A_61 = arith.constant 1 : i32
    scf.for %scan3A_224 = %scan3A_58 to %scan3A_60 step %scan3A_61  : i32 {
      %broadcast_in_dim3A = arith.constant 0.000000e+00 : f32
      %broadcast_in_dim3A_225 = vector.broadcast %broadcast_in_dim3A : f32 to vector<16xf32>
      %swap3A = arith.index_cast %scan3A_224 : i32 to index
      %swap3A_226 = arith.constant 0 : index
      %swap3A_227 = tpu.vector_load %arg18[%swap3A, %swap3A_226] {strides = array<i32>} : memref<128x16xf32, #tpu.memory_space<vmem>>, vector<1x16xf32>,
      %swap3A_228 = vector.shape_cast %swap3A_227 : vector<1x16xf32> to vector<16xf32>
      %swap3A_229 = vector.shape_cast %broadcast_in_dim3A_225 : vector<16xf32> to vector<1x16xf32>
      tpu.vector_store %arg18[%swap3A, %swap3A_226], %swap3A_229 {strides = array<i32>} : memref<128x16xf32, #tpu.memory_space<vmem>>, vector<1x16xf32>,
    }
    %scan3A_62 = arith.constant 128 : i32
    %mul3A_63 = arith.constant 632 : i32
    %mul3A_64 = arith.muli %arg1, %mul3A_63 : i32
    %add3A_65 = arith.constant 0 : i32
    %add3A_66 = arith.addi %mul3A_64, %add3A_65 : i32
    "tpu.region"() ({
      %run_scoped3A_224 = tpu.sem_alloc : memref<!tpu.dma_semaphore, #tpu.memory_space<semaphore_mem>>
      %dma_start3A_225 = arith.constant 0 : i32
      %dma_start3A_226 = arith.constant 0 : i32
      %dma_start3A_227 = tpu.memref_slice %arg18[%dma_start3A_225, %dma_start3A_226] : memref<128x16xf32, #tpu.memory_space<vmem>> -> memref<128x16xf32, #tpu.memory_space<vmem>>
      %dma_start3A_228 = arith.constant 0 : i32
      %dma_start3A_229 = tpu.memref_slice %arg19[%add3A_66, %dma_start3A_228] : memref<10112x16xf32, #tpu.memory_space<vmem_shared>> -> memref<128x16xf32, #tpu.memory_space<vmem_shared>>
      %dma_start3A_230 = arith.constant 0 : i32
      %dma_start3A_231 = tpu.memref_slice %arg19[%add3A_66, %dma_start3A_230] : memref<10112x16xf32, #tpu.memory_space<vmem_shared>> -> memref<128x16xf32, #tpu.memory_space<vmem_shared>>
      %dma_start3A_232 = arith.constant 0 : i32
      %dma_start3A_233 = arith.constant 0 : i32
      %dma_start3A_234 = tpu.memref_slice %arg18[%dma_start3A_232, %dma_start3A_233] : memref<128x16xf32, #tpu.memory_space<vmem>> -> memref<128x16xf32, #tpu.memory_space<vmem>>
      tpu.enqueue_dma source(%dma_start3A_234 : memref<128x16xf32, #tpu.memory_space<vmem>>) target(%dma_start3A_231 : memref<128x16xf32, #tpu.memory_space<vmem_shared>>) target_semaphore(%run_scoped3A_224 : memref<!tpu.dma_semaphore, #tpu.memory_space<semaphore_mem>>)
      %dma_wait3A_235 = arith.constant 0 : i32
      %dma_wait3A_236 = arith.constant 0 : i32
      %dma_wait3A_237 = tpu.memref_slice %arg18[%dma_wait3A_235, %dma_wait3A_236] : memref<128x16xf32, #tpu.memory_space<vmem>> -> memref<128x16xf32, #tpu.memory_space<vmem>>
      %dma_wait3A_238 = arith.constant 0 : i32
      %dma_wait3A_239 = tpu.memref_slice %arg19[%add3A_66, %dma_wait3A_238] : memref<10112x16xf32, #tpu.memory_space<vmem_shared>> -> memref<128x16xf32, #tpu.memory_space<vmem_shared>>
      %dma_wait3A_240 = arith.constant 0 : i32
      %dma_wait3A_241 = tpu.memref_slice %arg19[%add3A_66, %dma_wait3A_240] : memref<10112x16xf32, #tpu.memory_space<vmem_shared>> -> memref<128x16xf32, #tpu.memory_space<vmem_shared>>
      %dma_wait3A_242 = arith.constant 0 : i32
      %dma_wait3A_243 = arith.constant 0 : i32
      %dma_wait3A_244 = tpu.memref_slice %arg18[%dma_wait3A_242, %dma_wait3A_243] : memref<128x16xf32, #tpu.memory_space<vmem>> -> memref<128x16xf32, #tpu.memory_space<vmem>>
      tpu.wait_dma2 semaphore(%run_scoped3A_224 : memref<!tpu.dma_semaphore, #tpu.memory_space<semaphore_mem>>) src(%dma_wait3A_244 : memref<128x16xf32, #tpu.memory_space<vmem>>) dst(%dma_wait3A_241 : memref<128x16xf32, #tpu.memory_space<vmem_shared>>)
      tpu.yield
    }) : () -> ()
    %mul3A_67 = arith.constant 632 : i32
    %mul3A_68 = arith.muli %arg1, %mul3A_67 : i32
    %add3A_69 = arith.constant 128 : i32
    %add3A_70 = arith.addi %mul3A_68, %add3A_69 : i32
    "tpu.region"() ({
      %run_scoped3A_224 = tpu.sem_alloc : memref<!tpu.dma_semaphore, #tpu.memory_space<semaphore_mem>>
      %dma_start3A_225 = arith.constant 0 : i32
      %dma_start3A_226 = arith.constant 0 : i32
      %dma_start3A_227 = tpu.memref_slice %arg18[%dma_start3A_225, %dma_start3A_226] : memref<128x16xf32, #tpu.memory_space<vmem>> -> memref<128x16xf32, #tpu.memory_space<vmem>>
      %dma_start3A_228 = arith.constant 0 : i32
      %dma_start3A_229 = tpu.memref_slice %arg19[%add3A_70, %dma_start3A_228] : memref<10112x16xf32, #tpu.memory_space<vmem_shared>> -> memref<128x16xf32, #tpu.memory_space<vmem_shared>>
      %dma_start3A_230 = arith.constant 0 : i32
      %dma_start3A_231 = tpu.memref_slice %arg19[%add3A_70, %dma_start3A_230] : memref<10112x16xf32, #tpu.memory_space<vmem_shared>> -> memref<128x16xf32, #tpu.memory_space<vmem_shared>>
      %dma_start3A_232 = arith.constant 0 : i32
      %dma_start3A_233 = arith.constant 0 : i32
      %dma_start3A_234 = tpu.memref_slice %arg18[%dma_start3A_232, %dma_start3A_233] : memref<128x16xf32, #tpu.memory_space<vmem>> -> memref<128x16xf32, #tpu.memory_space<vmem>>
      tpu.enqueue_dma source(%dma_start3A_234 : memref<128x16xf32, #tpu.memory_space<vmem>>) target(%dma_start3A_231 : memref<128x16xf32, #tpu.memory_space<vmem_shared>>) target_semaphore(%run_scoped3A_224 : memref<!tpu.dma_semaphore, #tpu.memory_space<semaphore_mem>>)
      %dma_wait3A_235 = arith.constant 0 : i32
      %dma_wait3A_236 = arith.constant 0 : i32
      %dma_wait3A_237 = tpu.memref_slice %arg18[%dma_wait3A_235, %dma_wait3A_236] : memref<128x16xf32, #tpu.memory_space<vmem>> -> memref<128x16xf32, #tpu.memory_space<vmem>>
      %dma_wait3A_238 = arith.constant 0 : i32
      %dma_wait3A_239 = tpu.memref_slice %arg19[%add3A_70, %dma_wait3A_238] : memref<10112x16xf32, #tpu.memory_space<vmem_shared>> -> memref<128x16xf32, #tpu.memory_space<vmem_shared>>
      %dma_wait3A_240 = arith.constant 0 : i32
      %dma_wait3A_241 = tpu.memref_slice %arg19[%add3A_70, %dma_wait3A_240] : memref<10112x16xf32, #tpu.memory_space<vmem_shared>> -> memref<128x16xf32, #tpu.memory_space<vmem_shared>>
      %dma_wait3A_242 = arith.constant 0 : i32
      %dma_wait3A_243 = arith.constant 0 : i32
      %dma_wait3A_244 = tpu.memref_slice %arg18[%dma_wait3A_242, %dma_wait3A_243] : memref<128x16xf32, #tpu.memory_space<vmem>> -> memref<128x16xf32, #tpu.memory_space<vmem>>
      tpu.wait_dma2 semaphore(%run_scoped3A_224 : memref<!tpu.dma_semaphore, #tpu.memory_space<semaphore_mem>>) src(%dma_wait3A_244 : memref<128x16xf32, #tpu.memory_space<vmem>>) dst(%dma_wait3A_241 : memref<128x16xf32, #tpu.memory_space<vmem_shared>>)
      tpu.yield
    }) : () -> ()
    %mul3A_71 = arith.constant 632 : i32
    %mul3A_72 = arith.muli %arg1, %mul3A_71 : i32
    %add3A_73 = arith.constant 256 : i32
    %add3A_74 = arith.addi %mul3A_72, %add3A_73 : i32
    "tpu.region"() ({
      %run_scoped3A_224 = tpu.sem_alloc : memref<!tpu.dma_semaphore, #tpu.memory_space<semaphore_mem>>
      %dma_start3A_225 = arith.constant 0 : i32
      %dma_start3A_226 = arith.constant 0 : i32
      %dma_start3A_227 = tpu.memref_slice %arg18[%dma_start3A_225, %dma_start3A_226] : memref<128x16xf32, #tpu.memory_space<vmem>> -> memref<128x16xf32, #tpu.memory_space<vmem>>
      %dma_start3A_228 = arith.constant 0 : i32
      %dma_start3A_229 = tpu.memref_slice %arg19[%add3A_74, %dma_start3A_228] : memref<10112x16xf32, #tpu.memory_space<vmem_shared>> -> memref<128x16xf32, #tpu.memory_space<vmem_shared>>
      %dma_start3A_230 = arith.constant 0 : i32
      %dma_start3A_231 = tpu.memref_slice %arg19[%add3A_74, %dma_start3A_230] : memref<10112x16xf32, #tpu.memory_space<vmem_shared>> -> memref<128x16xf32, #tpu.memory_space<vmem_shared>>
      %dma_start3A_232 = arith.constant 0 : i32
      %dma_start3A_233 = arith.constant 0 : i32
      %dma_start3A_234 = tpu.memref_slice %arg18[%dma_start3A_232, %dma_start3A_233] : memref<128x16xf32, #tpu.memory_space<vmem>> -> memref<128x16xf32, #tpu.memory_space<vmem>>
      tpu.enqueue_dma source(%dma_start3A_234 : memref<128x16xf32, #tpu.memory_space<vmem>>) target(%dma_start3A_231 : memref<128x16xf32, #tpu.memory_space<vmem_shared>>) target_semaphore(%run_scoped3A_224 : memref<!tpu.dma_semaphore, #tpu.memory_space<semaphore_mem>>)
      %dma_wait3A_235 = arith.constant 0 : i32
      %dma_wait3A_236 = arith.constant 0 : i32
      %dma_wait3A_237 = tpu.memref_slice %arg18[%dma_wait3A_235, %dma_wait3A_236] : memref<128x16xf32, #tpu.memory_space<vmem>> -> memref<128x16xf32, #tpu.memory_space<vmem>>
      %dma_wait3A_238 = arith.constant 0 : i32
      %dma_wait3A_239 = tpu.memref_slice %arg19[%add3A_74, %dma_wait3A_238] : memref<10112x16xf32, #tpu.memory_space<vmem_shared>> -> memref<128x16xf32, #tpu.memory_space<vmem_shared>>
      %dma_wait3A_240 = arith.constant 0 : i32
      %dma_wait3A_241 = tpu.memref_slice %arg19[%add3A_74, %dma_wait3A_240] : memref<10112x16xf32, #tpu.memory_space<vmem_shared>> -> memref<128x16xf32, #tpu.memory_space<vmem_shared>>
      %dma_wait3A_242 = arith.constant 0 : i32
      %dma_wait3A_243 = arith.constant 0 : i32
      %dma_wait3A_244 = tpu.memref_slice %arg18[%dma_wait3A_242, %dma_wait3A_243] : memref<128x16xf32, #tpu.memory_space<vmem>> -> memref<128x16xf32, #tpu.memory_space<vmem>>
      tpu.wait_dma2 semaphore(%run_scoped3A_224 : memref<!tpu.dma_semaphore, #tpu.memory_space<semaphore_mem>>) src(%dma_wait3A_244 : memref<128x16xf32, #tpu.memory_space<vmem>>) dst(%dma_wait3A_241 : memref<128x16xf32, #tpu.memory_space<vmem_shared>>)
      tpu.yield
    }) : () -> ()
    %mul3A_75 = arith.constant 632 : i32
    %mul3A_76 = arith.muli %arg1, %mul3A_75 : i32
    %add3A_77 = arith.constant 384 : i32
    %add3A_78 = arith.addi %mul3A_76, %add3A_77 : i32
    "tpu.region"() ({
      %run_scoped3A_224 = tpu.sem_alloc : memref<!tpu.dma_semaphore, #tpu.memory_space<semaphore_mem>>
      %dma_start3A_225 = arith.constant 0 : i32
      %dma_start3A_226 = arith.constant 0 : i32
      %dma_start3A_227 = tpu.memref_slice %arg18[%dma_start3A_225, %dma_start3A_226] : memref<128x16xf32, #tpu.memory_space<vmem>> -> memref<128x16xf32, #tpu.memory_space<vmem>>
      %dma_start3A_228 = arith.constant 0 : i32
      %dma_start3A_229 = tpu.memref_slice %arg19[%add3A_78, %dma_start3A_228] : memref<10112x16xf32, #tpu.memory_space<vmem_shared>> -> memref<128x16xf32, #tpu.memory_space<vmem_shared>>
      %dma_start3A_230 = arith.constant 0 : i32
      %dma_start3A_231 = tpu.memref_slice %arg19[%add3A_78, %dma_start3A_230] : memref<10112x16xf32, #tpu.memory_space<vmem_shared>> -> memref<128x16xf32, #tpu.memory_space<vmem_shared>>
      %dma_start3A_232 = arith.constant 0 : i32
      %dma_start3A_233 = arith.constant 0 : i32
      %dma_start3A_234 = tpu.memref_slice %arg18[%dma_start3A_232, %dma_start3A_233] : memref<128x16xf32, #tpu.memory_space<vmem>> -> memref<128x16xf32, #tpu.memory_space<vmem>>
      tpu.enqueue_dma source(%dma_start3A_234 : memref<128x16xf32, #tpu.memory_space<vmem>>) target(%dma_start3A_231 : memref<128x16xf32, #tpu.memory_space<vmem_shared>>) target_semaphore(%run_scoped3A_224 : memref<!tpu.dma_semaphore, #tpu.memory_space<semaphore_mem>>)
      %dma_wait3A_235 = arith.constant 0 : i32
      %dma_wait3A_236 = arith.constant 0 : i32
      %dma_wait3A_237 = tpu.memref_slice %arg18[%dma_wait3A_235, %dma_wait3A_236] : memref<128x16xf32, #tpu.memory_space<vmem>> -> memref<128x16xf32, #tpu.memory_space<vmem>>
      %dma_wait3A_238 = arith.constant 0 : i32
      %dma_wait3A_239 = tpu.memref_slice %arg19[%add3A_78, %dma_wait3A_238] : memref<10112x16xf32, #tpu.memory_space<vmem_shared>> -> memref<128x16xf32, #tpu.memory_space<vmem_shared>>
      %dma_wait3A_240 = arith.constant 0 : i32
      %dma_wait3A_241 = tpu.memref_slice %arg19[%add3A_78, %dma_wait3A_240] : memref<10112x16xf32, #tpu.memory_space<vmem_shared>> -> memref<128x16xf32, #tpu.memory_space<vmem_shared>>
      %dma_wait3A_242 = arith.constant 0 : i32
      %dma_wait3A_243 = arith.constant 0 : i32
      %dma_wait3A_244 = tpu.memref_slice %arg18[%dma_wait3A_242, %dma_wait3A_243] : memref<128x16xf32, #tpu.memory_space<vmem>> -> memref<128x16xf32, #tpu.memory_space<vmem>>
      tpu.wait_dma2 semaphore(%run_scoped3A_224 : memref<!tpu.dma_semaphore, #tpu.memory_space<semaphore_mem>>) src(%dma_wait3A_244 : memref<128x16xf32, #tpu.memory_space<vmem>>) dst(%dma_wait3A_241 : memref<128x16xf32, #tpu.memory_space<vmem_shared>>)
      tpu.yield
    }) : () -> ()
    %mul3A_79 = arith.constant 632 : i32
    %mul3A_80 = arith.muli %arg1, %mul3A_79 : i32
    %add3A_81 = arith.constant 512 : i32
    %add3A_82 = arith.addi %mul3A_80, %add3A_81 : i32
    "tpu.region"() ({
      %run_scoped3A_224 = tpu.sem_alloc : memref<!tpu.dma_semaphore, #tpu.memory_space<semaphore_mem>>
      %dma_start3A_225 = arith.constant 0 : i32
      %dma_start3A_226 = arith.constant 0 : i32
      %dma_start3A_227 = tpu.memref_slice %arg18[%dma_start3A_225, %dma_start3A_226] : memref<128x16xf32, #tpu.memory_space<vmem>> -> memref<120x16xf32, #tpu.memory_space<vmem>>
      %dma_start3A_228 = arith.constant 0 : i32
      %dma_start3A_229 = tpu.memref_slice %arg19[%add3A_82, %dma_start3A_228] : memref<10112x16xf32, #tpu.memory_space<vmem_shared>> -> memref<120x16xf32, #tpu.memory_space<vmem_shared>>
      %dma_start3A_230 = arith.constant 0 : i32
      %dma_start3A_231 = tpu.memref_slice %arg19[%add3A_82, %dma_start3A_230] : memref<10112x16xf32, #tpu.memory_space<vmem_shared>> -> memref<120x16xf32, #tpu.memory_space<vmem_shared>>
      %dma_start3A_232 = arith.constant 0 : i32
      %dma_start3A_233 = arith.constant 0 : i32
      %dma_start3A_234 = tpu.memref_slice %arg18[%dma_start3A_232, %dma_start3A_233] : memref<128x16xf32, #tpu.memory_space<vmem>> -> memref<120x16xf32, #tpu.memory_space<vmem>>
      tpu.enqueue_dma source(%dma_start3A_234 : memref<120x16xf32, #tpu.memory_space<vmem>>) target(%dma_start3A_231 : memref<120x16xf32, #tpu.memory_space<vmem_shared>>) target_semaphore(%run_scoped3A_224 : memref<!tpu.dma_semaphore, #tpu.memory_space<semaphore_mem>>)
      %dma_wait3A_235 = arith.constant 0 : i32
      %dma_wait3A_236 = arith.constant 0 : i32
      %dma_wait3A_237 = tpu.memref_slice %arg18[%dma_wait3A_235, %dma_wait3A_236] : memref<128x16xf32, #tpu.memory_space<vmem>> -> memref<120x16xf32, #tpu.memory_space<vmem>>
      %dma_wait3A_238 = arith.constant 0 : i32
      %dma_wait3A_239 = tpu.memref_slice %arg19[%add3A_82, %dma_wait3A_238] : memref<10112x16xf32, #tpu.memory_space<vmem_shared>> -> memref<120x16xf32, #tpu.memory_space<vmem_shared>>
      %dma_wait3A_240 = arith.constant 0 : i32
      %dma_wait3A_241 = tpu.memref_slice %arg19[%add3A_82, %dma_wait3A_240] : memref<10112x16xf32, #tpu.memory_space<vmem_shared>> -> memref<120x16xf32, #tpu.memory_space<vmem_shared>>
      %dma_wait3A_242 = arith.constant 0 : i32
      %dma_wait3A_243 = arith.constant 0 : i32
      %dma_wait3A_244 = tpu.memref_slice %arg18[%dma_wait3A_242, %dma_wait3A_243] : memref<128x16xf32, #tpu.memory_space<vmem>> -> memref<120x16xf32, #tpu.memory_space<vmem>>
      tpu.wait_dma2 semaphore(%run_scoped3A_224 : memref<!tpu.dma_semaphore, #tpu.memory_space<semaphore_mem>>) src(%dma_wait3A_244 : memref<120x16xf32, #tpu.memory_space<vmem>>) dst(%dma_wait3A_241 : memref<120x16xf32, #tpu.memory_space<vmem_shared>>)
      tpu.yield
    }) : () -> ()
    %scan3A_83 = arith.constant 0 : i32
    %scan3A_84 = arith.constant 0 : i32
    %scan3A_85 = arith.constant 128 : i32
    %scan3A_86 = arith.addi %scan3A_84, %scan3A_85 : i32
    %scan3A_87 = arith.constant 1 : i32
    scf.for %scan3A_224 = %scan3A_84 to %scan3A_86 step %scan3A_87  : i32 {
      %broadcast_in_dim3A = arith.constant 1.000000e+00 : f32
      %broadcast_in_dim3A_225 = vector.broadcast %broadcast_in_dim3A : f32 to vector<16xf32>
      %swap3A = arith.index_cast %scan3A_224 : i32 to index
      %swap3A_226 = arith.constant 0 : index
      %swap3A_227 = tpu.vector_load %arg18[%swap3A, %swap3A_226] {strides = array<i32>} : memref<128x16xf32, #tpu.memory_space<vmem>>, vector<1x16xf32>,
      %swap3A_228 = vector.shape_cast %swap3A_227 : vector<1x16xf32> to vector<16xf32>
      %swap3A_229 = vector.shape_cast %broadcast_in_dim3A_225 : vector<16xf32> to vector<1x16xf32>
      tpu.vector_store %arg18[%swap3A, %swap3A_226], %swap3A_229 {strides = array<i32>} : memref<128x16xf32, #tpu.memory_space<vmem>>, vector<1x16xf32>,
    }
    %scan3A_88 = arith.constant 128 : i32
    %barrier3A = arith.constant 0 : index
    tpu.barrier barrier_id(%barrier3A)
    %scan3A_89 = arith.constant 0 : i32
    %scan3A_90 = arith.constant 0 : i32
    %scan3A_91 = arith.constant 10 : i32
    %scan3A_92 = arith.addi %scan3A_90, %scan3A_91 : i32
    %scan3A_93 = arith.constant 1 : i32
    scf.for %scan3A_224 = %scan3A_90 to %scan3A_92 step %scan3A_93  : i32 {
      %jit3A = arith.constant 2 : i32
      %eq3A = arith.constant 0 : i32
      %eq3A_225 = arith.cmpi eq, %jit3A, %eq3A : i32
      %jit3A_226 = arith.constant 1 : i32
      %select_n3A = arith.select %eq3A_225, %jit3A_226, %jit3A : i32
      %rem3A = arith.remsi %scan3A_224, %select_n3A : i32
      %ne3A = arith.constant 0 : i32
      %ne3A_227 = arith.cmpi ne, %rem3A, %ne3A : i32
      %lt3A = arith.constant 0 : i32
      %lt3A_228 = arith.cmpi slt, %rem3A, %lt3A : i32
      %lt3A_229 = arith.constant 0 : i32
      %lt3A_230 = arith.cmpi slt, %select_n3A, %lt3A_229 : i32
      %ne3A_231 = arith.xori %lt3A_228, %lt3A_230 : i1
      %and3A = arith.andi %ne3A_231, %ne3A_227 : i1
      %add3A_232 = arith.addi %rem3A, %select_n3A : i32
      %select_n3A_233 = arith.select %and3A, %add3A_232, %rem3A : i32
      %eq3A_234 = arith.constant 0 : i32
      %eq3A_235 = arith.cmpi eq, %select_n3A_233, %eq3A_234 : i32
      %convert_element_type3A = arith.extui %eq3A_235 : i1 to i32
      %cond3A = arith.constant 0 : i32
      %cond3A_236 = arith.cmpi ne, %convert_element_type3A, %cond3A : i32
      scf.if %cond3A_236 {
        %mul3A_258 = arith.constant 8 : i32
        %mul3A_259 = arith.muli %scan3A_224, %mul3A_258 : i32
        %add3A_260 = arith.addi %mul3A_2, %mul3A_259 : i32
        %dma_wait3A_261 = arith.constant 0 : i32
        %dma_wait3A_262 = arith.constant 0 : i32
        %dma_wait3A_263 = arith.constant 0 : i32
        %dma_wait3A_264 = tpu.memref_slice %arg7[%dma_wait3A_261, %dma_wait3A_262, %dma_wait3A_263] : memref<2x8x128xi32, #tpu.memory_space<vmem>> -> memref<1x8x128xi32, #tpu.memory_space<vmem>>
        %dma_wait3A_265 = tpu.memref_squeeze %dma_wait3A_264 : memref<1x8x128xi32, #tpu.memory_space<vmem>> -> memref<8x128xi32, #tpu.memory_space<vmem>>
        %dma_wait3A_266 = arith.constant 0 : i32
        %dma_wait3A_267 = tpu.memref_slice %arg3[%add3A_260, %dma_wait3A_266] : memref<2560x128xi32, #tpu.memory_space<hbm>> -> memref<8x128xi32, #tpu.memory_space<hbm>>
        %dma_wait3A_268 = arith.constant 0 : i32
        %dma_wait3A_269 = arith.constant 0 : i32
        %dma_wait3A_270 = tpu.memref_slice %arg7[%dma_wait3A_261, %dma_wait3A_268, %dma_wait3A_269] : memref<2x8x128xi32, #tpu.memory_space<vmem>> -> memref<1x8x128xi32, #tpu.memory_space<vmem>>
        %dma_wait3A_271 = tpu.memref_squeeze %dma_wait3A_270 : memref<1x8x128xi32, #tpu.memory_space<vmem>> -> memref<8x128xi32, #tpu.memory_space<vmem>>
        %dma_wait3A_272 = arith.constant 0 : i32
        %dma_wait3A_273 = tpu.memref_slice %arg3[%add3A_260, %dma_wait3A_272] : memref<2560x128xi32, #tpu.memory_space<hbm>> -> memref<8x128xi32, #tpu.memory_space<hbm>>
        tpu.wait_dma2 semaphore(%arg16 : memref<!tpu.dma_semaphore, #tpu.memory_space<semaphore_mem>>) src(%dma_wait3A_273 : memref<8x128xi32, #tpu.memory_space<hbm>>) dst(%dma_wait3A_271 : memref<8x128xi32, #tpu.memory_space<vmem>>)
        %mul3A_274 = arith.constant 8 : i32
        %mul3A_275 = arith.muli %scan3A_224, %mul3A_274 : i32
        %add3A_276 = arith.addi %mul3A_2, %mul3A_275 : i32
        %dma_wait3A_277 = arith.constant 0 : i32
        %dma_wait3A_278 = arith.constant 0 : i32
        %dma_wait3A_279 = arith.constant 0 : i32
        %dma_wait3A_280 = tpu.memref_slice %arg8[%dma_wait3A_277, %dma_wait3A_278, %dma_wait3A_279] : memref<2x8x128xi32, #tpu.memory_space<vmem>> -> memref<1x8x128xi32, #tpu.memory_space<vmem>>
        %dma_wait3A_281 = tpu.memref_squeeze %dma_wait3A_280 : memref<1x8x128xi32, #tpu.memory_space<vmem>> -> memref<8x128xi32, #tpu.memory_space<vmem>>
        %dma_wait3A_282 = arith.constant 0 : i32
        %dma_wait3A_283 = tpu.memref_slice %arg4[%add3A_276, %dma_wait3A_282] : memref<2560x128xi32, #tpu.memory_space<hbm>> -> memref<8x128xi32, #tpu.memory_space<hbm>>
        %dma_wait3A_284 = arith.constant 0 : i32
        %dma_wait3A_285 = arith.constant 0 : i32
        %dma_wait3A_286 = tpu.memref_slice %arg8[%dma_wait3A_277, %dma_wait3A_284, %dma_wait3A_285] : memref<2x8x128xi32, #tpu.memory_space<vmem>> -> memref<1x8x128xi32, #tpu.memory_space<vmem>>
        %dma_wait3A_287 = tpu.memref_squeeze %dma_wait3A_286 : memref<1x8x128xi32, #tpu.memory_space<vmem>> -> memref<8x128xi32, #tpu.memory_space<vmem>>
        %dma_wait3A_288 = arith.constant 0 : i32
        %dma_wait3A_289 = tpu.memref_slice %arg4[%add3A_276, %dma_wait3A_288] : memref<2560x128xi32, #tpu.memory_space<hbm>> -> memref<8x128xi32, #tpu.memory_space<hbm>>
        tpu.wait_dma2 semaphore(%arg16 : memref<!tpu.dma_semaphore, #tpu.memory_space<semaphore_mem>>) src(%dma_wait3A_289 : memref<8x128xi32, #tpu.memory_space<hbm>>) dst(%dma_wait3A_287 : memref<8x128xi32, #tpu.memory_space<vmem>>)
        %gt3A = arith.constant 0 : i32
        %gt3A_290 = arith.cmpi sgt, %scan3A_224, %gt3A : i32
        %convert_element_type3A_291 = arith.extui %gt3A_290 : i1 to i32
        %cond3A_292 = arith.constant 0 : i32
        %cond3A_293 = arith.cmpi ne, %convert_element_type3A_291, %cond3A_292 : i32
        scf.if %cond3A_293 {
          %dma_wait3A_746 = arith.constant 0 : i32
          %dma_wait3A_747 = arith.constant 0 : i32
          %dma_wait3A_748 = arith.constant 0 : i32
          %dma_wait3A_749 = arith.constant 0 : i32
          %dma_wait3A_750 = tpu.memref_slice %arg8[%dma_wait3A_746, %dma_wait3A_748, %dma_wait3A_749] : memref<2x8x128xi32, #tpu.memory_space<vmem>> -> memref<1x8x128xi32, #tpu.memory_space<vmem>>
          %dma_wait3A_751 = tpu.memref_squeeze %dma_wait3A_750 : memref<1x8x128xi32, #tpu.memory_space<vmem>> -> memref<8x128xi32, #tpu.memory_space<vmem>>
          %dma_wait3A_752 = arith.constant 0 : i32
          %dma_wait3A_753 = tpu.memref_slice %dma_wait3A_751[%dma_wait3A_747, %dma_wait3A_752] : memref<8x128xi32, #tpu.memory_space<vmem>> -> memref<1x128xi32, #tpu.memory_space<vmem>>
          %dma_wait3A_754 = tpu.memref_squeeze %dma_wait3A_753 : memref<1x128xi32, #tpu.memory_space<vmem>> -> memref<128xi32, #tpu.memory_space<vmem>>
          %dma_wait3A_755 = arith.constant 0 : i32
          %dma_wait3A_756 = arith.constant 0 : i32
          %dma_wait3A_757 = tpu.memref_slice %arg11[%dma_wait3A_755, %dma_wait3A_756] : memref<10112x128xf32, #tpu.memory_space<vmem_shared>> -> memref<10112x128xf32, #tpu.memory_space<vmem_shared>>
          tpu.wait_indirect_dma semaphore(%arg14 : memref<!tpu.dma_semaphore, #tpu.memory_space<semaphore_mem>>) src(%arg9 : memref<128x128xf32, #tpu.memory_space<vmem>>) dst(%dma_wait3A_757 : memref<10112x128xf32, #tpu.memory_space<vmem_shared>>)
        } else {
        }
        %gt3A_294 = arith.constant 0 : i32
        %gt3A_295 = arith.cmpi sgt, %scan3A_224, %gt3A_294 : i32
        %convert_element_type3A_296 = arith.extui %gt3A_295 : i1 to i32
        %cond3A_297 = arith.constant 0 : i32
        %cond3A_298 = arith.cmpi ne, %convert_element_type3A_296, %cond3A_297 : i32
        scf.if %cond3A_298 {
          %dma_wait3A_746 = arith.constant 1 : i32
          %dma_wait3A_747 = arith.constant 0 : i32
          %dma_wait3A_748 = arith.constant 0 : i32
          %dma_wait3A_749 = arith.constant 0 : i32
          %dma_wait3A_750 = tpu.memref_slice %arg8[%dma_wait3A_746, %dma_wait3A_748, %dma_wait3A_749] : memref<2x8x128xi32, #tpu.memory_space<vmem>> -> memref<1x8x128xi32, #tpu.memory_space<vmem>>
          %dma_wait3A_751 = tpu.memref_squeeze %dma_wait3A_750 : memref<1x8x128xi32, #tpu.memory_space<vmem>> -> memref<8x128xi32, #tpu.memory_space<vmem>>
          %dma_wait3A_752 = arith.constant 0 : i32
          %dma_wait3A_753 = tpu.memref_slice %dma_wait3A_751[%dma_wait3A_747, %dma_wait3A_752] : memref<8x128xi32, #tpu.memory_space<vmem>> -> memref<1x128xi32, #tpu.memory_space<vmem>>
          %dma_wait3A_754 = tpu.memref_squeeze %dma_wait3A_753 : memref<1x128xi32, #tpu.memory_space<vmem>> -> memref<128xi32, #tpu.memory_space<vmem>>
          %dma_wait3A_755 = arith.constant 0 : i32
          %dma_wait3A_756 = arith.constant 0 : i32
          %dma_wait3A_757 = tpu.memref_slice %arg19[%dma_wait3A_755, %dma_wait3A_756] : memref<10112x16xf32, #tpu.memory_space<vmem_shared>> -> memref<10112x16xf32, #tpu.memory_space<vmem_shared>>
          tpu.wait_indirect_dma semaphore(%arg20 : memref<!tpu.dma_semaphore, #tpu.memory_space<semaphore_mem>>) src(%arg18 : memref<128x16xf32, #tpu.memory_space<vmem>>) dst(%dma_wait3A_757 : memref<10112x16xf32, #tpu.memory_space<vmem_shared>>)
          %dma_wait3A_758 = arith.constant 1 : i32
          %dma_wait3A_759 = arith.constant 1 : i32
          %dma_wait3A_760 = arith.constant 0 : i32
          %dma_wait3A_761 = arith.constant 0 : i32
          %dma_wait3A_762 = tpu.memref_slice %arg8[%dma_wait3A_758, %dma_wait3A_760, %dma_wait3A_761] : memref<2x8x128xi32, #tpu.memory_space<vmem>> -> memref<1x8x128xi32, #tpu.memory_space<vmem>>
          %dma_wait3A_763 = tpu.memref_squeeze %dma_wait3A_762 : memref<1x8x128xi32, #tpu.memory_space<vmem>> -> memref<8x128xi32, #tpu.memory_space<vmem>>
          %dma_wait3A_764 = arith.constant 0 : i32
          %dma_wait3A_765 = tpu.memref_slice %dma_wait3A_763[%dma_wait3A_759, %dma_wait3A_764] : memref<8x128xi32, #tpu.memory_space<vmem>> -> memref<1x128xi32, #tpu.memory_space<vmem>>
          %dma_wait3A_766 = tpu.memref_squeeze %dma_wait3A_765 : memref<1x128xi32, #tpu.memory_space<vmem>> -> memref<128xi32, #tpu.memory_space<vmem>>
          %dma_wait3A_767 = arith.constant 0 : i32
          %dma_wait3A_768 = arith.constant 0 : i32
          %dma_wait3A_769 = tpu.memref_slice %arg19[%dma_wait3A_767, %dma_wait3A_768] : memref<10112x16xf32, #tpu.memory_space<vmem_shared>> -> memref<10112x16xf32, #tpu.memory_space<vmem_shared>>
          tpu.wait_indirect_dma semaphore(%arg20 : memref<!tpu.dma_semaphore, #tpu.memory_space<semaphore_mem>>) src(%arg18 : memref<128x16xf32, #tpu.memory_space<vmem>>) dst(%dma_wait3A_769 : memref<10112x16xf32, #tpu.memory_space<vmem_shared>>)
          %dma_wait3A_770 = arith.constant 1 : i32
          %dma_wait3A_771 = arith.constant 2 : i32
          %dma_wait3A_772 = arith.constant 0 : i32
          %dma_wait3A_773 = arith.constant 0 : i32
          %dma_wait3A_774 = tpu.memref_slice %arg8[%dma_wait3A_770, %dma_wait3A_772, %dma_wait3A_773] : memref<2x8x128xi32, #tpu.memory_space<vmem>> -> memref<1x8x128xi32, #tpu.memory_space<vmem>>
          %dma_wait3A_775 = tpu.memref_squeeze %dma_wait3A_774 : memref<1x8x128xi32, #tpu.memory_space<vmem>> -> memref<8x128xi32, #tpu.memory_space<vmem>>
          %dma_wait3A_776 = arith.constant 0 : i32
          %dma_wait3A_777 = tpu.memref_slice %dma_wait3A_775[%dma_wait3A_771, %dma_wait3A_776] : memref<8x128xi32, #tpu.memory_space<vmem>> -> memref<1x128xi32, #tpu.memory_space<vmem>>
          %dma_wait3A_778 = tpu.memref_squeeze %dma_wait3A_777 : memref<1x128xi32, #tpu.memory_space<vmem>> -> memref<128xi32, #tpu.memory_space<vmem>>
          %dma_wait3A_779 = arith.constant 0 : i32
          %dma_wait3A_780 = arith.constant 0 : i32
          %dma_wait3A_781 = tpu.memref_slice %arg19[%dma_wait3A_779, %dma_wait3A_780] : memref<10112x16xf32, #tpu.memory_space<vmem_shared>> -> memref<10112x16xf32, #tpu.memory_space<vmem_shared>>
          tpu.wait_indirect_dma semaphore(%arg20 : memref<!tpu.dma_semaphore, #tpu.memory_space<semaphore_mem>>) src(%arg18 : memref<128x16xf32, #tpu.memory_space<vmem>>) dst(%dma_wait3A_781 : memref<10112x16xf32, #tpu.memory_space<vmem_shared>>)
          %dma_wait3A_782 = arith.constant 1 : i32
          %dma_wait3A_783 = arith.constant 3 : i32
          %dma_wait3A_784 = arith.constant 0 : i32
          %dma_wait3A_785 = arith.constant 0 : i32
          %dma_wait3A_786 = tpu.memref_slice %arg8[%dma_wait3A_782, %dma_wait3A_784, %dma_wait3A_785] : memref<2x8x128xi32, #tpu.memory_space<vmem>> -> memref<1x8x128xi32, #tpu.memory_space<vmem>>
          %dma_wait3A_787 = tpu.memref_squeeze %dma_wait3A_786 : memref<1x8x128xi32, #tpu.memory_space<vmem>> -> memref<8x128xi32, #tpu.memory_space<vmem>>
          %dma_wait3A_788 = arith.constant 0 : i32
          %dma_wait3A_789 = tpu.memref_slice %dma_wait3A_787[%dma_wait3A_783, %dma_wait3A_788] : memref<8x128xi32, #tpu.memory_space<vmem>> -> memref<1x128xi32, #tpu.memory_space<vmem>>
          %dma_wait3A_790 = tpu.memref_squeeze %dma_wait3A_789 : memref<1x128xi32, #tpu.memory_space<vmem>> -> memref<128xi32, #tpu.memory_space<vmem>>
          %dma_wait3A_791 = arith.constant 0 : i32
          %dma_wait3A_792 = arith.constant 0 : i32
          %dma_wait3A_793 = tpu.memref_slice %arg19[%dma_wait3A_791, %dma_wait3A_792] : memref<10112x16xf32, #tpu.memory_space<vmem_shared>> -> memref<10112x16xf32, #tpu.memory_space<vmem_shared>>
          tpu.wait_indirect_dma semaphore(%arg20 : memref<!tpu.dma_semaphore, #tpu.memory_space<semaphore_mem>>) src(%arg18 : memref<128x16xf32, #tpu.memory_space<vmem>>) dst(%dma_wait3A_793 : memref<10112x16xf32, #tpu.memory_space<vmem_shared>>)
          %dma_wait3A_794 = arith.constant 1 : i32
          %dma_wait3A_795 = arith.constant 4 : i32
          %dma_wait3A_796 = arith.constant 0 : i32
          %dma_wait3A_797 = arith.constant 0 : i32
          %dma_wait3A_798 = tpu.memref_slice %arg8[%dma_wait3A_794, %dma_wait3A_796, %dma_wait3A_797] : memref<2x8x128xi32, #tpu.memory_space<vmem>> -> memref<1x8x128xi32, #tpu.memory_space<vmem>>
          %dma_wait3A_799 = tpu.memref_squeeze %dma_wait3A_798 : memref<1x8x128xi32, #tpu.memory_space<vmem>> -> memref<8x128xi32, #tpu.memory_space<vmem>>
          %dma_wait3A_800 = arith.constant 0 : i32
          %dma_wait3A_801 = tpu.memref_slice %dma_wait3A_799[%dma_wait3A_795, %dma_wait3A_800] : memref<8x128xi32, #tpu.memory_space<vmem>> -> memref<1x128xi32, #tpu.memory_space<vmem>>
          %dma_wait3A_802 = tpu.memref_squeeze %dma_wait3A_801 : memref<1x128xi32, #tpu.memory_space<vmem>> -> memref<128xi32, #tpu.memory_space<vmem>>
          %dma_wait3A_803 = arith.constant 0 : i32
          %dma_wait3A_804 = arith.constant 0 : i32
          %dma_wait3A_805 = tpu.memref_slice %arg19[%dma_wait3A_803, %dma_wait3A_804] : memref<10112x16xf32, #tpu.memory_space<vmem_shared>> -> memref<10112x16xf32, #tpu.memory_space<vmem_shared>>
          tpu.wait_indirect_dma semaphore(%arg20 : memref<!tpu.dma_semaphore, #tpu.memory_space<semaphore_mem>>) src(%arg18 : memref<128x16xf32, #tpu.memory_space<vmem>>) dst(%dma_wait3A_805 : memref<10112x16xf32, #tpu.memory_space<vmem_shared>>)
          %dma_wait3A_806 = arith.constant 1 : i32
          %dma_wait3A_807 = arith.constant 5 : i32
          %dma_wait3A_808 = arith.constant 0 : i32
          %dma_wait3A_809 = arith.constant 0 : i32
          %dma_wait3A_810 = tpu.memref_slice %arg8[%dma_wait3A_806, %dma_wait3A_808, %dma_wait3A_809] : memref<2x8x128xi32, #tpu.memory_space<vmem>> -> memref<1x8x128xi32, #tpu.memory_space<vmem>>
          %dma_wait3A_811 = tpu.memref_squeeze %dma_wait3A_810 : memref<1x8x128xi32, #tpu.memory_space<vmem>> -> memref<8x128xi32, #tpu.memory_space<vmem>>
          %dma_wait3A_812 = arith.constant 0 : i32
          %dma_wait3A_813 = tpu.memref_slice %dma_wait3A_811[%dma_wait3A_807, %dma_wait3A_812] : memref<8x128xi32, #tpu.memory_space<vmem>> -> memref<1x128xi32, #tpu.memory_space<vmem>>
          %dma_wait3A_814 = tpu.memref_squeeze %dma_wait3A_813 : memref<1x128xi32, #tpu.memory_space<vmem>> -> memref<128xi32, #tpu.memory_space<vmem>>
          %dma_wait3A_815 = arith.constant 0 : i32
          %dma_wait3A_816 = arith.constant 0 : i32
          %dma_wait3A_817 = tpu.memref_slice %arg19[%dma_wait3A_815, %dma_wait3A_816] : memref<10112x16xf32, #tpu.memory_space<vmem_shared>> -> memref<10112x16xf32, #tpu.memory_space<vmem_shared>>
          tpu.wait_indirect_dma semaphore(%arg20 : memref<!tpu.dma_semaphore, #tpu.memory_space<semaphore_mem>>) src(%arg18 : memref<128x16xf32, #tpu.memory_space<vmem>>) dst(%dma_wait3A_817 : memref<10112x16xf32, #tpu.memory_space<vmem_shared>>)
          %dma_wait3A_818 = arith.constant 1 : i32
          %dma_wait3A_819 = arith.constant 6 : i32
          %dma_wait3A_820 = arith.constant 0 : i32
          %dma_wait3A_821 = arith.constant 0 : i32
          %dma_wait3A_822 = tpu.memref_slice %arg8[%dma_wait3A_818, %dma_wait3A_820, %dma_wait3A_821] : memref<2x8x128xi32, #tpu.memory_space<vmem>> -> memref<1x8x128xi32, #tpu.memory_space<vmem>>
          %dma_wait3A_823 = tpu.memref_squeeze %dma_wait3A_822 : memref<1x8x128xi32, #tpu.memory_space<vmem>> -> memref<8x128xi32, #tpu.memory_space<vmem>>
          %dma_wait3A_824 = arith.constant 0 : i32
          %dma_wait3A_825 = tpu.memref_slice %dma_wait3A_823[%dma_wait3A_819, %dma_wait3A_824] : memref<8x128xi32, #tpu.memory_space<vmem>> -> memref<1x128xi32, #tpu.memory_space<vmem>>
          %dma_wait3A_826 = tpu.memref_squeeze %dma_wait3A_825 : memref<1x128xi32, #tpu.memory_space<vmem>> -> memref<128xi32, #tpu.memory_space<vmem>>
          %dma_wait3A_827 = arith.constant 0 : i32
          %dma_wait3A_828 = arith.constant 0 : i32
          %dma_wait3A_829 = tpu.memref_slice %arg19[%dma_wait3A_827, %dma_wait3A_828] : memref<10112x16xf32, #tpu.memory_space<vmem_shared>> -> memref<10112x16xf32, #tpu.memory_space<vmem_shared>>
          tpu.wait_indirect_dma semaphore(%arg20 : memref<!tpu.dma_semaphore, #tpu.memory_space<semaphore_mem>>) src(%arg18 : memref<128x16xf32, #tpu.memory_space<vmem>>) dst(%dma_wait3A_829 : memref<10112x16xf32, #tpu.memory_space<vmem_shared>>)
          %dma_wait3A_830 = arith.constant 1 : i32
          %dma_wait3A_831 = arith.constant 7 : i32
          %dma_wait3A_832 = arith.constant 0 : i32
          %dma_wait3A_833 = arith.constant 0 : i32
          %dma_wait3A_834 = tpu.memref_slice %arg8[%dma_wait3A_830, %dma_wait3A_832, %dma_wait3A_833] : memref<2x8x128xi32, #tpu.memory_space<vmem>> -> memref<1x8x128xi32, #tpu.memory_space<vmem>>
          %dma_wait3A_835 = tpu.memref_squeeze %dma_wait3A_834 : memref<1x8x128xi32, #tpu.memory_space<vmem>> -> memref<8x128xi32, #tpu.memory_space<vmem>>
          %dma_wait3A_836 = arith.constant 0 : i32
          %dma_wait3A_837 = tpu.memref_slice %dma_wait3A_835[%dma_wait3A_831, %dma_wait3A_836] : memref<8x128xi32, #tpu.memory_space<vmem>> -> memref<1x128xi32, #tpu.memory_space<vmem>>
          %dma_wait3A_838 = tpu.memref_squeeze %dma_wait3A_837 : memref<1x128xi32, #tpu.memory_space<vmem>> -> memref<128xi32, #tpu.memory_space<vmem>>
          %dma_wait3A_839 = arith.constant 0 : i32
          %dma_wait3A_840 = arith.constant 0 : i32
          %dma_wait3A_841 = tpu.memref_slice %arg19[%dma_wait3A_839, %dma_wait3A_840] : memref<10112x16xf32, #tpu.memory_space<vmem_shared>> -> memref<10112x16xf32, #tpu.memory_space<vmem_shared>>
          tpu.wait_indirect_dma semaphore(%arg20 : memref<!tpu.dma_semaphore, #tpu.memory_space<semaphore_mem>>) src(%arg18 : memref<128x16xf32, #tpu.memory_space<vmem>>) dst(%dma_wait3A_841 : memref<10112x16xf32, #tpu.memory_space<vmem_shared>>)
        } else {
        }
        %dma_start3A_299 = arith.constant 0 : i32
        %dma_start3A_300 = arith.constant 0 : i32
        %dma_start3A_301 = arith.constant 0 : i32
        %dma_start3A_302 = arith.constant 0 : i32
        %dma_start3A_303 = tpu.memref_slice %arg7[%dma_start3A_299, %dma_start3A_301, %dma_start3A_302] : memref<2x8x128xi32, #tpu.memory_space<vmem>> -> memref<1x8x128xi32, #tpu.memory_space<vmem>>
        %dma_start3A_304 = tpu.memref_squeeze %dma_start3A_303 : memref<1x8x128xi32, #tpu.memory_space<vmem>> -> memref<8x128xi32, #tpu.memory_space<vmem>>
        %dma_start3A_305 = arith.constant 0 : i32
        %dma_start3A_306 = tpu.memref_slice %dma_start3A_304[%dma_start3A_300, %dma_start3A_305] : memref<8x128xi32, #tpu.memory_space<vmem>> -> memref<1x128xi32, #tpu.memory_space<vmem>>
        %dma_start3A_307 = tpu.memref_squeeze %dma_start3A_306 : memref<1x128xi32, #tpu.memory_space<vmem>> -> memref<128xi32, #tpu.memory_space<vmem>>
        %dma_start3A_308 = arith.constant 0 : i32
        %dma_start3A_309 = arith.constant 0 : i32
        %dma_start3A_310 = tpu.memref_slice %arg2[%dma_start3A_308, %dma_start3A_309] : memref<10000x128xf32, #tpu.memory_space<hbm>> -> memref<10000x128xf32, #tpu.memory_space<hbm>>
        tpu.enqueue_indirect_dma source(%dma_start3A_310 : memref<10000x128xf32, #tpu.memory_space<hbm>>) target(%arg9 : memref<128x128xf32, #tpu.memory_space<vmem>>) offsets(%dma_start3A_307 : memref<128xi32, #tpu.memory_space<vmem>>) semaphore(%arg12 : memref<!tpu.dma_semaphore, #tpu.memory_space<semaphore_mem>>)
        %gt3A_311 = arith.constant 0 : i32
        %gt3A_312 = arith.cmpi sgt, %scan3A_224, %gt3A_311 : i32
        %convert_element_type3A_313 = arith.extui %gt3A_312 : i1 to i32
        %cond3A_314 = arith.constant 0 : i32
        %cond3A_315 = arith.cmpi ne, %convert_element_type3A_313, %cond3A_314 : i32
        scf.if %cond3A_315 {
          %dma_wait3A_746 = arith.constant 1 : i32
          %dma_wait3A_747 = arith.constant 7 : i32
          %dma_wait3A_748 = arith.constant 0 : i32
          %dma_wait3A_749 = arith.constant 0 : i32
          %dma_wait3A_750 = tpu.memref_slice %arg7[%dma_wait3A_746, %dma_wait3A_748, %dma_wait3A_749] : memref<2x8x128xi32, #tpu.memory_space<vmem>> -> memref<1x8x128xi32, #tpu.memory_space<vmem>>
          %dma_wait3A_751 = tpu.memref_squeeze %dma_wait3A_750 : memref<1x8x128xi32, #tpu.memory_space<vmem>> -> memref<8x128xi32, #tpu.memory_space<vmem>>
          %dma_wait3A_752 = arith.constant 0 : i32
          %dma_wait3A_753 = tpu.memref_slice %dma_wait3A_751[%dma_wait3A_747, %dma_wait3A_752] : memref<8x128xi32, #tpu.memory_space<vmem>> -> memref<1x128xi32, #tpu.memory_space<vmem>>
          %dma_wait3A_754 = tpu.memref_squeeze %dma_wait3A_753 : memref<1x128xi32, #tpu.memory_space<vmem>> -> memref<128xi32, #tpu.memory_space<vmem>>
          %dma_wait3A_755 = arith.constant 0 : i32
          %dma_wait3A_756 = arith.constant 0 : i32
          %dma_wait3A_757 = tpu.memref_slice %arg2[%dma_wait3A_755, %dma_wait3A_756] : memref<10000x128xf32, #tpu.memory_space<hbm>> -> memref<10000x128xf32, #tpu.memory_space<hbm>>
          tpu.wait_indirect_dma semaphore(%arg13 : memref<!tpu.dma_semaphore, #tpu.memory_space<semaphore_mem>>) src(%dma_wait3A_757 : memref<10000x128xf32, #tpu.memory_space<hbm>>) dst(%arg10 : memref<128x128xf32, #tpu.memory_space<vmem>>)
          %dma_start3A_758 = arith.constant 1 : i32
          %dma_start3A_759 = arith.constant 7 : i32
          %dma_start3A_760 = arith.constant 0 : i32
          %dma_start3A_761 = arith.constant 0 : i32
          %dma_start3A_762 = tpu.memref_slice %arg8[%dma_start3A_758, %dma_start3A_760, %dma_start3A_761] : memref<2x8x128xi32, #tpu.memory_space<vmem>> -> memref<1x8x128xi32, #tpu.memory_space<vmem>>
          %dma_start3A_763 = tpu.memref_squeeze %dma_start3A_762 : memref<1x8x128xi32, #tpu.memory_space<vmem>> -> memref<8x128xi32, #tpu.memory_space<vmem>>
          %dma_start3A_764 = arith.constant 0 : i32
          %dma_start3A_765 = tpu.memref_slice %dma_start3A_763[%dma_start3A_759, %dma_start3A_764] : memref<8x128xi32, #tpu.memory_space<vmem>> -> memref<1x128xi32, #tpu.memory_space<vmem>>
          %dma_start3A_766 = tpu.memref_squeeze %dma_start3A_765 : memref<1x128xi32, #tpu.memory_space<vmem>> -> memref<128xi32, #tpu.memory_space<vmem>>
          %dma_start3A_767 = arith.constant 0 : i32
          %dma_start3A_768 = arith.constant 0 : i32
          %dma_start3A_769 = tpu.memref_slice %arg11[%dma_start3A_767, %dma_start3A_768] : memref<10112x128xf32, #tpu.memory_space<vmem_shared>> -> memref<10112x128xf32, #tpu.memory_space<vmem_shared>>
          tpu.enqueue_indirect_dma source(%arg10 : memref<128x128xf32, #tpu.memory_space<vmem>>) target(%dma_start3A_769 : memref<10112x128xf32, #tpu.memory_space<vmem_shared>>) offsets(%dma_start3A_766 : memref<128xi32, #tpu.memory_space<vmem>>) semaphore(%arg15 : memref<!tpu.dma_semaphore, #tpu.memory_space<semaphore_mem>>) {add = true}
        } else {
        }
        %dma_start3A_316 = arith.constant 0 : i32
        %dma_start3A_317 = arith.constant 0 : i32
        %dma_start3A_318 = arith.constant 0 : i32
        %dma_start3A_319 = arith.constant 0 : i32
        %dma_start3A_320 = tpu.memref_slice %arg8[%dma_start3A_316, %dma_start3A_318, %dma_start3A_319] : memref<2x8x128xi32, #tpu.memory_space<vmem>> -> memref<1x8x128xi32, #tpu.memory_space<vmem>>
        %dma_start3A_321 = tpu.memref_squeeze %dma_start3A_320 : memref<1x8x128xi32, #tpu.memory_space<vmem>> -> memref<8x128xi32, #tpu.memory_space<vmem>>
        %dma_start3A_322 = arith.constant 0 : i32
        %dma_start3A_323 = tpu.memref_slice %dma_start3A_321[%dma_start3A_317, %dma_start3A_322] : memref<8x128xi32, #tpu.memory_space<vmem>> -> memref<1x128xi32, #tpu.memory_space<vmem>>
        %dma_start3A_324 = tpu.memref_squeeze %dma_start3A_323 : memref<1x128xi32, #tpu.memory_space<vmem>> -> memref<128xi32, #tpu.memory_space<vmem>>
        %dma_start3A_325 = arith.constant 0 : i32
        %dma_start3A_326 = arith.constant 0 : i32
        %dma_start3A_327 = tpu.memref_slice %arg19[%dma_start3A_325, %dma_start3A_326] : memref<10112x16xf32, #tpu.memory_space<vmem_shared>> -> memref<10112x16xf32, #tpu.memory_space<vmem_shared>>
        tpu.enqueue_indirect_dma source(%arg18 : memref<128x16xf32, #tpu.memory_space<vmem>>) target(%dma_start3A_327 : memref<10112x16xf32, #tpu.memory_space<vmem_shared>>) offsets(%dma_start3A_324 : memref<128xi32, #tpu.memory_space<vmem>>) semaphore(%arg20 : memref<!tpu.dma_semaphore, #tpu.memory_space<semaphore_mem>>) {add = true}
        %gt3A_328 = arith.constant 0 : i32
        %gt3A_329 = arith.cmpi sgt, %scan3A_224, %gt3A_328 : i32
        %convert_element_type3A_330 = arith.extui %gt3A_329 : i1 to i32
        %cond3A_331 = arith.constant 0 : i32
        %cond3A_332 = arith.cmpi ne, %convert_element_type3A_330, %cond3A_331 : i32
        scf.if %cond3A_332 {
          %dma_wait3A_746 = arith.constant 0 : i32
          %dma_wait3A_747 = arith.constant 1 : i32
          %dma_wait3A_748 = arith.constant 0 : i32
          %dma_wait3A_749 = arith.constant 0 : i32
          %dma_wait3A_750 = tpu.memref_slice %arg8[%dma_wait3A_746, %dma_wait3A_748, %dma_wait3A_749] : memref<2x8x128xi32, #tpu.memory_space<vmem>> -> memref<1x8x128xi32, #tpu.memory_space<vmem>>
          %dma_wait3A_751 = tpu.memref_squeeze %dma_wait3A_750 : memref<1x8x128xi32, #tpu.memory_space<vmem>> -> memref<8x128xi32, #tpu.memory_space<vmem>>
          %dma_wait3A_752 = arith.constant 0 : i32
          %dma_wait3A_753 = tpu.memref_slice %dma_wait3A_751[%dma_wait3A_747, %dma_wait3A_752] : memref<8x128xi32, #tpu.memory_space<vmem>> -> memref<1x128xi32, #tpu.memory_space<vmem>>
          %dma_wait3A_754 = tpu.memref_squeeze %dma_wait3A_753 : memref<1x128xi32, #tpu.memory_space<vmem>> -> memref<128xi32, #tpu.memory_space<vmem>>
          %dma_wait3A_755 = arith.constant 0 : i32
          %dma_wait3A_756 = arith.constant 0 : i32
          %dma_wait3A_757 = tpu.memref_slice %arg11[%dma_wait3A_755, %dma_wait3A_756] : memref<10112x128xf32, #tpu.memory_space<vmem_shared>> -> memref<10112x128xf32, #tpu.memory_space<vmem_shared>>
          tpu.wait_indirect_dma semaphore(%arg15 : memref<!tpu.dma_semaphore, #tpu.memory_space<semaphore_mem>>) src(%arg10 : memref<128x128xf32, #tpu.memory_space<vmem>>) dst(%dma_wait3A_757 : memref<10112x128xf32, #tpu.memory_space<vmem_shared>>)
        } else {
        }
        %dma_start3A_333 = arith.constant 0 : i32
        %dma_start3A_334 = arith.constant 1 : i32
        %dma_start3A_335 = arith.constant 0 : i32
        %dma_start3A_336 = arith.constant 0 : i32
        %dma_start3A_337 = tpu.memref_slice %arg7[%dma_start3A_333, %dma_start3A_335, %dma_start3A_336] : memref<2x8x128xi32, #tpu.memory_space<vmem>> -> memref<1x8x128xi32, #tpu.memory_space<vmem>>
        %dma_start3A_338 = tpu.memref_squeeze %dma_start3A_337 : memref<1x8x128xi32, #tpu.memory_space<vmem>> -> memref<8x128xi32, #tpu.memory_space<vmem>>
        %dma_start3A_339 = arith.constant 0 : i32
        %dma_start3A_340 = tpu.memref_slice %dma_start3A_338[%dma_start3A_334, %dma_start3A_339] : memref<8x128xi32, #tpu.memory_space<vmem>> -> memref<1x128xi32, #tpu.memory_space<vmem>>
        %dma_start3A_341 = tpu.memref_squeeze %dma_start3A_340 : memref<1x128xi32, #tpu.memory_space<vmem>> -> memref<128xi32, #tpu.memory_space<vmem>>
        %dma_start3A_342 = arith.constant 0 : i32
        %dma_start3A_343 = arith.constant 0 : i32
        %dma_start3A_344 = tpu.memref_slice %arg2[%dma_start3A_342, %dma_start3A_343] : memref<10000x128xf32, #tpu.memory_space<hbm>> -> memref<10000x128xf32, #tpu.memory_space<hbm>>
        tpu.enqueue_indirect_dma source(%dma_start3A_344 : memref<10000x128xf32, #tpu.memory_space<hbm>>) target(%arg10 : memref<128x128xf32, #tpu.memory_space<vmem>>) offsets(%dma_start3A_341 : memref<128xi32, #tpu.memory_space<vmem>>) semaphore(%arg13 : memref<!tpu.dma_semaphore, #tpu.memory_space<semaphore_mem>>)
        %dma_wait3A_345 = arith.constant 0 : i32
        %dma_wait3A_346 = arith.constant 0 : i32
        %dma_wait3A_347 = arith.constant 0 : i32
        %dma_wait3A_348 = arith.constant 0 : i32
        %dma_wait3A_349 = tpu.memref_slice %arg7[%dma_wait3A_345, %dma_wait3A_347, %dma_wait3A_348] : memref<2x8x128xi32, #tpu.memory_space<vmem>> -> memref<1x8x128xi32, #tpu.memory_space<vmem>>
        %dma_wait3A_350 = tpu.memref_squeeze %dma_wait3A_349 : memref<1x8x128xi32, #tpu.memory_space<vmem>> -> memref<8x128xi32, #tpu.memory_space<vmem>>
        %dma_wait3A_351 = arith.constant 0 : i32
        %dma_wait3A_352 = tpu.memref_slice %dma_wait3A_350[%dma_wait3A_346, %dma_wait3A_351] : memref<8x128xi32, #tpu.memory_space<vmem>> -> memref<1x128xi32, #tpu.memory_space<vmem>>
        %dma_wait3A_353 = tpu.memref_squeeze %dma_wait3A_352 : memref<1x128xi32, #tpu.memory_space<vmem>> -> memref<128xi32, #tpu.memory_space<vmem>>
        %dma_wait3A_354 = arith.constant 0 : i32
        %dma_wait3A_355 = arith.constant 0 : i32
        %dma_wait3A_356 = tpu.memref_slice %arg2[%dma_wait3A_354, %dma_wait3A_355] : memref<10000x128xf32, #tpu.memory_space<hbm>> -> memref<10000x128xf32, #tpu.memory_space<hbm>>
        tpu.wait_indirect_dma semaphore(%arg12 : memref<!tpu.dma_semaphore, #tpu.memory_space<semaphore_mem>>) src(%dma_wait3A_356 : memref<10000x128xf32, #tpu.memory_space<hbm>>) dst(%arg9 : memref<128x128xf32, #tpu.memory_space<vmem>>)
        %dma_start3A_357 = arith.constant 0 : i32
        %dma_start3A_358 = arith.constant 0 : i32
        %dma_start3A_359 = arith.constant 0 : i32
        %dma_start3A_360 = arith.constant 0 : i32
        %dma_start3A_361 = tpu.memref_slice %arg8[%dma_start3A_357, %dma_start3A_359, %dma_start3A_360] : memref<2x8x128xi32, #tpu.memory_space<vmem>> -> memref<1x8x128xi32, #tpu.memory_space<vmem>>
        %dma_start3A_362 = tpu.memref_squeeze %dma_start3A_361 : memref<1x8x128xi32, #tpu.memory_space<vmem>> -> memref<8x128xi32, #tpu.memory_space<vmem>>
        %dma_start3A_363 = arith.constant 0 : i32
        %dma_start3A_364 = tpu.memref_slice %dma_start3A_362[%dma_start3A_358, %dma_start3A_363] : memref<8x128xi32, #tpu.memory_space<vmem>> -> memref<1x128xi32, #tpu.memory_space<vmem>>
        %dma_start3A_365 = tpu.memref_squeeze %dma_start3A_364 : memref<1x128xi32, #tpu.memory_space<vmem>> -> memref<128xi32, #tpu.memory_space<vmem>>
        %dma_start3A_366 = arith.constant 0 : i32
        %dma_start3A_367 = arith.constant 0 : i32
        %dma_start3A_368 = tpu.memref_slice %arg11[%dma_start3A_366, %dma_start3A_367] : memref<10112x128xf32, #tpu.memory_space<vmem_shared>> -> memref<10112x128xf32, #tpu.memory_space<vmem_shared>>
        tpu.enqueue_indirect_dma source(%arg9 : memref<128x128xf32, #tpu.memory_space<vmem>>) target(%dma_start3A_368 : memref<10112x128xf32, #tpu.memory_space<vmem_shared>>) offsets(%dma_start3A_365 : memref<128xi32, #tpu.memory_space<vmem>>) semaphore(%arg14 : memref<!tpu.dma_semaphore, #tpu.memory_space<semaphore_mem>>) {add = true}
        %dma_start3A_369 = arith.constant 0 : i32
        %dma_start3A_370 = arith.constant 1 : i32
        %dma_start3A_371 = arith.constant 0 : i32
        %dma_start3A_372 = arith.constant 0 : i32
        %dma_start3A_373 = tpu.memref_slice %arg8[%dma_start3A_369, %dma_start3A_371, %dma_start3A_372] : memref<2x8x128xi32, #tpu.memory_space<vmem>> -> memref<1x8x128xi32, #tpu.memory_space<vmem>>
        %dma_start3A_374 = tpu.memref_squeeze %dma_start3A_373 : memref<1x8x128xi32, #tpu.memory_space<vmem>> -> memref<8x128xi32, #tpu.memory_space<vmem>>
        %dma_start3A_375 = arith.constant 0 : i32
        %dma_start3A_376 = tpu.memref_slice %dma_start3A_374[%dma_start3A_370, %dma_start3A_375] : memref<8x128xi32, #tpu.memory_space<vmem>> -> memref<1x128xi32, #tpu.memory_space<vmem>>
        %dma_start3A_377 = tpu.memref_squeeze %dma_start3A_376 : memref<1x128xi32, #tpu.memory_space<vmem>> -> memref<128xi32, #tpu.memory_space<vmem>>
        %dma_start3A_378 = arith.constant 0 : i32
        %dma_start3A_379 = arith.constant 0 : i32
        %dma_start3A_380 = tpu.memref_slice %arg19[%dma_start3A_378, %dma_start3A_379] : memref<10112x16xf32, #tpu.memory_space<vmem_shared>> -> memref<10112x16xf32, #tpu.memory_space<vmem_shared>>
        tpu.enqueue_indirect_dma source(%arg18 : memref<128x16xf32, #tpu.memory_space<vmem>>) target(%dma_start3A_380 : memref<10112x16xf32, #tpu.memory_space<vmem_shared>>) offsets(%dma_start3A_377 : memref<128xi32, #tpu.memory_space<vmem>>) semaphore(%arg20 : memref<!tpu.dma_semaphore, #tpu.memory_space<semaphore_mem>>) {add = true}
        %lt3A_381 = arith.constant 9 : i32
        %lt3A_382 = arith.cmpi slt, %scan3A_224, %lt3A_381 : i32
        %convert_element_type3A_383 = arith.extui %lt3A_382 : i1 to i32
        %cond3A_384 = arith.constant 0 : i32
        %cond3A_385 = arith.cmpi ne, %convert_element_type3A_383, %cond3A_384 : i32
        scf.if %cond3A_385 {
          %add3A_746 = arith.constant 1 : i32
          %add3A_747 = arith.addi %scan3A_224, %add3A_746 : i32
          %mul3A_748 = arith.constant 8 : i32
          %mul3A_749 = arith.muli %add3A_747, %mul3A_748 : i32
          %add3A_750 = arith.addi %mul3A_2, %mul3A_749 : i32
          %dma_start3A_751 = arith.constant 1 : i32
          %dma_start3A_752 = arith.constant 0 : i32
          %dma_start3A_753 = arith.constant 0 : i32
          %dma_start3A_754 = tpu.memref_slice %arg7[%dma_start3A_751, %dma_start3A_752, %dma_start3A_753] : memref<2x8x128xi32, #tpu.memory_space<vmem>> -> memref<1x8x128xi32, #tpu.memory_space<vmem>>
          %dma_start3A_755 = tpu.memref_squeeze %dma_start3A_754 : memref<1x8x128xi32, #tpu.memory_space<vmem>> -> memref<8x128xi32, #tpu.memory_space<vmem>>
          %dma_start3A_756 = arith.constant 0 : i32
          %dma_start3A_757 = tpu.memref_slice %arg3[%add3A_750, %dma_start3A_756] : memref<2560x128xi32, #tpu.memory_space<hbm>> -> memref<8x128xi32, #tpu.memory_space<hbm>>
          %dma_start3A_758 = arith.constant 0 : i32
          %dma_start3A_759 = arith.constant 0 : i32
          %dma_start3A_760 = tpu.memref_slice %arg7[%dma_start3A_751, %dma_start3A_758, %dma_start3A_759] : memref<2x8x128xi32, #tpu.memory_space<vmem>> -> memref<1x8x128xi32, #tpu.memory_space<vmem>>
          %dma_start3A_761 = tpu.memref_squeeze %dma_start3A_760 : memref<1x8x128xi32, #tpu.memory_space<vmem>> -> memref<8x128xi32, #tpu.memory_space<vmem>>
          %dma_start3A_762 = arith.constant 0 : i32
          %dma_start3A_763 = tpu.memref_slice %arg3[%add3A_750, %dma_start3A_762] : memref<2560x128xi32, #tpu.memory_space<hbm>> -> memref<8x128xi32, #tpu.memory_space<hbm>>
          tpu.enqueue_dma source(%dma_start3A_763 : memref<8x128xi32, #tpu.memory_space<hbm>>) target(%dma_start3A_761 : memref<8x128xi32, #tpu.memory_space<vmem>>) target_semaphore(%arg17 : memref<!tpu.dma_semaphore, #tpu.memory_space<semaphore_mem>>)
          %add3A_764 = arith.constant 1 : i32
          %add3A_765 = arith.addi %scan3A_224, %add3A_764 : i32
          %mul3A_766 = arith.constant 8 : i32
          %mul3A_767 = arith.muli %add3A_765, %mul3A_766 : i32
          %add3A_768 = arith.addi %mul3A_2, %mul3A_767 : i32
          %dma_start3A_769 = arith.constant 1 : i32
          %dma_start3A_770 = arith.constant 0 : i32
          %dma_start3A_771 = arith.constant 0 : i32
          %dma_start3A_772 = tpu.memref_slice %arg8[%dma_start3A_769, %dma_start3A_770, %dma_start3A_771] : memref<2x8x128xi32, #tpu.memory_space<vmem>> -> memref<1x8x128xi32, #tpu.memory_space<vmem>>
          %dma_start3A_773 = tpu.memref_squeeze %dma_start3A_772 : memref<1x8x128xi32, #tpu.memory_space<vmem>> -> memref<8x128xi32, #tpu.memory_space<vmem>>
          %dma_start3A_774 = arith.constant 0 : i32
          %dma_start3A_775 = tpu.memref_slice %arg4[%add3A_768, %dma_start3A_774] : memref<2560x128xi32, #tpu.memory_space<hbm>> -> memref<8x128xi32, #tpu.memory_space<hbm>>
          %dma_start3A_776 = arith.constant 0 : i32
          %dma_start3A_777 = arith.constant 0 : i32
          %dma_start3A_778 = tpu.memref_slice %arg8[%dma_start3A_769, %dma_start3A_776, %dma_start3A_777] : memref<2x8x128xi32, #tpu.memory_space<vmem>> -> memref<1x8x128xi32, #tpu.memory_space<vmem>>
          %dma_start3A_779 = tpu.memref_squeeze %dma_start3A_778 : memref<1x8x128xi32, #tpu.memory_space<vmem>> -> memref<8x128xi32, #tpu.memory_space<vmem>>
          %dma_start3A_780 = arith.constant 0 : i32
          %dma_start3A_781 = tpu.memref_slice %arg4[%add3A_768, %dma_start3A_780] : memref<2560x128xi32, #tpu.memory_space<hbm>> -> memref<8x128xi32, #tpu.memory_space<hbm>>
          tpu.enqueue_dma source(%dma_start3A_781 : memref<8x128xi32, #tpu.memory_space<hbm>>) target(%dma_start3A_779 : memref<8x128xi32, #tpu.memory_space<vmem>>) target_semaphore(%arg17 : memref<!tpu.dma_semaphore, #tpu.memory_space<semaphore_mem>>)
        } else {
        }
        %dma_wait3A_386 = arith.constant 0 : i32
        %dma_wait3A_387 = arith.constant 2 : i32
        %dma_wait3A_388 = arith.constant 0 : i32
        %dma_wait3A_389 = arith.constant 0 : i32
        %dma_wait3A_390 = tpu.memref_slice %arg8[%dma_wait3A_386, %dma_wait3A_388, %dma_wait3A_389] : memref<2x8x128xi32, #tpu.memory_space<vmem>> -> memref<1x8x128xi32, #tpu.memory_space<vmem>>
        %dma_wait3A_391 = tpu.memref_squeeze %dma_wait3A_390 : memref<1x8x128xi32, #tpu.memory_space<vmem>> -> memref<8x128xi32, #tpu.memory_space<vmem>>
        %dma_wait3A_392 = arith.constant 0 : i32
        %dma_wait3A_393 = tpu.memref_slice %dma_wait3A_391[%dma_wait3A_387, %dma_wait3A_392] : memref<8x128xi32, #tpu.memory_space<vmem>> -> memref<1x128xi32, #tpu.memory_space<vmem>>
        %dma_wait3A_394 = tpu.memref_squeeze %dma_wait3A_393 : memref<1x128xi32, #tpu.memory_space<vmem>> -> memref<128xi32, #tpu.memory_space<vmem>>
        %dma_wait3A_395 = arith.constant 0 : i32
        %dma_wait3A_396 = arith.constant 0 : i32
        %dma_wait3A_397 = tpu.memref_slice %arg11[%dma_wait3A_395, %dma_wait3A_396] : memref<10112x128xf32, #tpu.memory_space<vmem_shared>> -> memref<10112x128xf32, #tpu.memory_space<vmem_shared>>
        tpu.wait_indirect_dma semaphore(%arg14 : memref<!tpu.dma_semaphore, #tpu.memory_space<semaphore_mem>>) src(%arg9 : memref<128x128xf32, #tpu.memory_space<vmem>>) dst(%dma_wait3A_397 : memref<10112x128xf32, #tpu.memory_space<vmem_shared>>)
        %dma_start3A_398 = arith.constant 0 : i32
        %dma_start3A_399 = arith.constant 2 : i32
        %dma_start3A_400 = arith.constant 0 : i32
        %dma_start3A_401 = arith.constant 0 : i32
        %dma_start3A_402 = tpu.memref_slice %arg7[%dma_start3A_398, %dma_start3A_400, %dma_start3A_401] : memref<2x8x128xi32, #tpu.memory_space<vmem>> -> memref<1x8x128xi32, #tpu.memory_space<vmem>>
        %dma_start3A_403 = tpu.memref_squeeze %dma_start3A_402 : memref<1x8x128xi32, #tpu.memory_space<vmem>> -> memref<8x128xi32, #tpu.memory_space<vmem>>
        %dma_start3A_404 = arith.constant 0 : i32
        %dma_start3A_405 = tpu.memref_slice %dma_start3A_403[%dma_start3A_399, %dma_start3A_404] : memref<8x128xi32, #tpu.memory_space<vmem>> -> memref<1x128xi32, #tpu.memory_space<vmem>>
        %dma_start3A_406 = tpu.memref_squeeze %dma_start3A_405 : memref<1x128xi32, #tpu.memory_space<vmem>> -> memref<128xi32, #tpu.memory_space<vmem>>
        %dma_start3A_407 = arith.constant 0 : i32
        %dma_start3A_408 = arith.constant 0 : i32
        %dma_start3A_409 = tpu.memref_slice %arg2[%dma_start3A_407, %dma_start3A_408] : memref<10000x128xf32, #tpu.memory_space<hbm>> -> memref<10000x128xf32, #tpu.memory_space<hbm>>
        tpu.enqueue_indirect_dma source(%dma_start3A_409 : memref<10000x128xf32, #tpu.memory_space<hbm>>) target(%arg9 : memref<128x128xf32, #tpu.memory_space<vmem>>) offsets(%dma_start3A_406 : memref<128xi32, #tpu.memory_space<vmem>>) semaphore(%arg12 : memref<!tpu.dma_semaphore, #tpu.memory_space<semaphore_mem>>)
        %dma_wait3A_410 = arith.constant 0 : i32
        %dma_wait3A_411 = arith.constant 1 : i32
        %dma_wait3A_412 = arith.constant 0 : i32
        %dma_wait3A_413 = arith.constant 0 : i32
        %dma_wait3A_414 = tpu.memref_slice %arg7[%dma_wait3A_410, %dma_wait3A_412, %dma_wait3A_413] : memref<2x8x128xi32, #tpu.memory_space<vmem>> -> memref<1x8x128xi32, #tpu.memory_space<vmem>>
        %dma_wait3A_415 = tpu.memref_squeeze %dma_wait3A_414 : memref<1x8x128xi32, #tpu.memory_space<vmem>> -> memref<8x128xi32, #tpu.memory_space<vmem>>
        %dma_wait3A_416 = arith.constant 0 : i32
        %dma_wait3A_417 = tpu.memref_slice %dma_wait3A_415[%dma_wait3A_411, %dma_wait3A_416] : memref<8x128xi32, #tpu.memory_space<vmem>> -> memref<1x128xi32, #tpu.memory_space<vmem>>
        %dma_wait3A_418 = tpu.memref_squeeze %dma_wait3A_417 : memref<1x128xi32, #tpu.memory_space<vmem>> -> memref<128xi32, #tpu.memory_space<vmem>>
        %dma_wait3A_419 = arith.constant 0 : i32
        %dma_wait3A_420 = arith.constant 0 : i32
        %dma_wait3A_421 = tpu.memref_slice %arg2[%dma_wait3A_419, %dma_wait3A_420] : memref<10000x128xf32, #tpu.memory_space<hbm>> -> memref<10000x128xf32, #tpu.memory_space<hbm>>
        tpu.wait_indirect_dma semaphore(%arg13 : memref<!tpu.dma_semaphore, #tpu.memory_space<semaphore_mem>>) src(%dma_wait3A_421 : memref<10000x128xf32, #tpu.memory_space<hbm>>) dst(%arg10 : memref<128x128xf32, #tpu.memory_space<vmem>>)
        %dma_start3A_422 = arith.constant 0 : i32
        %dma_start3A_423 = arith.constant 1 : i32
        %dma_start3A_424 = arith.constant 0 : i32
        %dma_start3A_425 = arith.constant 0 : i32
        %dma_start3A_426 = tpu.memref_slice %arg8[%dma_start3A_422, %dma_start3A_424, %dma_start3A_425] : memref<2x8x128xi32, #tpu.memory_space<vmem>> -> memref<1x8x128xi32, #tpu.memory_space<vmem>>
        %dma_start3A_427 = tpu.memref_squeeze %dma_start3A_426 : memref<1x8x128xi32, #tpu.memory_space<vmem>> -> memref<8x128xi32, #tpu.memory_space<vmem>>
        %dma_start3A_428 = arith.constant 0 : i32
        %dma_start3A_429 = tpu.memref_slice %dma_start3A_427[%dma_start3A_423, %dma_start3A_428] : memref<8x128xi32, #tpu.memory_space<vmem>> -> memref<1x128xi32, #tpu.memory_space<vmem>>
        %dma_start3A_430 = tpu.memref_squeeze %dma_start3A_429 : memref<1x128xi32, #tpu.memory_space<vmem>> -> memref<128xi32, #tpu.memory_space<vmem>>
        %dma_start3A_431 = arith.constant 0 : i32
        %dma_start3A_432 = arith.constant 0 : i32
        %dma_start3A_433 = tpu.memref_slice %arg11[%dma_start3A_431, %dma_start3A_432] : memref<10112x128xf32, #tpu.memory_space<vmem_shared>> -> memref<10112x128xf32, #tpu.memory_space<vmem_shared>>
        tpu.enqueue_indirect_dma source(%arg10 : memref<128x128xf32, #tpu.memory_space<vmem>>) target(%dma_start3A_433 : memref<10112x128xf32, #tpu.memory_space<vmem_shared>>) offsets(%dma_start3A_430 : memref<128xi32, #tpu.memory_space<vmem>>) semaphore(%arg15 : memref<!tpu.dma_semaphore, #tpu.memory_space<semaphore_mem>>) {add = true}
        %dma_start3A_434 = arith.constant 0 : i32
        %dma_start3A_435 = arith.constant 2 : i32
        %dma_start3A_436 = arith.constant 0 : i32
        %dma_start3A_437 = arith.constant 0 : i32
        %dma_start3A_438 = tpu.memref_slice %arg8[%dma_start3A_434, %dma_start3A_436, %dma_start3A_437] : memref<2x8x128xi32, #tpu.memory_space<vmem>> -> memref<1x8x128xi32, #tpu.memory_space<vmem>>
        %dma_start3A_439 = tpu.memref_squeeze %dma_start3A_438 : memref<1x8x128xi32, #tpu.memory_space<vmem>> -> memref<8x128xi32, #tpu.memory_space<vmem>>
        %dma_start3A_440 = arith.constant 0 : i32
        %dma_start3A_441 = tpu.memref_slice %dma_start3A_439[%dma_start3A_435, %dma_start3A_440] : memref<8x128xi32, #tpu.memory_space<vmem>> -> memref<1x128xi32, #tpu.memory_space<vmem>>
        %dma_start3A_442 = tpu.memref_squeeze %dma_start3A_441 : memref<1x128xi32, #tpu.memory_space<vmem>> -> memref<128xi32, #tpu.memory_space<vmem>>
        %dma_start3A_443 = arith.constant 0 : i32
        %dma_start3A_444 = arith.constant 0 : i32
        %dma_start3A_445 = tpu.memref_slice %arg19[%dma_start3A_443, %dma_start3A_444] : memref<10112x16xf32, #tpu.memory_space<vmem_shared>> -> memref<10112x16xf32, #tpu.memory_space<vmem_shared>>
        tpu.enqueue_indirect_dma source(%arg18 : memref<128x16xf32, #tpu.memory_space<vmem>>) target(%dma_start3A_445 : memref<10112x16xf32, #tpu.memory_space<vmem_shared>>) offsets(%dma_start3A_442 : memref<128xi32, #tpu.memory_space<vmem>>) semaphore(%arg20 : memref<!tpu.dma_semaphore, #tpu.memory_space<semaphore_mem>>) {add = true}
        %dma_wait3A_446 = arith.constant 0 : i32
        %dma_wait3A_447 = arith.constant 3 : i32
        %dma_wait3A_448 = arith.constant 0 : i32
        %dma_wait3A_449 = arith.constant 0 : i32
        %dma_wait3A_450 = tpu.memref_slice %arg8[%dma_wait3A_446, %dma_wait3A_448, %dma_wait3A_449] : memref<2x8x128xi32, #tpu.memory_space<vmem>> -> memref<1x8x128xi32, #tpu.memory_space<vmem>>
        %dma_wait3A_451 = tpu.memref_squeeze %dma_wait3A_450 : memref<1x8x128xi32, #tpu.memory_space<vmem>> -> memref<8x128xi32, #tpu.memory_space<vmem>>
        %dma_wait3A_452 = arith.constant 0 : i32
        %dma_wait3A_453 = tpu.memref_slice %dma_wait3A_451[%dma_wait3A_447, %dma_wait3A_452] : memref<8x128xi32, #tpu.memory_space<vmem>> -> memref<1x128xi32, #tpu.memory_space<vmem>>
        %dma_wait3A_454 = tpu.memref_squeeze %dma_wait3A_453 : memref<1x128xi32, #tpu.memory_space<vmem>> -> memref<128xi32, #tpu.memory_space<vmem>>
        %dma_wait3A_455 = arith.constant 0 : i32
        %dma_wait3A_456 = arith.constant 0 : i32
        %dma_wait3A_457 = tpu.memref_slice %arg11[%dma_wait3A_455, %dma_wait3A_456] : memref<10112x128xf32, #tpu.memory_space<vmem_shared>> -> memref<10112x128xf32, #tpu.memory_space<vmem_shared>>
        tpu.wait_indirect_dma semaphore(%arg15 : memref<!tpu.dma_semaphore, #tpu.memory_space<semaphore_mem>>) src(%arg10 : memref<128x128xf32, #tpu.memory_space<vmem>>) dst(%dma_wait3A_457 : memref<10112x128xf32, #tpu.memory_space<vmem_shared>>)
        %dma_start3A_458 = arith.constant 0 : i32
        %dma_start3A_459 = arith.constant 3 : i32
        %dma_start3A_460 = arith.constant 0 : i32
        %dma_start3A_461 = arith.constant 0 : i32
        %dma_start3A_462 = tpu.memref_slice %arg7[%dma_start3A_458, %dma_start3A_460, %dma_start3A_461] : memref<2x8x128xi32, #tpu.memory_space<vmem>> -> memref<1x8x128xi32, #tpu.memory_space<vmem>>
        %dma_start3A_463 = tpu.memref_squeeze %dma_start3A_462 : memref<1x8x128xi32, #tpu.memory_space<vmem>> -> memref<8x128xi32, #tpu.memory_space<vmem>>
        %dma_start3A_464 = arith.constant 0 : i32
        %dma_start3A_465 = tpu.memref_slice %dma_start3A_463[%dma_start3A_459, %dma_start3A_464] : memref<8x128xi32, #tpu.memory_space<vmem>> -> memref<1x128xi32, #tpu.memory_space<vmem>>
        %dma_start3A_466 = tpu.memref_squeeze %dma_start3A_465 : memref<1x128xi32, #tpu.memory_space<vmem>> -> memref<128xi32, #tpu.memory_space<vmem>>
        %dma_start3A_467 = arith.constant 0 : i32
        %dma_start3A_468 = arith.constant 0 : i32
        %dma_start3A_469 = tpu.memref_slice %arg2[%dma_start3A_467, %dma_start3A_468] : memref<10000x128xf32, #tpu.memory_space<hbm>> -> memref<10000x128xf32, #tpu.memory_space<hbm>>
        tpu.enqueue_indirect_dma source(%dma_start3A_469 : memref<10000x128xf32, #tpu.memory_space<hbm>>) target(%arg10 : memref<128x128xf32, #tpu.memory_space<vmem>>) offsets(%dma_start3A_466 : memref<128xi32, #tpu.memory_space<vmem>>) semaphore(%arg13 : memref<!tpu.dma_semaphore, #tpu.memory_space<semaphore_mem>>)
        %dma_wait3A_470 = arith.constant 0 : i32
        %dma_wait3A_471 = arith.constant 2 : i32
        %dma_wait3A_472 = arith.constant 0 : i32
        %dma_wait3A_473 = arith.constant 0 : i32
        %dma_wait3A_474 = tpu.memref_slice %arg7[%dma_wait3A_470, %dma_wait3A_472, %dma_wait3A_473] : memref<2x8x128xi32, #tpu.memory_space<vmem>> -> memref<1x8x128xi32, #tpu.memory_space<vmem>>
        %dma_wait3A_475 = tpu.memref_squeeze %dma_wait3A_474 : memref<1x8x128xi32, #tpu.memory_space<vmem>> -> memref<8x128xi32, #tpu.memory_space<vmem>>
        %dma_wait3A_476 = arith.constant 0 : i32
        %dma_wait3A_477 = tpu.memref_slice %dma_wait3A_475[%dma_wait3A_471, %dma_wait3A_476] : memref<8x128xi32, #tpu.memory_space<vmem>> -> memref<1x128xi32, #tpu.memory_space<vmem>>
        %dma_wait3A_478 = tpu.memref_squeeze %dma_wait3A_477 : memref<1x128xi32, #tpu.memory_space<vmem>> -> memref<128xi32, #tpu.memory_space<vmem>>
        %dma_wait3A_479 = arith.constant 0 : i32
        %dma_wait3A_480 = arith.constant 0 : i32
        %dma_wait3A_481 = tpu.memref_slice %arg2[%dma_wait3A_479, %dma_wait3A_480] : memref<10000x128xf32, #tpu.memory_space<hbm>> -> memref<10000x128xf32, #tpu.memory_space<hbm>>
        tpu.wait_indirect_dma semaphore(%arg12 : memref<!tpu.dma_semaphore, #tpu.memory_space<semaphore_mem>>) src(%dma_wait3A_481 : memref<10000x128xf32, #tpu.memory_space<hbm>>) dst(%arg9 : memref<128x128xf32, #tpu.memory_space<vmem>>)
        %dma_start3A_482 = arith.constant 0 : i32
        %dma_start3A_483 = arith.constant 2 : i32
        %dma_start3A_484 = arith.constant 0 : i32
        %dma_start3A_485 = arith.constant 0 : i32
        %dma_start3A_486 = tpu.memref_slice %arg8[%dma_start3A_482, %dma_start3A_484, %dma_start3A_485] : memref<2x8x128xi32, #tpu.memory_space<vmem>> -> memref<1x8x128xi32, #tpu.memory_space<vmem>>
        %dma_start3A_487 = tpu.memref_squeeze %dma_start3A_486 : memref<1x8x128xi32, #tpu.memory_space<vmem>> -> memref<8x128xi32, #tpu.memory_space<vmem>>
        %dma_start3A_488 = arith.constant 0 : i32
        %dma_start3A_489 = tpu.memref_slice %dma_start3A_487[%dma_start3A_483, %dma_start3A_488] : memref<8x128xi32, #tpu.memory_space<vmem>> -> memref<1x128xi32, #tpu.memory_space<vmem>>
        %dma_start3A_490 = tpu.memref_squeeze %dma_start3A_489 : memref<1x128xi32, #tpu.memory_space<vmem>> -> memref<128xi32, #tpu.memory_space<vmem>>
        %dma_start3A_491 = arith.constant 0 : i32
        %dma_start3A_492 = arith.constant 0 : i32
        %dma_start3A_493 = tpu.memref_slice %arg11[%dma_start3A_491, %dma_start3A_492] : memref<10112x128xf32, #tpu.memory_space<vmem_shared>> -> memref<10112x128xf32, #tpu.memory_space<vmem_shared>>
        tpu.enqueue_indirect_dma source(%arg9 : memref<128x128xf32, #tpu.memory_space<vmem>>) target(%dma_start3A_493 : memref<10112x128xf32, #tpu.memory_space<vmem_shared>>) offsets(%dma_start3A_490 : memref<128xi32, #tpu.memory_space<vmem>>) semaphore(%arg14 : memref<!tpu.dma_semaphore, #tpu.memory_space<semaphore_mem>>) {add = true}
        %dma_start3A_494 = arith.constant 0 : i32
        %dma_start3A_495 = arith.constant 3 : i32
        %dma_start3A_496 = arith.constant 0 : i32
        %dma_start3A_497 = arith.constant 0 : i32
        %dma_start3A_498 = tpu.memref_slice %arg8[%dma_start3A_494, %dma_start3A_496, %dma_start3A_497] : memref<2x8x128xi32, #tpu.memory_space<vmem>> -> memref<1x8x128xi32, #tpu.memory_space<vmem>>
        %dma_start3A_499 = tpu.memref_squeeze %dma_start3A_498 : memref<1x8x128xi32, #tpu.memory_space<vmem>> -> memref<8x128xi32, #tpu.memory_space<vmem>>
        %dma_start3A_500 = arith.constant 0 : i32
        %dma_start3A_501 = tpu.memref_slice %dma_start3A_499[%dma_start3A_495, %dma_start3A_500] : memref<8x128xi32, #tpu.memory_space<vmem>> -> memref<1x128xi32, #tpu.memory_space<vmem>>
        %dma_start3A_502 = tpu.memref_squeeze %dma_start3A_501 : memref<1x128xi32, #tpu.memory_space<vmem>> -> memref<128xi32, #tpu.memory_space<vmem>>
        %dma_start3A_503 = arith.constant 0 : i32
        %dma_start3A_504 = arith.constant 0 : i32
        %dma_start3A_505 = tpu.memref_slice %arg19[%dma_start3A_503, %dma_start3A_504] : memref<10112x16xf32, #tpu.memory_space<vmem_shared>> -> memref<10112x16xf32, #tpu.memory_space<vmem_shared>>
        tpu.enqueue_indirect_dma source(%arg18 : memref<128x16xf32, #tpu.memory_space<vmem>>) target(%dma_start3A_505 : memref<10112x16xf32, #tpu.memory_space<vmem_shared>>) offsets(%dma_start3A_502 : memref<128xi32, #tpu.memory_space<vmem>>) semaphore(%arg20 : memref<!tpu.dma_semaphore, #tpu.memory_space<semaphore_mem>>) {add = true}
        %dma_wait3A_506 = arith.constant 0 : i32
        %dma_wait3A_507 = arith.constant 4 : i32
        %dma_wait3A_508 = arith.constant 0 : i32
        %dma_wait3A_509 = arith.constant 0 : i32
        %dma_wait3A_510 = tpu.memref_slice %arg8[%dma_wait3A_506, %dma_wait3A_508, %dma_wait3A_509] : memref<2x8x128xi32, #tpu.memory_space<vmem>> -> memref<1x8x128xi32, #tpu.memory_space<vmem>>
        %dma_wait3A_511 = tpu.memref_squeeze %dma_wait3A_510 : memref<1x8x128xi32, #tpu.memory_space<vmem>> -> memref<8x128xi32, #tpu.memory_space<vmem>>
        %dma_wait3A_512 = arith.constant 0 : i32
        %dma_wait3A_513 = tpu.memref_slice %dma_wait3A_511[%dma_wait3A_507, %dma_wait3A_512] : memref<8x128xi32, #tpu.memory_space<vmem>> -> memref<1x128xi32, #tpu.memory_space<vmem>>
        %dma_wait3A_514 = tpu.memref_squeeze %dma_wait3A_513 : memref<1x128xi32, #tpu.memory_space<vmem>> -> memref<128xi32, #tpu.memory_space<vmem>>
        %dma_wait3A_515 = arith.constant 0 : i32
        %dma_wait3A_516 = arith.constant 0 : i32
        %dma_wait3A_517 = tpu.memref_slice %arg11[%dma_wait3A_515, %dma_wait3A_516] : memref<10112x128xf32, #tpu.memory_space<vmem_shared>> -> memref<10112x128xf32, #tpu.memory_space<vmem_shared>>
        tpu.wait_indirect_dma semaphore(%arg14 : memref<!tpu.dma_semaphore, #tpu.memory_space<semaphore_mem>>) src(%arg9 : memref<128x128xf32, #tpu.memory_space<vmem>>) dst(%dma_wait3A_517 : memref<10112x128xf32, #tpu.memory_space<vmem_shared>>)
        %dma_start3A_518 = arith.constant 0 : i32
        %dma_start3A_519 = arith.constant 4 : i32
        %dma_start3A_520 = arith.constant 0 : i32
        %dma_start3A_521 = arith.constant 0 : i32
        %dma_start3A_522 = tpu.memref_slice %arg7[%dma_start3A_518, %dma_start3A_520, %dma_start3A_521] : memref<2x8x128xi32, #tpu.memory_space<vmem>> -> memref<1x8x128xi32, #tpu.memory_space<vmem>>
        %dma_start3A_523 = tpu.memref_squeeze %dma_start3A_522 : memref<1x8x128xi32, #tpu.memory_space<vmem>> -> memref<8x128xi32, #tpu.memory_space<vmem>>
        %dma_start3A_524 = arith.constant 0 : i32
        %dma_start3A_525 = tpu.memref_slice %dma_start3A_523[%dma_start3A_519, %dma_start3A_524] : memref<8x128xi32, #tpu.memory_space<vmem>> -> memref<1x128xi32, #tpu.memory_space<vmem>>
        %dma_start3A_526 = tpu.memref_squeeze %dma_start3A_525 : memref<1x128xi32, #tpu.memory_space<vmem>> -> memref<128xi32, #tpu.memory_space<vmem>>
        %dma_start3A_527 = arith.constant 0 : i32
        %dma_start3A_528 = arith.constant 0 : i32
        %dma_start3A_529 = tpu.memref_slice %arg2[%dma_start3A_527, %dma_start3A_528] : memref<10000x128xf32, #tpu.memory_space<hbm>> -> memref<10000x128xf32, #tpu.memory_space<hbm>>
        tpu.enqueue_indirect_dma source(%dma_start3A_529 : memref<10000x128xf32, #tpu.memory_space<hbm>>) target(%arg9 : memref<128x128xf32, #tpu.memory_space<vmem>>) offsets(%dma_start3A_526 : memref<128xi32, #tpu.memory_space<vmem>>) semaphore(%arg12 : memref<!tpu.dma_semaphore, #tpu.memory_space<semaphore_mem>>)
        %dma_wait3A_530 = arith.constant 0 : i32
        %dma_wait3A_531 = arith.constant 3 : i32
        %dma_wait3A_532 = arith.constant 0 : i32
        %dma_wait3A_533 = arith.constant 0 : i32
        %dma_wait3A_534 = tpu.memref_slice %arg7[%dma_wait3A_530, %dma_wait3A_532, %dma_wait3A_533] : memref<2x8x128xi32, #tpu.memory_space<vmem>> -> memref<1x8x128xi32, #tpu.memory_space<vmem>>
        %dma_wait3A_535 = tpu.memref_squeeze %dma_wait3A_534 : memref<1x8x128xi32, #tpu.memory_space<vmem>> -> memref<8x128xi32, #tpu.memory_space<vmem>>
        %dma_wait3A_536 = arith.constant 0 : i32
        %dma_wait3A_537 = tpu.memref_slice %dma_wait3A_535[%dma_wait3A_531, %dma_wait3A_536] : memref<8x128xi32, #tpu.memory_space<vmem>> -> memref<1x128xi32, #tpu.memory_space<vmem>>
        %dma_wait3A_538 = tpu.memref_squeeze %dma_wait3A_537 : memref<1x128xi32, #tpu.memory_space<vmem>> -> memref<128xi32, #tpu.memory_space<vmem>>
        %dma_wait3A_539 = arith.constant 0 : i32
        %dma_wait3A_540 = arith.constant 0 : i32
        %dma_wait3A_541 = tpu.memref_slice %arg2[%dma_wait3A_539, %dma_wait3A_540] : memref<10000x128xf32, #tpu.memory_space<hbm>> -> memref<10000x128xf32, #tpu.memory_space<hbm>>
        tpu.wait_indirect_dma semaphore(%arg13 : memref<!tpu.dma_semaphore, #tpu.memory_space<semaphore_mem>>) src(%dma_wait3A_541 : memref<10000x128xf32, #tpu.memory_space<hbm>>) dst(%arg10 : memref<128x128xf32, #tpu.memory_space<vmem>>)
        %dma_start3A_542 = arith.constant 0 : i32
        %dma_start3A_543 = arith.constant 3 : i32
        %dma_start3A_544 = arith.constant 0 : i32
        %dma_start3A_545 = arith.constant 0 : i32
        %dma_start3A_546 = tpu.memref_slice %arg8[%dma_start3A_542, %dma_start3A_544, %dma_start3A_545] : memref<2x8x128xi32, #tpu.memory_space<vmem>> -> memref<1x8x128xi32, #tpu.memory_space<vmem>>
        %dma_start3A_547 = tpu.memref_squeeze %dma_start3A_546 : memref<1x8x128xi32, #tpu.memory_space<vmem>> -> memref<8x128xi32, #tpu.memory_space<vmem>>
        %dma_start3A_548 = arith.constant 0 : i32
        %dma_start3A_549 = tpu.memref_slice %dma_start3A_547[%dma_start3A_543, %dma_start3A_548] : memref<8x128xi32, #tpu.memory_space<vmem>> -> memref<1x128xi32, #tpu.memory_space<vmem>>
        %dma_start3A_550 = tpu.memref_squeeze %dma_start3A_549 : memref<1x128xi32, #tpu.memory_space<vmem>> -> memref<128xi32, #tpu.memory_space<vmem>>
        %dma_start3A_551 = arith.constant 0 : i32
        %dma_start3A_552 = arith.constant 0 : i32
        %dma_start3A_553 = tpu.memref_slice %arg11[%dma_start3A_551, %dma_start3A_552] : memref<10112x128xf32, #tpu.memory_space<vmem_shared>> -> memref<10112x128xf32, #tpu.memory_space<vmem_shared>>
        tpu.enqueue_indirect_dma source(%arg10 : memref<128x128xf32, #tpu.memory_space<vmem>>) target(%dma_start3A_553 : memref<10112x128xf32, #tpu.memory_space<vmem_shared>>) offsets(%dma_start3A_550 : memref<128xi32, #tpu.memory_space<vmem>>) semaphore(%arg15 : memref<!tpu.dma_semaphore, #tpu.memory_space<semaphore_mem>>) {add = true}
        %dma_start3A_554 = arith.constant 0 : i32
        %dma_start3A_555 = arith.constant 4 : i32
        %dma_start3A_556 = arith.constant 0 : i32
        %dma_start3A_557 = arith.constant 0 : i32
        %dma_start3A_558 = tpu.memref_slice %arg8[%dma_start3A_554, %dma_start3A_556, %dma_start3A_557] : memref<2x8x128xi32, #tpu.memory_space<vmem>> -> memref<1x8x128xi32, #tpu.memory_space<vmem>>
        %dma_start3A_559 = tpu.memref_squeeze %dma_start3A_558 : memref<1x8x128xi32, #tpu.memory_space<vmem>> -> memref<8x128xi32, #tpu.memory_space<vmem>>
        %dma_start3A_560 = arith.constant 0 : i32
        %dma_start3A_561 = tpu.memref_slice %dma_start3A_559[%dma_start3A_555, %dma_start3A_560] : memref<8x128xi32, #tpu.memory_space<vmem>> -> memref<1x128xi32, #tpu.memory_space<vmem>>
        %dma_start3A_562 = tpu.memref_squeeze %dma_start3A_561 : memref<1x128xi32, #tpu.memory_space<vmem>> -> memref<128xi32, #tpu.memory_space<vmem>>
        %dma_start3A_563 = arith.constant 0 : i32
        %dma_start3A_564 = arith.constant 0 : i32
        %dma_start3A_565 = tpu.memref_slice %arg19[%dma_start3A_563, %dma_start3A_564] : memref<10112x16xf32, #tpu.memory_space<vmem_shared>> -> memref<10112x16xf32, #tpu.memory_space<vmem_shared>>
        tpu.enqueue_indirect_dma source(%arg18 : memref<128x16xf32, #tpu.memory_space<vmem>>) target(%dma_start3A_565 : memref<10112x16xf32, #tpu.memory_space<vmem_shared>>) offsets(%dma_start3A_562 : memref<128xi32, #tpu.memory_space<vmem>>) semaphore(%arg20 : memref<!tpu.dma_semaphore, #tpu.memory_space<semaphore_mem>>) {add = true}
        %dma_wait3A_566 = arith.constant 0 : i32
        %dma_wait3A_567 = arith.constant 5 : i32
        %dma_wait3A_568 = arith.constant 0 : i32
        %dma_wait3A_569 = arith.constant 0 : i32
        %dma_wait3A_570 = tpu.memref_slice %arg8[%dma_wait3A_566, %dma_wait3A_568, %dma_wait3A_569] : memref<2x8x128xi32, #tpu.memory_space<vmem>> -> memref<1x8x128xi32, #tpu.memory_space<vmem>>
        %dma_wait3A_571 = tpu.memref_squeeze %dma_wait3A_570 : memref<1x8x128xi32, #tpu.memory_space<vmem>> -> memref<8x128xi32, #tpu.memory_space<vmem>>
        %dma_wait3A_572 = arith.constant 0 : i32
        %dma_wait3A_573 = tpu.memref_slice %dma_wait3A_571[%dma_wait3A_567, %dma_wait3A_572] : memref<8x128xi32, #tpu.memory_space<vmem>> -> memref<1x128xi32, #tpu.memory_space<vmem>>
        %dma_wait3A_574 = tpu.memref_squeeze %dma_wait3A_573 : memref<1x128xi32, #tpu.memory_space<vmem>> -> memref<128xi32, #tpu.memory_space<vmem>>
        %dma_wait3A_575 = arith.constant 0 : i32
        %dma_wait3A_576 = arith.constant 0 : i32
        %dma_wait3A_577 = tpu.memref_slice %arg11[%dma_wait3A_575, %dma_wait3A_576] : memref<10112x128xf32, #tpu.memory_space<vmem_shared>> -> memref<10112x128xf32, #tpu.memory_space<vmem_shared>>
        tpu.wait_indirect_dma semaphore(%arg15 : memref<!tpu.dma_semaphore, #tpu.memory_space<semaphore_mem>>) src(%arg10 : memref<128x128xf32, #tpu.memory_space<vmem>>) dst(%dma_wait3A_577 : memref<10112x128xf32, #tpu.memory_space<vmem_shared>>)
        %dma_start3A_578 = arith.constant 0 : i32
        %dma_start3A_579 = arith.constant 5 : i32
        %dma_start3A_580 = arith.constant 0 : i32
        %dma_start3A_581 = arith.constant 0 : i32
        %dma_start3A_582 = tpu.memref_slice %arg7[%dma_start3A_578, %dma_start3A_580, %dma_start3A_581] : memref<2x8x128xi32, #tpu.memory_space<vmem>> -> memref<1x8x128xi32, #tpu.memory_space<vmem>>
        %dma_start3A_583 = tpu.memref_squeeze %dma_start3A_582 : memref<1x8x128xi32, #tpu.memory_space<vmem>> -> memref<8x128xi32, #tpu.memory_space<vmem>>
        %dma_start3A_584 = arith.constant 0 : i32
        %dma_start3A_585 = tpu.memref_slice %dma_start3A_583[%dma_start3A_579, %dma_start3A_584] : memref<8x128xi32, #tpu.memory_space<vmem>> -> memref<1x128xi32, #tpu.memory_space<vmem>>
        %dma_start3A_586 = tpu.memref_squeeze %dma_start3A_585 : memref<1x128xi32, #tpu.memory_space<vmem>> -> memref<128xi32, #tpu.memory_space<vmem>>
        %dma_start3A_587 = arith.constant 0 : i32
        %dma_start3A_588 = arith.constant 0 : i32
        %dma_start3A_589 = tpu.memref_slice %arg2[%dma_start3A_587, %dma_start3A_588] : memref<10000x128xf32, #tpu.memory_space<hbm>> -> memref<10000x128xf32, #tpu.memory_space<hbm>>
        tpu.enqueue_indirect_dma source(%dma_start3A_589 : memref<10000x128xf32, #tpu.memory_space<hbm>>) target(%arg10 : memref<128x128xf32, #tpu.memory_space<vmem>>) offsets(%dma_start3A_586 : memref<128xi32, #tpu.memory_space<vmem>>) semaphore(%arg13 : memref<!tpu.dma_semaphore, #tpu.memory_space<semaphore_mem>>)
        %dma_wait3A_590 = arith.constant 0 : i32
        %dma_wait3A_591 = arith.constant 4 : i32
        %dma_wait3A_592 = arith.constant 0 : i32
        %dma_wait3A_593 = arith.constant 0 : i32
        %dma_wait3A_594 = tpu.memref_slice %arg7[%dma_wait3A_590, %dma_wait3A_592, %dma_wait3A_593] : memref<2x8x128xi32, #tpu.memory_space<vmem>> -> memref<1x8x128xi32, #tpu.memory_space<vmem>>
        %dma_wait3A_595 = tpu.memref_squeeze %dma_wait3A_594 : memref<1x8x128xi32, #tpu.memory_space<vmem>> -> memref<8x128xi32, #tpu.memory_space<vmem>>
        %dma_wait3A_596 = arith.constant 0 : i32
        %dma_wait3A_597 = tpu.memref_slice %dma_wait3A_595[%dma_wait3A_591, %dma_wait3A_596] : memref<8x128xi32, #tpu.memory_space<vmem>> -> memref<1x128xi32, #tpu.memory_space<vmem>>
        %dma_wait3A_598 = tpu.memref_squeeze %dma_wait3A_597 : memref<1x128xi32, #tpu.memory_space<vmem>> -> memref<128xi32, #tpu.memory_space<vmem>>
        %dma_wait3A_599 = arith.constant 0 : i32
        %dma_wait3A_600 = arith.constant 0 : i32
        %dma_wait3A_601 = tpu.memref_slice %arg2[%dma_wait3A_599, %dma_wait3A_600] : memref<10000x128xf32, #tpu.memory_space<hbm>> -> memref<10000x128xf32, #tpu.memory_space<hbm>>
        tpu.wait_indirect_dma semaphore(%arg12 : memref<!tpu.dma_semaphore, #tpu.memory_space<semaphore_mem>>) src(%dma_wait3A_601 : memref<10000x128xf32, #tpu.memory_space<hbm>>) dst(%arg9 : memref<128x128xf32, #tpu.memory_space<vmem>>)
        %dma_start3A_602 = arith.constant 0 : i32
        %dma_start3A_603 = arith.constant 4 : i32
        %dma_start3A_604 = arith.constant 0 : i32
        %dma_start3A_605 = arith.constant 0 : i32
        %dma_start3A_606 = tpu.memref_slice %arg8[%dma_start3A_602, %dma_start3A_604, %dma_start3A_605] : memref<2x8x128xi32, #tpu.memory_space<vmem>> -> memref<1x8x128xi32, #tpu.memory_space<vmem>>
        %dma_start3A_607 = tpu.memref_squeeze %dma_start3A_606 : memref<1x8x128xi32, #tpu.memory_space<vmem>> -> memref<8x128xi32, #tpu.memory_space<vmem>>
        %dma_start3A_608 = arith.constant 0 : i32
        %dma_start3A_609 = tpu.memref_slice %dma_start3A_607[%dma_start3A_603, %dma_start3A_608] : memref<8x128xi32, #tpu.memory_space<vmem>> -> memref<1x128xi32, #tpu.memory_space<vmem>>
        %dma_start3A_610 = tpu.memref_squeeze %dma_start3A_609 : memref<1x128xi32, #tpu.memory_space<vmem>> -> memref<128xi32, #tpu.memory_space<vmem>>
        %dma_start3A_611 = arith.constant 0 : i32
        %dma_start3A_612 = arith.constant 0 : i32
        %dma_start3A_613 = tpu.memref_slice %arg11[%dma_start3A_611, %dma_start3A_612] : memref<10112x128xf32, #tpu.memory_space<vmem_shared>> -> memref<10112x128xf32, #tpu.memory_space<vmem_shared>>
        tpu.enqueue_indirect_dma source(%arg9 : memref<128x128xf32, #tpu.memory_space<vmem>>) target(%dma_start3A_613 : memref<10112x128xf32, #tpu.memory_space<vmem_shared>>) offsets(%dma_start3A_610 : memref<128xi32, #tpu.memory_space<vmem>>) semaphore(%arg14 : memref<!tpu.dma_semaphore, #tpu.memory_space<semaphore_mem>>) {add = true}
        %dma_start3A_614 = arith.constant 0 : i32
        %dma_start3A_615 = arith.constant 5 : i32
        %dma_start3A_616 = arith.constant 0 : i32
        %dma_start3A_617 = arith.constant 0 : i32
        %dma_start3A_618 = tpu.memref_slice %arg8[%dma_start3A_614, %dma_start3A_616, %dma_start3A_617] : memref<2x8x128xi32, #tpu.memory_space<vmem>> -> memref<1x8x128xi32, #tpu.memory_space<vmem>>
        %dma_start3A_619 = tpu.memref_squeeze %dma_start3A_618 : memref<1x8x128xi32, #tpu.memory_space<vmem>> -> memref<8x128xi32, #tpu.memory_space<vmem>>
        %dma_start3A_620 = arith.constant 0 : i32
        %dma_start3A_621 = tpu.memref_slice %dma_start3A_619[%dma_start3A_615, %dma_start3A_620] : memref<8x128xi32, #tpu.memory_space<vmem>> -> memref<1x128xi32, #tpu.memory_space<vmem>>
        %dma_start3A_622 = tpu.memref_squeeze %dma_start3A_621 : memref<1x128xi32, #tpu.memory_space<vmem>> -> memref<128xi32, #tpu.memory_space<vmem>>
        %dma_start3A_623 = arith.constant 0 : i32
        %dma_start3A_624 = arith.constant 0 : i32
        %dma_start3A_625 = tpu.memref_slice %arg19[%dma_start3A_623, %dma_start3A_624] : memref<10112x16xf32, #tpu.memory_space<vmem_shared>> -> memref<10112x16xf32, #tpu.memory_space<vmem_shared>>
        tpu.enqueue_indirect_dma source(%arg18 : memref<128x16xf32, #tpu.memory_space<vmem>>) target(%dma_start3A_625 : memref<10112x16xf32, #tpu.memory_space<vmem_shared>>) offsets(%dma_start3A_622 : memref<128xi32, #tpu.memory_space<vmem>>) semaphore(%arg20 : memref<!tpu.dma_semaphore, #tpu.memory_space<semaphore_mem>>) {add = true}
        %dma_wait3A_626 = arith.constant 0 : i32
        %dma_wait3A_627 = arith.constant 6 : i32
        %dma_wait3A_628 = arith.constant 0 : i32
        %dma_wait3A_629 = arith.constant 0 : i32
        %dma_wait3A_630 = tpu.memref_slice %arg8[%dma_wait3A_626, %dma_wait3A_628, %dma_wait3A_629] : memref<2x8x128xi32, #tpu.memory_space<vmem>> -> memref<1x8x128xi32, #tpu.memory_space<vmem>>
        %dma_wait3A_631 = tpu.memref_squeeze %dma_wait3A_630 : memref<1x8x128xi32, #tpu.memory_space<vmem>> -> memref<8x128xi32, #tpu.memory_space<vmem>>
        %dma_wait3A_632 = arith.constant 0 : i32
        %dma_wait3A_633 = tpu.memref_slice %dma_wait3A_631[%dma_wait3A_627, %dma_wait3A_632] : memref<8x128xi32, #tpu.memory_space<vmem>> -> memref<1x128xi32, #tpu.memory_space<vmem>>
        %dma_wait3A_634 = tpu.memref_squeeze %dma_wait3A_633 : memref<1x128xi32, #tpu.memory_space<vmem>> -> memref<128xi32, #tpu.memory_space<vmem>>
        %dma_wait3A_635 = arith.constant 0 : i32
        %dma_wait3A_636 = arith.constant 0 : i32
        %dma_wait3A_637 = tpu.memref_slice %arg11[%dma_wait3A_635, %dma_wait3A_636] : memref<10112x128xf32, #tpu.memory_space<vmem_shared>> -> memref<10112x128xf32, #tpu.memory_space<vmem_shared>>
        tpu.wait_indirect_dma semaphore(%arg14 : memref<!tpu.dma_semaphore, #tpu.memory_space<semaphore_mem>>) src(%arg9 : memref<128x128xf32, #tpu.memory_space<vmem>>) dst(%dma_wait3A_637 : memref<10112x128xf32, #tpu.memory_space<vmem_shared>>)
        %dma_start3A_638 = arith.constant 0 : i32
        %dma_start3A_639 = arith.constant 6 : i32
        %dma_start3A_640 = arith.constant 0 : i32
        %dma_start3A_641 = arith.constant 0 : i32
        %dma_start3A_642 = tpu.memref_slice %arg7[%dma_start3A_638, %dma_start3A_640, %dma_start3A_641] : memref<2x8x128xi32, #tpu.memory_space<vmem>> -> memref<1x8x128xi32, #tpu.memory_space<vmem>>
        %dma_start3A_643 = tpu.memref_squeeze %dma_start3A_642 : memref<1x8x128xi32, #tpu.memory_space<vmem>> -> memref<8x128xi32, #tpu.memory_space<vmem>>
        %dma_start3A_644 = arith.constant 0 : i32
        %dma_start3A_645 = tpu.memref_slice %dma_start3A_643[%dma_start3A_639, %dma_start3A_644] : memref<8x128xi32, #tpu.memory_space<vmem>> -> memref<1x128xi32, #tpu.memory_space<vmem>>
        %dma_start3A_646 = tpu.memref_squeeze %dma_start3A_645 : memref<1x128xi32, #tpu.memory_space<vmem>> -> memref<128xi32, #tpu.memory_space<vmem>>
        %dma_start3A_647 = arith.constant 0 : i32
        %dma_start3A_648 = arith.constant 0 : i32
        %dma_start3A_649 = tpu.memref_slice %arg2[%dma_start3A_647, %dma_start3A_648] : memref<10000x128xf32, #tpu.memory_space<hbm>> -> memref<10000x128xf32, #tpu.memory_space<hbm>>
        tpu.enqueue_indirect_dma source(%dma_start3A_649 : memref<10000x128xf32, #tpu.memory_space<hbm>>) target(%arg9 : memref<128x128xf32, #tpu.memory_space<vmem>>) offsets(%dma_start3A_646 : memref<128xi32, #tpu.memory_space<vmem>>) semaphore(%arg12 : memref<!tpu.dma_semaphore, #tpu.memory_space<semaphore_mem>>)
        %dma_wait3A_650 = arith.constant 0 : i32
        %dma_wait3A_651 = arith.constant 5 : i32
        %dma_wait3A_652 = arith.constant 0 : i32
        %dma_wait3A_653 = arith.constant 0 : i32
        %dma_wait3A_654 = tpu.memref_slice %arg7[%dma_wait3A_650, %dma_wait3A_652, %dma_wait3A_653] : memref<2x8x128xi32, #tpu.memory_space<vmem>> -> memref<1x8x128xi32, #tpu.memory_space<vmem>>
        %dma_wait3A_655 = tpu.memref_squeeze %dma_wait3A_654 : memref<1x8x128xi32, #tpu.memory_space<vmem>> -> memref<8x128xi32, #tpu.memory_space<vmem>>
        %dma_wait3A_656 = arith.constant 0 : i32
        %dma_wait3A_657 = tpu.memref_slice %dma_wait3A_655[%dma_wait3A_651, %dma_wait3A_656] : memref<8x128xi32, #tpu.memory_space<vmem>> -> memref<1x128xi32, #tpu.memory_space<vmem>>
        %dma_wait3A_658 = tpu.memref_squeeze %dma_wait3A_657 : memref<1x128xi32, #tpu.memory_space<vmem>> -> memref<128xi32, #tpu.memory_space<vmem>>
        %dma_wait3A_659 = arith.constant 0 : i32
        %dma_wait3A_660 = arith.constant 0 : i32
        %dma_wait3A_661 = tpu.memref_slice %arg2[%dma_wait3A_659, %dma_wait3A_660] : memref<10000x128xf32, #tpu.memory_space<hbm>> -> memref<10000x128xf32, #tpu.memory_space<hbm>>
        tpu.wait_indirect_dma semaphore(%arg13 : memref<!tpu.dma_semaphore, #tpu.memory_space<semaphore_mem>>) src(%dma_wait3A_661 : memref<10000x128xf32, #tpu.memory_space<hbm>>) dst(%arg10 : memref<128x128xf32, #tpu.memory_space<vmem>>)
        %dma_start3A_662 = arith.constant 0 : i32
        %dma_start3A_663 = arith.constant 5 : i32
        %dma_start3A_664 = arith.constant 0 : i32
        %dma_start3A_665 = arith.constant 0 : i32
        %dma_start3A_666 = tpu.memref_slice %arg8[%dma_start3A_662, %dma_start3A_664, %dma_start3A_665] : memref<2x8x128xi32, #tpu.memory_space<vmem>> -> memref<1x8x128xi32, #tpu.memory_space<vmem>>
        %dma_start3A_667 = tpu.memref_squeeze %dma_start3A_666 : memref<1x8x128xi32, #tpu.memory_space<vmem>> -> memref<8x128xi32, #tpu.memory_space<vmem>>
        %dma_start3A_668 = arith.constant 0 : i32
        %dma_start3A_669 = tpu.memref_slice %dma_start3A_667[%dma_start3A_663, %dma_start3A_668] : memref<8x128xi32, #tpu.memory_space<vmem>> -> memref<1x128xi32, #tpu.memory_space<vmem>>
        %dma_start3A_670 = tpu.memref_squeeze %dma_start3A_669 : memref<1x128xi32, #tpu.memory_space<vmem>> -> memref<128xi32, #tpu.memory_space<vmem>>
        %dma_start3A_671 = arith.constant 0 : i32
        %dma_start3A_672 = arith.constant 0 : i32
        %dma_start3A_673 = tpu.memref_slice %arg11[%dma_start3A_671, %dma_start3A_672] : memref<10112x128xf32, #tpu.memory_space<vmem_shared>> -> memref<10112x128xf32, #tpu.memory_space<vmem_shared>>
        tpu.enqueue_indirect_dma source(%arg10 : memref<128x128xf32, #tpu.memory_space<vmem>>) target(%dma_start3A_673 : memref<10112x128xf32, #tpu.memory_space<vmem_shared>>) offsets(%dma_start3A_670 : memref<128xi32, #tpu.memory_space<vmem>>) semaphore(%arg15 : memref<!tpu.dma_semaphore, #tpu.memory_space<semaphore_mem>>) {add = true}
        %dma_start3A_674 = arith.constant 0 : i32
        %dma_start3A_675 = arith.constant 6 : i32
        %dma_start3A_676 = arith.constant 0 : i32
        %dma_start3A_677 = arith.constant 0 : i32
        %dma_start3A_678 = tpu.memref_slice %arg8[%dma_start3A_674, %dma_start3A_676, %dma_start3A_677] : memref<2x8x128xi32, #tpu.memory_space<vmem>> -> memref<1x8x128xi32, #tpu.memory_space<vmem>>
        %dma_start3A_679 = tpu.memref_squeeze %dma_start3A_678 : memref<1x8x128xi32, #tpu.memory_space<vmem>> -> memref<8x128xi32, #tpu.memory_space<vmem>>
        %dma_start3A_680 = arith.constant 0 : i32
        %dma_start3A_681 = tpu.memref_slice %dma_start3A_679[%dma_start3A_675, %dma_start3A_680] : memref<8x128xi32, #tpu.memory_space<vmem>> -> memref<1x128xi32, #tpu.memory_space<vmem>>
        %dma_start3A_682 = tpu.memref_squeeze %dma_start3A_681 : memref<1x128xi32, #tpu.memory_space<vmem>> -> memref<128xi32, #tpu.memory_space<vmem>>
        %dma_start3A_683 = arith.constant 0 : i32
        %dma_start3A_684 = arith.constant 0 : i32
        %dma_start3A_685 = tpu.memref_slice %arg19[%dma_start3A_683, %dma_start3A_684] : memref<10112x16xf32, #tpu.memory_space<vmem_shared>> -> memref<10112x16xf32, #tpu.memory_space<vmem_shared>>
        tpu.enqueue_indirect_dma source(%arg18 : memref<128x16xf32, #tpu.memory_space<vmem>>) target(%dma_start3A_685 : memref<10112x16xf32, #tpu.memory_space<vmem_shared>>) offsets(%dma_start3A_682 : memref<128xi32, #tpu.memory_space<vmem>>) semaphore(%arg20 : memref<!tpu.dma_semaphore, #tpu.memory_space<semaphore_mem>>) {add = true}
        %dma_wait3A_686 = arith.constant 0 : i32
        %dma_wait3A_687 = arith.constant 7 : i32
        %dma_wait3A_688 = arith.constant 0 : i32
        %dma_wait3A_689 = arith.constant 0 : i32
        %dma_wait3A_690 = tpu.memref_slice %arg8[%dma_wait3A_686, %dma_wait3A_688, %dma_wait3A_689] : memref<2x8x128xi32, #tpu.memory_space<vmem>> -> memref<1x8x128xi32, #tpu.memory_space<vmem>>
        %dma_wait3A_691 = tpu.memref_squeeze %dma_wait3A_690 : memref<1x8x128xi32, #tpu.memory_space<vmem>> -> memref<8x128xi32, #tpu.memory_space<vmem>>
        %dma_wait3A_692 = arith.constant 0 : i32
        %dma_wait3A_693 = tpu.memref_slice %dma_wait3A_691[%dma_wait3A_687, %dma_wait3A_692] : memref<8x128xi32, #tpu.memory_space<vmem>> -> memref<1x128xi32, #tpu.memory_space<vmem>>
        %dma_wait3A_694 = tpu.memref_squeeze %dma_wait3A_693 : memref<1x128xi32, #tpu.memory_space<vmem>> -> memref<128xi32, #tpu.memory_space<vmem>>
        %dma_wait3A_695 = arith.constant 0 : i32
        %dma_wait3A_696 = arith.constant 0 : i32
        %dma_wait3A_697 = tpu.memref_slice %arg11[%dma_wait3A_695, %dma_wait3A_696] : memref<10112x128xf32, #tpu.memory_space<vmem_shared>> -> memref<10112x128xf32, #tpu.memory_space<vmem_shared>>
        tpu.wait_indirect_dma semaphore(%arg15 : memref<!tpu.dma_semaphore, #tpu.memory_space<semaphore_mem>>) src(%arg10 : memref<128x128xf32, #tpu.memory_space<vmem>>) dst(%dma_wait3A_697 : memref<10112x128xf32, #tpu.memory_space<vmem_shared>>)
        %dma_start3A_698 = arith.constant 0 : i32
        %dma_start3A_699 = arith.constant 7 : i32
        %dma_start3A_700 = arith.constant 0 : i32
        %dma_start3A_701 = arith.constant 0 : i32
        %dma_start3A_702 = tpu.memref_slice %arg7[%dma_start3A_698, %dma_start3A_700, %dma_start3A_701] : memref<2x8x128xi32, #tpu.memory_space<vmem>> -> memref<1x8x128xi32, #tpu.memory_space<vmem>>
        %dma_start3A_703 = tpu.memref_squeeze %dma_start3A_702 : memref<1x8x128xi32, #tpu.memory_space<vmem>> -> memref<8x128xi32, #tpu.memory_space<vmem>>
        %dma_start3A_704 = arith.constant 0 : i32
        %dma_start3A_705 = tpu.memref_slice %dma_start3A_703[%dma_start3A_699, %dma_start3A_704] : memref<8x128xi32, #tpu.memory_space<vmem>> -> memref<1x128xi32, #tpu.memory_space<vmem>>
        %dma_start3A_706 = tpu.memref_squeeze %dma_start3A_705 : memref<1x128xi32, #tpu.memory_space<vmem>> -> memref<128xi32, #tpu.memory_space<vmem>>
        %dma_start3A_707 = arith.constant 0 : i32
        %dma_start3A_708 = arith.constant 0 : i32
        %dma_start3A_709 = tpu.memref_slice %arg2[%dma_start3A_707, %dma_start3A_708] : memref<10000x128xf32, #tpu.memory_space<hbm>> -> memref<10000x128xf32, #tpu.memory_space<hbm>>
        tpu.enqueue_indirect_dma source(%dma_start3A_709 : memref<10000x128xf32, #tpu.memory_space<hbm>>) target(%arg10 : memref<128x128xf32, #tpu.memory_space<vmem>>) offsets(%dma_start3A_706 : memref<128xi32, #tpu.memory_space<vmem>>) semaphore(%arg13 : memref<!tpu.dma_semaphore, #tpu.memory_space<semaphore_mem>>)
        %dma_wait3A_710 = arith.constant 0 : i32
        %dma_wait3A_711 = arith.constant 6 : i32
        %dma_wait3A_712 = arith.constant 0 : i32
        %dma_wait3A_713 = arith.constant 0 : i32
        %dma_wait3A_714 = tpu.memref_slice %arg7[%dma_wait3A_710, %dma_wait3A_712, %dma_wait3A_713] : memref<2x8x128xi32, #tpu.memory_space<vmem>> -> memref<1x8x128xi32, #tpu.memory_space<vmem>>
        %dma_wait3A_715 = tpu.memref_squeeze %dma_wait3A_714 : memref<1x8x128xi32, #tpu.memory_space<vmem>> -> memref<8x128xi32, #tpu.memory_space<vmem>>
        %dma_wait3A_716 = arith.constant 0 : i32
        %dma_wait3A_717 = tpu.memref_slice %dma_wait3A_715[%dma_wait3A_711, %dma_wait3A_716] : memref<8x128xi32, #tpu.memory_space<vmem>> -> memref<1x128xi32, #tpu.memory_space<vmem>>
        %dma_wait3A_718 = tpu.memref_squeeze %dma_wait3A_717 : memref<1x128xi32, #tpu.memory_space<vmem>> -> memref<128xi32, #tpu.memory_space<vmem>>
        %dma_wait3A_719 = arith.constant 0 : i32
        %dma_wait3A_720 = arith.constant 0 : i32
        %dma_wait3A_721 = tpu.memref_slice %arg2[%dma_wait3A_719, %dma_wait3A_720] : memref<10000x128xf32, #tpu.memory_space<hbm>> -> memref<10000x128xf32, #tpu.memory_space<hbm>>
        tpu.wait_indirect_dma semaphore(%arg12 : memref<!tpu.dma_semaphore, #tpu.memory_space<semaphore_mem>>) src(%dma_wait3A_721 : memref<10000x128xf32, #tpu.memory_space<hbm>>) dst(%arg9 : memref<128x128xf32, #tpu.memory_space<vmem>>)
        %dma_start3A_722 = arith.constant 0 : i32
        %dma_start3A_723 = arith.constant 6 : i32
        %dma_start3A_724 = arith.constant 0 : i32
        %dma_start3A_725 = arith.constant 0 : i32
        %dma_start3A_726 = tpu.memref_slice %arg8[%dma_start3A_722, %dma_start3A_724, %dma_start3A_725] : memref<2x8x128xi32, #tpu.memory_space<vmem>> -> memref<1x8x128xi32, #tpu.memory_space<vmem>>
        %dma_start3A_727 = tpu.memref_squeeze %dma_start3A_726 : memref<1x8x128xi32, #tpu.memory_space<vmem>> -> memref<8x128xi32, #tpu.memory_space<vmem>>
        %dma_start3A_728 = arith.constant 0 : i32
        %dma_start3A_729 = tpu.memref_slice %dma_start3A_727[%dma_start3A_723, %dma_start3A_728] : memref<8x128xi32, #tpu.memory_space<vmem>> -> memref<1x128xi32, #tpu.memory_space<vmem>>
        %dma_start3A_730 = tpu.memref_squeeze %dma_start3A_729 : memref<1x128xi32, #tpu.memory_space<vmem>> -> memref<128xi32, #tpu.memory_space<vmem>>
        %dma_start3A_731 = arith.constant 0 : i32
        %dma_start3A_732 = arith.constant 0 : i32
        %dma_start3A_733 = tpu.memref_slice %arg11[%dma_start3A_731, %dma_start3A_732] : memref<10112x128xf32, #tpu.memory_space<vmem_shared>> -> memref<10112x128xf32, #tpu.memory_space<vmem_shared>>
        tpu.enqueue_indirect_dma source(%arg9 : memref<128x128xf32, #tpu.memory_space<vmem>>) target(%dma_start3A_733 : memref<10112x128xf32, #tpu.memory_space<vmem_shared>>) offsets(%dma_start3A_730 : memref<128xi32, #tpu.memory_space<vmem>>) semaphore(%arg14 : memref<!tpu.dma_semaphore, #tpu.memory_space<semaphore_mem>>) {add = true}
        %dma_start3A_734 = arith.constant 0 : i32
        %dma_start3A_735 = arith.constant 7 : i32
        %dma_start3A_736 = arith.constant 0 : i32
        %dma_start3A_737 = arith.constant 0 : i32
        %dma_start3A_738 = tpu.memref_slice %arg8[%dma_start3A_734, %dma_start3A_736, %dma_start3A_737] : memref<2x8x128xi32, #tpu.memory_space<vmem>> -> memref<1x8x128xi32, #tpu.memory_space<vmem>>
        %dma_start3A_739 = tpu.memref_squeeze %dma_start3A_738 : memref<1x8x128xi32, #tpu.memory_space<vmem>> -> memref<8x128xi32, #tpu.memory_space<vmem>>
        %dma_start3A_740 = arith.constant 0 : i32
        %dma_start3A_741 = tpu.memref_slice %dma_start3A_739[%dma_start3A_735, %dma_start3A_740] : memref<8x128xi32, #tpu.memory_space<vmem>> -> memref<1x128xi32, #tpu.memory_space<vmem>>
        %dma_start3A_742 = tpu.memref_squeeze %dma_start3A_741 : memref<1x128xi32, #tpu.memory_space<vmem>> -> memref<128xi32, #tpu.memory_space<vmem>>
        %dma_start3A_743 = arith.constant 0 : i32
        %dma_start3A_744 = arith.constant 0 : i32
        %dma_start3A_745 = tpu.memref_slice %arg19[%dma_start3A_743, %dma_start3A_744] : memref<10112x16xf32, #tpu.memory_space<vmem_shared>> -> memref<10112x16xf32, #tpu.memory_space<vmem_shared>>
        tpu.enqueue_indirect_dma source(%arg18 : memref<128x16xf32, #tpu.memory_space<vmem>>) target(%dma_start3A_745 : memref<10112x16xf32, #tpu.memory_space<vmem_shared>>) offsets(%dma_start3A_742 : memref<128xi32, #tpu.memory_space<vmem>>) semaphore(%arg20 : memref<!tpu.dma_semaphore, #tpu.memory_space<semaphore_mem>>) {add = true}
      } else {
      }
      %jit3A_237 = arith.constant 2 : i32
      %eq3A_238 = arith.constant 0 : i32
      %eq3A_239 = arith.cmpi eq, %jit3A_237, %eq3A_238 : i32
      %jit3A_240 = arith.constant 1 : i32
      %select_n3A_241 = arith.select %eq3A_239, %jit3A_240, %jit3A_237 : i32
      %rem3A_242 = arith.remsi %scan3A_224, %select_n3A_241 : i32
      %ne3A_243 = arith.constant 0 : i32
      %ne3A_244 = arith.cmpi ne, %rem3A_242, %ne3A_243 : i32
      %lt3A_245 = arith.constant 0 : i32
      %lt3A_246 = arith.cmpi slt, %rem3A_242, %lt3A_245 : i32
      %lt3A_247 = arith.constant 0 : i32
      %lt3A_248 = arith.cmpi slt, %select_n3A_241, %lt3A_247 : i32
      %ne3A_249 = arith.xori %lt3A_246, %lt3A_248 : i1
      %and3A_250 = arith.andi %ne3A_249, %ne3A_244 : i1
      %add3A_251 = arith.addi %rem3A_242, %select_n3A_241 : i32
      %select_n3A_252 = arith.select %and3A_250, %add3A_251, %rem3A_242 : i32
      %eq3A_253 = arith.constant 1 : i32
      %eq3A_254 = arith.cmpi eq, %select_n3A_252, %eq3A_253 : i32
      %convert_element_type3A_255 = arith.extui %eq3A_254 : i1 to i32
      %cond3A_256 = arith.constant 0 : i32
      %cond3A_257 = arith.cmpi ne, %convert_element_type3A_255, %cond3A_256 : i32
      scf.if %cond3A_257 {
        %mul3A_258 = arith.constant 8 : i32
        %mul3A_259 = arith.muli %scan3A_224, %mul3A_258 : i32
        %add3A_260 = arith.addi %mul3A_2, %mul3A_259 : i32
        %dma_wait3A_261 = arith.constant 1 : i32
        %dma_wait3A_262 = arith.constant 0 : i32
        %dma_wait3A_263 = arith.constant 0 : i32
        %dma_wait3A_264 = tpu.memref_slice %arg7[%dma_wait3A_261, %dma_wait3A_262, %dma_wait3A_263] : memref<2x8x128xi32, #tpu.memory_space<vmem>> -> memref<1x8x128xi32, #tpu.memory_space<vmem>>
        %dma_wait3A_265 = tpu.memref_squeeze %dma_wait3A_264 : memref<1x8x128xi32, #tpu.memory_space<vmem>> -> memref<8x128xi32, #tpu.memory_space<vmem>>
        %dma_wait3A_266 = arith.constant 0 : i32
        %dma_wait3A_267 = tpu.memref_slice %arg3[%add3A_260, %dma_wait3A_266] : memref<2560x128xi32, #tpu.memory_space<hbm>> -> memref<8x128xi32, #tpu.memory_space<hbm>>
        %dma_wait3A_268 = arith.constant 0 : i32
        %dma_wait3A_269 = arith.constant 0 : i32
        %dma_wait3A_270 = tpu.memref_slice %arg7[%dma_wait3A_261, %dma_wait3A_268, %dma_wait3A_269] : memref<2x8x128xi32, #tpu.memory_space<vmem>> -> memref<1x8x128xi32, #tpu.memory_space<vmem>>
        %dma_wait3A_271 = tpu.memref_squeeze %dma_wait3A_270 : memref<1x8x128xi32, #tpu.memory_space<vmem>> -> memref<8x128xi32, #tpu.memory_space<vmem>>
        %dma_wait3A_272 = arith.constant 0 : i32
        %dma_wait3A_273 = tpu.memref_slice %arg3[%add3A_260, %dma_wait3A_272] : memref<2560x128xi32, #tpu.memory_space<hbm>> -> memref<8x128xi32, #tpu.memory_space<hbm>>
        tpu.wait_dma2 semaphore(%arg17 : memref<!tpu.dma_semaphore, #tpu.memory_space<semaphore_mem>>) src(%dma_wait3A_273 : memref<8x128xi32, #tpu.memory_space<hbm>>) dst(%dma_wait3A_271 : memref<8x128xi32, #tpu.memory_space<vmem>>)
        %mul3A_274 = arith.constant 8 : i32
        %mul3A_275 = arith.muli %scan3A_224, %mul3A_274 : i32
        %add3A_276 = arith.addi %mul3A_2, %mul3A_275 : i32
        %dma_wait3A_277 = arith.constant 1 : i32
        %dma_wait3A_278 = arith.constant 0 : i32
        %dma_wait3A_279 = arith.constant 0 : i32
        %dma_wait3A_280 = tpu.memref_slice %arg8[%dma_wait3A_277, %dma_wait3A_278, %dma_wait3A_279] : memref<2x8x128xi32, #tpu.memory_space<vmem>> -> memref<1x8x128xi32, #tpu.memory_space<vmem>>
        %dma_wait3A_281 = tpu.memref_squeeze %dma_wait3A_280 : memref<1x8x128xi32, #tpu.memory_space<vmem>> -> memref<8x128xi32, #tpu.memory_space<vmem>>
        %dma_wait3A_282 = arith.constant 0 : i32
        %dma_wait3A_283 = tpu.memref_slice %arg4[%add3A_276, %dma_wait3A_282] : memref<2560x128xi32, #tpu.memory_space<hbm>> -> memref<8x128xi32, #tpu.memory_space<hbm>>
        %dma_wait3A_284 = arith.constant 0 : i32
        %dma_wait3A_285 = arith.constant 0 : i32
        %dma_wait3A_286 = tpu.memref_slice %arg8[%dma_wait3A_277, %dma_wait3A_284, %dma_wait3A_285] : memref<2x8x128xi32, #tpu.memory_space<vmem>> -> memref<1x8x128xi32, #tpu.memory_space<vmem>>
        %dma_wait3A_287 = tpu.memref_squeeze %dma_wait3A_286 : memref<1x8x128xi32, #tpu.memory_space<vmem>> -> memref<8x128xi32, #tpu.memory_space<vmem>>
        %dma_wait3A_288 = arith.constant 0 : i32
        %dma_wait3A_289 = tpu.memref_slice %arg4[%add3A_276, %dma_wait3A_288] : memref<2560x128xi32, #tpu.memory_space<hbm>> -> memref<8x128xi32, #tpu.memory_space<hbm>>
        tpu.wait_dma2 semaphore(%arg17 : memref<!tpu.dma_semaphore, #tpu.memory_space<semaphore_mem>>) src(%dma_wait3A_289 : memref<8x128xi32, #tpu.memory_space<hbm>>) dst(%dma_wait3A_287 : memref<8x128xi32, #tpu.memory_space<vmem>>)
        %gt3A = arith.constant 0 : i32
        %gt3A_290 = arith.cmpi sgt, %scan3A_224, %gt3A : i32
        %convert_element_type3A_291 = arith.extui %gt3A_290 : i1 to i32
        %cond3A_292 = arith.constant 0 : i32
        %cond3A_293 = arith.cmpi ne, %convert_element_type3A_291, %cond3A_292 : i32
        scf.if %cond3A_293 {
          %dma_wait3A_746 = arith.constant 1 : i32
          %dma_wait3A_747 = arith.constant 0 : i32
          %dma_wait3A_748 = arith.constant 0 : i32
          %dma_wait3A_749 = arith.constant 0 : i32
          %dma_wait3A_750 = tpu.memref_slice %arg8[%dma_wait3A_746, %dma_wait3A_748, %dma_wait3A_749] : memref<2x8x128xi32, #tpu.memory_space<vmem>> -> memref<1x8x128xi32, #tpu.memory_space<vmem>>
          %dma_wait3A_751 = tpu.memref_squeeze %dma_wait3A_750 : memref<1x8x128xi32, #tpu.memory_space<vmem>> -> memref<8x128xi32, #tpu.memory_space<vmem>>
          %dma_wait3A_752 = arith.constant 0 : i32
          %dma_wait3A_753 = tpu.memref_slice %dma_wait3A_751[%dma_wait3A_747, %dma_wait3A_752] : memref<8x128xi32, #tpu.memory_space<vmem>> -> memref<1x128xi32, #tpu.memory_space<vmem>>
          %dma_wait3A_754 = tpu.memref_squeeze %dma_wait3A_753 : memref<1x128xi32, #tpu.memory_space<vmem>> -> memref<128xi32, #tpu.memory_space<vmem>>
          %dma_wait3A_755 = arith.constant 0 : i32
          %dma_wait3A_756 = arith.constant 0 : i32
          %dma_wait3A_757 = tpu.memref_slice %arg11[%dma_wait3A_755, %dma_wait3A_756] : memref<10112x128xf32, #tpu.memory_space<vmem_shared>> -> memref<10112x128xf32, #tpu.memory_space<vmem_shared>>
          tpu.wait_indirect_dma semaphore(%arg14 : memref<!tpu.dma_semaphore, #tpu.memory_space<semaphore_mem>>) src(%arg9 : memref<128x128xf32, #tpu.memory_space<vmem>>) dst(%dma_wait3A_757 : memref<10112x128xf32, #tpu.memory_space<vmem_shared>>)
        } else {
        }
        %gt3A_294 = arith.constant 0 : i32
        %gt3A_295 = arith.cmpi sgt, %scan3A_224, %gt3A_294 : i32
        %convert_element_type3A_296 = arith.extui %gt3A_295 : i1 to i32
        %cond3A_297 = arith.constant 0 : i32
        %cond3A_298 = arith.cmpi ne, %convert_element_type3A_296, %cond3A_297 : i32
        scf.if %cond3A_298 {
          %dma_wait3A_746 = arith.constant 0 : i32
          %dma_wait3A_747 = arith.constant 0 : i32
          %dma_wait3A_748 = arith.constant 0 : i32
          %dma_wait3A_749 = arith.constant 0 : i32
          %dma_wait3A_750 = tpu.memref_slice %arg8[%dma_wait3A_746, %dma_wait3A_748, %dma_wait3A_749] : memref<2x8x128xi32, #tpu.memory_space<vmem>> -> memref<1x8x128xi32, #tpu.memory_space<vmem>>
          %dma_wait3A_751 = tpu.memref_squeeze %dma_wait3A_750 : memref<1x8x128xi32, #tpu.memory_space<vmem>> -> memref<8x128xi32, #tpu.memory_space<vmem>>
          %dma_wait3A_752 = arith.constant 0 : i32
          %dma_wait3A_753 = tpu.memref_slice %dma_wait3A_751[%dma_wait3A_747, %dma_wait3A_752] : memref<8x128xi32, #tpu.memory_space<vmem>> -> memref<1x128xi32, #tpu.memory_space<vmem>>
          %dma_wait3A_754 = tpu.memref_squeeze %dma_wait3A_753 : memref<1x128xi32, #tpu.memory_space<vmem>> -> memref<128xi32, #tpu.memory_space<vmem>>
          %dma_wait3A_755 = arith.constant 0 : i32
          %dma_wait3A_756 = arith.constant 0 : i32
          %dma_wait3A_757 = tpu.memref_slice %arg19[%dma_wait3A_755, %dma_wait3A_756] : memref<10112x16xf32, #tpu.memory_space<vmem_shared>> -> memref<10112x16xf32, #tpu.memory_space<vmem_shared>>
          tpu.wait_indirect_dma semaphore(%arg20 : memref<!tpu.dma_semaphore, #tpu.memory_space<semaphore_mem>>) src(%arg18 : memref<128x16xf32, #tpu.memory_space<vmem>>) dst(%dma_wait3A_757 : memref<10112x16xf32, #tpu.memory_space<vmem_shared>>)
          %dma_wait3A_758 = arith.constant 0 : i32
          %dma_wait3A_759 = arith.constant 1 : i32
          %dma_wait3A_760 = arith.constant 0 : i32
          %dma_wait3A_761 = arith.constant 0 : i32
          %dma_wait3A_762 = tpu.memref_slice %arg8[%dma_wait3A_758, %dma_wait3A_760, %dma_wait3A_761] : memref<2x8x128xi32, #tpu.memory_space<vmem>> -> memref<1x8x128xi32, #tpu.memory_space<vmem>>
          %dma_wait3A_763 = tpu.memref_squeeze %dma_wait3A_762 : memref<1x8x128xi32, #tpu.memory_space<vmem>> -> memref<8x128xi32, #tpu.memory_space<vmem>>
          %dma_wait3A_764 = arith.constant 0 : i32
          %dma_wait3A_765 = tpu.memref_slice %dma_wait3A_763[%dma_wait3A_759, %dma_wait3A_764] : memref<8x128xi32, #tpu.memory_space<vmem>> -> memref<1x128xi32, #tpu.memory_space<vmem>>
          %dma_wait3A_766 = tpu.memref_squeeze %dma_wait3A_765 : memref<1x128xi32, #tpu.memory_space<vmem>> -> memref<128xi32, #tpu.memory_space<vmem>>
          %dma_wait3A_767 = arith.constant 0 : i32
          %dma_wait3A_768 = arith.constant 0 : i32
          %dma_wait3A_769 = tpu.memref_slice %arg19[%dma_wait3A_767, %dma_wait3A_768] : memref<10112x16xf32, #tpu.memory_space<vmem_shared>> -> memref<10112x16xf32, #tpu.memory_space<vmem_shared>>
          tpu.wait_indirect_dma semaphore(%arg20 : memref<!tpu.dma_semaphore, #tpu.memory_space<semaphore_mem>>) src(%arg18 : memref<128x16xf32, #tpu.memory_space<vmem>>) dst(%dma_wait3A_769 : memref<10112x16xf32, #tpu.memory_space<vmem_shared>>)
          %dma_wait3A_770 = arith.constant 0 : i32
          %dma_wait3A_771 = arith.constant 2 : i32
          %dma_wait3A_772 = arith.constant 0 : i32
          %dma_wait3A_773 = arith.constant 0 : i32
          %dma_wait3A_774 = tpu.memref_slice %arg8[%dma_wait3A_770, %dma_wait3A_772, %dma_wait3A_773] : memref<2x8x128xi32, #tpu.memory_space<vmem>> -> memref<1x8x128xi32, #tpu.memory_space<vmem>>
          %dma_wait3A_775 = tpu.memref_squeeze %dma_wait3A_774 : memref<1x8x128xi32, #tpu.memory_space<vmem>> -> memref<8x128xi32, #tpu.memory_space<vmem>>
          %dma_wait3A_776 = arith.constant 0 : i32
          %dma_wait3A_777 = tpu.memref_slice %dma_wait3A_775[%dma_wait3A_771, %dma_wait3A_776] : memref<8x128xi32, #tpu.memory_space<vmem>> -> memref<1x128xi32, #tpu.memory_space<vmem>>
          %dma_wait3A_778 = tpu.memref_squeeze %dma_wait3A_777 : memref<1x128xi32, #tpu.memory_space<vmem>> -> memref<128xi32, #tpu.memory_space<vmem>>
          %dma_wait3A_779 = arith.constant 0 : i32
          %dma_wait3A_780 = arith.constant 0 : i32
          %dma_wait3A_781 = tpu.memref_slice %arg19[%dma_wait3A_779, %dma_wait3A_780] : memref<10112x16xf32, #tpu.memory_space<vmem_shared>> -> memref<10112x16xf32, #tpu.memory_space<vmem_shared>>
          tpu.wait_indirect_dma semaphore(%arg20 : memref<!tpu.dma_semaphore, #tpu.memory_space<semaphore_mem>>) src(%arg18 : memref<128x16xf32, #tpu.memory_space<vmem>>) dst(%dma_wait3A_781 : memref<10112x16xf32, #tpu.memory_space<vmem_shared>>)
          %dma_wait3A_782 = arith.constant 0 : i32
          %dma_wait3A_783 = arith.constant 3 : i32
          %dma_wait3A_784 = arith.constant 0 : i32
          %dma_wait3A_785 = arith.constant 0 : i32
          %dma_wait3A_786 = tpu.memref_slice %arg8[%dma_wait3A_782, %dma_wait3A_784, %dma_wait3A_785] : memref<2x8x128xi32, #tpu.memory_space<vmem>> -> memref<1x8x128xi32, #tpu.memory_space<vmem>>
          %dma_wait3A_787 = tpu.memref_squeeze %dma_wait3A_786 : memref<1x8x128xi32, #tpu.memory_space<vmem>> -> memref<8x128xi32, #tpu.memory_space<vmem>>
          %dma_wait3A_788 = arith.constant 0 : i32
          %dma_wait3A_789 = tpu.memref_slice %dma_wait3A_787[%dma_wait3A_783, %dma_wait3A_788] : memref<8x128xi32, #tpu.memory_space<vmem>> -> memref<1x128xi32, #tpu.memory_space<vmem>>
          %dma_wait3A_790 = tpu.memref_squeeze %dma_wait3A_789 : memref<1x128xi32, #tpu.memory_space<vmem>> -> memref<128xi32, #tpu.memory_space<vmem>>
          %dma_wait3A_791 = arith.constant 0 : i32
          %dma_wait3A_792 = arith.constant 0 : i32
          %dma_wait3A_793 = tpu.memref_slice %arg19[%dma_wait3A_791, %dma_wait3A_792] : memref<10112x16xf32, #tpu.memory_space<vmem_shared>> -> memref<10112x16xf32, #tpu.memory_space<vmem_shared>>
          tpu.wait_indirect_dma semaphore(%arg20 : memref<!tpu.dma_semaphore, #tpu.memory_space<semaphore_mem>>) src(%arg18 : memref<128x16xf32, #tpu.memory_space<vmem>>) dst(%dma_wait3A_793 : memref<10112x16xf32, #tpu.memory_space<vmem_shared>>)
          %dma_wait3A_794 = arith.constant 0 : i32
          %dma_wait3A_795 = arith.constant 4 : i32
          %dma_wait3A_796 = arith.constant 0 : i32
          %dma_wait3A_797 = arith.constant 0 : i32
          %dma_wait3A_798 = tpu.memref_slice %arg8[%dma_wait3A_794, %dma_wait3A_796, %dma_wait3A_797] : memref<2x8x128xi32, #tpu.memory_space<vmem>> -> memref<1x8x128xi32, #tpu.memory_space<vmem>>
          %dma_wait3A_799 = tpu.memref_squeeze %dma_wait3A_798 : memref<1x8x128xi32, #tpu.memory_space<vmem>> -> memref<8x128xi32, #tpu.memory_space<vmem>>
          %dma_wait3A_800 = arith.constant 0 : i32
          %dma_wait3A_801 = tpu.memref_slice %dma_wait3A_799[%dma_wait3A_795, %dma_wait3A_800] : memref<8x128xi32, #tpu.memory_space<vmem>> -> memref<1x128xi32, #tpu.memory_space<vmem>>
          %dma_wait3A_802 = tpu.memref_squeeze %dma_wait3A_801 : memref<1x128xi32, #tpu.memory_space<vmem>> -> memref<128xi32, #tpu.memory_space<vmem>>
          %dma_wait3A_803 = arith.constant 0 : i32
          %dma_wait3A_804 = arith.constant 0 : i32
          %dma_wait3A_805 = tpu.memref_slice %arg19[%dma_wait3A_803, %dma_wait3A_804] : memref<10112x16xf32, #tpu.memory_space<vmem_shared>> -> memref<10112x16xf32, #tpu.memory_space<vmem_shared>>
          tpu.wait_indirect_dma semaphore(%arg20 : memref<!tpu.dma_semaphore, #tpu.memory_space<semaphore_mem>>) src(%arg18 : memref<128x16xf32, #tpu.memory_space<vmem>>) dst(%dma_wait3A_805 : memref<10112x16xf32, #tpu.memory_space<vmem_shared>>)
          %dma_wait3A_806 = arith.constant 0 : i32
          %dma_wait3A_807 = arith.constant 5 : i32
          %dma_wait3A_808 = arith.constant 0 : i32
          %dma_wait3A_809 = arith.constant 0 : i32
          %dma_wait3A_810 = tpu.memref_slice %arg8[%dma_wait3A_806, %dma_wait3A_808, %dma_wait3A_809] : memref<2x8x128xi32, #tpu.memory_space<vmem>> -> memref<1x8x128xi32, #tpu.memory_space<vmem>>
          %dma_wait3A_811 = tpu.memref_squeeze %dma_wait3A_810 : memref<1x8x128xi32, #tpu.memory_space<vmem>> -> memref<8x128xi32, #tpu.memory_space<vmem>>
          %dma_wait3A_812 = arith.constant 0 : i32
          %dma_wait3A_813 = tpu.memref_slice %dma_wait3A_811[%dma_wait3A_807, %dma_wait3A_812] : memref<8x128xi32, #tpu.memory_space<vmem>> -> memref<1x128xi32, #tpu.memory_space<vmem>>
          %dma_wait3A_814 = tpu.memref_squeeze %dma_wait3A_813 : memref<1x128xi32, #tpu.memory_space<vmem>> -> memref<128xi32, #tpu.memory_space<vmem>>
          %dma_wait3A_815 = arith.constant 0 : i32
          %dma_wait3A_816 = arith.constant 0 : i32
          %dma_wait3A_817 = tpu.memref_slice %arg19[%dma_wait3A_815, %dma_wait3A_816] : memref<10112x16xf32, #tpu.memory_space<vmem_shared>> -> memref<10112x16xf32, #tpu.memory_space<vmem_shared>>
          tpu.wait_indirect_dma semaphore(%arg20 : memref<!tpu.dma_semaphore, #tpu.memory_space<semaphore_mem>>) src(%arg18 : memref<128x16xf32, #tpu.memory_space<vmem>>) dst(%dma_wait3A_817 : memref<10112x16xf32, #tpu.memory_space<vmem_shared>>)
          %dma_wait3A_818 = arith.constant 0 : i32
          %dma_wait3A_819 = arith.constant 6 : i32
          %dma_wait3A_820 = arith.constant 0 : i32
          %dma_wait3A_821 = arith.constant 0 : i32
          %dma_wait3A_822 = tpu.memref_slice %arg8[%dma_wait3A_818, %dma_wait3A_820, %dma_wait3A_821] : memref<2x8x128xi32, #tpu.memory_space<vmem>> -> memref<1x8x128xi32, #tpu.memory_space<vmem>>
          %dma_wait3A_823 = tpu.memref_squeeze %dma_wait3A_822 : memref<1x8x128xi32, #tpu.memory_space<vmem>> -> memref<8x128xi32, #tpu.memory_space<vmem>>
          %dma_wait3A_824 = arith.constant 0 : i32
          %dma_wait3A_825 = tpu.memref_slice %dma_wait3A_823[%dma_wait3A_819, %dma_wait3A_824] : memref<8x128xi32, #tpu.memory_space<vmem>> -> memref<1x128xi32, #tpu.memory_space<vmem>>
          %dma_wait3A_826 = tpu.memref_squeeze %dma_wait3A_825 : memref<1x128xi32, #tpu.memory_space<vmem>> -> memref<128xi32, #tpu.memory_space<vmem>>
          %dma_wait3A_827 = arith.constant 0 : i32
          %dma_wait3A_828 = arith.constant 0 : i32
          %dma_wait3A_829 = tpu.memref_slice %arg19[%dma_wait3A_827, %dma_wait3A_828] : memref<10112x16xf32, #tpu.memory_space<vmem_shared>> -> memref<10112x16xf32, #tpu.memory_space<vmem_shared>>
          tpu.wait_indirect_dma semaphore(%arg20 : memref<!tpu.dma_semaphore, #tpu.memory_space<semaphore_mem>>) src(%arg18 : memref<128x16xf32, #tpu.memory_space<vmem>>) dst(%dma_wait3A_829 : memref<10112x16xf32, #tpu.memory_space<vmem_shared>>)
          %dma_wait3A_830 = arith.constant 0 : i32
          %dma_wait3A_831 = arith.constant 7 : i32
          %dma_wait3A_832 = arith.constant 0 : i32
          %dma_wait3A_833 = arith.constant 0 : i32
          %dma_wait3A_834 = tpu.memref_slice %arg8[%dma_wait3A_830, %dma_wait3A_832, %dma_wait3A_833] : memref<2x8x128xi32, #tpu.memory_space<vmem>> -> memref<1x8x128xi32, #tpu.memory_space<vmem>>
          %dma_wait3A_835 = tpu.memref_squeeze %dma_wait3A_834 : memref<1x8x128xi32, #tpu.memory_space<vmem>> -> memref<8x128xi32, #tpu.memory_space<vmem>>
          %dma_wait3A_836 = arith.constant 0 : i32
          %dma_wait3A_837 = tpu.memref_slice %dma_wait3A_835[%dma_wait3A_831, %dma_wait3A_836] : memref<8x128xi32, #tpu.memory_space<vmem>> -> memref<1x128xi32, #tpu.memory_space<vmem>>
          %dma_wait3A_838 = tpu.memref_squeeze %dma_wait3A_837 : memref<1x128xi32, #tpu.memory_space<vmem>> -> memref<128xi32, #tpu.memory_space<vmem>>
          %dma_wait3A_839 = arith.constant 0 : i32
          %dma_wait3A_840 = arith.constant 0 : i32
          %dma_wait3A_841 = tpu.memref_slice %arg19[%dma_wait3A_839, %dma_wait3A_840] : memref<10112x16xf32, #tpu.memory_space<vmem_shared>> -> memref<10112x16xf32, #tpu.memory_space<vmem_shared>>
          tpu.wait_indirect_dma semaphore(%arg20 : memref<!tpu.dma_semaphore, #tpu.memory_space<semaphore_mem>>) src(%arg18 : memref<128x16xf32, #tpu.memory_space<vmem>>) dst(%dma_wait3A_841 : memref<10112x16xf32, #tpu.memory_space<vmem_shared>>)
        } else {
        }
        %dma_start3A_299 = arith.constant 1 : i32
        %dma_start3A_300 = arith.constant 0 : i32
        %dma_start3A_301 = arith.constant 0 : i32
        %dma_start3A_302 = arith.constant 0 : i32
        %dma_start3A_303 = tpu.memref_slice %arg7[%dma_start3A_299, %dma_start3A_301, %dma_start3A_302] : memref<2x8x128xi32, #tpu.memory_space<vmem>> -> memref<1x8x128xi32, #tpu.memory_space<vmem>>
        %dma_start3A_304 = tpu.memref_squeeze %dma_start3A_303 : memref<1x8x128xi32, #tpu.memory_space<vmem>> -> memref<8x128xi32, #tpu.memory_space<vmem>>
        %dma_start3A_305 = arith.constant 0 : i32
        %dma_start3A_306 = tpu.memref_slice %dma_start3A_304[%dma_start3A_300, %dma_start3A_305] : memref<8x128xi32, #tpu.memory_space<vmem>> -> memref<1x128xi32, #tpu.memory_space<vmem>>
        %dma_start3A_307 = tpu.memref_squeeze %dma_start3A_306 : memref<1x128xi32, #tpu.memory_space<vmem>> -> memref<128xi32, #tpu.memory_space<vmem>>
        %dma_start3A_308 = arith.constant 0 : i32
        %dma_start3A_309 = arith.constant 0 : i32
        %dma_start3A_310 = tpu.memref_slice %arg2[%dma_start3A_308, %dma_start3A_309] : memref<10000x128xf32, #tpu.memory_space<hbm>> -> memref<10000x128xf32, #tpu.memory_space<hbm>>
        tpu.enqueue_indirect_dma source(%dma_start3A_310 : memref<10000x128xf32, #tpu.memory_space<hbm>>) target(%arg9 : memref<128x128xf32, #tpu.memory_space<vmem>>) offsets(%dma_start3A_307 : memref<128xi32, #tpu.memory_space<vmem>>) semaphore(%arg12 : memref<!tpu.dma_semaphore, #tpu.memory_space<semaphore_mem>>)
        %gt3A_311 = arith.constant 0 : i32
        %gt3A_312 = arith.cmpi sgt, %scan3A_224, %gt3A_311 : i32
        %convert_element_type3A_313 = arith.extui %gt3A_312 : i1 to i32
        %cond3A_314 = arith.constant 0 : i32
        %cond3A_315 = arith.cmpi ne, %convert_element_type3A_313, %cond3A_314 : i32
        scf.if %cond3A_315 {
          %dma_wait3A_746 = arith.constant 0 : i32
          %dma_wait3A_747 = arith.constant 7 : i32
          %dma_wait3A_748 = arith.constant 0 : i32
          %dma_wait3A_749 = arith.constant 0 : i32
          %dma_wait3A_750 = tpu.memref_slice %arg7[%dma_wait3A_746, %dma_wait3A_748, %dma_wait3A_749] : memref<2x8x128xi32, #tpu.memory_space<vmem>> -> memref<1x8x128xi32, #tpu.memory_space<vmem>>
          %dma_wait3A_751 = tpu.memref_squeeze %dma_wait3A_750 : memref<1x8x128xi32, #tpu.memory_space<vmem>> -> memref<8x128xi32, #tpu.memory_space<vmem>>
          %dma_wait3A_752 = arith.constant 0 : i32
          %dma_wait3A_753 = tpu.memref_slice %dma_wait3A_751[%dma_wait3A_747, %dma_wait3A_752] : memref<8x128xi32, #tpu.memory_space<vmem>> -> memref<1x128xi32, #tpu.memory_space<vmem>>
          %dma_wait3A_754 = tpu.memref_squeeze %dma_wait3A_753 : memref<1x128xi32, #tpu.memory_space<vmem>> -> memref<128xi32, #tpu.memory_space<vmem>>
          %dma_wait3A_755 = arith.constant 0 : i32
          %dma_wait3A_756 = arith.constant 0 : i32
          %dma_wait3A_757 = tpu.memref_slice %arg2[%dma_wait3A_755, %dma_wait3A_756] : memref<10000x128xf32, #tpu.memory_space<hbm>> -> memref<10000x128xf32, #tpu.memory_space<hbm>>
          tpu.wait_indirect_dma semaphore(%arg13 : memref<!tpu.dma_semaphore, #tpu.memory_space<semaphore_mem>>) src(%dma_wait3A_757 : memref<10000x128xf32, #tpu.memory_space<hbm>>) dst(%arg10 : memref<128x128xf32, #tpu.memory_space<vmem>>)
          %dma_start3A_758 = arith.constant 0 : i32
          %dma_start3A_759 = arith.constant 7 : i32
          %dma_start3A_760 = arith.constant 0 : i32
          %dma_start3A_761 = arith.constant 0 : i32
          %dma_start3A_762 = tpu.memref_slice %arg8[%dma_start3A_758, %dma_start3A_760, %dma_start3A_761] : memref<2x8x128xi32, #tpu.memory_space<vmem>> -> memref<1x8x128xi32, #tpu.memory_space<vmem>>
          %dma_start3A_763 = tpu.memref_squeeze %dma_start3A_762 : memref<1x8x128xi32, #tpu.memory_space<vmem>> -> memref<8x128xi32, #tpu.memory_space<vmem>>
          %dma_start3A_764 = arith.constant 0 : i32
          %dma_start3A_765 = tpu.memref_slice %dma_start3A_763[%dma_start3A_759, %dma_start3A_764] : memref<8x128xi32, #tpu.memory_space<vmem>> -> memref<1x128xi32, #tpu.memory_space<vmem>>
          %dma_start3A_766 = tpu.memref_squeeze %dma_start3A_765 : memref<1x128xi32, #tpu.memory_space<vmem>> -> memref<128xi32, #tpu.memory_space<vmem>>
          %dma_start3A_767 = arith.constant 0 : i32
          %dma_start3A_768 = arith.constant 0 : i32
          %dma_start3A_769 = tpu.memref_slice %arg11[%dma_start3A_767, %dma_start3A_768] : memref<10112x128xf32, #tpu.memory_space<vmem_shared>> -> memref<10112x128xf32, #tpu.memory_space<vmem_shared>>
          tpu.enqueue_indirect_dma source(%arg10 : memref<128x128xf32, #tpu.memory_space<vmem>>) target(%dma_start3A_769 : memref<10112x128xf32, #tpu.memory_space<vmem_shared>>) offsets(%dma_start3A_766 : memref<128xi32, #tpu.memory_space<vmem>>) semaphore(%arg15 : memref<!tpu.dma_semaphore, #tpu.memory_space<semaphore_mem>>) {add = true}
        } else {
        }
        %dma_start3A_316 = arith.constant 1 : i32
        %dma_start3A_317 = arith.constant 0 : i32
        %dma_start3A_318 = arith.constant 0 : i32
        %dma_start3A_319 = arith.constant 0 : i32
        %dma_start3A_320 = tpu.memref_slice %arg8[%dma_start3A_316, %dma_start3A_318, %dma_start3A_319] : memref<2x8x128xi32, #tpu.memory_space<vmem>> -> memref<1x8x128xi32, #tpu.memory_space<vmem>>
        %dma_start3A_321 = tpu.memref_squeeze %dma_start3A_320 : memref<1x8x128xi32, #tpu.memory_space<vmem>> -> memref<8x128xi32, #tpu.memory_space<vmem>>
        %dma_start3A_322 = arith.constant 0 : i32
        %dma_start3A_323 = tpu.memref_slice %dma_start3A_321[%dma_start3A_317, %dma_start3A_322] : memref<8x128xi32, #tpu.memory_space<vmem>> -> memref<1x128xi32, #tpu.memory_space<vmem>>
        %dma_start3A_324 = tpu.memref_squeeze %dma_start3A_323 : memref<1x128xi32, #tpu.memory_space<vmem>> -> memref<128xi32, #tpu.memory_space<vmem>>
        %dma_start3A_325 = arith.constant 0 : i32
        %dma_start3A_326 = arith.constant 0 : i32
        %dma_start3A_327 = tpu.memref_slice %arg19[%dma_start3A_325, %dma_start3A_326] : memref<10112x16xf32, #tpu.memory_space<vmem_shared>> -> memref<10112x16xf32, #tpu.memory_space<vmem_shared>>
        tpu.enqueue_indirect_dma source(%arg18 : memref<128x16xf32, #tpu.memory_space<vmem>>) target(%dma_start3A_327 : memref<10112x16xf32, #tpu.memory_space<vmem_shared>>) offsets(%dma_start3A_324 : memref<128xi32, #tpu.memory_space<vmem>>) semaphore(%arg20 : memref<!tpu.dma_semaphore, #tpu.memory_space<semaphore_mem>>) {add = true}
        %gt3A_328 = arith.constant 0 : i32
        %gt3A_329 = arith.cmpi sgt, %scan3A_224, %gt3A_328 : i32
        %convert_element_type3A_330 = arith.extui %gt3A_329 : i1 to i32
        %cond3A_331 = arith.constant 0 : i32
        %cond3A_332 = arith.cmpi ne, %convert_element_type3A_330, %cond3A_331 : i32
        scf.if %cond3A_332 {
          %dma_wait3A_746 = arith.constant 1 : i32
          %dma_wait3A_747 = arith.constant 1 : i32
          %dma_wait3A_748 = arith.constant 0 : i32
          %dma_wait3A_749 = arith.constant 0 : i32
          %dma_wait3A_750 = tpu.memref_slice %arg8[%dma_wait3A_746, %dma_wait3A_748, %dma_wait3A_749] : memref<2x8x128xi32, #tpu.memory_space<vmem>> -> memref<1x8x128xi32, #tpu.memory_space<vmem>>
          %dma_wait3A_751 = tpu.memref_squeeze %dma_wait3A_750 : memref<1x8x128xi32, #tpu.memory_space<vmem>> -> memref<8x128xi32, #tpu.memory_space<vmem>>
          %dma_wait3A_752 = arith.constant 0 : i32
          %dma_wait3A_753 = tpu.memref_slice %dma_wait3A_751[%dma_wait3A_747, %dma_wait3A_752] : memref<8x128xi32, #tpu.memory_space<vmem>> -> memref<1x128xi32, #tpu.memory_space<vmem>>
          %dma_wait3A_754 = tpu.memref_squeeze %dma_wait3A_753 : memref<1x128xi32, #tpu.memory_space<vmem>> -> memref<128xi32, #tpu.memory_space<vmem>>
          %dma_wait3A_755 = arith.constant 0 : i32
          %dma_wait3A_756 = arith.constant 0 : i32
          %dma_wait3A_757 = tpu.memref_slice %arg11[%dma_wait3A_755, %dma_wait3A_756] : memref<10112x128xf32, #tpu.memory_space<vmem_shared>> -> memref<10112x128xf32, #tpu.memory_space<vmem_shared>>
          tpu.wait_indirect_dma semaphore(%arg15 : memref<!tpu.dma_semaphore, #tpu.memory_space<semaphore_mem>>) src(%arg10 : memref<128x128xf32, #tpu.memory_space<vmem>>) dst(%dma_wait3A_757 : memref<10112x128xf32, #tpu.memory_space<vmem_shared>>)
        } else {
        }
        %dma_start3A_333 = arith.constant 1 : i32
        %dma_start3A_334 = arith.constant 1 : i32
        %dma_start3A_335 = arith.constant 0 : i32
        %dma_start3A_336 = arith.constant 0 : i32
        %dma_start3A_337 = tpu.memref_slice %arg7[%dma_start3A_333, %dma_start3A_335, %dma_start3A_336] : memref<2x8x128xi32, #tpu.memory_space<vmem>> -> memref<1x8x128xi32, #tpu.memory_space<vmem>>
        %dma_start3A_338 = tpu.memref_squeeze %dma_start3A_337 : memref<1x8x128xi32, #tpu.memory_space<vmem>> -> memref<8x128xi32, #tpu.memory_space<vmem>>
        %dma_start3A_339 = arith.constant 0 : i32
        %dma_start3A_340 = tpu.memref_slice %dma_start3A_338[%dma_start3A_334, %dma_start3A_339] : memref<8x128xi32, #tpu.memory_space<vmem>> -> memref<1x128xi32, #tpu.memory_space<vmem>>
        %dma_start3A_341 = tpu.memref_squeeze %dma_start3A_340 : memref<1x128xi32, #tpu.memory_space<vmem>> -> memref<128xi32, #tpu.memory_space<vmem>>
        %dma_start3A_342 = arith.constant 0 : i32
        %dma_start3A_343 = arith.constant 0 : i32
        %dma_start3A_344 = tpu.memref_slice %arg2[%dma_start3A_342, %dma_start3A_343] : memref<10000x128xf32, #tpu.memory_space<hbm>> -> memref<10000x128xf32, #tpu.memory_space<hbm>>
        tpu.enqueue_indirect_dma source(%dma_start3A_344 : memref<10000x128xf32, #tpu.memory_space<hbm>>) target(%arg10 : memref<128x128xf32, #tpu.memory_space<vmem>>) offsets(%dma_start3A_341 : memref<128xi32, #tpu.memory_space<vmem>>) semaphore(%arg13 : memref<!tpu.dma_semaphore, #tpu.memory_space<semaphore_mem>>)
        %dma_wait3A_345 = arith.constant 1 : i32
        %dma_wait3A_346 = arith.constant 0 : i32
        %dma_wait3A_347 = arith.constant 0 : i32
        %dma_wait3A_348 = arith.constant 0 : i32
        %dma_wait3A_349 = tpu.memref_slice %arg7[%dma_wait3A_345, %dma_wait3A_347, %dma_wait3A_348] : memref<2x8x128xi32, #tpu.memory_space<vmem>> -> memref<1x8x128xi32, #tpu.memory_space<vmem>>
        %dma_wait3A_350 = tpu.memref_squeeze %dma_wait3A_349 : memref<1x8x128xi32, #tpu.memory_space<vmem>> -> memref<8x128xi32, #tpu.memory_space<vmem>>
        %dma_wait3A_351 = arith.constant 0 : i32
        %dma_wait3A_352 = tpu.memref_slice %dma_wait3A_350[%dma_wait3A_346, %dma_wait3A_351] : memref<8x128xi32, #tpu.memory_space<vmem>> -> memref<1x128xi32, #tpu.memory_space<vmem>>
        %dma_wait3A_353 = tpu.memref_squeeze %dma_wait3A_352 : memref<1x128xi32, #tpu.memory_space<vmem>> -> memref<128xi32, #tpu.memory_space<vmem>>
        %dma_wait3A_354 = arith.constant 0 : i32
        %dma_wait3A_355 = arith.constant 0 : i32
        %dma_wait3A_356 = tpu.memref_slice %arg2[%dma_wait3A_354, %dma_wait3A_355] : memref<10000x128xf32, #tpu.memory_space<hbm>> -> memref<10000x128xf32, #tpu.memory_space<hbm>>
        tpu.wait_indirect_dma semaphore(%arg12 : memref<!tpu.dma_semaphore, #tpu.memory_space<semaphore_mem>>) src(%dma_wait3A_356 : memref<10000x128xf32, #tpu.memory_space<hbm>>) dst(%arg9 : memref<128x128xf32, #tpu.memory_space<vmem>>)
        %dma_start3A_357 = arith.constant 1 : i32
        %dma_start3A_358 = arith.constant 0 : i32
        %dma_start3A_359 = arith.constant 0 : i32
        %dma_start3A_360 = arith.constant 0 : i32
        %dma_start3A_361 = tpu.memref_slice %arg8[%dma_start3A_357, %dma_start3A_359, %dma_start3A_360] : memref<2x8x128xi32, #tpu.memory_space<vmem>> -> memref<1x8x128xi32, #tpu.memory_space<vmem>>
        %dma_start3A_362 = tpu.memref_squeeze %dma_start3A_361 : memref<1x8x128xi32, #tpu.memory_space<vmem>> -> memref<8x128xi32, #tpu.memory_space<vmem>>
        %dma_start3A_363 = arith.constant 0 : i32
        %dma_start3A_364 = tpu.memref_slice %dma_start3A_362[%dma_start3A_358, %dma_start3A_363] : memref<8x128xi32, #tpu.memory_space<vmem>> -> memref<1x128xi32, #tpu.memory_space<vmem>>
        %dma_start3A_365 = tpu.memref_squeeze %dma_start3A_364 : memref<1x128xi32, #tpu.memory_space<vmem>> -> memref<128xi32, #tpu.memory_space<vmem>>
        %dma_start3A_366 = arith.constant 0 : i32
        %dma_start3A_367 = arith.constant 0 : i32
        %dma_start3A_368 = tpu.memref_slice %arg11[%dma_start3A_366, %dma_start3A_367] : memref<10112x128xf32, #tpu.memory_space<vmem_shared>> -> memref<10112x128xf32, #tpu.memory_space<vmem_shared>>
        tpu.enqueue_indirect_dma source(%arg9 : memref<128x128xf32, #tpu.memory_space<vmem>>) target(%dma_start3A_368 : memref<10112x128xf32, #tpu.memory_space<vmem_shared>>) offsets(%dma_start3A_365 : memref<128xi32, #tpu.memory_space<vmem>>) semaphore(%arg14 : memref<!tpu.dma_semaphore, #tpu.memory_space<semaphore_mem>>) {add = true}
        %dma_start3A_369 = arith.constant 1 : i32
        %dma_start3A_370 = arith.constant 1 : i32
        %dma_start3A_371 = arith.constant 0 : i32
        %dma_start3A_372 = arith.constant 0 : i32
        %dma_start3A_373 = tpu.memref_slice %arg8[%dma_start3A_369, %dma_start3A_371, %dma_start3A_372] : memref<2x8x128xi32, #tpu.memory_space<vmem>> -> memref<1x8x128xi32, #tpu.memory_space<vmem>>
        %dma_start3A_374 = tpu.memref_squeeze %dma_start3A_373 : memref<1x8x128xi32, #tpu.memory_space<vmem>> -> memref<8x128xi32, #tpu.memory_space<vmem>>
        %dma_start3A_375 = arith.constant 0 : i32
        %dma_start3A_376 = tpu.memref_slice %dma_start3A_374[%dma_start3A_370, %dma_start3A_375] : memref<8x128xi32, #tpu.memory_space<vmem>> -> memref<1x128xi32, #tpu.memory_space<vmem>>
        %dma_start3A_377 = tpu.memref_squeeze %dma_start3A_376 : memref<1x128xi32, #tpu.memory_space<vmem>> -> memref<128xi32, #tpu.memory_space<vmem>>
        %dma_start3A_378 = arith.constant 0 : i32
        %dma_start3A_379 = arith.constant 0 : i32
        %dma_start3A_380 = tpu.memref_slice %arg19[%dma_start3A_378, %dma_start3A_379] : memref<10112x16xf32, #tpu.memory_space<vmem_shared>> -> memref<10112x16xf32, #tpu.memory_space<vmem_shared>>
        tpu.enqueue_indirect_dma source(%arg18 : memref<128x16xf32, #tpu.memory_space<vmem>>) target(%dma_start3A_380 : memref<10112x16xf32, #tpu.memory_space<vmem_shared>>) offsets(%dma_start3A_377 : memref<128xi32, #tpu.memory_space<vmem>>) semaphore(%arg20 : memref<!tpu.dma_semaphore, #tpu.memory_space<semaphore_mem>>) {add = true}
        %lt3A_381 = arith.constant 9 : i32
        %lt3A_382 = arith.cmpi slt, %scan3A_224, %lt3A_381 : i32
        %convert_element_type3A_383 = arith.extui %lt3A_382 : i1 to i32
        %cond3A_384 = arith.constant 0 : i32
        %cond3A_385 = arith.cmpi ne, %convert_element_type3A_383, %cond3A_384 : i32
        scf.if %cond3A_385 {
          %add3A_746 = arith.constant 1 : i32
          %add3A_747 = arith.addi %scan3A_224, %add3A_746 : i32
          %mul3A_748 = arith.constant 8 : i32
          %mul3A_749 = arith.muli %add3A_747, %mul3A_748 : i32
          %add3A_750 = arith.addi %mul3A_2, %mul3A_749 : i32
          %dma_start3A_751 = arith.constant 0 : i32
          %dma_start3A_752 = arith.constant 0 : i32
          %dma_start3A_753 = arith.constant 0 : i32
          %dma_start3A_754 = tpu.memref_slice %arg7[%dma_start3A_751, %dma_start3A_752, %dma_start3A_753] : memref<2x8x128xi32, #tpu.memory_space<vmem>> -> memref<1x8x128xi32, #tpu.memory_space<vmem>>
          %dma_start3A_755 = tpu.memref_squeeze %dma_start3A_754 : memref<1x8x128xi32, #tpu.memory_space<vmem>> -> memref<8x128xi32, #tpu.memory_space<vmem>>
          %dma_start3A_756 = arith.constant 0 : i32
          %dma_start3A_757 = tpu.memref_slice %arg3[%add3A_750, %dma_start3A_756] : memref<2560x128xi32, #tpu.memory_space<hbm>> -> memref<8x128xi32, #tpu.memory_space<hbm>>
          %dma_start3A_758 = arith.constant 0 : i32
          %dma_start3A_759 = arith.constant 0 : i32
          %dma_start3A_760 = tpu.memref_slice %arg7[%dma_start3A_751, %dma_start3A_758, %dma_start3A_759] : memref<2x8x128xi32, #tpu.memory_space<vmem>> -> memref<1x8x128xi32, #tpu.memory_space<vmem>>
          %dma_start3A_761 = tpu.memref_squeeze %dma_start3A_760 : memref<1x8x128xi32, #tpu.memory_space<vmem>> -> memref<8x128xi32, #tpu.memory_space<vmem>>
          %dma_start3A_762 = arith.constant 0 : i32
          %dma_start3A_763 = tpu.memref_slice %arg3[%add3A_750, %dma_start3A_762] : memref<2560x128xi32, #tpu.memory_space<hbm>> -> memref<8x128xi32, #tpu.memory_space<hbm>>
          tpu.enqueue_dma source(%dma_start3A_763 : memref<8x128xi32, #tpu.memory_space<hbm>>) target(%dma_start3A_761 : memref<8x128xi32, #tpu.memory_space<vmem>>) target_semaphore(%arg16 : memref<!tpu.dma_semaphore, #tpu.memory_space<semaphore_mem>>)
          %add3A_764 = arith.constant 1 : i32
          %add3A_765 = arith.addi %scan3A_224, %add3A_764 : i32
          %mul3A_766 = arith.constant 8 : i32
          %mul3A_767 = arith.muli %add3A_765, %mul3A_766 : i32
          %add3A_768 = arith.addi %mul3A_2, %mul3A_767 : i32
          %dma_start3A_769 = arith.constant 0 : i32
          %dma_start3A_770 = arith.constant 0 : i32
          %dma_start3A_771 = arith.constant 0 : i32
          %dma_start3A_772 = tpu.memref_slice %arg8[%dma_start3A_769, %dma_start3A_770, %dma_start3A_771] : memref<2x8x128xi32, #tpu.memory_space<vmem>> -> memref<1x8x128xi32, #tpu.memory_space<vmem>>
          %dma_start3A_773 = tpu.memref_squeeze %dma_start3A_772 : memref<1x8x128xi32, #tpu.memory_space<vmem>> -> memref<8x128xi32, #tpu.memory_space<vmem>>
          %dma_start3A_774 = arith.constant 0 : i32
          %dma_start3A_775 = tpu.memref_slice %arg4[%add3A_768, %dma_start3A_774] : memref<2560x128xi32, #tpu.memory_space<hbm>> -> memref<8x128xi32, #tpu.memory_space<hbm>>
          %dma_start3A_776 = arith.constant 0 : i32
          %dma_start3A_777 = arith.constant 0 : i32
          %dma_start3A_778 = tpu.memref_slice %arg8[%dma_start3A_769, %dma_start3A_776, %dma_start3A_777] : memref<2x8x128xi32, #tpu.memory_space<vmem>> -> memref<1x8x128xi32, #tpu.memory_space<vmem>>
          %dma_start3A_779 = tpu.memref_squeeze %dma_start3A_778 : memref<1x8x128xi32, #tpu.memory_space<vmem>> -> memref<8x128xi32, #tpu.memory_space<vmem>>
          %dma_start3A_780 = arith.constant 0 : i32
          %dma_start3A_781 = tpu.memref_slice %arg4[%add3A_768, %dma_start3A_780] : memref<2560x128xi32, #tpu.memory_space<hbm>> -> memref<8x128xi32, #tpu.memory_space<hbm>>
          tpu.enqueue_dma source(%dma_start3A_781 : memref<8x128xi32, #tpu.memory_space<hbm>>) target(%dma_start3A_779 : memref<8x128xi32, #tpu.memory_space<vmem>>) target_semaphore(%arg16 : memref<!tpu.dma_semaphore, #tpu.memory_space<semaphore_mem>>)
        } else {
        }
        %dma_wait3A_386 = arith.constant 1 : i32
        %dma_wait3A_387 = arith.constant 2 : i32
        %dma_wait3A_388 = arith.constant 0 : i32
        %dma_wait3A_389 = arith.constant 0 : i32
        %dma_wait3A_390 = tpu.memref_slice %arg8[%dma_wait3A_386, %dma_wait3A_388, %dma_wait3A_389] : memref<2x8x128xi32, #tpu.memory_space<vmem>> -> memref<1x8x128xi32, #tpu.memory_space<vmem>>
        %dma_wait3A_391 = tpu.memref_squeeze %dma_wait3A_390 : memref<1x8x128xi32, #tpu.memory_space<vmem>> -> memref<8x128xi32, #tpu.memory_space<vmem>>
        %dma_wait3A_392 = arith.constant 0 : i32
        %dma_wait3A_393 = tpu.memref_slice %dma_wait3A_391[%dma_wait3A_387, %dma_wait3A_392] : memref<8x128xi32, #tpu.memory_space<vmem>> -> memref<1x128xi32, #tpu.memory_space<vmem>>
        %dma_wait3A_394 = tpu.memref_squeeze %dma_wait3A_393 : memref<1x128xi32, #tpu.memory_space<vmem>> -> memref<128xi32, #tpu.memory_space<vmem>>
        %dma_wait3A_395 = arith.constant 0 : i32
        %dma_wait3A_396 = arith.constant 0 : i32
        %dma_wait3A_397 = tpu.memref_slice %arg11[%dma_wait3A_395, %dma_wait3A_396] : memref<10112x128xf32, #tpu.memory_space<vmem_shared>> -> memref<10112x128xf32, #tpu.memory_space<vmem_shared>>
        tpu.wait_indirect_dma semaphore(%arg14 : memref<!tpu.dma_semaphore, #tpu.memory_space<semaphore_mem>>) src(%arg9 : memref<128x128xf32, #tpu.memory_space<vmem>>) dst(%dma_wait3A_397 : memref<10112x128xf32, #tpu.memory_space<vmem_shared>>)
        %dma_start3A_398 = arith.constant 1 : i32
        %dma_start3A_399 = arith.constant 2 : i32
        %dma_start3A_400 = arith.constant 0 : i32
        %dma_start3A_401 = arith.constant 0 : i32
        %dma_start3A_402 = tpu.memref_slice %arg7[%dma_start3A_398, %dma_start3A_400, %dma_start3A_401] : memref<2x8x128xi32, #tpu.memory_space<vmem>> -> memref<1x8x128xi32, #tpu.memory_space<vmem>>
        %dma_start3A_403 = tpu.memref_squeeze %dma_start3A_402 : memref<1x8x128xi32, #tpu.memory_space<vmem>> -> memref<8x128xi32, #tpu.memory_space<vmem>>
        %dma_start3A_404 = arith.constant 0 : i32
        %dma_start3A_405 = tpu.memref_slice %dma_start3A_403[%dma_start3A_399, %dma_start3A_404] : memref<8x128xi32, #tpu.memory_space<vmem>> -> memref<1x128xi32, #tpu.memory_space<vmem>>
        %dma_start3A_406 = tpu.memref_squeeze %dma_start3A_405 : memref<1x128xi32, #tpu.memory_space<vmem>> -> memref<128xi32, #tpu.memory_space<vmem>>
        %dma_start3A_407 = arith.constant 0 : i32
        %dma_start3A_408 = arith.constant 0 : i32
        %dma_start3A_409 = tpu.memref_slice %arg2[%dma_start3A_407, %dma_start3A_408] : memref<10000x128xf32, #tpu.memory_space<hbm>> -> memref<10000x128xf32, #tpu.memory_space<hbm>>
        tpu.enqueue_indirect_dma source(%dma_start3A_409 : memref<10000x128xf32, #tpu.memory_space<hbm>>) target(%arg9 : memref<128x128xf32, #tpu.memory_space<vmem>>) offsets(%dma_start3A_406 : memref<128xi32, #tpu.memory_space<vmem>>) semaphore(%arg12 : memref<!tpu.dma_semaphore, #tpu.memory_space<semaphore_mem>>)
        %dma_wait3A_410 = arith.constant 1 : i32
        %dma_wait3A_411 = arith.constant 1 : i32
        %dma_wait3A_412 = arith.constant 0 : i32
        %dma_wait3A_413 = arith.constant 0 : i32
        %dma_wait3A_414 = tpu.memref_slice %arg7[%dma_wait3A_410, %dma_wait3A_412, %dma_wait3A_413] : memref<2x8x128xi32, #tpu.memory_space<vmem>> -> memref<1x8x128xi32, #tpu.memory_space<vmem>>
        %dma_wait3A_415 = tpu.memref_squeeze %dma_wait3A_414 : memref<1x8x128xi32, #tpu.memory_space<vmem>> -> memref<8x128xi32, #tpu.memory_space<vmem>>
        %dma_wait3A_416 = arith.constant 0 : i32
        %dma_wait3A_417 = tpu.memref_slice %dma_wait3A_415[%dma_wait3A_411, %dma_wait3A_416] : memref<8x128xi32, #tpu.memory_space<vmem>> -> memref<1x128xi32, #tpu.memory_space<vmem>>
        %dma_wait3A_418 = tpu.memref_squeeze %dma_wait3A_417 : memref<1x128xi32, #tpu.memory_space<vmem>> -> memref<128xi32, #tpu.memory_space<vmem>>
        %dma_wait3A_419 = arith.constant 0 : i32
        %dma_wait3A_420 = arith.constant 0 : i32
        %dma_wait3A_421 = tpu.memref_slice %arg2[%dma_wait3A_419, %dma_wait3A_420] : memref<10000x128xf32, #tpu.memory_space<hbm>> -> memref<10000x128xf32, #tpu.memory_space<hbm>>
        tpu.wait_indirect_dma semaphore(%arg13 : memref<!tpu.dma_semaphore, #tpu.memory_space<semaphore_mem>>) src(%dma_wait3A_421 : memref<10000x128xf32, #tpu.memory_space<hbm>>) dst(%arg10 : memref<128x128xf32, #tpu.memory_space<vmem>>)
        %dma_start3A_422 = arith.constant 1 : i32
        %dma_start3A_423 = arith.constant 1 : i32
        %dma_start3A_424 = arith.constant 0 : i32
        %dma_start3A_425 = arith.constant 0 : i32
        %dma_start3A_426 = tpu.memref_slice %arg8[%dma_start3A_422, %dma_start3A_424, %dma_start3A_425] : memref<2x8x128xi32, #tpu.memory_space<vmem>> -> memref<1x8x128xi32, #tpu.memory_space<vmem>>
        %dma_start3A_427 = tpu.memref_squeeze %dma_start3A_426 : memref<1x8x128xi32, #tpu.memory_space<vmem>> -> memref<8x128xi32, #tpu.memory_space<vmem>>
        %dma_start3A_428 = arith.constant 0 : i32
        %dma_start3A_429 = tpu.memref_slice %dma_start3A_427[%dma_start3A_423, %dma_start3A_428] : memref<8x128xi32, #tpu.memory_space<vmem>> -> memref<1x128xi32, #tpu.memory_space<vmem>>
        %dma_start3A_430 = tpu.memref_squeeze %dma_start3A_429 : memref<1x128xi32, #tpu.memory_space<vmem>> -> memref<128xi32, #tpu.memory_space<vmem>>
        %dma_start3A_431 = arith.constant 0 : i32
        %dma_start3A_432 = arith.constant 0 : i32
        %dma_start3A_433 = tpu.memref_slice %arg11[%dma_start3A_431, %dma_start3A_432] : memref<10112x128xf32, #tpu.memory_space<vmem_shared>> -> memref<10112x128xf32, #tpu.memory_space<vmem_shared>>
        tpu.enqueue_indirect_dma source(%arg10 : memref<128x128xf32, #tpu.memory_space<vmem>>) target(%dma_start3A_433 : memref<10112x128xf32, #tpu.memory_space<vmem_shared>>) offsets(%dma_start3A_430 : memref<128xi32, #tpu.memory_space<vmem>>) semaphore(%arg15 : memref<!tpu.dma_semaphore, #tpu.memory_space<semaphore_mem>>) {add = true}
        %dma_start3A_434 = arith.constant 1 : i32
        %dma_start3A_435 = arith.constant 2 : i32
        %dma_start3A_436 = arith.constant 0 : i32
        %dma_start3A_437 = arith.constant 0 : i32
        %dma_start3A_438 = tpu.memref_slice %arg8[%dma_start3A_434, %dma_start3A_436, %dma_start3A_437] : memref<2x8x128xi32, #tpu.memory_space<vmem>> -> memref<1x8x128xi32, #tpu.memory_space<vmem>>
        %dma_start3A_439 = tpu.memref_squeeze %dma_start3A_438 : memref<1x8x128xi32, #tpu.memory_space<vmem>> -> memref<8x128xi32, #tpu.memory_space<vmem>>
        %dma_start3A_440 = arith.constant 0 : i32
        %dma_start3A_441 = tpu.memref_slice %dma_start3A_439[%dma_start3A_435, %dma_start3A_440] : memref<8x128xi32, #tpu.memory_space<vmem>> -> memref<1x128xi32, #tpu.memory_space<vmem>>
        %dma_start3A_442 = tpu.memref_squeeze %dma_start3A_441 : memref<1x128xi32, #tpu.memory_space<vmem>> -> memref<128xi32, #tpu.memory_space<vmem>>
        %dma_start3A_443 = arith.constant 0 : i32
        %dma_start3A_444 = arith.constant 0 : i32
        %dma_start3A_445 = tpu.memref_slice %arg19[%dma_start3A_443, %dma_start3A_444] : memref<10112x16xf32, #tpu.memory_space<vmem_shared>> -> memref<10112x16xf32, #tpu.memory_space<vmem_shared>>
        tpu.enqueue_indirect_dma source(%arg18 : memref<128x16xf32, #tpu.memory_space<vmem>>) target(%dma_start3A_445 : memref<10112x16xf32, #tpu.memory_space<vmem_shared>>) offsets(%dma_start3A_442 : memref<128xi32, #tpu.memory_space<vmem>>) semaphore(%arg20 : memref<!tpu.dma_semaphore, #tpu.memory_space<semaphore_mem>>) {add = true}
        %dma_wait3A_446 = arith.constant 1 : i32
        %dma_wait3A_447 = arith.constant 3 : i32
        %dma_wait3A_448 = arith.constant 0 : i32
        %dma_wait3A_449 = arith.constant 0 : i32
        %dma_wait3A_450 = tpu.memref_slice %arg8[%dma_wait3A_446, %dma_wait3A_448, %dma_wait3A_449] : memref<2x8x128xi32, #tpu.memory_space<vmem>> -> memref<1x8x128xi32, #tpu.memory_space<vmem>>
        %dma_wait3A_451 = tpu.memref_squeeze %dma_wait3A_450 : memref<1x8x128xi32, #tpu.memory_space<vmem>> -> memref<8x128xi32, #tpu.memory_space<vmem>>
        %dma_wait3A_452 = arith.constant 0 : i32
        %dma_wait3A_453 = tpu.memref_slice %dma_wait3A_451[%dma_wait3A_447, %dma_wait3A_452] : memref<8x128xi32, #tpu.memory_space<vmem>> -> memref<1x128xi32, #tpu.memory_space<vmem>>
        %dma_wait3A_454 = tpu.memref_squeeze %dma_wait3A_453 : memref<1x128xi32, #tpu.memory_space<vmem>> -> memref<128xi32, #tpu.memory_space<vmem>>
        %dma_wait3A_455 = arith.constant 0 : i32
        %dma_wait3A_456 = arith.constant 0 : i32
        %dma_wait3A_457 = tpu.memref_slice %arg11[%dma_wait3A_455, %dma_wait3A_456] : memref<10112x128xf32, #tpu.memory_space<vmem_shared>> -> memref<10112x128xf32, #tpu.memory_space<vmem_shared>>
        tpu.wait_indirect_dma semaphore(%arg15 : memref<!tpu.dma_semaphore, #tpu.memory_space<semaphore_mem>>) src(%arg10 : memref<128x128xf32, #tpu.memory_space<vmem>>) dst(%dma_wait3A_457 : memref<10112x128xf32, #tpu.memory_space<vmem_shared>>)
        %dma_start3A_458 = arith.constant 1 : i32
        %dma_start3A_459 = arith.constant 3 : i32
        %dma_start3A_460 = arith.constant 0 : i32
        %dma_start3A_461 = arith.constant 0 : i32
        %dma_start3A_462 = tpu.memref_slice %arg7[%dma_start3A_458, %dma_start3A_460, %dma_start3A_461] : memref<2x8x128xi32, #tpu.memory_space<vmem>> -> memref<1x8x128xi32, #tpu.memory_space<vmem>>
        %dma_start3A_463 = tpu.memref_squeeze %dma_start3A_462 : memref<1x8x128xi32, #tpu.memory_space<vmem>> -> memref<8x128xi32, #tpu.memory_space<vmem>>
        %dma_start3A_464 = arith.constant 0 : i32
        %dma_start3A_465 = tpu.memref_slice %dma_start3A_463[%dma_start3A_459, %dma_start3A_464] : memref<8x128xi32, #tpu.memory_space<vmem>> -> memref<1x128xi32, #tpu.memory_space<vmem>>
        %dma_start3A_466 = tpu.memref_squeeze %dma_start3A_465 : memref<1x128xi32, #tpu.memory_space<vmem>> -> memref<128xi32, #tpu.memory_space<vmem>>
        %dma_start3A_467 = arith.constant 0 : i32
        %dma_start3A_468 = arith.constant 0 : i32
        %dma_start3A_469 = tpu.memref_slice %arg2[%dma_start3A_467, %dma_start3A_468] : memref<10000x128xf32, #tpu.memory_space<hbm>> -> memref<10000x128xf32, #tpu.memory_space<hbm>>
        tpu.enqueue_indirect_dma source(%dma_start3A_469 : memref<10000x128xf32, #tpu.memory_space<hbm>>) target(%arg10 : memref<128x128xf32, #tpu.memory_space<vmem>>) offsets(%dma_start3A_466 : memref<128xi32, #tpu.memory_space<vmem>>) semaphore(%arg13 : memref<!tpu.dma_semaphore, #tpu.memory_space<semaphore_mem>>)
        %dma_wait3A_470 = arith.constant 1 : i32
        %dma_wait3A_471 = arith.constant 2 : i32
        %dma_wait3A_472 = arith.constant 0 : i32
        %dma_wait3A_473 = arith.constant 0 : i32
        %dma_wait3A_474 = tpu.memref_slice %arg7[%dma_wait3A_470, %dma_wait3A_472, %dma_wait3A_473] : memref<2x8x128xi32, #tpu.memory_space<vmem>> -> memref<1x8x128xi32, #tpu.memory_space<vmem>>
        %dma_wait3A_475 = tpu.memref_squeeze %dma_wait3A_474 : memref<1x8x128xi32, #tpu.memory_space<vmem>> -> memref<8x128xi32, #tpu.memory_space<vmem>>
        %dma_wait3A_476 = arith.constant 0 : i32
        %dma_wait3A_477 = tpu.memref_slice %dma_wait3A_475[%dma_wait3A_471, %dma_wait3A_476] : memref<8x128xi32, #tpu.memory_space<vmem>> -> memref<1x128xi32, #tpu.memory_space<vmem>>
        %dma_wait3A_478 = tpu.memref_squeeze %dma_wait3A_477 : memref<1x128xi32, #tpu.memory_space<vmem>> -> memref<128xi32, #tpu.memory_space<vmem>>
        %dma_wait3A_479 = arith.constant 0 : i32
        %dma_wait3A_480 = arith.constant 0 : i32
        %dma_wait3A_481 = tpu.memref_slice %arg2[%dma_wait3A_479, %dma_wait3A_480] : memref<10000x128xf32, #tpu.memory_space<hbm>> -> memref<10000x128xf32, #tpu.memory_space<hbm>>
        tpu.wait_indirect_dma semaphore(%arg12 : memref<!tpu.dma_semaphore, #tpu.memory_space<semaphore_mem>>) src(%dma_wait3A_481 : memref<10000x128xf32, #tpu.memory_space<hbm>>) dst(%arg9 : memref<128x128xf32, #tpu.memory_space<vmem>>)
        %dma_start3A_482 = arith.constant 1 : i32
        %dma_start3A_483 = arith.constant 2 : i32
        %dma_start3A_484 = arith.constant 0 : i32
        %dma_start3A_485 = arith.constant 0 : i32
        %dma_start3A_486 = tpu.memref_slice %arg8[%dma_start3A_482, %dma_start3A_484, %dma_start3A_485] : memref<2x8x128xi32, #tpu.memory_space<vmem>> -> memref<1x8x128xi32, #tpu.memory_space<vmem>>
        %dma_start3A_487 = tpu.memref_squeeze %dma_start3A_486 : memref<1x8x128xi32, #tpu.memory_space<vmem>> -> memref<8x128xi32, #tpu.memory_space<vmem>>
        %dma_start3A_488 = arith.constant 0 : i32
        %dma_start3A_489 = tpu.memref_slice %dma_start3A_487[%dma_start3A_483, %dma_start3A_488] : memref<8x128xi32, #tpu.memory_space<vmem>> -> memref<1x128xi32, #tpu.memory_space<vmem>>
        %dma_start3A_490 = tpu.memref_squeeze %dma_start3A_489 : memref<1x128xi32, #tpu.memory_space<vmem>> -> memref<128xi32, #tpu.memory_space<vmem>>
        %dma_start3A_491 = arith.constant 0 : i32
        %dma_start3A_492 = arith.constant 0 : i32
        %dma_start3A_493 = tpu.memref_slice %arg11[%dma_start3A_491, %dma_start3A_492] : memref<10112x128xf32, #tpu.memory_space<vmem_shared>> -> memref<10112x128xf32, #tpu.memory_space<vmem_shared>>
        tpu.enqueue_indirect_dma source(%arg9 : memref<128x128xf32, #tpu.memory_space<vmem>>) target(%dma_start3A_493 : memref<10112x128xf32, #tpu.memory_space<vmem_shared>>) offsets(%dma_start3A_490 : memref<128xi32, #tpu.memory_space<vmem>>) semaphore(%arg14 : memref<!tpu.dma_semaphore, #tpu.memory_space<semaphore_mem>>) {add = true}
        %dma_start3A_494 = arith.constant 1 : i32
        %dma_start3A_495 = arith.constant 3 : i32
        %dma_start3A_496 = arith.constant 0 : i32
        %dma_start3A_497 = arith.constant 0 : i32
        %dma_start3A_498 = tpu.memref_slice %arg8[%dma_start3A_494, %dma_start3A_496, %dma_start3A_497] : memref<2x8x128xi32, #tpu.memory_space<vmem>> -> memref<1x8x128xi32, #tpu.memory_space<vmem>>
        %dma_start3A_499 = tpu.memref_squeeze %dma_start3A_498 : memref<1x8x128xi32, #tpu.memory_space<vmem>> -> memref<8x128xi32, #tpu.memory_space<vmem>>
        %dma_start3A_500 = arith.constant 0 : i32
        %dma_start3A_501 = tpu.memref_slice %dma_start3A_499[%dma_start3A_495, %dma_start3A_500] : memref<8x128xi32, #tpu.memory_space<vmem>> -> memref<1x128xi32, #tpu.memory_space<vmem>>
        %dma_start3A_502 = tpu.memref_squeeze %dma_start3A_501 : memref<1x128xi32, #tpu.memory_space<vmem>> -> memref<128xi32, #tpu.memory_space<vmem>>
        %dma_start3A_503 = arith.constant 0 : i32
        %dma_start3A_504 = arith.constant 0 : i32
        %dma_start3A_505 = tpu.memref_slice %arg19[%dma_start3A_503, %dma_start3A_504] : memref<10112x16xf32, #tpu.memory_space<vmem_shared>> -> memref<10112x16xf32, #tpu.memory_space<vmem_shared>>
        tpu.enqueue_indirect_dma source(%arg18 : memref<128x16xf32, #tpu.memory_space<vmem>>) target(%dma_start3A_505 : memref<10112x16xf32, #tpu.memory_space<vmem_shared>>) offsets(%dma_start3A_502 : memref<128xi32, #tpu.memory_space<vmem>>) semaphore(%arg20 : memref<!tpu.dma_semaphore, #tpu.memory_space<semaphore_mem>>) {add = true}
        %dma_wait3A_506 = arith.constant 1 : i32
        %dma_wait3A_507 = arith.constant 4 : i32
        %dma_wait3A_508 = arith.constant 0 : i32
        %dma_wait3A_509 = arith.constant 0 : i32
        %dma_wait3A_510 = tpu.memref_slice %arg8[%dma_wait3A_506, %dma_wait3A_508, %dma_wait3A_509] : memref<2x8x128xi32, #tpu.memory_space<vmem>> -> memref<1x8x128xi32, #tpu.memory_space<vmem>>
        %dma_wait3A_511 = tpu.memref_squeeze %dma_wait3A_510 : memref<1x8x128xi32, #tpu.memory_space<vmem>> -> memref<8x128xi32, #tpu.memory_space<vmem>>
        %dma_wait3A_512 = arith.constant 0 : i32
        %dma_wait3A_513 = tpu.memref_slice %dma_wait3A_511[%dma_wait3A_507, %dma_wait3A_512] : memref<8x128xi32, #tpu.memory_space<vmem>> -> memref<1x128xi32, #tpu.memory_space<vmem>>
        %dma_wait3A_514 = tpu.memref_squeeze %dma_wait3A_513 : memref<1x128xi32, #tpu.memory_space<vmem>> -> memref<128xi32, #tpu.memory_space<vmem>>
        %dma_wait3A_515 = arith.constant 0 : i32
        %dma_wait3A_516 = arith.constant 0 : i32
        %dma_wait3A_517 = tpu.memref_slice %arg11[%dma_wait3A_515, %dma_wait3A_516] : memref<10112x128xf32, #tpu.memory_space<vmem_shared>> -> memref<10112x128xf32, #tpu.memory_space<vmem_shared>>
        tpu.wait_indirect_dma semaphore(%arg14 : memref<!tpu.dma_semaphore, #tpu.memory_space<semaphore_mem>>) src(%arg9 : memref<128x128xf32, #tpu.memory_space<vmem>>) dst(%dma_wait3A_517 : memref<10112x128xf32, #tpu.memory_space<vmem_shared>>)
        %dma_start3A_518 = arith.constant 1 : i32
        %dma_start3A_519 = arith.constant 4 : i32
        %dma_start3A_520 = arith.constant 0 : i32
        %dma_start3A_521 = arith.constant 0 : i32
        %dma_start3A_522 = tpu.memref_slice %arg7[%dma_start3A_518, %dma_start3A_520, %dma_start3A_521] : memref<2x8x128xi32, #tpu.memory_space<vmem>> -> memref<1x8x128xi32, #tpu.memory_space<vmem>>
        %dma_start3A_523 = tpu.memref_squeeze %dma_start3A_522 : memref<1x8x128xi32, #tpu.memory_space<vmem>> -> memref<8x128xi32, #tpu.memory_space<vmem>>
        %dma_start3A_524 = arith.constant 0 : i32
        %dma_start3A_525 = tpu.memref_slice %dma_start3A_523[%dma_start3A_519, %dma_start3A_524] : memref<8x128xi32, #tpu.memory_space<vmem>> -> memref<1x128xi32, #tpu.memory_space<vmem>>
        %dma_start3A_526 = tpu.memref_squeeze %dma_start3A_525 : memref<1x128xi32, #tpu.memory_space<vmem>> -> memref<128xi32, #tpu.memory_space<vmem>>
        %dma_start3A_527 = arith.constant 0 : i32
        %dma_start3A_528 = arith.constant 0 : i32
        %dma_start3A_529 = tpu.memref_slice %arg2[%dma_start3A_527, %dma_start3A_528] : memref<10000x128xf32, #tpu.memory_space<hbm>> -> memref<10000x128xf32, #tpu.memory_space<hbm>>
        tpu.enqueue_indirect_dma source(%dma_start3A_529 : memref<10000x128xf32, #tpu.memory_space<hbm>>) target(%arg9 : memref<128x128xf32, #tpu.memory_space<vmem>>) offsets(%dma_start3A_526 : memref<128xi32, #tpu.memory_space<vmem>>) semaphore(%arg12 : memref<!tpu.dma_semaphore, #tpu.memory_space<semaphore_mem>>)
        %dma_wait3A_530 = arith.constant 1 : i32
        %dma_wait3A_531 = arith.constant 3 : i32
        %dma_wait3A_532 = arith.constant 0 : i32
        %dma_wait3A_533 = arith.constant 0 : i32
        %dma_wait3A_534 = tpu.memref_slice %arg7[%dma_wait3A_530, %dma_wait3A_532, %dma_wait3A_533] : memref<2x8x128xi32, #tpu.memory_space<vmem>> -> memref<1x8x128xi32, #tpu.memory_space<vmem>>
        %dma_wait3A_535 = tpu.memref_squeeze %dma_wait3A_534 : memref<1x8x128xi32, #tpu.memory_space<vmem>> -> memref<8x128xi32, #tpu.memory_space<vmem>>
        %dma_wait3A_536 = arith.constant 0 : i32
        %dma_wait3A_537 = tpu.memref_slice %dma_wait3A_535[%dma_wait3A_531, %dma_wait3A_536] : memref<8x128xi32, #tpu.memory_space<vmem>> -> memref<1x128xi32, #tpu.memory_space<vmem>>
        %dma_wait3A_538 = tpu.memref_squeeze %dma_wait3A_537 : memref<1x128xi32, #tpu.memory_space<vmem>> -> memref<128xi32, #tpu.memory_space<vmem>>
        %dma_wait3A_539 = arith.constant 0 : i32
        %dma_wait3A_540 = arith.constant 0 : i32
        %dma_wait3A_541 = tpu.memref_slice %arg2[%dma_wait3A_539, %dma_wait3A_540] : memref<10000x128xf32, #tpu.memory_space<hbm>> -> memref<10000x128xf32, #tpu.memory_space<hbm>>
        tpu.wait_indirect_dma semaphore(%arg13 : memref<!tpu.dma_semaphore, #tpu.memory_space<semaphore_mem>>) src(%dma_wait3A_541 : memref<10000x128xf32, #tpu.memory_space<hbm>>) dst(%arg10 : memref<128x128xf32, #tpu.memory_space<vmem>>)
        %dma_start3A_542 = arith.constant 1 : i32
        %dma_start3A_543 = arith.constant 3 : i32
        %dma_start3A_544 = arith.constant 0 : i32
        %dma_start3A_545 = arith.constant 0 : i32
        %dma_start3A_546 = tpu.memref_slice %arg8[%dma_start3A_542, %dma_start3A_544, %dma_start3A_545] : memref<2x8x128xi32, #tpu.memory_space<vmem>> -> memref<1x8x128xi32, #tpu.memory_space<vmem>>
        %dma_start3A_547 = tpu.memref_squeeze %dma_start3A_546 : memref<1x8x128xi32, #tpu.memory_space<vmem>> -> memref<8x128xi32, #tpu.memory_space<vmem>>
        %dma_start3A_548 = arith.constant 0 : i32
        %dma_start3A_549 = tpu.memref_slice %dma_start3A_547[%dma_start3A_543, %dma_start3A_548] : memref<8x128xi32, #tpu.memory_space<vmem>> -> memref<1x128xi32, #tpu.memory_space<vmem>>
        %dma_start3A_550 = tpu.memref_squeeze %dma_start3A_549 : memref<1x128xi32, #tpu.memory_space<vmem>> -> memref<128xi32, #tpu.memory_space<vmem>>
        %dma_start3A_551 = arith.constant 0 : i32
        %dma_start3A_552 = arith.constant 0 : i32
        %dma_start3A_553 = tpu.memref_slice %arg11[%dma_start3A_551, %dma_start3A_552] : memref<10112x128xf32, #tpu.memory_space<vmem_shared>> -> memref<10112x128xf32, #tpu.memory_space<vmem_shared>>
        tpu.enqueue_indirect_dma source(%arg10 : memref<128x128xf32, #tpu.memory_space<vmem>>) target(%dma_start3A_553 : memref<10112x128xf32, #tpu.memory_space<vmem_shared>>) offsets(%dma_start3A_550 : memref<128xi32, #tpu.memory_space<vmem>>) semaphore(%arg15 : memref<!tpu.dma_semaphore, #tpu.memory_space<semaphore_mem>>) {add = true}
        %dma_start3A_554 = arith.constant 1 : i32
        %dma_start3A_555 = arith.constant 4 : i32
        %dma_start3A_556 = arith.constant 0 : i32
        %dma_start3A_557 = arith.constant 0 : i32
        %dma_start3A_558 = tpu.memref_slice %arg8[%dma_start3A_554, %dma_start3A_556, %dma_start3A_557] : memref<2x8x128xi32, #tpu.memory_space<vmem>> -> memref<1x8x128xi32, #tpu.memory_space<vmem>>
        %dma_start3A_559 = tpu.memref_squeeze %dma_start3A_558 : memref<1x8x128xi32, #tpu.memory_space<vmem>> -> memref<8x128xi32, #tpu.memory_space<vmem>>
        %dma_start3A_560 = arith.constant 0 : i32
        %dma_start3A_561 = tpu.memref_slice %dma_start3A_559[%dma_start3A_555, %dma_start3A_560] : memref<8x128xi32, #tpu.memory_space<vmem>> -> memref<1x128xi32, #tpu.memory_space<vmem>>
        %dma_start3A_562 = tpu.memref_squeeze %dma_start3A_561 : memref<1x128xi32, #tpu.memory_space<vmem>> -> memref<128xi32, #tpu.memory_space<vmem>>
        %dma_start3A_563 = arith.constant 0 : i32
        %dma_start3A_564 = arith.constant 0 : i32
        %dma_start3A_565 = tpu.memref_slice %arg19[%dma_start3A_563, %dma_start3A_564] : memref<10112x16xf32, #tpu.memory_space<vmem_shared>> -> memref<10112x16xf32, #tpu.memory_space<vmem_shared>>
        tpu.enqueue_indirect_dma source(%arg18 : memref<128x16xf32, #tpu.memory_space<vmem>>) target(%dma_start3A_565 : memref<10112x16xf32, #tpu.memory_space<vmem_shared>>) offsets(%dma_start3A_562 : memref<128xi32, #tpu.memory_space<vmem>>) semaphore(%arg20 : memref<!tpu.dma_semaphore, #tpu.memory_space<semaphore_mem>>) {add = true}
        %dma_wait3A_566 = arith.constant 1 : i32
        %dma_wait3A_567 = arith.constant 5 : i32
        %dma_wait3A_568 = arith.constant 0 : i32
        %dma_wait3A_569 = arith.constant 0 : i32
        %dma_wait3A_570 = tpu.memref_slice %arg8[%dma_wait3A_566, %dma_wait3A_568, %dma_wait3A_569] : memref<2x8x128xi32, #tpu.memory_space<vmem>> -> memref<1x8x128xi32, #tpu.memory_space<vmem>>
        %dma_wait3A_571 = tpu.memref_squeeze %dma_wait3A_570 : memref<1x8x128xi32, #tpu.memory_space<vmem>> -> memref<8x128xi32, #tpu.memory_space<vmem>>
        %dma_wait3A_572 = arith.constant 0 : i32
        %dma_wait3A_573 = tpu.memref_slice %dma_wait3A_571[%dma_wait3A_567, %dma_wait3A_572] : memref<8x128xi32, #tpu.memory_space<vmem>> -> memref<1x128xi32, #tpu.memory_space<vmem>>
        %dma_wait3A_574 = tpu.memref_squeeze %dma_wait3A_573 : memref<1x128xi32, #tpu.memory_space<vmem>> -> memref<128xi32, #tpu.memory_space<vmem>>
        %dma_wait3A_575 = arith.constant 0 : i32
        %dma_wait3A_576 = arith.constant 0 : i32
        %dma_wait3A_577 = tpu.memref_slice %arg11[%dma_wait3A_575, %dma_wait3A_576] : memref<10112x128xf32, #tpu.memory_space<vmem_shared>> -> memref<10112x128xf32, #tpu.memory_space<vmem_shared>>
        tpu.wait_indirect_dma semaphore(%arg15 : memref<!tpu.dma_semaphore, #tpu.memory_space<semaphore_mem>>) src(%arg10 : memref<128x128xf32, #tpu.memory_space<vmem>>) dst(%dma_wait3A_577 : memref<10112x128xf32, #tpu.memory_space<vmem_shared>>)
        %dma_start3A_578 = arith.constant 1 : i32
        %dma_start3A_579 = arith.constant 5 : i32
        %dma_start3A_580 = arith.constant 0 : i32
        %dma_start3A_581 = arith.constant 0 : i32
        %dma_start3A_582 = tpu.memref_slice %arg7[%dma_start3A_578, %dma_start3A_580, %dma_start3A_581] : memref<2x8x128xi32, #tpu.memory_space<vmem>> -> memref<1x8x128xi32, #tpu.memory_space<vmem>>
        %dma_start3A_583 = tpu.memref_squeeze %dma_start3A_582 : memref<1x8x128xi32, #tpu.memory_space<vmem>> -> memref<8x128xi32, #tpu.memory_space<vmem>>
        %dma_start3A_584 = arith.constant 0 : i32
        %dma_start3A_585 = tpu.memref_slice %dma_start3A_583[%dma_start3A_579, %dma_start3A_584] : memref<8x128xi32, #tpu.memory_space<vmem>> -> memref<1x128xi32, #tpu.memory_space<vmem>>
        %dma_start3A_586 = tpu.memref_squeeze %dma_start3A_585 : memref<1x128xi32, #tpu.memory_space<vmem>> -> memref<128xi32, #tpu.memory_space<vmem>>
        %dma_start3A_587 = arith.constant 0 : i32
        %dma_start3A_588 = arith.constant 0 : i32
        %dma_start3A_589 = tpu.memref_slice %arg2[%dma_start3A_587, %dma_start3A_588] : memref<10000x128xf32, #tpu.memory_space<hbm>> -> memref<10000x128xf32, #tpu.memory_space<hbm>>
        tpu.enqueue_indirect_dma source(%dma_start3A_589 : memref<10000x128xf32, #tpu.memory_space<hbm>>) target(%arg10 : memref<128x128xf32, #tpu.memory_space<vmem>>) offsets(%dma_start3A_586 : memref<128xi32, #tpu.memory_space<vmem>>) semaphore(%arg13 : memref<!tpu.dma_semaphore, #tpu.memory_space<semaphore_mem>>)
        %dma_wait3A_590 = arith.constant 1 : i32
        %dma_wait3A_591 = arith.constant 4 : i32
        %dma_wait3A_592 = arith.constant 0 : i32
        %dma_wait3A_593 = arith.constant 0 : i32
        %dma_wait3A_594 = tpu.memref_slice %arg7[%dma_wait3A_590, %dma_wait3A_592, %dma_wait3A_593] : memref<2x8x128xi32, #tpu.memory_space<vmem>> -> memref<1x8x128xi32, #tpu.memory_space<vmem>>
        %dma_wait3A_595 = tpu.memref_squeeze %dma_wait3A_594 : memref<1x8x128xi32, #tpu.memory_space<vmem>> -> memref<8x128xi32, #tpu.memory_space<vmem>>
        %dma_wait3A_596 = arith.constant 0 : i32
        %dma_wait3A_597 = tpu.memref_slice %dma_wait3A_595[%dma_wait3A_591, %dma_wait3A_596] : memref<8x128xi32, #tpu.memory_space<vmem>> -> memref<1x128xi32, #tpu.memory_space<vmem>>
        %dma_wait3A_598 = tpu.memref_squeeze %dma_wait3A_597 : memref<1x128xi32, #tpu.memory_space<vmem>> -> memref<128xi32, #tpu.memory_space<vmem>>
        %dma_wait3A_599 = arith.constant 0 : i32
        %dma_wait3A_600 = arith.constant 0 : i32
        %dma_wait3A_601 = tpu.memref_slice %arg2[%dma_wait3A_599, %dma_wait3A_600] : memref<10000x128xf32, #tpu.memory_space<hbm>> -> memref<10000x128xf32, #tpu.memory_space<hbm>>
        tpu.wait_indirect_dma semaphore(%arg12 : memref<!tpu.dma_semaphore, #tpu.memory_space<semaphore_mem>>) src(%dma_wait3A_601 : memref<10000x128xf32, #tpu.memory_space<hbm>>) dst(%arg9 : memref<128x128xf32, #tpu.memory_space<vmem>>)
        %dma_start3A_602 = arith.constant 1 : i32
        %dma_start3A_603 = arith.constant 4 : i32
        %dma_start3A_604 = arith.constant 0 : i32
        %dma_start3A_605 = arith.constant 0 : i32
        %dma_start3A_606 = tpu.memref_slice %arg8[%dma_start3A_602, %dma_start3A_604, %dma_start3A_605] : memref<2x8x128xi32, #tpu.memory_space<vmem>> -> memref<1x8x128xi32, #tpu.memory_space<vmem>>
        %dma_start3A_607 = tpu.memref_squeeze %dma_start3A_606 : memref<1x8x128xi32, #tpu.memory_space<vmem>> -> memref<8x128xi32, #tpu.memory_space<vmem>>
        %dma_start3A_608 = arith.constant 0 : i32
        %dma_start3A_609 = tpu.memref_slice %dma_start3A_607[%dma_start3A_603, %dma_start3A_608] : memref<8x128xi32, #tpu.memory_space<vmem>> -> memref<1x128xi32, #tpu.memory_space<vmem>>
        %dma_start3A_610 = tpu.memref_squeeze %dma_start3A_609 : memref<1x128xi32, #tpu.memory_space<vmem>> -> memref<128xi32, #tpu.memory_space<vmem>>
        %dma_start3A_611 = arith.constant 0 : i32
        %dma_start3A_612 = arith.constant 0 : i32
        %dma_start3A_613 = tpu.memref_slice %arg11[%dma_start3A_611, %dma_start3A_612] : memref<10112x128xf32, #tpu.memory_space<vmem_shared>> -> memref<10112x128xf32, #tpu.memory_space<vmem_shared>>
        tpu.enqueue_indirect_dma source(%arg9 : memref<128x128xf32, #tpu.memory_space<vmem>>) target(%dma_start3A_613 : memref<10112x128xf32, #tpu.memory_space<vmem_shared>>) offsets(%dma_start3A_610 : memref<128xi32, #tpu.memory_space<vmem>>) semaphore(%arg14 : memref<!tpu.dma_semaphore, #tpu.memory_space<semaphore_mem>>) {add = true}
        %dma_start3A_614 = arith.constant 1 : i32
        %dma_start3A_615 = arith.constant 5 : i32
        %dma_start3A_616 = arith.constant 0 : i32
        %dma_start3A_617 = arith.constant 0 : i32
        %dma_start3A_618 = tpu.memref_slice %arg8[%dma_start3A_614, %dma_start3A_616, %dma_start3A_617] : memref<2x8x128xi32, #tpu.memory_space<vmem>> -> memref<1x8x128xi32, #tpu.memory_space<vmem>>
        %dma_start3A_619 = tpu.memref_squeeze %dma_start3A_618 : memref<1x8x128xi32, #tpu.memory_space<vmem>> -> memref<8x128xi32, #tpu.memory_space<vmem>>
        %dma_start3A_620 = arith.constant 0 : i32
        %dma_start3A_621 = tpu.memref_slice %dma_start3A_619[%dma_start3A_615, %dma_start3A_620] : memref<8x128xi32, #tpu.memory_space<vmem>> -> memref<1x128xi32, #tpu.memory_space<vmem>>
        %dma_start3A_622 = tpu.memref_squeeze %dma_start3A_621 : memref<1x128xi32, #tpu.memory_space<vmem>> -> memref<128xi32, #tpu.memory_space<vmem>>
        %dma_start3A_623 = arith.constant 0 : i32
        %dma_start3A_624 = arith.constant 0 : i32
        %dma_start3A_625 = tpu.memref_slice %arg19[%dma_start3A_623, %dma_start3A_624] : memref<10112x16xf32, #tpu.memory_space<vmem_shared>> -> memref<10112x16xf32, #tpu.memory_space<vmem_shared>>
        tpu.enqueue_indirect_dma source(%arg18 : memref<128x16xf32, #tpu.memory_space<vmem>>) target(%dma_start3A_625 : memref<10112x16xf32, #tpu.memory_space<vmem_shared>>) offsets(%dma_start3A_622 : memref<128xi32, #tpu.memory_space<vmem>>) semaphore(%arg20 : memref<!tpu.dma_semaphore, #tpu.memory_space<semaphore_mem>>) {add = true}
        %dma_wait3A_626 = arith.constant 1 : i32
        %dma_wait3A_627 = arith.constant 6 : i32
        %dma_wait3A_628 = arith.constant 0 : i32
        %dma_wait3A_629 = arith.constant 0 : i32
        %dma_wait3A_630 = tpu.memref_slice %arg8[%dma_wait3A_626, %dma_wait3A_628, %dma_wait3A_629] : memref<2x8x128xi32, #tpu.memory_space<vmem>> -> memref<1x8x128xi32, #tpu.memory_space<vmem>>
        %dma_wait3A_631 = tpu.memref_squeeze %dma_wait3A_630 : memref<1x8x128xi32, #tpu.memory_space<vmem>> -> memref<8x128xi32, #tpu.memory_space<vmem>>
        %dma_wait3A_632 = arith.constant 0 : i32
        %dma_wait3A_633 = tpu.memref_slice %dma_wait3A_631[%dma_wait3A_627, %dma_wait3A_632] : memref<8x128xi32, #tpu.memory_space<vmem>> -> memref<1x128xi32, #tpu.memory_space<vmem>>
        %dma_wait3A_634 = tpu.memref_squeeze %dma_wait3A_633 : memref<1x128xi32, #tpu.memory_space<vmem>> -> memref<128xi32, #tpu.memory_space<vmem>>
        %dma_wait3A_635 = arith.constant 0 : i32
        %dma_wait3A_636 = arith.constant 0 : i32
        %dma_wait3A_637 = tpu.memref_slice %arg11[%dma_wait3A_635, %dma_wait3A_636] : memref<10112x128xf32, #tpu.memory_space<vmem_shared>> -> memref<10112x128xf32, #tpu.memory_space<vmem_shared>>
        tpu.wait_indirect_dma semaphore(%arg14 : memref<!tpu.dma_semaphore, #tpu.memory_space<semaphore_mem>>) src(%arg9 : memref<128x128xf32, #tpu.memory_space<vmem>>) dst(%dma_wait3A_637 : memref<10112x128xf32, #tpu.memory_space<vmem_shared>>)
        %dma_start3A_638 = arith.constant 1 : i32
        %dma_start3A_639 = arith.constant 6 : i32
        %dma_start3A_640 = arith.constant 0 : i32
        %dma_start3A_641 = arith.constant 0 : i32
        %dma_start3A_642 = tpu.memref_slice %arg7[%dma_start3A_638, %dma_start3A_640, %dma_start3A_641] : memref<2x8x128xi32, #tpu.memory_space<vmem>> -> memref<1x8x128xi32, #tpu.memory_space<vmem>>
        %dma_start3A_643 = tpu.memref_squeeze %dma_start3A_642 : memref<1x8x128xi32, #tpu.memory_space<vmem>> -> memref<8x128xi32, #tpu.memory_space<vmem>>
        %dma_start3A_644 = arith.constant 0 : i32
        %dma_start3A_645 = tpu.memref_slice %dma_start3A_643[%dma_start3A_639, %dma_start3A_644] : memref<8x128xi32, #tpu.memory_space<vmem>> -> memref<1x128xi32, #tpu.memory_space<vmem>>
        %dma_start3A_646 = tpu.memref_squeeze %dma_start3A_645 : memref<1x128xi32, #tpu.memory_space<vmem>> -> memref<128xi32, #tpu.memory_space<vmem>>
        %dma_start3A_647 = arith.constant 0 : i32
        %dma_start3A_648 = arith.constant 0 : i32
        %dma_start3A_649 = tpu.memref_slice %arg2[%dma_start3A_647, %dma_start3A_648] : memref<10000x128xf32, #tpu.memory_space<hbm>> -> memref<10000x128xf32, #tpu.memory_space<hbm>>
        tpu.enqueue_indirect_dma source(%dma_start3A_649 : memref<10000x128xf32, #tpu.memory_space<hbm>>) target(%arg9 : memref<128x128xf32, #tpu.memory_space<vmem>>) offsets(%dma_start3A_646 : memref<128xi32, #tpu.memory_space<vmem>>) semaphore(%arg12 : memref<!tpu.dma_semaphore, #tpu.memory_space<semaphore_mem>>)
        %dma_wait3A_650 = arith.constant 1 : i32
        %dma_wait3A_651 = arith.constant 5 : i32
        %dma_wait3A_652 = arith.constant 0 : i32
        %dma_wait3A_653 = arith.constant 0 : i32
        %dma_wait3A_654 = tpu.memref_slice %arg7[%dma_wait3A_650, %dma_wait3A_652, %dma_wait3A_653] : memref<2x8x128xi32, #tpu.memory_space<vmem>> -> memref<1x8x128xi32, #tpu.memory_space<vmem>>
        %dma_wait3A_655 = tpu.memref_squeeze %dma_wait3A_654 : memref<1x8x128xi32, #tpu.memory_space<vmem>> -> memref<8x128xi32, #tpu.memory_space<vmem>>
        %dma_wait3A_656 = arith.constant 0 : i32
        %dma_wait3A_657 = tpu.memref_slice %dma_wait3A_655[%dma_wait3A_651, %dma_wait3A_656] : memref<8x128xi32, #tpu.memory_space<vmem>> -> memref<1x128xi32, #tpu.memory_space<vmem>>
        %dma_wait3A_658 = tpu.memref_squeeze %dma_wait3A_657 : memref<1x128xi32, #tpu.memory_space<vmem>> -> memref<128xi32, #tpu.memory_space<vmem>>
        %dma_wait3A_659 = arith.constant 0 : i32
        %dma_wait3A_660 = arith.constant 0 : i32
        %dma_wait3A_661 = tpu.memref_slice %arg2[%dma_wait3A_659, %dma_wait3A_660] : memref<10000x128xf32, #tpu.memory_space<hbm>> -> memref<10000x128xf32, #tpu.memory_space<hbm>>
        tpu.wait_indirect_dma semaphore(%arg13 : memref<!tpu.dma_semaphore, #tpu.memory_space<semaphore_mem>>) src(%dma_wait3A_661 : memref<10000x128xf32, #tpu.memory_space<hbm>>) dst(%arg10 : memref<128x128xf32, #tpu.memory_space<vmem>>)
        %dma_start3A_662 = arith.constant 1 : i32
        %dma_start3A_663 = arith.constant 5 : i32
        %dma_start3A_664 = arith.constant 0 : i32
        %dma_start3A_665 = arith.constant 0 : i32
        %dma_start3A_666 = tpu.memref_slice %arg8[%dma_start3A_662, %dma_start3A_664, %dma_start3A_665] : memref<2x8x128xi32, #tpu.memory_space<vmem>> -> memref<1x8x128xi32, #tpu.memory_space<vmem>>
        %dma_start3A_667 = tpu.memref_squeeze %dma_start3A_666 : memref<1x8x128xi32, #tpu.memory_space<vmem>> -> memref<8x128xi32, #tpu.memory_space<vmem>>
        %dma_start3A_668 = arith.constant 0 : i32
        %dma_start3A_669 = tpu.memref_slice %dma_start3A_667[%dma_start3A_663, %dma_start3A_668] : memref<8x128xi32, #tpu.memory_space<vmem>> -> memref<1x128xi32, #tpu.memory_space<vmem>>
        %dma_start3A_670 = tpu.memref_squeeze %dma_start3A_669 : memref<1x128xi32, #tpu.memory_space<vmem>> -> memref<128xi32, #tpu.memory_space<vmem>>
        %dma_start3A_671 = arith.constant 0 : i32
        %dma_start3A_672 = arith.constant 0 : i32
        %dma_start3A_673 = tpu.memref_slice %arg11[%dma_start3A_671, %dma_start3A_672] : memref<10112x128xf32, #tpu.memory_space<vmem_shared>> -> memref<10112x128xf32, #tpu.memory_space<vmem_shared>>
        tpu.enqueue_indirect_dma source(%arg10 : memref<128x128xf32, #tpu.memory_space<vmem>>) target(%dma_start3A_673 : memref<10112x128xf32, #tpu.memory_space<vmem_shared>>) offsets(%dma_start3A_670 : memref<128xi32, #tpu.memory_space<vmem>>) semaphore(%arg15 : memref<!tpu.dma_semaphore, #tpu.memory_space<semaphore_mem>>) {add = true}
        %dma_start3A_674 = arith.constant 1 : i32
        %dma_start3A_675 = arith.constant 6 : i32
        %dma_start3A_676 = arith.constant 0 : i32
        %dma_start3A_677 = arith.constant 0 : i32
        %dma_start3A_678 = tpu.memref_slice %arg8[%dma_start3A_674, %dma_start3A_676, %dma_start3A_677] : memref<2x8x128xi32, #tpu.memory_space<vmem>> -> memref<1x8x128xi32, #tpu.memory_space<vmem>>
        %dma_start3A_679 = tpu.memref_squeeze %dma_start3A_678 : memref<1x8x128xi32, #tpu.memory_space<vmem>> -> memref<8x128xi32, #tpu.memory_space<vmem>>
        %dma_start3A_680 = arith.constant 0 : i32
        %dma_start3A_681 = tpu.memref_slice %dma_start3A_679[%dma_start3A_675, %dma_start3A_680] : memref<8x128xi32, #tpu.memory_space<vmem>> -> memref<1x128xi32, #tpu.memory_space<vmem>>
        %dma_start3A_682 = tpu.memref_squeeze %dma_start3A_681 : memref<1x128xi32, #tpu.memory_space<vmem>> -> memref<128xi32, #tpu.memory_space<vmem>>
        %dma_start3A_683 = arith.constant 0 : i32
        %dma_start3A_684 = arith.constant 0 : i32
        %dma_start3A_685 = tpu.memref_slice %arg19[%dma_start3A_683, %dma_start3A_684] : memref<10112x16xf32, #tpu.memory_space<vmem_shared>> -> memref<10112x16xf32, #tpu.memory_space<vmem_shared>>
        tpu.enqueue_indirect_dma source(%arg18 : memref<128x16xf32, #tpu.memory_space<vmem>>) target(%dma_start3A_685 : memref<10112x16xf32, #tpu.memory_space<vmem_shared>>) offsets(%dma_start3A_682 : memref<128xi32, #tpu.memory_space<vmem>>) semaphore(%arg20 : memref<!tpu.dma_semaphore, #tpu.memory_space<semaphore_mem>>) {add = true}
        %dma_wait3A_686 = arith.constant 1 : i32
        %dma_wait3A_687 = arith.constant 7 : i32
        %dma_wait3A_688 = arith.constant 0 : i32
        %dma_wait3A_689 = arith.constant 0 : i32
        %dma_wait3A_690 = tpu.memref_slice %arg8[%dma_wait3A_686, %dma_wait3A_688, %dma_wait3A_689] : memref<2x8x128xi32, #tpu.memory_space<vmem>> -> memref<1x8x128xi32, #tpu.memory_space<vmem>>
        %dma_wait3A_691 = tpu.memref_squeeze %dma_wait3A_690 : memref<1x8x128xi32, #tpu.memory_space<vmem>> -> memref<8x128xi32, #tpu.memory_space<vmem>>
        %dma_wait3A_692 = arith.constant 0 : i32
        %dma_wait3A_693 = tpu.memref_slice %dma_wait3A_691[%dma_wait3A_687, %dma_wait3A_692] : memref<8x128xi32, #tpu.memory_space<vmem>> -> memref<1x128xi32, #tpu.memory_space<vmem>>
        %dma_wait3A_694 = tpu.memref_squeeze %dma_wait3A_693 : memref<1x128xi32, #tpu.memory_space<vmem>> -> memref<128xi32, #tpu.memory_space<vmem>>
        %dma_wait3A_695 = arith.constant 0 : i32
        %dma_wait3A_696 = arith.constant 0 : i32
        %dma_wait3A_697 = tpu.memref_slice %arg11[%dma_wait3A_695, %dma_wait3A_696] : memref<10112x128xf32, #tpu.memory_space<vmem_shared>> -> memref<10112x128xf32, #tpu.memory_space<vmem_shared>>
        tpu.wait_indirect_dma semaphore(%arg15 : memref<!tpu.dma_semaphore, #tpu.memory_space<semaphore_mem>>) src(%arg10 : memref<128x128xf32, #tpu.memory_space<vmem>>) dst(%dma_wait3A_697 : memref<10112x128xf32, #tpu.memory_space<vmem_shared>>)
        %dma_start3A_698 = arith.constant 1 : i32
        %dma_start3A_699 = arith.constant 7 : i32
        %dma_start3A_700 = arith.constant 0 : i32
        %dma_start3A_701 = arith.constant 0 : i32
        %dma_start3A_702 = tpu.memref_slice %arg7[%dma_start3A_698, %dma_start3A_700, %dma_start3A_701] : memref<2x8x128xi32, #tpu.memory_space<vmem>> -> memref<1x8x128xi32, #tpu.memory_space<vmem>>
        %dma_start3A_703 = tpu.memref_squeeze %dma_start3A_702 : memref<1x8x128xi32, #tpu.memory_space<vmem>> -> memref<8x128xi32, #tpu.memory_space<vmem>>
        %dma_start3A_704 = arith.constant 0 : i32
        %dma_start3A_705 = tpu.memref_slice %dma_start3A_703[%dma_start3A_699, %dma_start3A_704] : memref<8x128xi32, #tpu.memory_space<vmem>> -> memref<1x128xi32, #tpu.memory_space<vmem>>
        %dma_start3A_706 = tpu.memref_squeeze %dma_start3A_705 : memref<1x128xi32, #tpu.memory_space<vmem>> -> memref<128xi32, #tpu.memory_space<vmem>>
        %dma_start3A_707 = arith.constant 0 : i32
        %dma_start3A_708 = arith.constant 0 : i32
        %dma_start3A_709 = tpu.memref_slice %arg2[%dma_start3A_707, %dma_start3A_708] : memref<10000x128xf32, #tpu.memory_space<hbm>> -> memref<10000x128xf32, #tpu.memory_space<hbm>>
        tpu.enqueue_indirect_dma source(%dma_start3A_709 : memref<10000x128xf32, #tpu.memory_space<hbm>>) target(%arg10 : memref<128x128xf32, #tpu.memory_space<vmem>>) offsets(%dma_start3A_706 : memref<128xi32, #tpu.memory_space<vmem>>) semaphore(%arg13 : memref<!tpu.dma_semaphore, #tpu.memory_space<semaphore_mem>>)
        %dma_wait3A_710 = arith.constant 1 : i32
        %dma_wait3A_711 = arith.constant 6 : i32
        %dma_wait3A_712 = arith.constant 0 : i32
        %dma_wait3A_713 = arith.constant 0 : i32
        %dma_wait3A_714 = tpu.memref_slice %arg7[%dma_wait3A_710, %dma_wait3A_712, %dma_wait3A_713] : memref<2x8x128xi32, #tpu.memory_space<vmem>> -> memref<1x8x128xi32, #tpu.memory_space<vmem>>
        %dma_wait3A_715 = tpu.memref_squeeze %dma_wait3A_714 : memref<1x8x128xi32, #tpu.memory_space<vmem>> -> memref<8x128xi32, #tpu.memory_space<vmem>>
        %dma_wait3A_716 = arith.constant 0 : i32
        %dma_wait3A_717 = tpu.memref_slice %dma_wait3A_715[%dma_wait3A_711, %dma_wait3A_716] : memref<8x128xi32, #tpu.memory_space<vmem>> -> memref<1x128xi32, #tpu.memory_space<vmem>>
        %dma_wait3A_718 = tpu.memref_squeeze %dma_wait3A_717 : memref<1x128xi32, #tpu.memory_space<vmem>> -> memref<128xi32, #tpu.memory_space<vmem>>
        %dma_wait3A_719 = arith.constant 0 : i32
        %dma_wait3A_720 = arith.constant 0 : i32
        %dma_wait3A_721 = tpu.memref_slice %arg2[%dma_wait3A_719, %dma_wait3A_720] : memref<10000x128xf32, #tpu.memory_space<hbm>> -> memref<10000x128xf32, #tpu.memory_space<hbm>>
        tpu.wait_indirect_dma semaphore(%arg12 : memref<!tpu.dma_semaphore, #tpu.memory_space<semaphore_mem>>) src(%dma_wait3A_721 : memref<10000x128xf32, #tpu.memory_space<hbm>>) dst(%arg9 : memref<128x128xf32, #tpu.memory_space<vmem>>)
        %dma_start3A_722 = arith.constant 1 : i32
        %dma_start3A_723 = arith.constant 6 : i32
        %dma_start3A_724 = arith.constant 0 : i32
        %dma_start3A_725 = arith.constant 0 : i32
        %dma_start3A_726 = tpu.memref_slice %arg8[%dma_start3A_722, %dma_start3A_724, %dma_start3A_725] : memref<2x8x128xi32, #tpu.memory_space<vmem>> -> memref<1x8x128xi32, #tpu.memory_space<vmem>>
        %dma_start3A_727 = tpu.memref_squeeze %dma_start3A_726 : memref<1x8x128xi32, #tpu.memory_space<vmem>> -> memref<8x128xi32, #tpu.memory_space<vmem>>
        %dma_start3A_728 = arith.constant 0 : i32
        %dma_start3A_729 = tpu.memref_slice %dma_start3A_727[%dma_start3A_723, %dma_start3A_728] : memref<8x128xi32, #tpu.memory_space<vmem>> -> memref<1x128xi32, #tpu.memory_space<vmem>>
        %dma_start3A_730 = tpu.memref_squeeze %dma_start3A_729 : memref<1x128xi32, #tpu.memory_space<vmem>> -> memref<128xi32, #tpu.memory_space<vmem>>
        %dma_start3A_731 = arith.constant 0 : i32
        %dma_start3A_732 = arith.constant 0 : i32
        %dma_start3A_733 = tpu.memref_slice %arg11[%dma_start3A_731, %dma_start3A_732] : memref<10112x128xf32, #tpu.memory_space<vmem_shared>> -> memref<10112x128xf32, #tpu.memory_space<vmem_shared>>
        tpu.enqueue_indirect_dma source(%arg9 : memref<128x128xf32, #tpu.memory_space<vmem>>) target(%dma_start3A_733 : memref<10112x128xf32, #tpu.memory_space<vmem_shared>>) offsets(%dma_start3A_730 : memref<128xi32, #tpu.memory_space<vmem>>) semaphore(%arg14 : memref<!tpu.dma_semaphore, #tpu.memory_space<semaphore_mem>>) {add = true}
        %dma_start3A_734 = arith.constant 1 : i32
        %dma_start3A_735 = arith.constant 7 : i32
        %dma_start3A_736 = arith.constant 0 : i32
        %dma_start3A_737 = arith.constant 0 : i32
        %dma_start3A_738 = tpu.memref_slice %arg8[%dma_start3A_734, %dma_start3A_736, %dma_start3A_737] : memref<2x8x128xi32, #tpu.memory_space<vmem>> -> memref<1x8x128xi32, #tpu.memory_space<vmem>>
        %dma_start3A_739 = tpu.memref_squeeze %dma_start3A_738 : memref<1x8x128xi32, #tpu.memory_space<vmem>> -> memref<8x128xi32, #tpu.memory_space<vmem>>
        %dma_start3A_740 = arith.constant 0 : i32
        %dma_start3A_741 = tpu.memref_slice %dma_start3A_739[%dma_start3A_735, %dma_start3A_740] : memref<8x128xi32, #tpu.memory_space<vmem>> -> memref<1x128xi32, #tpu.memory_space<vmem>>
        %dma_start3A_742 = tpu.memref_squeeze %dma_start3A_741 : memref<1x128xi32, #tpu.memory_space<vmem>> -> memref<128xi32, #tpu.memory_space<vmem>>
        %dma_start3A_743 = arith.constant 0 : i32
        %dma_start3A_744 = arith.constant 0 : i32
        %dma_start3A_745 = tpu.memref_slice %arg19[%dma_start3A_743, %dma_start3A_744] : memref<10112x16xf32, #tpu.memory_space<vmem_shared>> -> memref<10112x16xf32, #tpu.memory_space<vmem_shared>>
        tpu.enqueue_indirect_dma source(%arg18 : memref<128x16xf32, #tpu.memory_space<vmem>>) target(%dma_start3A_745 : memref<10112x16xf32, #tpu.memory_space<vmem_shared>>) offsets(%dma_start3A_742 : memref<128xi32, #tpu.memory_space<vmem>>) semaphore(%arg20 : memref<!tpu.dma_semaphore, #tpu.memory_space<semaphore_mem>>) {add = true}
      } else {
      }
    }
    %scan3A_94 = arith.constant 10 : i32
    %dma_wait3A = arith.constant 1 : i32
    %dma_wait3A_95 = arith.constant 7 : i32
    %dma_wait3A_96 = arith.constant 0 : i32
    %dma_wait3A_97 = arith.constant 0 : i32
    %dma_wait3A_98 = tpu.memref_slice %arg7[%dma_wait3A, %dma_wait3A_96, %dma_wait3A_97] : memref<2x8x128xi32, #tpu.memory_space<vmem>> -> memref<1x8x128xi32, #tpu.memory_space<vmem>>
    %dma_wait3A_99 = tpu.memref_squeeze %dma_wait3A_98 : memref<1x8x128xi32, #tpu.memory_space<vmem>> -> memref<8x128xi32, #tpu.memory_space<vmem>>
    %dma_wait3A_100 = arith.constant 0 : i32
    %dma_wait3A_101 = tpu.memref_slice %dma_wait3A_99[%dma_wait3A_95, %dma_wait3A_100] : memref<8x128xi32, #tpu.memory_space<vmem>> -> memref<1x128xi32, #tpu.memory_space<vmem>>
    %dma_wait3A_102 = tpu.memref_squeeze %dma_wait3A_101 : memref<1x128xi32, #tpu.memory_space<vmem>> -> memref<128xi32, #tpu.memory_space<vmem>>
    %dma_wait3A_103 = arith.constant 0 : i32
    %dma_wait3A_104 = arith.constant 0 : i32
    %dma_wait3A_105 = tpu.memref_slice %arg2[%dma_wait3A_103, %dma_wait3A_104] : memref<10000x128xf32, #tpu.memory_space<hbm>> -> memref<10000x128xf32, #tpu.memory_space<hbm>>
    tpu.wait_indirect_dma semaphore(%arg13 : memref<!tpu.dma_semaphore, #tpu.memory_space<semaphore_mem>>) src(%dma_wait3A_105 : memref<10000x128xf32, #tpu.memory_space<hbm>>) dst(%arg10 : memref<128x128xf32, #tpu.memory_space<vmem>>)
    %run_scoped3A = arith.constant 1 : i32
    %run_scoped3A_106 = arith.constant 7 : i32
    "tpu.region"() ({
      %run_scoped3A_224 = tpu.sem_alloc : memref<!tpu.dma_semaphore, #tpu.memory_space<semaphore_mem>>
      %dma_start3A_225 = arith.constant 0 : i32
      %dma_start3A_226 = arith.constant 0 : i32
      %dma_start3A_227 = tpu.memref_slice %arg8[%run_scoped3A, %dma_start3A_225, %dma_start3A_226] : memref<2x8x128xi32, #tpu.memory_space<vmem>> -> memref<1x8x128xi32, #tpu.memory_space<vmem>>
      %dma_start3A_228 = tpu.memref_squeeze %dma_start3A_227 : memref<1x8x128xi32, #tpu.memory_space<vmem>> -> memref<8x128xi32, #tpu.memory_space<vmem>>
      %dma_start3A_229 = arith.constant 0 : i32
      %dma_start3A_230 = tpu.memref_slice %dma_start3A_228[%run_scoped3A_106, %dma_start3A_229] : memref<8x128xi32, #tpu.memory_space<vmem>> -> memref<1x128xi32, #tpu.memory_space<vmem>>
      %dma_start3A_231 = tpu.memref_squeeze %dma_start3A_230 : memref<1x128xi32, #tpu.memory_space<vmem>> -> memref<128xi32, #tpu.memory_space<vmem>>
      %dma_start3A_232 = arith.constant 0 : i32
      %dma_start3A_233 = arith.constant 0 : i32
      %dma_start3A_234 = tpu.memref_slice %arg11[%dma_start3A_232, %dma_start3A_233] : memref<10112x128xf32, #tpu.memory_space<vmem_shared>> -> memref<10112x128xf32, #tpu.memory_space<vmem_shared>>
      tpu.enqueue_indirect_dma source(%arg10 : memref<128x128xf32, #tpu.memory_space<vmem>>) target(%dma_start3A_234 : memref<10112x128xf32, #tpu.memory_space<vmem_shared>>) offsets(%dma_start3A_231 : memref<128xi32, #tpu.memory_space<vmem>>) semaphore(%run_scoped3A_224 : memref<!tpu.dma_semaphore, #tpu.memory_space<semaphore_mem>>) {add = true}
      %dma_wait3A_235 = arith.constant 0 : i32
      %dma_wait3A_236 = arith.constant 0 : i32
      %dma_wait3A_237 = tpu.memref_slice %arg8[%run_scoped3A, %dma_wait3A_235, %dma_wait3A_236] : memref<2x8x128xi32, #tpu.memory_space<vmem>> -> memref<1x8x128xi32, #tpu.memory_space<vmem>>
      %dma_wait3A_238 = tpu.memref_squeeze %dma_wait3A_237 : memref<1x8x128xi32, #tpu.memory_space<vmem>> -> memref<8x128xi32, #tpu.memory_space<vmem>>
      %dma_wait3A_239 = arith.constant 0 : i32
      %dma_wait3A_240 = tpu.memref_slice %dma_wait3A_238[%run_scoped3A_106, %dma_wait3A_239] : memref<8x128xi32, #tpu.memory_space<vmem>> -> memref<1x128xi32, #tpu.memory_space<vmem>>
      %dma_wait3A_241 = tpu.memref_squeeze %dma_wait3A_240 : memref<1x128xi32, #tpu.memory_space<vmem>> -> memref<128xi32, #tpu.memory_space<vmem>>
      %dma_wait3A_242 = arith.constant 0 : i32
      %dma_wait3A_243 = arith.constant 0 : i32
      %dma_wait3A_244 = tpu.memref_slice %arg11[%dma_wait3A_242, %dma_wait3A_243] : memref<10112x128xf32, #tpu.memory_space<vmem_shared>> -> memref<10112x128xf32, #tpu.memory_space<vmem_shared>>
      tpu.wait_indirect_dma semaphore(%run_scoped3A_224 : memref<!tpu.dma_semaphore, #tpu.memory_space<semaphore_mem>>) src(%arg10 : memref<128x128xf32, #tpu.memory_space<vmem>>) dst(%dma_wait3A_244 : memref<10112x128xf32, #tpu.memory_space<vmem_shared>>)
      tpu.yield
    }) : () -> ()
    %dma_wait3A_107 = arith.constant 1 : i32
    %dma_wait3A_108 = arith.constant 6 : i32
    %dma_wait3A_109 = arith.constant 0 : i32
    %dma_wait3A_110 = arith.constant 0 : i32
    %dma_wait3A_111 = tpu.memref_slice %arg8[%dma_wait3A_107, %dma_wait3A_109, %dma_wait3A_110] : memref<2x8x128xi32, #tpu.memory_space<vmem>> -> memref<1x8x128xi32, #tpu.memory_space<vmem>>
    %dma_wait3A_112 = tpu.memref_squeeze %dma_wait3A_111 : memref<1x8x128xi32, #tpu.memory_space<vmem>> -> memref<8x128xi32, #tpu.memory_space<vmem>>
    %dma_wait3A_113 = arith.constant 0 : i32
    %dma_wait3A_114 = tpu.memref_slice %dma_wait3A_112[%dma_wait3A_108, %dma_wait3A_113] : memref<8x128xi32, #tpu.memory_space<vmem>> -> memref<1x128xi32, #tpu.memory_space<vmem>>
    %dma_wait3A_115 = tpu.memref_squeeze %dma_wait3A_114 : memref<1x128xi32, #tpu.memory_space<vmem>> -> memref<128xi32, #tpu.memory_space<vmem>>
    %dma_wait3A_116 = arith.constant 0 : i32
    %dma_wait3A_117 = arith.constant 0 : i32
    %dma_wait3A_118 = tpu.memref_slice %arg11[%dma_wait3A_116, %dma_wait3A_117] : memref<10112x128xf32, #tpu.memory_space<vmem_shared>> -> memref<10112x128xf32, #tpu.memory_space<vmem_shared>>
    tpu.wait_indirect_dma semaphore(%arg14 : memref<!tpu.dma_semaphore, #tpu.memory_space<semaphore_mem>>) src(%arg9 : memref<128x128xf32, #tpu.memory_space<vmem>>) dst(%dma_wait3A_118 : memref<10112x128xf32, #tpu.memory_space<vmem_shared>>)
    %dma_wait3A_119 = arith.constant 1 : i32
    %dma_wait3A_120 = arith.constant 0 : i32
    %dma_wait3A_121 = arith.constant 0 : i32
    %dma_wait3A_122 = arith.constant 0 : i32
    %dma_wait3A_123 = tpu.memref_slice %arg8[%dma_wait3A_119, %dma_wait3A_121, %dma_wait3A_122] : memref<2x8x128xi32, #tpu.memory_space<vmem>> -> memref<1x8x128xi32, #tpu.memory_space<vmem>>
    %dma_wait3A_124 = tpu.memref_squeeze %dma_wait3A_123 : memref<1x8x128xi32, #tpu.memory_space<vmem>> -> memref<8x128xi32, #tpu.memory_space<vmem>>
    %dma_wait3A_125 = arith.constant 0 : i32
    %dma_wait3A_126 = tpu.memref_slice %dma_wait3A_124[%dma_wait3A_120, %dma_wait3A_125] : memref<8x128xi32, #tpu.memory_space<vmem>> -> memref<1x128xi32, #tpu.memory_space<vmem>>
    %dma_wait3A_127 = tpu.memref_squeeze %dma_wait3A_126 : memref<1x128xi32, #tpu.memory_space<vmem>> -> memref<128xi32, #tpu.memory_space<vmem>>
    %dma_wait3A_128 = arith.constant 0 : i32
    %dma_wait3A_129 = arith.constant 0 : i32
    %dma_wait3A_130 = tpu.memref_slice %arg19[%dma_wait3A_128, %dma_wait3A_129] : memref<10112x16xf32, #tpu.memory_space<vmem_shared>> -> memref<10112x16xf32, #tpu.memory_space<vmem_shared>>
    tpu.wait_indirect_dma semaphore(%arg20 : memref<!tpu.dma_semaphore, #tpu.memory_space<semaphore_mem>>) src(%arg18 : memref<128x16xf32, #tpu.memory_space<vmem>>) dst(%dma_wait3A_130 : memref<10112x16xf32, #tpu.memory_space<vmem_shared>>)
    %dma_wait3A_131 = arith.constant 1 : i32
    %dma_wait3A_132 = arith.constant 1 : i32
    %dma_wait3A_133 = arith.constant 0 : i32
    %dma_wait3A_134 = arith.constant 0 : i32
    %dma_wait3A_135 = tpu.memref_slice %arg8[%dma_wait3A_131, %dma_wait3A_133, %dma_wait3A_134] : memref<2x8x128xi32, #tpu.memory_space<vmem>> -> memref<1x8x128xi32, #tpu.memory_space<vmem>>
    %dma_wait3A_136 = tpu.memref_squeeze %dma_wait3A_135 : memref<1x8x128xi32, #tpu.memory_space<vmem>> -> memref<8x128xi32, #tpu.memory_space<vmem>>
    %dma_wait3A_137 = arith.constant 0 : i32
    %dma_wait3A_138 = tpu.memref_slice %dma_wait3A_136[%dma_wait3A_132, %dma_wait3A_137] : memref<8x128xi32, #tpu.memory_space<vmem>> -> memref<1x128xi32, #tpu.memory_space<vmem>>
    %dma_wait3A_139 = tpu.memref_squeeze %dma_wait3A_138 : memref<1x128xi32, #tpu.memory_space<vmem>> -> memref<128xi32, #tpu.memory_space<vmem>>
    %dma_wait3A_140 = arith.constant 0 : i32
    %dma_wait3A_141 = arith.constant 0 : i32
    %dma_wait3A_142 = tpu.memref_slice %arg19[%dma_wait3A_140, %dma_wait3A_141] : memref<10112x16xf32, #tpu.memory_space<vmem_shared>> -> memref<10112x16xf32, #tpu.memory_space<vmem_shared>>
    tpu.wait_indirect_dma semaphore(%arg20 : memref<!tpu.dma_semaphore, #tpu.memory_space<semaphore_mem>>) src(%arg18 : memref<128x16xf32, #tpu.memory_space<vmem>>) dst(%dma_wait3A_142 : memref<10112x16xf32, #tpu.memory_space<vmem_shared>>)
    %dma_wait3A_143 = arith.constant 1 : i32
    %dma_wait3A_144 = arith.constant 2 : i32
    %dma_wait3A_145 = arith.constant 0 : i32
    %dma_wait3A_146 = arith.constant 0 : i32
    %dma_wait3A_147 = tpu.memref_slice %arg8[%dma_wait3A_143, %dma_wait3A_145, %dma_wait3A_146] : memref<2x8x128xi32, #tpu.memory_space<vmem>> -> memref<1x8x128xi32, #tpu.memory_space<vmem>>
    %dma_wait3A_148 = tpu.memref_squeeze %dma_wait3A_147 : memref<1x8x128xi32, #tpu.memory_space<vmem>> -> memref<8x128xi32, #tpu.memory_space<vmem>>
    %dma_wait3A_149 = arith.constant 0 : i32
    %dma_wait3A_150 = tpu.memref_slice %dma_wait3A_148[%dma_wait3A_144, %dma_wait3A_149] : memref<8x128xi32, #tpu.memory_space<vmem>> -> memref<1x128xi32, #tpu.memory_space<vmem>>
    %dma_wait3A_151 = tpu.memref_squeeze %dma_wait3A_150 : memref<1x128xi32, #tpu.memory_space<vmem>> -> memref<128xi32, #tpu.memory_space<vmem>>
    %dma_wait3A_152 = arith.constant 0 : i32
    %dma_wait3A_153 = arith.constant 0 : i32
    %dma_wait3A_154 = tpu.memref_slice %arg19[%dma_wait3A_152, %dma_wait3A_153] : memref<10112x16xf32, #tpu.memory_space<vmem_shared>> -> memref<10112x16xf32, #tpu.memory_space<vmem_shared>>
    tpu.wait_indirect_dma semaphore(%arg20 : memref<!tpu.dma_semaphore, #tpu.memory_space<semaphore_mem>>) src(%arg18 : memref<128x16xf32, #tpu.memory_space<vmem>>) dst(%dma_wait3A_154 : memref<10112x16xf32, #tpu.memory_space<vmem_shared>>)
    %dma_wait3A_155 = arith.constant 1 : i32
    %dma_wait3A_156 = arith.constant 3 : i32
    %dma_wait3A_157 = arith.constant 0 : i32
    %dma_wait3A_158 = arith.constant 0 : i32
    %dma_wait3A_159 = tpu.memref_slice %arg8[%dma_wait3A_155, %dma_wait3A_157, %dma_wait3A_158] : memref<2x8x128xi32, #tpu.memory_space<vmem>> -> memref<1x8x128xi32, #tpu.memory_space<vmem>>
    %dma_wait3A_160 = tpu.memref_squeeze %dma_wait3A_159 : memref<1x8x128xi32, #tpu.memory_space<vmem>> -> memref<8x128xi32, #tpu.memory_space<vmem>>
    %dma_wait3A_161 = arith.constant 0 : i32
    %dma_wait3A_162 = tpu.memref_slice %dma_wait3A_160[%dma_wait3A_156, %dma_wait3A_161] : memref<8x128xi32, #tpu.memory_space<vmem>> -> memref<1x128xi32, #tpu.memory_space<vmem>>
    %dma_wait3A_163 = tpu.memref_squeeze %dma_wait3A_162 : memref<1x128xi32, #tpu.memory_space<vmem>> -> memref<128xi32, #tpu.memory_space<vmem>>
    %dma_wait3A_164 = arith.constant 0 : i32
    %dma_wait3A_165 = arith.constant 0 : i32
    %dma_wait3A_166 = tpu.memref_slice %arg19[%dma_wait3A_164, %dma_wait3A_165] : memref<10112x16xf32, #tpu.memory_space<vmem_shared>> -> memref<10112x16xf32, #tpu.memory_space<vmem_shared>>
    tpu.wait_indirect_dma semaphore(%arg20 : memref<!tpu.dma_semaphore, #tpu.memory_space<semaphore_mem>>) src(%arg18 : memref<128x16xf32, #tpu.memory_space<vmem>>) dst(%dma_wait3A_166 : memref<10112x16xf32, #tpu.memory_space<vmem_shared>>)
    %dma_wait3A_167 = arith.constant 1 : i32
    %dma_wait3A_168 = arith.constant 4 : i32
    %dma_wait3A_169 = arith.constant 0 : i32
    %dma_wait3A_170 = arith.constant 0 : i32
    %dma_wait3A_171 = tpu.memref_slice %arg8[%dma_wait3A_167, %dma_wait3A_169, %dma_wait3A_170] : memref<2x8x128xi32, #tpu.memory_space<vmem>> -> memref<1x8x128xi32, #tpu.memory_space<vmem>>
    %dma_wait3A_172 = tpu.memref_squeeze %dma_wait3A_171 : memref<1x8x128xi32, #tpu.memory_space<vmem>> -> memref<8x128xi32, #tpu.memory_space<vmem>>
    %dma_wait3A_173 = arith.constant 0 : i32
    %dma_wait3A_174 = tpu.memref_slice %dma_wait3A_172[%dma_wait3A_168, %dma_wait3A_173] : memref<8x128xi32, #tpu.memory_space<vmem>> -> memref<1x128xi32, #tpu.memory_space<vmem>>
    %dma_wait3A_175 = tpu.memref_squeeze %dma_wait3A_174 : memref<1x128xi32, #tpu.memory_space<vmem>> -> memref<128xi32, #tpu.memory_space<vmem>>
    %dma_wait3A_176 = arith.constant 0 : i32
    %dma_wait3A_177 = arith.constant 0 : i32
    %dma_wait3A_178 = tpu.memref_slice %arg19[%dma_wait3A_176, %dma_wait3A_177] : memref<10112x16xf32, #tpu.memory_space<vmem_shared>> -> memref<10112x16xf32, #tpu.memory_space<vmem_shared>>
    tpu.wait_indirect_dma semaphore(%arg20 : memref<!tpu.dma_semaphore, #tpu.memory_space<semaphore_mem>>) src(%arg18 : memref<128x16xf32, #tpu.memory_space<vmem>>) dst(%dma_wait3A_178 : memref<10112x16xf32, #tpu.memory_space<vmem_shared>>)
    %dma_wait3A_179 = arith.constant 1 : i32
    %dma_wait3A_180 = arith.constant 5 : i32
    %dma_wait3A_181 = arith.constant 0 : i32
    %dma_wait3A_182 = arith.constant 0 : i32
    %dma_wait3A_183 = tpu.memref_slice %arg8[%dma_wait3A_179, %dma_wait3A_181, %dma_wait3A_182] : memref<2x8x128xi32, #tpu.memory_space<vmem>> -> memref<1x8x128xi32, #tpu.memory_space<vmem>>
    %dma_wait3A_184 = tpu.memref_squeeze %dma_wait3A_183 : memref<1x8x128xi32, #tpu.memory_space<vmem>> -> memref<8x128xi32, #tpu.memory_space<vmem>>
    %dma_wait3A_185 = arith.constant 0 : i32
    %dma_wait3A_186 = tpu.memref_slice %dma_wait3A_184[%dma_wait3A_180, %dma_wait3A_185] : memref<8x128xi32, #tpu.memory_space<vmem>> -> memref<1x128xi32, #tpu.memory_space<vmem>>
    %dma_wait3A_187 = tpu.memref_squeeze %dma_wait3A_186 : memref<1x128xi32, #tpu.memory_space<vmem>> -> memref<128xi32, #tpu.memory_space<vmem>>
    %dma_wait3A_188 = arith.constant 0 : i32
    %dma_wait3A_189 = arith.constant 0 : i32
    %dma_wait3A_190 = tpu.memref_slice %arg19[%dma_wait3A_188, %dma_wait3A_189] : memref<10112x16xf32, #tpu.memory_space<vmem_shared>> -> memref<10112x16xf32, #tpu.memory_space<vmem_shared>>
    tpu.wait_indirect_dma semaphore(%arg20 : memref<!tpu.dma_semaphore, #tpu.memory_space<semaphore_mem>>) src(%arg18 : memref<128x16xf32, #tpu.memory_space<vmem>>) dst(%dma_wait3A_190 : memref<10112x16xf32, #tpu.memory_space<vmem_shared>>)
    %dma_wait3A_191 = arith.constant 1 : i32
    %dma_wait3A_192 = arith.constant 6 : i32
    %dma_wait3A_193 = arith.constant 0 : i32
    %dma_wait3A_194 = arith.constant 0 : i32
    %dma_wait3A_195 = tpu.memref_slice %arg8[%dma_wait3A_191, %dma_wait3A_193, %dma_wait3A_194] : memref<2x8x128xi32, #tpu.memory_space<vmem>> -> memref<1x8x128xi32, #tpu.memory_space<vmem>>
    %dma_wait3A_196 = tpu.memref_squeeze %dma_wait3A_195 : memref<1x8x128xi32, #tpu.memory_space<vmem>> -> memref<8x128xi32, #tpu.memory_space<vmem>>
    %dma_wait3A_197 = arith.constant 0 : i32
    %dma_wait3A_198 = tpu.memref_slice %dma_wait3A_196[%dma_wait3A_192, %dma_wait3A_197] : memref<8x128xi32, #tpu.memory_space<vmem>> -> memref<1x128xi32, #tpu.memory_space<vmem>>
    %dma_wait3A_199 = tpu.memref_squeeze %dma_wait3A_198 : memref<1x128xi32, #tpu.memory_space<vmem>> -> memref<128xi32, #tpu.memory_space<vmem>>
    %dma_wait3A_200 = arith.constant 0 : i32
    %dma_wait3A_201 = arith.constant 0 : i32
    %dma_wait3A_202 = tpu.memref_slice %arg19[%dma_wait3A_200, %dma_wait3A_201] : memref<10112x16xf32, #tpu.memory_space<vmem_shared>> -> memref<10112x16xf32, #tpu.memory_space<vmem_shared>>
    tpu.wait_indirect_dma semaphore(%arg20 : memref<!tpu.dma_semaphore, #tpu.memory_space<semaphore_mem>>) src(%arg18 : memref<128x16xf32, #tpu.memory_space<vmem>>) dst(%dma_wait3A_202 : memref<10112x16xf32, #tpu.memory_space<vmem_shared>>)
    %dma_wait3A_203 = arith.constant 1 : i32
    %dma_wait3A_204 = arith.constant 7 : i32
    %dma_wait3A_205 = arith.constant 0 : i32
    %dma_wait3A_206 = arith.constant 0 : i32
    %dma_wait3A_207 = tpu.memref_slice %arg8[%dma_wait3A_203, %dma_wait3A_205, %dma_wait3A_206] : memref<2x8x128xi32, #tpu.memory_space<vmem>> -> memref<1x8x128xi32, #tpu.memory_space<vmem>>
    %dma_wait3A_208 = tpu.memref_squeeze %dma_wait3A_207 : memref<1x8x128xi32, #tpu.memory_space<vmem>> -> memref<8x128xi32, #tpu.memory_space<vmem>>
    %dma_wait3A_209 = arith.constant 0 : i32
    %dma_wait3A_210 = tpu.memref_slice %dma_wait3A_208[%dma_wait3A_204, %dma_wait3A_209] : memref<8x128xi32, #tpu.memory_space<vmem>> -> memref<1x128xi32, #tpu.memory_space<vmem>>
    %dma_wait3A_211 = tpu.memref_squeeze %dma_wait3A_210 : memref<1x128xi32, #tpu.memory_space<vmem>> -> memref<128xi32, #tpu.memory_space<vmem>>
    %dma_wait3A_212 = arith.constant 0 : i32
    %dma_wait3A_213 = arith.constant 0 : i32
    %dma_wait3A_214 = tpu.memref_slice %arg19[%dma_wait3A_212, %dma_wait3A_213] : memref<10112x16xf32, #tpu.memory_space<vmem_shared>> -> memref<10112x16xf32, #tpu.memory_space<vmem_shared>>
    tpu.wait_indirect_dma semaphore(%arg20 : memref<!tpu.dma_semaphore, #tpu.memory_space<semaphore_mem>>) src(%arg18 : memref<128x16xf32, #tpu.memory_space<vmem>>) dst(%dma_wait3A_214 : memref<10112x16xf32, #tpu.memory_space<vmem_shared>>)
    %barrier3A_215 = arith.constant 0 : index
    tpu.barrier barrier_id(%barrier3A_215)
    %mul3A_216 = arith.constant 632 : i32
    %mul3A_217 = arith.muli %arg1, %mul3A_216 : i32
    %mul3A_218 = arith.constant 632 : i32
    %mul3A_219 = arith.muli %arg1, %mul3A_218 : i32
    "tpu.region"() ({
      %run_scoped3A_224 = tpu.sem_alloc : memref<!tpu.dma_semaphore, #tpu.memory_space<semaphore_mem>>
      %dma_start3A_225 = arith.constant 0 : i32
      %dma_start3A_226 = arith.constant 0 : i32
      %dma_start3A_227 = tpu.memref_slice %arg5[%arg0, %dma_start3A_225, %dma_start3A_226] : memref<2x10112x128xf32, #tpu.memory_space<hbm>> -> memref<1x10112x128xf32, #tpu.memory_space<hbm>>
      %dma_start3A_228 = tpu.memref_squeeze %dma_start3A_227 : memref<1x10112x128xf32, #tpu.memory_space<hbm>> -> memref<10112x128xf32, #tpu.memory_space<hbm>>
      %dma_start3A_229 = arith.constant 0 : i32
      %dma_start3A_230 = tpu.memref_slice %dma_start3A_228[%mul3A_219, %dma_start3A_229] : memref<10112x128xf32, #tpu.memory_space<hbm>> -> memref<632x128xf32, #tpu.memory_space<hbm>>
      %dma_start3A_231 = arith.constant 0 : i32
      %dma_start3A_232 = tpu.memref_slice %arg11[%mul3A_217, %dma_start3A_231] : memref<10112x128xf32, #tpu.memory_space<vmem_shared>> -> memref<632x128xf32, #tpu.memory_space<vmem_shared>>
      tpu.enqueue_dma source(%dma_start3A_232 : memref<632x128xf32, #tpu.memory_space<vmem_shared>>) target(%dma_start3A_230 : memref<632x128xf32, #tpu.memory_space<hbm>>) target_semaphore(%run_scoped3A_224 : memref<!tpu.dma_semaphore, #tpu.memory_space<semaphore_mem>>)
      %dma_wait3A_233 = arith.constant 0 : i32
      %dma_wait3A_234 = arith.constant 0 : i32
      %dma_wait3A_235 = tpu.memref_slice %arg5[%arg0, %dma_wait3A_233, %dma_wait3A_234] : memref<2x10112x128xf32, #tpu.memory_space<hbm>> -> memref<1x10112x128xf32, #tpu.memory_space<hbm>>
      %dma_wait3A_236 = tpu.memref_squeeze %dma_wait3A_235 : memref<1x10112x128xf32, #tpu.memory_space<hbm>> -> memref<10112x128xf32, #tpu.memory_space<hbm>>
      %dma_wait3A_237 = arith.constant 0 : i32
      %dma_wait3A_238 = tpu.memref_slice %dma_wait3A_236[%mul3A_219, %dma_wait3A_237] : memref<10112x128xf32, #tpu.memory_space<hbm>> -> memref<632x128xf32, #tpu.memory_space<hbm>>
      %dma_wait3A_239 = arith.constant 0 : i32
      %dma_wait3A_240 = tpu.memref_slice %arg11[%mul3A_217, %dma_wait3A_239] : memref<10112x128xf32, #tpu.memory_space<vmem_shared>> -> memref<632x128xf32, #tpu.memory_space<vmem_shared>>
      tpu.wait_dma2 semaphore(%run_scoped3A_224 : memref<!tpu.dma_semaphore, #tpu.memory_space<semaphore_mem>>) src(%dma_wait3A_240 : memref<632x128xf32, #tpu.memory_space<vmem_shared>>) dst(%dma_wait3A_238 : memref<632x128xf32, #tpu.memory_space<hbm>>)
      tpu.yield
    }) : () -> ()
    %mul3A_220 = arith.constant 632 : i32
    %mul3A_221 = arith.muli %arg1, %mul3A_220 : i32
    %mul3A_222 = arith.constant 632 : i32
    %mul3A_223 = arith.muli %arg1, %mul3A_222 : i32
    "tpu.region"() ({
      %run_scoped3A_224 = tpu.sem_alloc : memref<!tpu.dma_semaphore, #tpu.memory_space<semaphore_mem>>
      %dma_start3A_225 = arith.constant 0 : i32
      %dma_start3A_226 = arith.constant 0 : i32
      %dma_start3A_227 = tpu.memref_slice %arg6[%arg0, %dma_start3A_225, %dma_start3A_226] : memref<2x10112x16xf32, #tpu.memory_space<hbm>> -> memref<1x10112x16xf32, #tpu.memory_space<hbm>>
      %dma_start3A_228 = tpu.memref_squeeze %dma_start3A_227 : memref<1x10112x16xf32, #tpu.memory_space<hbm>> -> memref<10112x16xf32, #tpu.memory_space<hbm>>
      %dma_start3A_229 = arith.constant 0 : i32
      %dma_start3A_230 = tpu.memref_slice %dma_start3A_228[%mul3A_223, %dma_start3A_229] : memref<10112x16xf32, #tpu.memory_space<hbm>> -> memref<632x16xf32, #tpu.memory_space<hbm>>
      %dma_start3A_231 = arith.constant 0 : i32
      %dma_start3A_232 = tpu.memref_slice %arg19[%mul3A_221, %dma_start3A_231] : memref<10112x16xf32, #tpu.memory_space<vmem_shared>> -> memref<632x16xf32, #tpu.memory_space<vmem_shared>>
      tpu.enqueue_dma source(%dma_start3A_232 : memref<632x16xf32, #tpu.memory_space<vmem_shared>>) target(%dma_start3A_230 : memref<632x16xf32, #tpu.memory_space<hbm>>) target_semaphore(%run_scoped3A_224 : memref<!tpu.dma_semaphore, #tpu.memory_space<semaphore_mem>>)
      %dma_wait3A_233 = arith.constant 0 : i32
      %dma_wait3A_234 = arith.constant 0 : i32
      %dma_wait3A_235 = tpu.memref_slice %arg6[%arg0, %dma_wait3A_233, %dma_wait3A_234] : memref<2x10112x16xf32, #tpu.memory_space<hbm>> -> memref<1x10112x16xf32, #tpu.memory_space<hbm>>
      %dma_wait3A_236 = tpu.memref_squeeze %dma_wait3A_235 : memref<1x10112x16xf32, #tpu.memory_space<hbm>> -> memref<10112x16xf32, #tpu.memory_space<hbm>>
      %dma_wait3A_237 = arith.constant 0 : i32
      %dma_wait3A_238 = tpu.memref_slice %dma_wait3A_236[%mul3A_223, %dma_wait3A_237] : memref<10112x16xf32, #tpu.memory_space<hbm>> -> memref<632x16xf32, #tpu.memory_space<hbm>>
      %dma_wait3A_239 = arith.constant 0 : i32
      %dma_wait3A_240 = tpu.memref_slice %arg19[%mul3A_221, %dma_wait3A_239] : memref<10112x16xf32, #tpu.memory_space<vmem_shared>> -> memref<632x16xf32, #tpu.memory_space<vmem_shared>>
      tpu.wait_dma2 semaphore(%run_scoped3A_224 : memref<!tpu.dma_semaphore, #tpu.memory_space<semaphore_mem>>) src(%dma_wait3A_240 : memref<632x16xf32, #tpu.memory_space<vmem_shared>>) dst(%dma_wait3A_238 : memref<632x16xf32, #tpu.memory_space<hbm>>)
      tpu.yield
    }) : () -> ()
    return
  }
}

module attributes {stable_mosaic.version = 14 : i64} {
  func.func @_mm_body(%arg0: i32, %arg1: memref<1000x128xf32, #tpu.memory_space<vmem>>, %arg2: memref<128x128xf32, #tpu.memory_space<vmem>>, %arg3: memref<1000x128xf32, #tpu.memory_space<vmem>>) attributes {dimension_semantics = [#tpu.dimension_semantics<arbitrary>], iteration_bounds = array<i64: 10>, scalar_prefetch = 0 : i64, scratch_operands = 0 : i64, tpu.core_type = #tpu.core_type<tc>, window_params = [{transform_indices = @transform_0, window_bounds = array<i64: 1000, 128>}, {pipeline_mode = #tpu.pipeline_mode<synchronous>, transform_indices = @transform_1, window_bounds = array<i64: 128, 128>}, {transform_indices = @transform_2, window_bounds = array<i64: 1000, 128>}]} {
    %get3A = arith.constant 0 : index
    %get3A_0 = arith.constant 0 : index
    %get3A_1 = vector.load %arg1[%get3A, %get3A_0] : memref<1000x128xf32, #tpu.memory_space<vmem>>, vector<1000x128xf32>
    %get3A_2 = arith.constant 0 : index
    %get3A_3 = arith.constant 0 : index
    %get3A_4 = vector.load %arg2[%get3A_2, %get3A_3] : memref<128x128xf32, #tpu.memory_space<vmem>>, vector<128x128xf32>
    %dot_general3A = arith.constant dense<0.000000e+00> : vector<1000x128xf32>
    %dot_general3A_5 = tpu.matmul %get3A_1, %get3A_4, %dot_general3A {dimension_numbers = #tpu.dot_dimension_numbers<[1], [1], [0], [0], [0, 0, 1, 0], [], []>, transpose_lhs_hint = false} : vector<1000x128xf32>, vector<128x128xf32>, vector<1000x128xf32> -> vector<1000x128xf32>
    %swap3A = arith.constant 0 : index
    %swap3A_6 = arith.constant 0 : index
    %swap3A_7 = vector.load %arg3[%swap3A, %swap3A_6] : memref<1000x128xf32, #tpu.memory_space<vmem>>, vector<1000x128xf32>
    tpu.vector_store %arg3[%swap3A, %swap3A_6], %dot_general3A_5 {strides = array<i32>} : memref<1000x128xf32, #tpu.memory_space<vmem>>, vector<1000x128xf32>,
    return
  }
  func.func @transform_0(%arg0: i32) -> (i32, i32) {
    %c0_i32 = arith.constant 0 : i32
    %c0_i32_0 = arith.constant 0 : i32
    return %arg0, %c0_i32 : i32, i32
  }
  func.func @transform_1(%arg0: i32) -> (i32, i32) {
    %c0_i32 = arith.constant 0 : i32
    %c0_i32_0 = arith.constant 0 : i32
    %c0_i32_1 = arith.constant 0 : i32
    return %c0_i32, %c0_i32_0 : i32, i32
  }
  func.func @transform_2(%arg0: i32) -> (i32, i32) {
    %c0_i32 = arith.constant 0 : i32
    %c0_i32_0 = arith.constant 0 : i32
    return %arg0, %c0_i32 : i32, i32
  }
}

module attributes {stable_mosaic.version = 14 : i64} {
  func.func @_out_body(%arg0: i32, %arg1: memref<2x1000x128xf32, #tpu.memory_space<vmem>>, %arg2: memref<1000x1xf32, #tpu.memory_space<vmem>>, %arg3: memref<1000x128xf32, #tpu.memory_space<vmem>>, %arg4: memref<128x128xf32, #tpu.memory_space<vmem>>, %arg5: memref<1x128xf32, #tpu.memory_space<vmem>>, %arg6: memref<1000x128xf32, #tpu.memory_space<vmem>>) attributes {dimension_semantics = [#tpu.dimension_semantics<arbitrary>], iteration_bounds = array<i64: 10>, scalar_prefetch = 0 : i64, scratch_operands = 0 : i64, tpu.core_type = #tpu.core_type<tc>, window_params = [{transform_indices = @transform_0, window_bounds = array<i64: 2, 1000, 128>}, {transform_indices = @transform_1, window_bounds = array<i64: 1000, 1>}, {transform_indices = @transform_2, window_bounds = array<i64: 1000, 128>}, {pipeline_mode = #tpu.pipeline_mode<synchronous>, transform_indices = @transform_3, window_bounds = array<i64: 128, 128>}, {pipeline_mode = #tpu.pipeline_mode<synchronous>, transform_indices = @transform_4, window_bounds = array<i64: 1, 128>}, {transform_indices = @transform_5, window_bounds = array<i64: 1000, 128>}]} {
    %get3A = arith.constant 0 : index
    %get3A_0 = arith.constant 0 : index
    %get3A_1 = arith.constant 0 : index
    %get3A_2 = vector.load %arg1[%get3A, %get3A_0, %get3A_1] : memref<2x1000x128xf32, #tpu.memory_space<vmem>>, vector<1x1000x128xf32>
    %get3A_3 = vector.shape_cast %get3A_2 : vector<1x1000x128xf32> to vector<1000x128xf32>
    %get3A_4 = arith.constant 1 : index
    %get3A_5 = arith.constant 0 : index
    %get3A_6 = arith.constant 0 : index
    %get3A_7 = vector.load %arg1[%get3A_4, %get3A_5, %get3A_6] : memref<2x1000x128xf32, #tpu.memory_space<vmem>>, vector<1x1000x128xf32>
    %get3A_8 = vector.shape_cast %get3A_7 : vector<1x1000x128xf32> to vector<1000x128xf32>
    %add3A = arith.addf %get3A_3, %get3A_8 : vector<1000x128xf32>
    %get3A_9 = arith.constant 0 : index
    %get3A_10 = arith.constant 0 : index
    %get3A_11 = vector.load %arg2[%get3A_9, %get3A_10] : memref<1000x1xf32, #tpu.memory_space<vmem>>, vector<1000x1xf32>
    %get3A_12 = arith.constant 0 : index
    %get3A_13 = arith.constant 0 : index
    %get3A_14 = vector.load %arg3[%get3A_12, %get3A_13] : memref<1000x128xf32, #tpu.memory_space<vmem>>, vector<1000x128xf32>
    %get3A_15 = arith.constant 0 : index
    %get3A_16 = arith.constant 0 : index
    %get3A_17 = vector.load %arg4[%get3A_15, %get3A_16] : memref<128x128xf32, #tpu.memory_space<vmem>>, vector<128x128xf32>
    %dot_general3A = arith.constant dense<0.000000e+00> : vector<1000x128xf32>
    %dot_general3A_18 = tpu.matmul %get3A_14, %get3A_17, %dot_general3A {dimension_numbers = #tpu.dot_dimension_numbers<[1], [1], [0], [0], [0, 0, 1, 0], [], []>, transpose_lhs_hint = false} : vector<1000x128xf32>, vector<128x128xf32>, vector<1000x128xf32> -> vector<1000x128xf32>
    %mul3A = vector.broadcast %get3A_11 : vector<1000x1xf32> to vector<1000x128xf32>
    %mul3A_19 = arith.mulf %add3A, %mul3A : vector<1000x128xf32>
    %get3A_20 = arith.constant 0 : index
    %get3A_21 = arith.constant 0 : index
    %get3A_22 = vector.load %arg5[%get3A_20, %get3A_21] : memref<1x128xf32, #tpu.memory_space<vmem>>, vector<1x128xf32>
    %add3A_23 = vector.broadcast %get3A_22 : vector<1x128xf32> to vector<1000x128xf32>
    %add3A_24 = arith.addf %mul3A_19, %add3A_23 : vector<1000x128xf32>
    %add3A_25 = arith.addf %add3A_24, %dot_general3A_18 : vector<1000x128xf32>
    %swap3A = arith.constant 0 : index
    %swap3A_26 = arith.constant 0 : index
    %swap3A_27 = vector.load %arg6[%swap3A, %swap3A_26] : memref<1000x128xf32, #tpu.memory_space<vmem>>, vector<1000x128xf32>
    tpu.vector_store %arg6[%swap3A, %swap3A_26], %add3A_25 {strides = array<i32>} : memref<1000x128xf32, #tpu.memory_space<vmem>>, vector<1000x128xf32>,
    return
  }
  func.func @transform_0(%arg0: i32) -> (i32, i32, i32) {
    %c0_i32 = arith.constant 0 : i32
    %c0_i32_0 = arith.constant 0 : i32
    %c0_i32_1 = arith.constant 0 : i32
    return %c0_i32, %arg0, %c0_i32_0 : i32, i32, i32
  }
  func.func @transform_1(%arg0: i32) -> (i32, i32) {
    %c0_i32 = arith.constant 0 : i32
    %c0_i32_0 = arith.constant 0 : i32
    return %arg0, %c0_i32 : i32, i32
  }
  func.func @transform_2(%arg0: i32) -> (i32, i32) {
    %c0_i32 = arith.constant 0 : i32
    %c0_i32_0 = arith.constant 0 : i32
    return %arg0, %c0_i32 : i32, i32
  }
  func.func @transform_3(%arg0: i32) -> (i32, i32) {
    %c0_i32 = arith.constant 0 : i32
    %c0_i32_0 = arith.constant 0 : i32
    %c0_i32_1 = arith.constant 0 : i32
    return %c0_i32, %c0_i32_0 : i32, i32
  }
  func.func @transform_4(%arg0: i32) -> (i32, i32) {
    %c0_i32 = arith.constant 0 : i32
    %c0_i32_0 = arith.constant 0 : i32
    %c0_i32_1 = arith.constant 0 : i32
    return %c0_i32, %c0_i32_0 : i32, i32
  }
  func.func @transform_5(%arg0: i32) -> (i32, i32) {
    %c0_i32 = arith.constant 0 : i32
    %c0_i32_0 = arith.constant 0 : i32
    return %arg0, %c0_i32 : i32, i32
  }
}

module attributes {stable_mosaic.version = 14 : i64} {
  func.func @_mid_body(%arg0: i32, %arg1: memref<2x1000x128xf32, #tpu.memory_space<vmem>>, %arg2: memref<2x1000x16xf32, #tpu.memory_space<vmem>>, %arg3: memref<1000x128xf32, #tpu.memory_space<vmem>>, %arg4: memref<128x128xf32, #tpu.memory_space<vmem>>, %arg5: memref<1x128xf32, #tpu.memory_space<vmem>>, %arg6: memref<128x128xf32, #tpu.memory_space<vmem>>, %arg7: memref<1000x128xf32, #tpu.memory_space<vmem>>, %arg8: memref<1000x128xf32, #tpu.memory_space<vmem>>, %arg9: memref<1000x1xf32, #tpu.memory_space<vmem>>) attributes {dimension_semantics = [#tpu.dimension_semantics<arbitrary>], iteration_bounds = array<i64: 10>, scalar_prefetch = 0 : i64, scratch_operands = 0 : i64, tpu.core_type = #tpu.core_type<tc>, window_params = [{transform_indices = @transform_0, window_bounds = array<i64: 2, 1000, 128>}, {transform_indices = @transform_1, window_bounds = array<i64: 2, 1000, 16>}, {transform_indices = @transform_2, window_bounds = array<i64: 1000, 128>}, {pipeline_mode = #tpu.pipeline_mode<synchronous>, transform_indices = @transform_3, window_bounds = array<i64: 128, 128>}, {pipeline_mode = #tpu.pipeline_mode<synchronous>, transform_indices = @transform_4, window_bounds = array<i64: 1, 128>}, {pipeline_mode = #tpu.pipeline_mode<synchronous>, transform_indices = @transform_5, window_bounds = array<i64: 128, 128>}, {transform_indices = @transform_6, window_bounds = array<i64: 1000, 128>}, {transform_indices = @transform_7, window_bounds = array<i64: 1000, 128>}, {transform_indices = @transform_8, window_bounds = array<i64: 1000, 1>}]} {
    %get3A = arith.constant 0 : index
    %get3A_0 = arith.constant 0 : index
    %get3A_1 = arith.constant 0 : index
    %get3A_2 = vector.load %arg1[%get3A, %get3A_0, %get3A_1] : memref<2x1000x128xf32, #tpu.memory_space<vmem>>, vector<1x1000x128xf32>
    %get3A_3 = vector.shape_cast %get3A_2 : vector<1x1000x128xf32> to vector<1000x128xf32>
    %get3A_4 = arith.constant 1 : index
    %get3A_5 = arith.constant 0 : index
    %get3A_6 = arith.constant 0 : index
    %get3A_7 = vector.load %arg1[%get3A_4, %get3A_5, %get3A_6] : memref<2x1000x128xf32, #tpu.memory_space<vmem>>, vector<1x1000x128xf32>
    %get3A_8 = vector.shape_cast %get3A_7 : vector<1x1000x128xf32> to vector<1000x128xf32>
    %add3A = arith.addf %get3A_3, %get3A_8 : vector<1000x128xf32>
    %get3A_9 = arith.constant 0 : index
    %get3A_10 = arith.constant 0 : index
    %get3A_11 = arith.constant 0 : index
    %get3A_12 = vector.load %arg2[%get3A_9, %get3A_10, %get3A_11] : memref<2x1000x16xf32, #tpu.memory_space<vmem>>, vector<1x1000x1xf32>
    %get3A_13 = vector.shape_cast %get3A_12 : vector<1x1000x1xf32> to vector<1000x1xf32>
    %get3A_14 = arith.constant 1 : index
    %get3A_15 = arith.constant 0 : index
    %get3A_16 = arith.constant 0 : index
    %get3A_17 = vector.load %arg2[%get3A_14, %get3A_15, %get3A_16] : memref<2x1000x16xf32, #tpu.memory_space<vmem>>, vector<1x1000x1xf32>
    %get3A_18 = vector.shape_cast %get3A_17 : vector<1x1000x1xf32> to vector<1000x1xf32>
    %add3A_19 = arith.addf %get3A_13, %get3A_18 : vector<1000x1xf32>
    %max3A = arith.constant 1.000000e+00 : f32
    %max3A_20 = vector.broadcast %max3A : f32 to vector<1000x1xf32>
    %max3A_21 = arith.maximumf %add3A_19, %max3A_20 : vector<1000x1xf32>
    %div3A = arith.constant 1.000000e+00 : f32
    %div3A_22 = vector.broadcast %div3A : f32 to vector<1000x1xf32>
    %div3A_23 = arith.divf %div3A_22, %max3A_21 : vector<1000x1xf32>
    %swap3A = arith.constant 0 : index
    %swap3A_24 = arith.constant 0 : index
    %swap3A_25 = vector.load %arg9[%swap3A, %swap3A_24] : memref<1000x1xf32, #tpu.memory_space<vmem>>, vector<1000x1xf32>
    tpu.vector_store %arg9[%swap3A, %swap3A_24], %div3A_23 {strides = array<i32>} : memref<1000x1xf32, #tpu.memory_space<vmem>>, vector<1000x1xf32>,
    %get3A_26 = arith.constant 0 : index
    %get3A_27 = arith.constant 0 : index
    %get3A_28 = vector.load %arg3[%get3A_26, %get3A_27] : memref<1000x128xf32, #tpu.memory_space<vmem>>, vector<1000x128xf32>
    %get3A_29 = arith.constant 0 : index
    %get3A_30 = arith.constant 0 : index
    %get3A_31 = vector.load %arg4[%get3A_29, %get3A_30] : memref<128x128xf32, #tpu.memory_space<vmem>>, vector<128x128xf32>
    %dot_general3A = arith.constant dense<0.000000e+00> : vector<1000x128xf32>
    %dot_general3A_32 = tpu.matmul %get3A_28, %get3A_31, %dot_general3A {dimension_numbers = #tpu.dot_dimension_numbers<[1], [1], [0], [0], [0, 0, 1, 0], [], []>, transpose_lhs_hint = false} : vector<1000x128xf32>, vector<128x128xf32>, vector<1000x128xf32> -> vector<1000x128xf32>
    %mul3A = vector.broadcast %div3A_23 : vector<1000x1xf32> to vector<1000x128xf32>
    %mul3A_33 = arith.mulf %add3A, %mul3A : vector<1000x128xf32>
    %get3A_34 = arith.constant 0 : index
    %get3A_35 = arith.constant 0 : index
    %get3A_36 = vector.load %arg5[%get3A_34, %get3A_35] : memref<1x128xf32, #tpu.memory_space<vmem>>, vector<1x128xf32>
    %add3A_37 = vector.broadcast %get3A_36 : vector<1x128xf32> to vector<1000x128xf32>
    %add3A_38 = arith.addf %mul3A_33, %add3A_37 : vector<1000x128xf32>
    %add3A_39 = arith.addf %add3A_38, %dot_general3A_32 : vector<1000x128xf32>
    %max3A_40 = arith.constant 0.000000e+00 : f32
    %max3A_41 = vector.broadcast %max3A_40 : f32 to vector<1000x128xf32>
    %max3A_42 = arith.maximumf %add3A_39, %max3A_41 : vector<1000x128xf32>
    %swap3A_43 = arith.constant 0 : index
    %swap3A_44 = arith.constant 0 : index
    %swap3A_45 = vector.load %arg7[%swap3A_43, %swap3A_44] : memref<1000x128xf32, #tpu.memory_space<vmem>>, vector<1000x128xf32>
    tpu.vector_store %arg7[%swap3A_43, %swap3A_44], %max3A_42 {strides = array<i32>} : memref<1000x128xf32, #tpu.memory_space<vmem>>, vector<1000x128xf32>,
    %get3A_46 = arith.constant 0 : index
    %get3A_47 = arith.constant 0 : index
    %get3A_48 = vector.load %arg6[%get3A_46, %get3A_47] : memref<128x128xf32, #tpu.memory_space<vmem>>, vector<128x128xf32>
    %dot_general3A_49 = arith.constant dense<0.000000e+00> : vector<1000x128xf32>
    %dot_general3A_50 = tpu.matmul %max3A_42, %get3A_48, %dot_general3A_49 {dimension_numbers = #tpu.dot_dimension_numbers<[1], [1], [0], [0], [0, 0, 1, 0], [], []>, transpose_lhs_hint = false} : vector<1000x128xf32>, vector<128x128xf32>, vector<1000x128xf32> -> vector<1000x128xf32>
    %swap3A_51 = arith.constant 0 : index
    %swap3A_52 = arith.constant 0 : index
    %swap3A_53 = vector.load %arg8[%swap3A_51, %swap3A_52] : memref<1000x128xf32, #tpu.memory_space<vmem>>, vector<1000x128xf32>
    tpu.vector_store %arg8[%swap3A_51, %swap3A_52], %dot_general3A_50 {strides = array<i32>} : memref<1000x128xf32, #tpu.memory_space<vmem>>, vector<1000x128xf32>,
    return
  }
  func.func @transform_0(%arg0: i32) -> (i32, i32, i32) {
    %c0_i32 = arith.constant 0 : i32
    %c0_i32_0 = arith.constant 0 : i32
    %c0_i32_1 = arith.constant 0 : i32
    return %c0_i32, %arg0, %c0_i32_0 : i32, i32, i32
  }
  func.func @transform_1(%arg0: i32) -> (i32, i32, i32) {
    %c0_i32 = arith.constant 0 : i32
    %c0_i32_0 = arith.constant 0 : i32
    %c0_i32_1 = arith.constant 0 : i32
    return %c0_i32, %arg0, %c0_i32_0 : i32, i32, i32
  }
  func.func @transform_2(%arg0: i32) -> (i32, i32) {
    %c0_i32 = arith.constant 0 : i32
    %c0_i32_0 = arith.constant 0 : i32
    return %arg0, %c0_i32 : i32, i32
  }
  func.func @transform_3(%arg0: i32) -> (i32, i32) {
    %c0_i32 = arith.constant 0 : i32
    %c0_i32_0 = arith.constant 0 : i32
    %c0_i32_1 = arith.constant 0 : i32
    return %c0_i32, %c0_i32_0 : i32, i32
  }
  func.func @transform_4(%arg0: i32) -> (i32, i32) {
    %c0_i32 = arith.constant 0 : i32
    %c0_i32_0 = arith.constant 0 : i32
    %c0_i32_1 = arith.constant 0 : i32
    return %c0_i32, %c0_i32_0 : i32, i32
  }
  func.func @transform_5(%arg0: i32) -> (i32, i32) {
    %c0_i32 = arith.constant 0 : i32
    %c0_i32_0 = arith.constant 0 : i32
    %c0_i32_1 = arith.constant 0 : i32
    return %c0_i32, %c0_i32_0 : i32, i32
  }
  func.func @transform_6(%arg0: i32) -> (i32, i32) {
    %c0_i32 = arith.constant 0 : i32
    %c0_i32_0 = arith.constant 0 : i32
    return %arg0, %c0_i32 : i32, i32
  }
  func.func @transform_7(%arg0: i32) -> (i32, i32) {
    %c0_i32 = arith.constant 0 : i32
    %c0_i32_0 = arith.constant 0 : i32
    return %arg0, %c0_i32 : i32, i32
  }
  func.func @transform_8(%arg0: i32) -> (i32, i32) {
    %c0_i32 = arith.constant 0 : i32
    %c0_i32_0 = arith.constant 0 : i32
    return %arg0, %c0_i32 : i32, i32
  }
}

</mosaic_0001>

<sc_bundles>
// kernel: kernel.10.cloned.1.call-start
scs
__scs_entry_jumppad:
0x0: {  	(pc) =	sbr.rel $0x88, $3  }
0x1: {  	(tag) =	ssettag $0x0;
	lr =	simm.s32 $0x1  }
0x2: {  	[smem:$0x3F99] =	sst lr;
	_ =	strace $0xD0000000  }
0x3: {  	_ = 	snop  }
0x4: {  	_ = 	snop  }
0x5: {  	_ = 	snop  }
0x6: {  	_ = 	snop  }
0x7: {  	_ = 	snop  }
__scs_overlays_trampoline_lowered:
0x8: {  	[smem:$0x3FA8] =	sst s0  }
0x9: {  	[smem:$0x3FA9] =	sst s1  }
0xa: {  	[smem:$0x3FAA] =	sst s2  }
0xb: {  	[smem:$0x3FAB] =	sst s3  }
0xc: {  	[smem:$0x3FAC] =	sst s4  }
0xd: {  	[smem:$0x3FAD] =	sst s5  }
0xe: {  	[smem:$0x3FAE] =	sst s6  }
0xf: {  	[smem:$0x3FAF] =	sst s7  }
0x10: {  	[smem:$0x3FB0] =	sst s8  }
0x11: {  	[smem:$0x3FB1] =	sst s9;
	s0 =	simm.s32 @!p0 $0x0  }
0x12: {  	s1 =	sld [smem:$0x3F97];
	s0 =	simm.s32 @p0 $0x1  }
0x13: {  	[smem:$0x3FB2] =	sst s0;
	s0 =	simm.s32 @!p1 $0x0  }
0x14: {  	s2 =	sld [smem:$0x3F96];
	s0 =	simm.s32 @p1 $0x1  }
0x15: {  	[smem:$0x3FB3] =	sst s0;
	s0 =	simm.s32 @!p2 $0x0  }
0x16: {  	s3 =	sld [smem:$0x3FDB];
	s0 =	simm.s32 @p2 $0x1  }
0x17: {  	s4 =	simm.s32 $0x1BF5;
	[smem:$0x3FB5] =	sst s0  }
0x18: {  	s0 =	sld [smem:$0x3F98];
	_ =	swait.ge [sflag:s4], $0x0  }
0x19: {  	s7 =	sld [smem:$0x3F99]  }
0x1a: {  	s8 =	sadd.s32 $0xFFFFE003, lr  }
0x1b: {  	s9 =	sadd.s32 $0xFFFFFEF7, lr;
	s5 =	simm.s32 $0xFFFFFFFF;
	p2 =	slt.u32 s8, $0xFFFFF086  }
0x1c: {  	p1 =	slt.u32 s9, $0xF7A;
	s5 =	simm.s32 @!p2 $0x0  }
0x1d: {  	s5 =	simm.s32 @p1 $0x1;
	p0 =	seq.s32 s7, s2  }
0x1e: {  	s7 =	smul.u32 @!p0 $0xF7A, s2;
	p2 =	seq.s32 @!p0 s5, $0x0  }
0x1f: {  	s9 =	smul.u32 $0xF7A, s1;
	s8 =	simm.s32 @!p0 $0x1BF5;
	p2 =	por !p2, p0  }
0x20: {  	[sflag:s8] =	ssyncset.s32 @!p0 $0xFFFFF086;
	s6 =	sadd.s32 @!p0 s3, s7;
	s7 =	simm.s32 @!p0 $0x108  }
0x21: {  	s3 =	sadd.s32 s3, s9;
	s6 =	sadd.s32 @!p0 $0x88, s6;
	s7 =	simm.s32 @p2 $0x1082  }
0x22: {  	[simem:s7], [sflag:s8] =	dma.local @!p0 [hbm:s6], $0xF7A  }
0x23: {  	s9 =	sor.u32 $0xD0000000, s2;
	s6 =	simm.s32 $0x108;
	_ =	swait.ge @!p0 [sflag:s8], $0x0  }
0x24: {  	s3 =	sadd.s32 $0x88, s3;
	s6 =	simm.s32 @!p1 $0x1082;
	[sflag:s4] =	ssyncset.s32 $0xFFFFF086  }
0x25: {  	[simem:s6], [sflag:s4] =	dma.local [hbm:s3], $0xF7A  }
0x26: {  	[smem:$0x3F99] =	sst s1;
	(tag) =	ssettag s2;
	_ =	strace s9  }
0x27: {  	s1 =	sld [smem:$0x3FA9]  }
0x28: {  	s2 =	sld [smem:$0x3FAA]  }
0x29: {  	s4 =	sld [smem:$0x3FAC]  }
0x2a: {  	p0 =	seq.s32 s5, $0x0;
	s5 =	sld [smem:$0x3FAD]  }
0x2b: {  	s6 =	sld [smem:$0x3FAE]  }
0x2c: {  	s7 =	sld [smem:$0x3FAF]  }
0x2d: {  	s3 =	simm.s32 $0x108;
	s8 =	sld [smem:$0x3FB0]  }
0x2e: {  	s3 =	simm.s32 @!p0 $0x1082;
	s9 =	sld [smem:$0x3FB1]  }
0x2f: {  	lr =	sadd.s32 s0, s3;
	s0 =	sld [smem:$0x3FA8]  }
0x30: {  	s3 =	sld [smem:$0x3FAB]  }
0x31: {  	[smem:$0x3FB4] =	sst s10  }
0x32: {  	s10 =	sld [smem:$0x3FB2];
	_ =	sdelay $0x3  }
0x33: {  	p0 =	seq.s32 s10, $0x1;
	s10 =	sld [smem:$0x3FB4];
	_ =	sdelay $0x3  }
0x34: {  	[smem:$0x3FB4] =	sst s10  }
0x35: {  	s10 =	sld [smem:$0x3FB3];
	_ =	sdelay $0x3  }
0x36: {  	p1 =	seq.s32 s10, $0x1;
	s10 =	sld [smem:$0x3FB4];
	_ =	sdelay $0x3  }
0x37: {  	[smem:$0x3FB4] =	sst s10  }
0x38: {  	s10 =	sld [smem:$0x3FB5]  }
0x39: {  	_ = 	snop;
	(pc) =	sbr.ind lr, $3  }
0x3a: {  	_ = 	snop  }
0x3b: {  	_ = 	snop  }
0x3c: {  	p2 =	seq.s32 s10, $0x1;
	s10 =	sld [smem:$0x3FB4]  }
0x3d: {  	_ =	shalt  }
0x3e: {  	_ =	shalt  }
0x3f: {  	_ =	shalt  }
0x40: {  	_ =	shalt  }
0x41: {  	_ =	shalt  }
0x42: {  	_ =	shalt  }
0x43: {  	_ =	shalt  }
0x44: {  	_ =	shalt  }
0x45: {  	_ =	shalt  }
0x46: {  	_ =	shalt  }
0x47: {  	_ =	shalt  }
0x48: {  	_ =	shalt  }
0x49: {  	_ =	shalt  }
0x4a: {  	_ =	shalt  }
0x4b: {  	_ =	shalt  }
0x4c: {  	_ =	shalt  }
0x4d: {  	_ =	shalt  }
0x4e: {  	_ =	shalt  }
0x4f: {  	_ =	shalt  }
0x50: {  	_ =	shalt  }
0x51: {  	_ =	shalt  }
0x52: {  	_ =	shalt  }
0x53: {  	_ =	shalt  }
0x54: {  	_ =	shalt  }
0x55: {  	_ =	shalt  }
0x56: {  	_ =	shalt  }
0x57: {  	_ =	shalt  }
0x58: {  	_ =	shalt  }
0x59: {  	_ =	shalt  }
0x5a: {  	_ =	shalt  }
0x5b: {  	_ =	shalt  }
0x5c: {  	_ =	shalt  }
0x5d: {  	_ =	shalt  }
0x5e: {  	_ =	shalt  }
0x5f: {  	_ =	shalt  }
0x60: {  	_ =	shalt  }
0x61: {  	_ =	shalt  }
0x62: {  	_ =	shalt  }
0x63: {  	_ =	shalt  }
0x64: {  	_ =	shalt  }
0x65: {  	_ =	shalt  }
0x66: {  	_ =	shalt  }
0x67: {  	_ =	shalt  }
0x68: {  	_ =	shalt  }
0x69: {  	_ =	shalt  }
0x6a: {  	_ =	shalt  }
0x6b: {  	_ =	shalt  }
0x6c: {  	_ =	shalt  }
0x6d: {  	_ =	shalt  }
0x6e: {  	_ =	shalt  }
0x6f: {  	_ =	shalt  }
0x70: {  	_ =	shalt  }
0x71: {  	_ =	shalt  }
0x72: {  	_ =	shalt  }
0x73: {  	_ =	shalt  }
0x74: {  	_ =	shalt  }
0x75: {  	_ =	shalt  }
0x76: {  	_ =	shalt  }
0x77: {  	_ =	shalt  }
0x78: {  	_ =	shalt  }
0x79: {  	_ =	shalt  }
0x7a: {  	_ =	shalt  }
0x7b: {  	_ =	shalt  }
0x7c: {  	_ =	shalt  }
0x7d: {  	_ =	shalt  }
0x7e: {  	_ =	shalt  }
0x7f: {  	_ =	shalt  }
0x80: {  	_ =	shalt  }
0x81: {  	_ =	shalt  }
0x82: {  	_ =	shalt  }
0x83: {  	_ =	shalt  }
0x84: {  	_ =	shalt  }
0x85: {  	_ =	shalt  }
0x86: {  	_ =	shalt  }
0x87: {  	_ =	shalt  }
.Lfunc_end0:
.L_simem_size_0:
called_computation.1_lowered:
.L_overlay_start_0:
0x88: {  	s2 =	sld [smem:$0x3FD9]  }
0x89: {  	s3 =	sld [smem:$0x3FFE];
	_ =	sdelay $0x1  }
0x8a: {  	s1 =	srdreg.scid  }
0x8b: {  	s0 =	sand.u32 $0x1, s1  }
0x8c: {  	s17 =	sshll.u32 s0, $0xA;
	s2 =	sadd.s32 s3, s2  }
0x8d: {  	s2 =	sadd.s32 s2, s17  }
0x8e: {  	[smem:$0x3FC0] =	sst s2  }
0x8f: {  	_ = 	snop  }
0x90: {  	s2 =	sld [smem:$0x3FD0];
	(tm) =	ssettm $0x1  }
0x91: {  	s18 =	sld [smem:$0x3FFB];
	_ =	sdelay $0x3  }
0x92: {  	_ =	strace s18  }
0x93: {  	s3 =	sld [smem:$0x3FFC];
	_ =	sdelay $0x3  }
0x94: {  	_ =	strace s3  }
0x95: {  	s3 =	sld [smem:$0x3FFD];
	_ =	sdelay $0x3  }
0x96: {  	_ =	strace s3  }
0x97: {  	_ =	strace $0x8FFFFFFF  }
0x98: {  	s19 =	sld [smem:$0x3FDB];
	_ =	sdelay $0x1  }
0x99: {  	s4 =	simm.s32 $_scs_section_size  }
0x9a: {  	s5 =	simm.s32 $_size__tile_overlayer_lowered;
	s6 =	simm.s32 $_tile_overlayer_lowered  }
0x9b: {  	s22 =	simm.s32 $0x1BFF;
	s21 =	sshll.u32 s6, $0x1;
	s3 =	sadd.s32 s4, s19  }
0x9c: {  	s7 =	simm.s32 $0x0;
	s20 =	sshll.u32 s5, $0x1;
	s5 =	sadd.s32 s21, s3  }
0x9d: {  	[timem:s7], [sflag:s22] =	dma.local [hbm:s5], s20  }
0x9e: {  	_ =	swait.ge [sflag:s22], s20  }
0x9f: {  	s4 =	ssub.s32 $0x0, s20;
	[sflag:s22] =	ssyncset.done $0x0  }
0xa0: {  	[sflag:s22] =	ssyncadd.s32 s4;
	_ =	sdelay $0x1  }
0xa1: {  	s23 =	simm.s32 $0x1B8B  }
0xa2: {  	_ =	swait.ge [sflag:s23], $0x1  }
0xa3: {  	[sflag:s23] =	ssyncset.done $0x0  }
0xa4: {  	s25 =	simm.s32 $0x1B8E;
	s24 =	sld [smem:$0x3FFE];
	[sflag:s23] =	ssyncadd.s32 $0xFFFFFFFF  }
0xa5: {  	s26 =	simm.s32 $execute0_lowered;
	[smem:$0x3FD2] =	sst s25  }
0xa6: {  	s5 =	sshll.u32 s26, $0x1;
	_ =	strace $0x80000049;
	[dreg:$0x1] =	wrdreg $0xFFFFFFFF  }
0xa7: {  	s28 =	simm.s32 $_size_execute0_lowered;
	s3 =	sadd.s32 s3, s5;
	[dreg:$0x0] =	wrdreg $0x0  }
0xa8: {  	s5 =	sshll.u32 s28, $0x1;
	[dreg:$0x2] =	wrdreg s3  }
0xa9: {  	[dreg:$0x3] =	wrdreg s5  }
0xaa: {  	[dreg:$0x4] =	wrdreg $0xC0  }
0xab: {  	_ =	task [dreg:s7], $0x5FFFF  }
0xac: {  	[dreg:$0x1] =	wrdreg $0xFFFFFFFF  }
0xad: {  	[dreg:$0x0] =	wrdreg $0x60  }
0xae: {  	[dreg:$0x2] =	wrdreg s2  }
0xaf: {  	[dreg:$0x3] =	wrdreg s24  }
0xb0: {  	[dreg:$0x4] =	wrdreg $0x90000  }
0xb1: {  	[dreg:$0x5] =	wrdreg $0x9  }
0xb2: {  	_ =	task.clear_ibuf [dreg:s7], $0x6FFFF;
	_ =	strace $0x90000049  }
0xb3: {  	s29 =	simm.s32 $0x9;
	_ =	strace $0x8000004B  }
0xb4: {  	_ =	swait.ge [sflag:s29], $0x1  }
0xb5: {  	[sflag:s29] =	ssyncadd.s32 $0xFFFFFFFF  }
0xb6: {  	_ =	strace $0x9000004B  }
0xb7: {  	_ =	sfence  }
0xb8: {  	s30 =	sld [smem:$0x0];
	_ =	sdelay $0x2  }
0xb9: {  	s31 =	sshll.u32 s1, $0xD;
	s1 =	sshrl.u32 s1, $0x2  }
0xba: {  	s3 =	sand.u32 $0x4000, s31;
	s1 =	sadd.s32 s1, s30  }
0xbb: {  	s0 =	sor.u32 s3, s0;
	s1 =	sshll.u32 s1, $0x11  }
0xbc: {  	s0 =	sor.u32 s1, s0  }
0xbd: {  	s0 =	sadd.s32 $0x8F2B, s0  }
0xbe: {  	[sflag:s0] =	ssyncadd.remote.s32 $0x1  }
0xbf: {  	_ =	sfence.sel $0xFFFF  }
0xc0: {  	[dreg:$0x0] =	wrdreg $0xFFFFFFFF;
	(pc) =	sbr.abs _section_cstart, $3  }
0xc1: {  	[dreg:$0x1] =	wrdreg $0xFFFFFFFF  }
0xc2: {  	_ =	task.clear_ibuf [dreg:s7], $0x2FFFF;
	_ =	strace $0x9FFFFFFF  }
0xc3: {  	(tm) =	ssettm $0x7FFFFFFF  }
tec
execute0_lowered:
.L_overlay_start_1:
0x0: {  	(tag) =	ssettag $0x1  }
0x1: {  	s1 =	rddreg [dreg:$0x0]  }
0x2: {  	s0 =	rddreg [dreg:$0x1]  }
0x3: {  	s2 =	rddreg [dreg:$0x2]  }
0x4: {  	s3 =	simm.s32 $0x0;
	s21 =	srdreg.scid;
	s10 =	stileid.u32  }
0x5: {  	s16 =	simm.s32 $0x1000;
	s17 =	simm.s32 $0x7;
	s18 =	simm.s32 $0x2  }
0x6: {  	s19 =	simm.s32 $0x80;
	s28 =	simm.s32 $0x4;
	s30 =	simm.s32 $0x1  }
0x7: {  	s12 =	simm.s32 $0xF00;
	[smem:$0x7FF] =	sst s3;
	s9 =	smul.u32 $0x4F000, s10  }
0x8: {  	s4 =	sadd.s32 $0x1E00, s0;
	s3 =	sand.u32 $0x1, s21;
	s23 =	smul.u32 $0x13C00, s10  }
0x9: {  	s5 =	sadd.s32 $0xBE00, s0;
	s7 =	sshll.u32 s10, $0x1;
	s25 =	smul.u32 $0xA00, s10  }
0xa: {  	s21 =	simm.s32 $0x5000;
	s10 =	simm.s32 $0xE80;
	s6 =	smul.u32 $0x27800, s3  }
0xb: {  	s8 =	ssub.s32 $0x2, s3;
	s7 =	sor.u32 s3, s7;
	s3 =	smul.u32 $0x500, s3  }
0xc: {  	_ =	strace $0x8000004A;
	s22 =	sshrl.u32 s8, $0x1;
	s7 =	smul.u32 $0x500, s7  }
0xd: {  	s9 =	sshrl.u32 s9, $0x2;
	s15 =	sadd.s32 s23, s2;
	s31 =	sshrl.u32 s23, $0x3  }
0xe: {  	s0 =	sadd.s32 s6, s0;
	s6 =	ssub.s32 s8, s22;
	s24 =	sadd.s32 s9, s2  }
0xf: {  	s22 =	simm.s32 $0x3;
	[dreg:$0x6] =	wrdreg s15;
	s11 =	sadd.s32 s4, s7  }
0x10: {  	s8 =	simm.s32 $0xE00;
	s7 =	sadd.s32 s5, s7;
	[dreg:$0x4] =	wrdreg s11  }
0x11: {  	s9 =	sadd.s32 $0x4000, s24;
	s26 =	sadd.s32 $0x8000, s24;
	[dreg:$0x5] =	wrdreg s7  }
0x12: {  	s29 =	sadd.s32 $0xC000, s24;
	s0 =	sadd.s32 $0x15E00, s0;
	[dreg:$0x7] =	wrdreg s9  }
0x13: {  	s5 =	sadd.s32 s25, s5;
	s4 =	sadd.s32 s25, s4;
	[dreg:$0x8] =	wrdreg s26  }
0x14: {  	s6 =	smax.u32 s6, $0x1;
	[dreg:$0x9] =	wrdreg s29;
	s7 =	sadd.s32 $0x10000, s24  }
.Ltmp0:
0x15: {  	s5 =	sadd.s32 s3, s5;
	[dreg:$0xb] =	wrdreg s6;
	(pc) =	sbr.rel .LBB2_1-.Ltmp0, $4  }
0x16: {  	s3 =	sadd.s32 s3, s4;
	s0 =	sadd.s32 s31, s0;
	s24 =	simm.s32 $0x6  }
0x17: {  	s6 =	simm.s32 $0x680;
	s9 =	simm.s32 $0x700;
	s11 =	simm.s32 $0x780  }
0x18: {  	[dreg:$0xa] =	wrdreg s7;
	s13 =	sadd.s32 $0x80, s5;
	s14 =	sadd.s32 $0x80, s3  }
0x19: {  	v0 =	vimm.f32 $0.0e+00;
	[dreg:$0xc] =	wrdreg s0;
	s5 =	simm.s32 $0xD80;
	s3 =	simm.s32 $0x0  }
.LBB2_7:
0x1a: {  	_ =	swait.ge [sflag:s18], $0x4000  }
0x1b: {  	[sflag:s18] =	ssyncset.done $0x0  }
0x1c: {  	s0 =	simm.s32 $0xF80;
	[sflag:s18] =	ssyncadd.s32 $0xFFFFC000  }
0x1d: {  	[spmem:s2] =	stream.indirect.scatter.add.f32 [tilespmem:s21], [sflag:$0x7], $0x80, s0, s19, $0xb8;
	[tilespmem:$0x1CC00] =	vst v63  }
0x1e: {  	_ =	swait.ge [sflag:s17], $0x4000  }
0x1f: {  	[sflag:s17] =	ssyncset.done $0x0  }
0x20: {  	[sflag:s17] =	ssyncadd.s32 $0xFFFFC000  }
0x21: {  	_ =	swait.ge [sflag:s22], $0x4000  }
0x22: {  	[sflag:s22] =	ssyncset.done $0x0  }
0x23: {  	[sflag:s22] =	ssyncadd.s32 $0xFFFFC000  }
0x24: {  	s26 =	stileid.u32;
	[bflag:$0x0] =	sbarrier.arrive $0xFFFF  }
0x25: {  	s0 =	sshll.u32 s26, $0x6;
	s15 =	rddreg [dreg:$0x6]  }
0x26: {  	s0 =	sor.u32 $0x1C07, s0;
	s4 =	rddreg [dreg:$0xc];
	s3 =	sshrl.u32 s15, $0x3  }
0x27: {  	[hbm:s4], [sflag:s0] =	dma.local [spmem:s3], $0x2780  }
0x28: {  	_ =	swait.ge [sflag:s17], $0x2780  }
0x29: {  	s29 =	rddreg [dreg:$0xd]  }
0x2a: {  	s31 =	rddreg [dreg:$0xb];
	s3 =	sadd.s32 $0x1, s29  }
0x2b: {  	p0 =	sne.s32 s3, s31  }
.Ltmp1:
0x2c: {  	_ = 	snop;
	(pc) =	sbr.rel @!p0 .LBB2_8-.Ltmp1, $3  }
0x2d: {  	_ =	sdelay $0x1  }
0x2e: {  	[sflag:s17] =	ssyncset.done $0x0  }
0x2f: {  	[sflag:s17] =	ssyncadd.s32 $0xFFFFD880  }
.LBB2_1:
0x30: {  	s0 =	simm.s32 $0x0;
	s29 =	rddreg [dreg:$0x4]  }
0x31: {  	[tilespmem:s0], [sflag:$0x5] =	stream.linear.gather [hbm4b:s29+s0], $0x400, $0x38;
	[tilespmem:$0x1CC00] =	vst v63  }
0x32: {  	s31 =	rddreg [dreg:$0x5];
	s4 =	simm.s32 $0x800  }
0x33: {  	[tilespmem:s4], [sflag:$0x5] =	stream.linear.gather [hbm4b:s31+s0], $0x400, $0x38;
	[tilespmem:$0x1CC00] =	vst v63  }
0x34: {  	[dreg:$0xd] =	wrdreg s3;
	s7 =	simm.s32 $0x200;
	s0 =	simm.s32 $0x0  }
.LBB2_2:
0x35: {  	p0 =	sne.s32 s7, $0xFE00;
	[tilespmem:s0+$0x1070] =	vst v0  }
0x36: {  	[tilespmem:s0+$0x1000] =	vst v0  }
0x37: {  	[tilespmem:s0+$0x1010] =	vst v0  }
.Ltmp2:
0x38: {  	[tilespmem:s0+$0x1020] =	vst v0;
	(pc) =	sbr.rel @p0 .LBB2_2-.Ltmp2, $4  }
0x39: {  	[tilespmem:s0+$0x1030] =	vst v0  }
0x3a: {  	[tilespmem:s0+$0x1040] =	vst v0  }
0x3b: {  	[tilespmem:s0+$0x1050] =	vst v0  }
0x3c: {  	[tilespmem:s0+$0x1060] =	vst v0;
	s0 =	sshra.s32 s7, $0x2;
	s7 =	sadd.s32 $0x200, s7  }
0x3d: {  	[tilespmem:s0+$0x1070] =	vst v0  }
0x3e: {  	[tilespmem:s0+$0x1000] =	vst v0  }
0x3f: {  	[tilespmem:s0+$0x1010] =	vst v0  }
0x40: {  	[tilespmem:s0+$0x1020] =	vst v0  }
0x41: {  	[tilespmem:s0+$0x1030] =	vst v0  }
0x42: {  	[tilespmem:s0+$0x1040] =	vst v0  }
0x43: {  	[tilespmem:s0+$0x1050] =	vst v0  }
0x44: {  	[tilespmem:s0+$0x1060] =	vst v0  }
0x45: {  	[spmem:s15] =	stream.linear.scatter [tilespmem:s16], [sflag:$0x7], $0x4000, $0x38;
	[tilespmem:$0x1CC00] =	vst v63  }
0x46: {  	_ =	swait.ge [sflag:s17], $0x4000  }
0x47: {  	[sflag:s17] =	ssyncset.done $0x0  }
0x48: {  	s25 =	rddreg [dreg:$0x7];
	[sflag:s17] =	ssyncadd.s32 $0xFFFFC000  }
0x49: {  	[spmem:s25] =	stream.linear.scatter [tilespmem:s16], [sflag:$0x7], $0x4000, $0x38;
	[tilespmem:$0x1CC00] =	vst v63  }
0x4a: {  	_ =	swait.ge [sflag:s17], $0x4000  }
0x4b: {  	[sflag:s17] =	ssyncset.done $0x0  }
0x4c: {  	s26 =	rddreg [dreg:$0x8];
	[sflag:s17] =	ssyncadd.s32 $0xFFFFC000  }
0x4d: {  	[spmem:s26] =	stream.linear.scatter [tilespmem:s16], [sflag:$0x7], $0x4000, $0x38;
	[tilespmem:$0x1CC00] =	vst v63  }
0x4e: {  	_ =	swait.ge [sflag:s17], $0x4000  }
0x4f: {  	[sflag:s17] =	ssyncset.done $0x0  }
0x50: {  	s29 =	rddreg [dreg:$0x9];
	[sflag:s17] =	ssyncadd.s32 $0xFFFFC000  }
0x51: {  	[spmem:s29] =	stream.linear.scatter [tilespmem:s16], [sflag:$0x7], $0x4000, $0x38;
	[tilespmem:$0x1CC00] =	vst v63  }
0x52: {  	_ =	swait.ge [sflag:s17], $0x4000  }
0x53: {  	[sflag:s17] =	ssyncset.done $0x0  }
0x54: {  	s31 =	rddreg [dreg:$0xa];
	[sflag:s17] =	ssyncadd.s32 $0xFFFFC000  }
0x55: {  	[spmem:s31] =	stream.linear.scatter [tilespmem:s16], [sflag:$0x7], $0x3C00, $0x38;
	[tilespmem:$0x1CC00] =	vst v63  }
.Ltmp3:
0x56: {  	_ =	swait.ge [sflag:s17], $0x3C00;
	(pc) =	sbr.rel .LBB2_4-.Ltmp3, $4  }
0x57: {  	[sflag:s17] =	ssyncset.done $0x0  }
0x58: {  	[sflag:s17] =	ssyncadd.s32 $0xFFFFC400  }
0x59: {  	[bflag:$0x0] =	sbarrier.arrive $0xFFFF  }
0x5a: {  	s7 =	simm.s32 $0x0;
	s23 =	simm.s32 $0x0  }
.LBB2_6:
0x5b: {  	s7 =	sadd.s32 $0x80, s7  }
0x5c: {  	p0 =	sne.s32 s7, $0x500  }
.Ltmp4:
0x5d: {  	_ = 	snop;
	(pc) =	sbr.rel @!p0 .LBB2_7-.Ltmp4, $2  }
0x5e: {  	_ =	sdelay $0x2  }
0x5f: {  	s23 =	sadd.s32 $0x1, s23  }
.LBB2_4:
0x60: {  	s25 =	sand.u32 $0x1, s23  }
0x61: {  	p0 =	seq.s32 s25, $0x1  }
0x62: {  	s0 =	simm.s32 @!p0 $0x5  }
0x63: {  	_ =	swait.ge @!p0 [sflag:s0], $0x400  }
0x64: {  	[sflag:s0] =	ssyncset.done @!p0 $0x0  }
0x65: {  	p1 =	seq.s32 @!p0 s7, $0x0;
	[sflag:s0] =	ssyncadd.s32 @!p0 $0xFFFFFC00  }
0x66: {  	p2 =	por !p1, p0;
	_ =	swait.ge @!p0 [sflag:s0], $0x400  }
0x67: {  	p1 =	por p1, p0;
	s26 =	simm.s32 @!p2 $0x0;
	[sflag:s0] =	ssyncset.done @!p0 $0x0  }
0x68: {  	s29 =	simm.s32 @!p2 $0x1000;
	[sflag:s0] =	ssyncadd.s32 @!p0 $0xFFFFFC00;
	s0 =	simm.s32 @!p2 $0x80  }
0x69: {  	[tilespmem:s29], [sflag:$0x1] =	stream.indirect.gather @!p2 [hbm4b:s1+s0], $0x80, s26, s0, $0xb8;
	[tilespmem:$0x1CC00] =	vst v63  }
0x6a: {  	s0 =	simm.s32 @!p1 $0x3  }
0x6b: {  	_ =	swait.ge @!p1 [sflag:s0], $0x4000  }
0x6c: {  	s26 =	simm.s32 @!p1 $0x0;
	[sflag:s0] =	ssyncset.done @!p1 $0x0  }
0x6d: {  	s29 =	simm.s32 @!p1 $0x1000;
	[sflag:s0] =	ssyncadd.s32 @!p1 $0xFFFFC000;
	s0 =	simm.s32 @!p1 $0x80  }
0x6e: {  	[tilespmem:s29], [sflag:$0x1] =	stream.indirect.gather @!p1 [hbm4b:s1+s0], $0x80, s26, s0, $0xb8;
	[tilespmem:$0x1CC00] =	vst v63  }
0x6f: {  	s26 =	simm.s32 @!p1 $0x2  }
0x70: {  	_ =	swait.ge @!p1 [sflag:s26], $0x4000  }
0x71: {  	[sflag:s26] =	ssyncset.done @!p1 $0x0  }
0x72: {  	s29 =	simm.s32 @!p1 $0x5000;
	[sflag:s26] =	ssyncadd.s32 @!p1 $0xFFFFC000;
	s26 =	simm.s32 @!p1 $0xF80  }
0x73: {  	[spmem:s2] =	stream.indirect.scatter.add.f32 @!p1 [tilespmem:s29], [sflag:$0x4], $0x80, s26, s0, $0xb8;
	[tilespmem:$0x1CC00] =	vst v63  }
0x74: {  	s0 =	simm.s32 @!p1 $0x4  }
0x75: {  	_ =	swait.ge @!p1 [sflag:s0], $0x4000  }
0x76: {  	s31 =	simm.s32 @!p0 $0x5000;
	[sflag:s0] =	ssyncset.done @!p1 $0x0  }
0x77: {  	s26 =	simm.s32 @!p0 $0x80;
	s29 =	simm.s32 @!p0 $0x1;
	[sflag:s0] =	ssyncadd.s32 @!p1 $0xFFFFC000  }
0x78: {  	[tilespmem:s31], [sflag:$0x2] =	stream.indirect.gather @!p0 [hbm4b:s1+s26], $0x80, s26, s26, $0xb8;
	[tilespmem:$0x1CC00] =	vst v63  }
0x79: {  	_ =	swait.ge @!p0 [sflag:s29], $0x4000  }
0x7a: {  	[sflag:s29] =	ssyncset.done @!p0 $0x0  }
0x7b: {  	s15 =	simm.s32 @!p0 $0x800;
	s0 =	simm.s32 @!p0 $0x1000;
	[sflag:s29] =	ssyncadd.s32 @!p0 $0xFFFFC000  }
0x7c: {  	[spmem:s2] =	stream.indirect.scatter.add.f32 @!p0 [tilespmem:s0], [sflag:$0x3], $0x80, s15, s26, $0xb8;
	[tilespmem:$0x1CC00] =	vst v63  }
0x7d: {  	s20 =	simm.s32 @!p0 $0x0;
	s4 =	simm.s32 @!p0 $0x400;
	s15 =	sadd.s32 @!p0 s7, s14  }
0x7e: {  	[tilespmem:s4], [sflag:$0x6] =	stream.linear.gather @!p0 [hbm4b:s15+s20], $0x400, $0x38;
	[tilespmem:$0x1CC00] =	vst v63  }
0x7f: {  	s4 =	sadd.s32 @!p0 s7, s13;
	s15 =	simm.s32 @!p0 $0xC00  }
0x80: {  	[tilespmem:s15], [sflag:$0x6] =	stream.linear.gather @!p0 [hbm4b:s4+s20], $0x400, $0x38;
	[tilespmem:$0x1CC00] =	vst v63  }
0x81: {  	s4 =	simm.s32 @!p0 $0x3  }
0x82: {  	_ =	swait.ge @!p0 [sflag:s4], $0x4000  }
0x83: {  	[sflag:s4] =	ssyncset.done @!p0 $0x0  }
0x84: {  	s15 =	simm.s32 @!p0 $0x100;
	[sflag:s4] =	ssyncadd.s32 @!p0 $0xFFFFC000  }
0x85: {  	[tilespmem:s0], [sflag:$0x1] =	stream.indirect.gather @!p0 [hbm4b:s1+s26], $0x80, s15, s26, $0xb8;
	[tilespmem:$0x1CC00] =	vst v63  }
0x86: {  	s15 =	simm.s32 @!p0 $0x2  }
0x87: {  	_ =	swait.ge @!p0 [sflag:s15], $0x4000  }
0x88: {  	[sflag:s15] =	ssyncset.done @!p0 $0x0  }
0x89: {  	s20 =	simm.s32 @!p0 $0x880;
	[sflag:s15] =	ssyncadd.s32 @!p0 $0xFFFFC000  }
0x8a: {  	[spmem:s2] =	stream.indirect.scatter.add.f32 @!p0 [tilespmem:s31], [sflag:$0x4], $0x80, s20, s26, $0xb8;
	[tilespmem:$0x1CC00] =	vst v63  }
0x8b: {  	s20 =	simm.s32 @!p0 $0x4  }
0x8c: {  	_ =	swait.ge @!p0 [sflag:s20], $0x4000  }
0x8d: {  	[sflag:s20] =	ssyncset.done @!p0 $0x0  }
0x8e: {  	s3 =	simm.s32 @!p0 $0x180;
	[sflag:s20] =	ssyncadd.s32 @!p0 $0xFFFFC000  }
0x8f: {  	[tilespmem:s31], [sflag:$0x2] =	stream.indirect.gather @!p0 [hbm4b:s1+s26], $0x80, s3, s26, $0xb8;
	[tilespmem:$0x1CC00] =	vst v63  }
0x90: {  	_ =	swait.ge @!p0 [sflag:s29], $0x4000  }
0x91: {  	[sflag:s29] =	ssyncset.done @!p0 $0x0  }
0x92: {  	s3 =	simm.s32 @!p0 $0x900;
	[sflag:s29] =	ssyncadd.s32 @!p0 $0xFFFFC000  }
0x93: {  	[spmem:s2] =	stream.indirect.scatter.add.f32 @!p0 [tilespmem:s0], [sflag:$0x3], $0x80, s3, s26, $0xb8;
	[tilespmem:$0x1CC00] =	vst v63  }
0x94: {  	_ =	swait.ge @!p0 [sflag:s4], $0x4000  }
0x95: {  	[sflag:s4] =	ssyncset.done @!p0 $0x0  }
0x96: {  	s3 =	simm.s32 @!p0 $0x200;
	[sflag:s4] =	ssyncadd.s32 @!p0 $0xFFFFC000  }
0x97: {  	[tilespmem:s0], [sflag:$0x1] =	stream.indirect.gather @!p0 [hbm4b:s1+s26], $0x80, s3, s26, $0xb8;
	[tilespmem:$0x1CC00] =	vst v63  }
0x98: {  	_ =	swait.ge @!p0 [sflag:s15], $0x4000  }
0x99: {  	[sflag:s15] =	ssyncset.done @!p0 $0x0  }
0x9a: {  	s3 =	simm.s32 @!p0 $0x980;
	[sflag:s15] =	ssyncadd.s32 @!p0 $0xFFFFC000  }
0x9b: {  	[spmem:s2] =	stream.indirect.scatter.add.f32 @!p0 [tilespmem:s31], [sflag:$0x4], $0x80, s3, s26, $0xb8;
	[tilespmem:$0x1CC00] =	vst v63  }
0x9c: {  	_ =	swait.ge @!p0 [sflag:s20], $0x4000  }
0x9d: {  	[sflag:s20] =	ssyncset.done @!p0 $0x0  }
0x9e: {  	s3 =	simm.s32 @!p0 $0x280;
	[sflag:s20] =	ssyncadd.s32 @!p0 $0xFFFFC000  }
0x9f: {  	[tilespmem:s31], [sflag:$0x2] =	stream.indirect.gather @!p0 [hbm4b:s1+s26], $0x80, s3, s26, $0xb8;
	[tilespmem:$0x1CC00] =	vst v63  }
0xa0: {  	_ =	swait.ge @!p0 [sflag:s29], $0x4000  }
0xa1: {  	[sflag:s29] =	ssyncset.done @!p0 $0x0  }
0xa2: {  	s3 =	simm.s32 @!p0 $0xA00;
	[sflag:s29] =	ssyncadd.s32 @!p0 $0xFFFFC000  }
0xa3: {  	[spmem:s2] =	stream.indirect.scatter.add.f32 @!p0 [tilespmem:s0], [sflag:$0x3], $0x80, s3, s26, $0xb8;
	[tilespmem:$0x1CC00] =	vst v63  }
0xa4: {  	_ =	swait.ge @!p0 [sflag:s4], $0x4000  }
0xa5: {  	[sflag:s4] =	ssyncset.done @!p0 $0x0  }
0xa6: {  	s3 =	simm.s32 @!p0 $0x300;
	[sflag:s4] =	ssyncadd.s32 @!p0 $0xFFFFC000  }
0xa7: {  	[tilespmem:s0], [sflag:$0x1] =	stream.indirect.gather @!p0 [hbm4b:s1+s26], $0x80, s3, s26, $0xb8;
	[tilespmem:$0x1CC00] =	vst v63  }
0xa8: {  	_ =	swait.ge @!p0 [sflag:s15], $0x4000  }
0xa9: {  	[sflag:s15] =	ssyncset.done @!p0 $0x0  }
0xaa: {  	s3 =	simm.s32 @!p0 $0xA80;
	[sflag:s15] =	ssyncadd.s32 @!p0 $0xFFFFC000  }
0xab: {  	[spmem:s2] =	stream.indirect.scatter.add.f32 @!p0 [tilespmem:s31], [sflag:$0x4], $0x80, s3, s26, $0xb8;
	[tilespmem:$0x1CC00] =	vst v63  }
0xac: {  	_ =	swait.ge @!p0 [sflag:s20], $0x4000  }
0xad: {  	[sflag:s20] =	ssyncset.done @!p0 $0x0  }
0xae: {  	s3 =	simm.s32 @!p0 $0x380;
	[sflag:s20] =	ssyncadd.s32 @!p0 $0xFFFFC000  }
0xaf: {  	[tilespmem:s31], [sflag:$0x2] =	stream.indirect.gather @!p0 [hbm4b:s1+s26], $0x80, s3, s26, $0xb8;
	[tilespmem:$0x1CC00] =	vst v63  }
0xb0: {  	_ =	swait.ge @!p0 [sflag:s29], $0x4000  }
0xb1: {  	[sflag:s29] =	ssyncset.done @!p0 $0x0  }
0xb2: {  	p1 =	seq.s32 @!p0 s25, $0x0;
	s3 =	simm.s32 @!p0 $0xB00;
	[sflag:s29] =	ssyncadd.s32 @!p0 $0xFFFFC000  }
0xb3: {  	[spmem:s2] =	stream.indirect.scatter.add.f32 @!p0 [tilespmem:s0], [sflag:$0x3], $0x80, s3, s26, $0xb8;
	[tilespmem:$0x1CC00] =	vst v63  }
0xb4: {  	p0 =	por p0, !p1  }
.Ltmp5:
0xb5: {  	_ = 	snop;
	(pc) =	sbr.rel @!p0 .LBB2_6-.Ltmp5, $1  }
0xb6: {  	_ =	sdelay $0x3  }
0xb7: {  	_ =	swait.ge [sflag:s24], $0x400  }
0xb8: {  	[sflag:s24] =	ssyncset.done $0x0  }
0xb9: {  	[sflag:s24] =	ssyncadd.s32 $0xFFFFFC00  }
0xba: {  	_ =	swait.ge [sflag:s24], $0x400  }
0xbb: {  	[sflag:s24] =	ssyncset.done $0x0  }
0xbc: {  	[sflag:s24] =	ssyncadd.s32 $0xFFFFFC00  }
0xbd: {  	_ =	swait.ge [sflag:s22], $0x4000  }
0xbe: {  	[sflag:s22] =	ssyncset.done $0x0  }
0xbf: {  	s0 =	simm.s32 $0x400;
	[sflag:s22] =	ssyncadd.s32 $0xFFFFC000  }
0xc0: {  	[tilespmem:s16], [sflag:$0x1] =	stream.indirect.gather [hbm4b:s1+s19], $0x80, s0, s19, $0xb8;
	[tilespmem:$0x1CC00] =	vst v63  }
0xc1: {  	_ =	swait.ge [sflag:s18], $0x4000  }
0xc2: {  	[sflag:s18] =	ssyncset.done $0x0  }
0xc3: {  	s3 =	simm.s32 $0xB80;
	[sflag:s18] =	ssyncadd.s32 $0xFFFFC000  }
0xc4: {  	[spmem:s2] =	stream.indirect.scatter.add.f32 [tilespmem:s21], [sflag:$0x4], $0x80, s3, s19, $0xb8;
	[tilespmem:$0x1CC00] =	vst v63  }
0xc5: {  	_ =	swait.ge [sflag:s28], $0x4000  }
0xc6: {  	[sflag:s28] =	ssyncset.done $0x0  }
0xc7: {  	s4 =	simm.s32 $0x480;
	[sflag:s28] =	ssyncadd.s32 $0xFFFFC000  }
0xc8: {  	[tilespmem:s21], [sflag:$0x2] =	stream.indirect.gather [hbm4b:s1+s19], $0x80, s4, s19, $0xb8;
	[tilespmem:$0x1CC00] =	vst v63  }
0xc9: {  	_ =	swait.ge [sflag:s30], $0x4000  }
0xca: {  	[sflag:s30] =	ssyncset.done $0x0  }
0xcb: {  	s15 =	simm.s32 $0xC00;
	p0 =	seq.s32 s7, $0x480;
	[sflag:s30] =	ssyncadd.s32 $0xFFFFC000  }
0xcc: {  	[spmem:s2] =	stream.indirect.scatter.add.f32 [tilespmem:s16], [sflag:$0x3], $0x80, s15, s19, $0xb8;
	[tilespmem:$0x1CC00] =	vst v63  }
0xcd: {  	s0 =	sadd.s32 @!p0 s7, s14;
	s3 =	simm.s32 @!p0 $0x0  }
0xce: {  	[tilespmem:s3], [sflag:$0x5] =	stream.linear.gather @!p0 [hbm4b:s0+s3], $0x400, $0x38;
	[tilespmem:$0x1CC00] =	vst v63  }
0xcf: {  	s4 =	simm.s32 @!p0 $0x800;
	s0 =	sadd.s32 @!p0 s7, s13  }
0xd0: {  	[tilespmem:s4], [sflag:$0x5] =	stream.linear.gather @!p0 [hbm4b:s0+s3], $0x400, $0x38;
	[tilespmem:$0x1CC00] =	vst v63  }
0xd1: {  	_ =	swait.ge [sflag:s22], $0x4000  }
0xd2: {  	[sflag:s22] =	ssyncset.done $0x0  }
0xd3: {  	s20 =	simm.s32 $0x500;
	[sflag:s22] =	ssyncadd.s32 $0xFFFFC000  }
0xd4: {  	[tilespmem:s16], [sflag:$0x1] =	stream.indirect.gather [hbm4b:s1+s19], $0x80, s20, s19, $0xb8;
	[tilespmem:$0x1CC00] =	vst v63  }
0xd5: {  	_ =	swait.ge [sflag:s18], $0x4000  }
0xd6: {  	[sflag:s18] =	ssyncset.done $0x0  }
0xd7: {  	s25 =	simm.s32 $0xC80;
	[sflag:s18] =	ssyncadd.s32 $0xFFFFC000  }
0xd8: {  	[spmem:s2] =	stream.indirect.scatter.add.f32 [tilespmem:s21], [sflag:$0x4], $0x80, s25, s19, $0xb8;
	[tilespmem:$0x1CC00] =	vst v63  }
0xd9: {  	_ =	swait.ge [sflag:s28], $0x4000  }
0xda: {  	[sflag:s28] =	ssyncset.done $0x0  }
0xdb: {  	s26 =	simm.s32 $0x580;
	[sflag:s28] =	ssyncadd.s32 $0xFFFFC000  }
0xdc: {  	[tilespmem:s21], [sflag:$0x2] =	stream.indirect.gather [hbm4b:s1+s19], $0x80, s26, s19, $0xb8;
	[tilespmem:$0x1CC00] =	vst v63  }
0xdd: {  	_ =	swait.ge [sflag:s30], $0x4000  }
0xde: {  	[sflag:s30] =	ssyncset.done $0x0  }
0xdf: {  	s29 =	simm.s32 $0xD00;
	[sflag:s30] =	ssyncadd.s32 $0xFFFFC000  }
0xe0: {  	[spmem:s2] =	stream.indirect.scatter.add.f32 [tilespmem:s16], [sflag:$0x3], $0x80, s29, s19, $0xb8;
	[tilespmem:$0x1CC00] =	vst v63  }
0xe1: {  	_ =	swait.ge [sflag:s22], $0x4000  }
0xe2: {  	[sflag:s22] =	ssyncset.done $0x0  }
0xe3: {  	s31 =	simm.s32 $0x600;
	[sflag:s22] =	ssyncadd.s32 $0xFFFFC000  }
0xe4: {  	[tilespmem:s16], [sflag:$0x1] =	stream.indirect.gather [hbm4b:s1+s19], $0x80, s31, s19, $0xb8;
	[tilespmem:$0x1CC00] =	vst v63  }
0xe5: {  	_ =	swait.ge [sflag:s18], $0x4000  }
0xe6: {  	[sflag:s18] =	ssyncset.done $0x0  }
0xe7: {  	[sflag:s18] =	ssyncadd.s32 $0xFFFFC000  }
0xe8: {  	[spmem:s2] =	stream.indirect.scatter.add.f32 [tilespmem:s21], [sflag:$0x4], $0x80, s5, s19, $0xb8;
	[tilespmem:$0x1CC00] =	vst v63  }
0xe9: {  	_ =	swait.ge [sflag:s28], $0x4000  }
0xea: {  	[sflag:s28] =	ssyncset.done $0x0  }
0xeb: {  	[sflag:s28] =	ssyncadd.s32 $0xFFFFC000  }
0xec: {  	[tilespmem:s21], [sflag:$0x2] =	stream.indirect.gather [hbm4b:s1+s19], $0x80, s6, s19, $0xb8;
	[tilespmem:$0x1CC00] =	vst v63  }
0xed: {  	_ =	swait.ge [sflag:s30], $0x4000  }
0xee: {  	[sflag:s30] =	ssyncset.done $0x0  }
0xef: {  	[sflag:s30] =	ssyncadd.s32 $0xFFFFC000  }
0xf0: {  	[spmem:s2] =	stream.indirect.scatter.add.f32 [tilespmem:s16], [sflag:$0x3], $0x80, s8, s19, $0xb8;
	[tilespmem:$0x1CC00] =	vst v63  }
0xf1: {  	_ =	swait.ge [sflag:s22], $0x4000  }
0xf2: {  	[sflag:s22] =	ssyncset.done $0x0  }
0xf3: {  	[sflag:s22] =	ssyncadd.s32 $0xFFFFC000  }
0xf4: {  	[tilespmem:s16], [sflag:$0x1] =	stream.indirect.gather [hbm4b:s1+s19], $0x80, s9, s19, $0xb8;
	[tilespmem:$0x1CC00] =	vst v63  }
0xf5: {  	_ =	swait.ge [sflag:s18], $0x4000  }
0xf6: {  	[sflag:s18] =	ssyncset.done $0x0  }
0xf7: {  	[sflag:s18] =	ssyncadd.s32 $0xFFFFC000  }
0xf8: {  	[spmem:s2] =	stream.indirect.scatter.add.f32 [tilespmem:s21], [sflag:$0x4], $0x80, s10, s19, $0xb8;
	[tilespmem:$0x1CC00] =	vst v63  }
0xf9: {  	_ =	swait.ge [sflag:s28], $0x4000  }
0xfa: {  	[sflag:s28] =	ssyncset.done $0x0  }
0xfb: {  	[sflag:s28] =	ssyncadd.s32 $0xFFFFC000  }
0xfc: {  	[tilespmem:s21], [sflag:$0x2] =	stream.indirect.gather [hbm4b:s1+s19], $0x80, s11, s19, $0xb8;
	[tilespmem:$0x1CC00] =	vst v63  }
.Ltmp6:
0xfd: {  	_ = 	snop;
	(pc) =	sbr.rel .LBB2_6-.Ltmp6, $4  }
0xfe: {  	_ =	swait.ge [sflag:s30], $0x4000  }
0xff: {  	[sflag:s30] =	ssyncset.done $0x0  }
0x100: {  	[sflag:s30] =	ssyncadd.s32 $0xFFFFC000  }
0x101: {  	[spmem:s2] =	stream.indirect.scatter.add.f32 [tilespmem:s16], [sflag:$0x3], $0x80, s12, s19, $0xb8;
	[tilespmem:$0x1CC00] =	vst v63  }
.LBB2_8:
0x102: {  	_ =	sfence.sel $0x180000  }
0x103: {  	[bflag:$0x0] =	sbarrier.arrive $0xFFFF  }
0x104: {  	_ =	strace $0x9000004A  }
0x105: {  	s0 =	stileid.u32;
	[bflag:$0x2] =	sbarrier.arrive $0xFFFF  }
0x106: {  	p0 =	sne.s32 s0, $0x0;
	s0 =	rddreg [dreg:$0x3]  }
0x107: {  	s0 =	sadd.s32 @!p0 $0x100000, s0  }
0x108: {  	[sflag:s0] =	ssyncadd.tile.s32 @!p0 $0x1;
	_ =	shalt  }
.Lfunc_end2:
_tile_overlayer_lowered:
.L_overlay_start_2:
0x109: {  	(tag) =	ssettag $0x2  }
0x10a: {  	s0 =	rddreg [dreg:$0x0];
	s2 =	stileid.u32  }
0x10b: {  	s1 =	rddreg [dreg:$0x1];
	p0 =	sne.s32 s2, $0x0  }
0x10c: {  	s3 =	rddreg [dreg:$0x2];
	[bflag:$0x3] =	sbarrier.arrive $0xFFFF;
	s2 =	simm.s32 @!p0 $0x1C07  }
0x10d: {  	[timem:s3], [sflag:s2] =	dma.local @!p0 [hbm:s0], s1  }
0x10e: {  	s0 =	simm.s32 @!p0 $0x7  }
0x10f: {  	_ =	swait.ge @!p0 [sflag:s0], s1  }
0x110: {  	s1 =	ssub.s32 @!p0 $0x0, s1;
	[sflag:s0] =	ssyncset.done @!p0 $0x0  }
0x111: {  	[sflag:s0] =	ssyncadd.s32 @!p0 s1  }
0x112: {  	[bflag:$0x3] =	sbarrier.arrive $0xFFFF  }
0x113: {  	_ =	shalt  }

// kernel: kernel.7.cloned.1.call-start
scs
__scs_entry_jumppad:
0x0: {  	(pc) =	sbr.rel $0x88, $3  }
0x1: {  	(tag) =	ssettag $0x0;
	lr =	simm.s32 $0x1  }
0x2: {  	[smem:$0x3F99] =	sst lr;
	_ =	strace $0xD0000000  }
0x3: {  	_ = 	snop  }
0x4: {  	_ = 	snop  }
0x5: {  	_ = 	snop  }
0x6: {  	_ = 	snop  }
0x7: {  	_ = 	snop  }
__scs_overlays_trampoline_lowered:
0x8: {  	[smem:$0x3FA8] =	sst s0  }
0x9: {  	[smem:$0x3FA9] =	sst s1  }
0xa: {  	[smem:$0x3FAA] =	sst s2  }
0xb: {  	[smem:$0x3FAB] =	sst s3  }
0xc: {  	[smem:$0x3FAC] =	sst s4  }
0xd: {  	[smem:$0x3FAD] =	sst s5  }
0xe: {  	[smem:$0x3FAE] =	sst s6  }
0xf: {  	[smem:$0x3FAF] =	sst s7  }
0x10: {  	[smem:$0x3FB0] =	sst s8  }
0x11: {  	[smem:$0x3FB1] =	sst s9;
	s0 =	simm.s32 @!p0 $0x0  }
0x12: {  	s1 =	sld [smem:$0x3F97];
	s0 =	simm.s32 @p0 $0x1  }
0x13: {  	[smem:$0x3FB2] =	sst s0;
	s0 =	simm.s32 @!p1 $0x0  }
0x14: {  	s2 =	sld [smem:$0x3F96];
	s0 =	simm.s32 @p1 $0x1  }
0x15: {  	[smem:$0x3FB3] =	sst s0;
	s0 =	simm.s32 @!p2 $0x0  }
0x16: {  	s3 =	sld [smem:$0x3FDB];
	s0 =	simm.s32 @p2 $0x1  }
0x17: {  	s4 =	simm.s32 $0x1BF5;
	[smem:$0x3FB5] =	sst s0  }
0x18: {  	s0 =	sld [smem:$0x3F98];
	_ =	swait.ge [sflag:s4], $0x0  }
0x19: {  	s7 =	sld [smem:$0x3F99]  }
0x1a: {  	s8 =	sadd.s32 $0xFFFFE003, lr  }
0x1b: {  	s9 =	sadd.s32 $0xFFFFFEF7, lr;
	s5 =	simm.s32 $0xFFFFFFFF;
	p2 =	slt.u32 s8, $0xFFFFF086  }
0x1c: {  	p1 =	slt.u32 s9, $0xF7A;
	s5 =	simm.s32 @!p2 $0x0  }
0x1d: {  	s5 =	simm.s32 @p1 $0x1;
	p0 =	seq.s32 s7, s2  }
0x1e: {  	s7 =	smul.u32 @!p0 $0xF7A, s2;
	p2 =	seq.s32 @!p0 s5, $0x0  }
0x1f: {  	s9 =	smul.u32 $0xF7A, s1;
	s8 =	simm.s32 @!p0 $0x1BF5;
	p2 =	por !p2, p0  }
0x20: {  	[sflag:s8] =	ssyncset.s32 @!p0 $0xFFFFF086;
	s6 =	sadd.s32 @!p0 s3, s7;
	s7 =	simm.s32 @!p0 $0x108  }
0x21: {  	s3 =	sadd.s32 s3, s9;
	s6 =	sadd.s32 @!p0 $0x88, s6;
	s7 =	simm.s32 @p2 $0x1082  }
0x22: {  	[simem:s7], [sflag:s8] =	dma.local @!p0 [hbm:s6], $0xF7A  }
0x23: {  	s9 =	sor.u32 $0xD0000000, s2;
	s6 =	simm.s32 $0x108;
	_ =	swait.ge @!p0 [sflag:s8], $0x0  }
0x24: {  	s3 =	sadd.s32 $0x88, s3;
	s6 =	simm.s32 @!p1 $0x1082;
	[sflag:s4] =	ssyncset.s32 $0xFFFFF086  }
0x25: {  	[simem:s6], [sflag:s4] =	dma.local [hbm:s3], $0xF7A  }
0x26: {  	[smem:$0x3F99] =	sst s1;
	(tag) =	ssettag s2;
	_ =	strace s9  }
0x27: {  	s1 =	sld [smem:$0x3FA9]  }
0x28: {  	s2 =	sld [smem:$0x3FAA]  }
0x29: {  	s4 =	sld [smem:$0x3FAC]  }
0x2a: {  	p0 =	seq.s32 s5, $0x0;
	s5 =	sld [smem:$0x3FAD]  }
0x2b: {  	s6 =	sld [smem:$0x3FAE]  }
0x2c: {  	s7 =	sld [smem:$0x3FAF]  }
0x2d: {  	s3 =	simm.s32 $0x108;
	s8 =	sld [smem:$0x3FB0]  }
0x2e: {  	s3 =	simm.s32 @!p0 $0x1082;
	s9 =	sld [smem:$0x3FB1]  }
0x2f: {  	lr =	sadd.s32 s0, s3;
	s0 =	sld [smem:$0x3FA8]  }
0x30: {  	s3 =	sld [smem:$0x3FAB]  }
0x31: {  	[smem:$0x3FB4] =	sst s10  }
0x32: {  	s10 =	sld [smem:$0x3FB2];
	_ =	sdelay $0x3  }
0x33: {  	p0 =	seq.s32 s10, $0x1;
	s10 =	sld [smem:$0x3FB4];
	_ =	sdelay $0x3  }
0x34: {  	[smem:$0x3FB4] =	sst s10  }
0x35: {  	s10 =	sld [smem:$0x3FB3];
	_ =	sdelay $0x3  }
0x36: {  	p1 =	seq.s32 s10, $0x1;
	s10 =	sld [smem:$0x3FB4];
	_ =	sdelay $0x3  }
0x37: {  	[smem:$0x3FB4] =	sst s10  }
0x38: {  	s10 =	sld [smem:$0x3FB5]  }
0x39: {  	_ = 	snop;
	(pc) =	sbr.ind lr, $3  }
0x3a: {  	_ = 	snop  }
0x3b: {  	_ = 	snop  }
0x3c: {  	p2 =	seq.s32 s10, $0x1;
	s10 =	sld [smem:$0x3FB4]  }
0x3d: {  	_ =	shalt  }
0x3e: {  	_ =	shalt  }
0x3f: {  	_ =	shalt  }
0x40: {  	_ =	shalt  }
0x41: {  	_ =	shalt  }
0x42: {  	_ =	shalt  }
0x43: {  	_ =	shalt  }
0x44: {  	_ =	shalt  }
0x45: {  	_ =	shalt  }
0x46: {  	_ =	shalt  }
0x47: {  	_ =	shalt  }
0x48: {  	_ =	shalt  }
0x49: {  	_ =	shalt  }
0x4a: {  	_ =	shalt  }
0x4b: {  	_ =	shalt  }
0x4c: {  	_ =	shalt  }
0x4d: {  	_ =	shalt  }
0x4e: {  	_ =	shalt  }
0x4f: {  	_ =	shalt  }
0x50: {  	_ =	shalt  }
0x51: {  	_ =	shalt  }
0x52: {  	_ =	shalt  }
0x53: {  	_ =	shalt  }
0x54: {  	_ =	shalt  }
0x55: {  	_ =	shalt  }
0x56: {  	_ =	shalt  }
0x57: {  	_ =	shalt  }
0x58: {  	_ =	shalt  }
0x59: {  	_ =	shalt  }
0x5a: {  	_ =	shalt  }
0x5b: {  	_ =	shalt  }
0x5c: {  	_ =	shalt  }
0x5d: {  	_ =	shalt  }
0x5e: {  	_ =	shalt  }
0x5f: {  	_ =	shalt  }
0x60: {  	_ =	shalt  }
0x61: {  	_ =	shalt  }
0x62: {  	_ =	shalt  }
0x63: {  	_ =	shalt  }
0x64: {  	_ =	shalt  }
0x65: {  	_ =	shalt  }
0x66: {  	_ =	shalt  }
0x67: {  	_ =	shalt  }
0x68: {  	_ =	shalt  }
0x69: {  	_ =	shalt  }
0x6a: {  	_ =	shalt  }
0x6b: {  	_ =	shalt  }
0x6c: {  	_ =	shalt  }
0x6d: {  	_ =	shalt  }
0x6e: {  	_ =	shalt  }
0x6f: {  	_ =	shalt  }
0x70: {  	_ =	shalt  }
0x71: {  	_ =	shalt  }
0x72: {  	_ =	shalt  }
0x73: {  	_ =	shalt  }
0x74: {  	_ =	shalt  }
0x75: {  	_ =	shalt  }
0x76: {  	_ =	shalt  }
0x77: {  	_ =	shalt  }
0x78: {  	_ =	shalt  }
0x79: {  	_ =	shalt  }
0x7a: {  	_ =	shalt  }
0x7b: {  	_ =	shalt  }
0x7c: {  	_ =	shalt  }
0x7d: {  	_ =	shalt  }
0x7e: {  	_ =	shalt  }
0x7f: {  	_ =	shalt  }
0x80: {  	_ =	shalt  }
0x81: {  	_ =	shalt  }
0x82: {  	_ =	shalt  }
0x83: {  	_ =	shalt  }
0x84: {  	_ =	shalt  }
0x85: {  	_ =	shalt  }
0x86: {  	_ =	shalt  }
0x87: {  	_ =	shalt  }
.Lfunc_end0:
.L_simem_size_0:
called_computation_lowered:
.L_overlay_start_0:
0x88: {  	s2 =	sld [smem:$0x3FD9]  }
0x89: {  	s3 =	sld [smem:$0x3FFE];
	_ =	sdelay $0x1  }
0x8a: {  	s1 =	srdreg.scid  }
0x8b: {  	s0 =	sand.u32 $0x1, s1  }
0x8c: {  	s17 =	sshll.u32 s0, $0xA;
	s2 =	sadd.s32 s3, s2  }
0x8d: {  	s2 =	sadd.s32 s2, s17  }
0x8e: {  	[smem:$0x3FC0] =	sst s2  }
0x8f: {  	_ = 	snop  }
0x90: {  	s2 =	sld [smem:$0x3FD0];
	(tm) =	ssettm $0x1  }
0x91: {  	s18 =	sld [smem:$0x3FFB];
	_ =	sdelay $0x3  }
0x92: {  	_ =	strace s18  }
0x93: {  	s3 =	sld [smem:$0x3FFC];
	_ =	sdelay $0x3  }
0x94: {  	_ =	strace s3  }
0x95: {  	s3 =	sld [smem:$0x3FFD];
	_ =	sdelay $0x3  }
0x96: {  	_ =	strace s3  }
0x97: {  	_ =	strace $0x8FFFFFFF  }
0x98: {  	s19 =	sld [smem:$0x3FDB];
	_ =	sdelay $0x1  }
0x99: {  	s4 =	simm.s32 $_scs_section_size  }
0x9a: {  	s5 =	simm.s32 $_size__tile_overlayer_lowered;
	s6 =	simm.s32 $_tile_overlayer_lowered  }
0x9b: {  	s22 =	simm.s32 $0x1BFF;
	s21 =	sshll.u32 s6, $0x1;
	s3 =	sadd.s32 s4, s19  }
0x9c: {  	s7 =	simm.s32 $0x0;
	s20 =	sshll.u32 s5, $0x1;
	s5 =	sadd.s32 s21, s3  }
0x9d: {  	[timem:s7], [sflag:s22] =	dma.local [hbm:s5], s20  }
0x9e: {  	_ =	swait.ge [sflag:s22], s20  }
0x9f: {  	s4 =	ssub.s32 $0x0, s20;
	[sflag:s22] =	ssyncset.done $0x0  }
0xa0: {  	[sflag:s22] =	ssyncadd.s32 s4;
	_ =	sdelay $0x1  }
0xa1: {  	s23 =	simm.s32 $0x1B8B  }
0xa2: {  	_ =	swait.ge [sflag:s23], $0x1  }
0xa3: {  	[sflag:s23] =	ssyncset.done $0x0  }
0xa4: {  	s25 =	simm.s32 $0x1B8E;
	s24 =	sld [smem:$0x3FFE];
	[sflag:s23] =	ssyncadd.s32 $0xFFFFFFFF  }
0xa5: {  	s26 =	simm.s32 $execute0_lowered;
	[smem:$0x3FD2] =	sst s25  }
0xa6: {  	s5 =	sshll.u32 s26, $0x1;
	_ =	strace $0x80000046;
	[dreg:$0x1] =	wrdreg $0xFFFFFFFF  }
0xa7: {  	s28 =	simm.s32 $_size_execute0_lowered;
	s3 =	sadd.s32 s3, s5;
	[dreg:$0x0] =	wrdreg $0x0  }
0xa8: {  	s5 =	sshll.u32 s28, $0x1;
	[dreg:$0x2] =	wrdreg s3  }
0xa9: {  	[dreg:$0x3] =	wrdreg s5  }
0xaa: {  	[dreg:$0x4] =	wrdreg $0xC0  }
0xab: {  	_ =	task [dreg:s7], $0x5FFFF  }
0xac: {  	[dreg:$0x1] =	wrdreg $0xFFFFFFFF  }
0xad: {  	[dreg:$0x0] =	wrdreg $0x60  }
0xae: {  	[dreg:$0x2] =	wrdreg s2  }
0xaf: {  	[dreg:$0x3] =	wrdreg s24  }
0xb0: {  	[dreg:$0x4] =	wrdreg $0x90000  }
0xb1: {  	[dreg:$0x5] =	wrdreg $0x1D4000  }
0xb2: {  	[dreg:$0x6] =	wrdreg $0x9  }
0xb3: {  	_ =	task.clear_ibuf [dreg:s7], $0x7FFFF;
	_ =	strace $0x90000046  }
0xb4: {  	s29 =	simm.s32 $0x9;
	_ =	strace $0x80000048  }
0xb5: {  	_ =	swait.ge [sflag:s29], $0x1  }
0xb6: {  	[sflag:s29] =	ssyncadd.s32 $0xFFFFFFFF  }
0xb7: {  	_ =	strace $0x90000048  }
0xb8: {  	_ =	sfence  }
0xb9: {  	s30 =	sld [smem:$0x0];
	_ =	sdelay $0x2  }
0xba: {  	s31 =	sshll.u32 s1, $0xD;
	s1 =	sshrl.u32 s1, $0x2  }
0xbb: {  	s3 =	sand.u32 $0x4000, s31;
	s1 =	sadd.s32 s1, s30  }
0xbc: {  	s0 =	sor.u32 s3, s0;
	s1 =	sshll.u32 s1, $0x11  }
0xbd: {  	s0 =	sor.u32 s1, s0  }
0xbe: {  	s0 =	sadd.s32 $0x8F2B, s0  }
0xbf: {  	[sflag:s0] =	ssyncadd.remote.s32 $0x1  }
0xc0: {  	_ =	sfence.sel $0xFFFF  }
0xc1: {  	[dreg:$0x0] =	wrdreg $0xFFFFFFFF;
	(pc) =	sbr.abs _section_cstart, $3  }
0xc2: {  	[dreg:$0x1] =	wrdreg $0xFFFFFFFF  }
0xc3: {  	_ =	task.clear_ibuf [dreg:s7], $0x2FFFF;
	_ =	strace $0x9FFFFFFF  }
0xc4: {  	(tm) =	ssettm $0x7FFFFFFF  }
0xc5: {  	_ =	shalt  }
tec
execute0_lowered:
.L_overlay_start_1:
0x0: {  	(tag) =	ssettag $0x1  }
0x1: {  	s1 =	rddreg [dreg:$0x0]  }
0x2: {  	s0 =	rddreg [dreg:$0x1]  }
0x3: {  	s2 =	rddreg [dreg:$0x2];
	s16 =	stileid.u32  }
0x4: {  	s3 =	rddreg [dreg:$0x3];
	s4 =	simm.s32 $0x0;
	s11 =	smul.u32 $0x278, s16  }
0x5: {  	s23 =	srdreg.scid;
	s28 =	simm.s32 $0x2;
	s26 =	smul.u32 $0x13C00, s16  }
0x6: {  	s29 =	simm.s32 $0x80;
	[smem:$0x7FF] =	sst s4;
	s15 =	smul.u32 $0xA00, s16  }
0x7: {  	s4 =	sand.u32 $0x1, s23;
	s7 =	sshll.u32 s16, $0x1;
	s16 =	smul.u32 $0x2780, s16  }
0x8: {  	s31 =	simm.s32 $0x5000;
	s5 =	sadd.s32 $0x1E00, s0;
	s6 =	smul.u32 $0x27800, s4  }
0x9: {  	s8 =	sadd.s32 $0xBE00, s0;
	_ =	strace $0x80000047;
	s9 =	smul.u32 $0x4F00, s4  }
0xa: {  	s7 =	sor.u32 s4, s7;
	s10 =	ssub.s32 $0x2, s4;
	s4 =	smul.u32 $0x500, s4  }
0xb: {  	s7 =	smul.u32 $0x500, s7;
	s24 =	sshrl.u32 s10, $0x1;
	s30 =	sadd.s32 $0x80, s11  }
0xc: {  	s12 =	sadd.s32 $0x100, s11;
	s17 =	sadd.s32 s26, s2;
	s19 =	sadd.s32 $0x180, s11  }
0xd: {  	s11 =	sadd.s32 $0x200, s11;
	s6 =	sadd.s32 s6, s0;
	s0 =	sadd.s32 s9, s0  }
0xe: {  	s9 =	ssub.s32 s10, s24;
	s13 =	sshll.u32 s30, $0x7;
	s14 =	sshll.u32 s12, $0x7  }
0xf: {  	s20 =	sshll.u32 s19, $0x7;
	s21 =	sshll.u32 s11, $0x7;
	s12 =	sshll.u32 s12, $0x4  }
0x10: {  	s23 =	sshll.u32 s19, $0x4;
	s24 =	sshll.u32 s11, $0x4;
	s11 =	simm.s32 $0x1  }
0x11: {  	[dreg:$0x7] =	wrdreg s17;
	s25 =	sadd.s32 s5, s7;
	s7 =	sadd.s32 s8, s7  }
0x12: {  	s13 =	sadd.s32 s13, s2;
	s18 =	sadd.s32 s14, s2;
	[dreg:$0x5] =	wrdreg s25  }
0x13: {  	s14 =	sadd.s32 s20, s2;
	s8 =	sadd.s32 s15, s8;
	[dreg:$0x6] =	wrdreg s7  }
0x14: {  	s5 =	sadd.s32 s15, s5;
	s22 =	sadd.s32 s12, s3;
	[dreg:$0x8] =	wrdreg s13  }
0x15: {  	s6 =	sadd.s32 $0x1FC00, s6;
	s0 =	sadd.s32 $0x15E00, s0;
	[dreg:$0x9] =	wrdreg s18  }
0x16: {  	s9 =	smax.u32 s9, $0x1;
	[dreg:$0xa] =	wrdreg s14;
	s14 =	sadd.s32 s21, s2  }
0x17: {  	s7 =	sshll.u32 s30, $0x4;
	[dreg:$0xe] =	wrdreg s22;
	s25 =	sshrl.u32 s26, $0x3  }
0x18: {  	s26 =	sshrl.u32 s16, $0x3;
	s8 =	sadd.s32 s4, s8;
	[dreg:$0x11] =	wrdreg s9  }
0x19: {  	s4 =	sadd.s32 s4, s5;
	s21 =	simm.s32 $0x7;
	s5 =	simm.s32 $0x6  }
0x1a: {  	s9 =	simm.s32 $0x4;
	[dreg:$0xb] =	wrdreg s14;
	s14 =	sadd.s32 s16, s3  }
0x1b: {  	s7 =	sadd.s32 s7, s3;
	s19 =	sadd.s32 $0x80, s8;
	s20 =	sadd.s32 $0x80, s4  }
0x1c: {  	s30 =	sadd.s32 s25, s6;
	s0 =	sadd.s32 s26, s0;
	[dreg:$0xd] =	wrdreg s7  }
.Ltmp0:
0x1d: {  	s25 =	simm.s32 $0x8;
	[dreg:$0x12] =	wrdreg s30;
	(pc) =	sbr.rel .LBB2_1-.Ltmp0, $4  }
0x1e: {  	s26 =	simm.s32 $0x1CC00;
	s8 =	simm.s32 $0xE80;
	[dreg:$0x13] =	wrdreg s0  }
0x1f: {  	s4 =	simm.s32 $0xF00;
	s7 =	sadd.s32 s23, s3;
	[dreg:$0xc] =	wrdreg s14  }
0x20: {  	s23 =	simm.s32 $0x1000;
	[dreg:$0xf] =	wrdreg s7;
	s7 =	sadd.s32 s24, s3  }
0x21: {  	v0 =	vimm.f32 $0.0e+00;
	v1 =	vimm.f32 $1.000000000e+00;
	s0 =	simm.s32 $0x3;
	[dreg:$0x10] =	wrdreg s7;
	s7 =	simm.s32 $0x0  }
.LBB2_11:
0x22: {  	_ =	swait.ge [sflag:s28], $0x4000  }
0x23: {  	[sflag:s28] =	ssyncset.done $0x0  }
0x24: {  	s6 =	simm.s32 $0xF80;
	[sflag:s28] =	ssyncadd.s32 $0xFFFFC000  }
0x25: {  	[spmem:s2] =	stream.indirect.scatter.add.f32 [tilespmem:s31], [sflag:$0x8], $0x80, s6, s29, $0xb8;
	[tilespmem:$0x1FB80] =	vst v63  }
0x26: {  	_ =	swait.ge [sflag:s25], $0x4000  }
0x27: {  	[sflag:s25] =	ssyncset.done $0x0  }
0x28: {  	[sflag:s25] =	ssyncadd.s32 $0xFFFFC000  }
0x29: {  	_ =	swait.ge [sflag:s0], $0x4000  }
0x2a: {  	[sflag:s0] =	ssyncset.done $0x0  }
0x2b: {  	[sflag:s0] =	ssyncadd.s32 $0xFFFFC000  }
0x2c: {  	_ =	swait.ge [sflag:s21], $0x800  }
0x2d: {  	[sflag:s21] =	ssyncset.done $0x0  }
0x2e: {  	[sflag:s21] =	ssyncadd.s32 $0xFFFFF800  }
0x2f: {  	_ =	swait.ge [sflag:s21], $0x800  }
0x30: {  	[sflag:s21] =	ssyncset.done $0x0  }
0x31: {  	[sflag:s21] =	ssyncadd.s32 $0xFFFFF800  }
0x32: {  	_ =	swait.ge [sflag:s21], $0x800  }
0x33: {  	[sflag:s21] =	ssyncset.done $0x0  }
0x34: {  	[sflag:s21] =	ssyncadd.s32 $0xFFFFF800  }
0x35: {  	_ =	swait.ge [sflag:s21], $0x800  }
0x36: {  	[sflag:s21] =	ssyncset.done $0x0  }
0x37: {  	[sflag:s21] =	ssyncadd.s32 $0xFFFFF800  }
0x38: {  	_ =	swait.ge [sflag:s21], $0x800  }
0x39: {  	[sflag:s21] =	ssyncset.done $0x0  }
0x3a: {  	[sflag:s21] =	ssyncadd.s32 $0xFFFFF800  }
0x3b: {  	_ =	swait.ge [sflag:s21], $0x800  }
0x3c: {  	[sflag:s21] =	ssyncset.done $0x0  }
0x3d: {  	[sflag:s21] =	ssyncadd.s32 $0xFFFFF800  }
0x3e: {  	_ =	swait.ge [sflag:s21], $0x800  }
0x3f: {  	[sflag:s21] =	ssyncset.done $0x0  }
0x40: {  	[sflag:s21] =	ssyncadd.s32 $0xFFFFF800  }
0x41: {  	_ =	swait.ge [sflag:s21], $0x800  }
0x42: {  	[sflag:s21] =	ssyncset.done $0x0  }
0x43: {  	[sflag:s21] =	ssyncadd.s32 $0xFFFFF800  }
0x44: {  	s17 =	stileid.u32;
	[bflag:$0x0] =	sbarrier.arrive $0xFFFF  }
0x45: {  	s6 =	sshll.u32 s17, $0x6;
	s17 =	rddreg [dreg:$0x7]  }
0x46: {  	s6 =	sor.u32 $0x1C08, s6;
	s10 =	rddreg [dreg:$0x12];
	s7 =	sshrl.u32 s17, $0x3  }
0x47: {  	[hbm:s10], [sflag:s6] =	dma.local [spmem:s7], $0x2780  }
0x48: {  	_ =	swait.ge [sflag:s25], $0x2780  }
0x49: {  	[sflag:s25] =	ssyncset.done $0x0;
	s14 =	rddreg [dreg:$0xc]  }
0x4a: {  	s22 =	rddreg [dreg:$0x13];
	[sflag:s25] =	ssyncadd.s32 $0xFFFFD880;
	s18 =	sshrl.u32 s14, $0x3  }
0x4b: {  	[hbm:s22], [sflag:s6] =	dma.local [spmem:s18], $0x4F0  }
0x4c: {  	_ =	swait.ge [sflag:s25], $0x4F0  }
0x4d: {  	s24 =	rddreg [dreg:$0x14]  }
0x4e: {  	s30 =	rddreg [dreg:$0x11];
	s7 =	sadd.s32 $0x1, s24  }
0x4f: {  	p0 =	sne.s32 s7, s30  }
.Ltmp1:
0x50: {  	_ = 	snop;
	(pc) =	sbr.rel @!p0 .LBB2_12-.Ltmp1, $3  }
0x51: {  	_ =	sdelay $0x1  }
0x52: {  	[sflag:s25] =	ssyncset.done $0x0  }
0x53: {  	[sflag:s25] =	ssyncadd.s32 $0xFFFFFB10  }
.LBB2_1:
0x54: {  	s6 =	simm.s32 $0x0;
	s24 =	rddreg [dreg:$0x5]  }
0x55: {  	[tilespmem:s6], [sflag:$0x5] =	stream.linear.gather [hbm4b:s24+s6], $0x400, $0x38;
	[tilespmem:$0x1FB80] =	vst v63  }
0x56: {  	s30 =	rddreg [dreg:$0x6];
	s10 =	simm.s32 $0x800  }
0x57: {  	[tilespmem:s10], [sflag:$0x5] =	stream.linear.gather [hbm4b:s30+s6], $0x400, $0x38;
	[tilespmem:$0x1FB80] =	vst v63  }
0x58: {  	[dreg:$0x14] =	wrdreg s7;
	s6 =	simm.s32 $0x0;
	s10 =	simm.s32 $0x200  }
.LBB2_2:
0x59: {  	p0 =	sne.s32 s10, $0xFE00;
	[tilespmem:s6+$0x1070] =	vst v0  }
0x5a: {  	[tilespmem:s6+$0x1000] =	vst v0  }
0x5b: {  	[tilespmem:s6+$0x1010] =	vst v0  }
.Ltmp2:
0x5c: {  	[tilespmem:s6+$0x1020] =	vst v0;
	(pc) =	sbr.rel @p0 .LBB2_2-.Ltmp2, $4  }
0x5d: {  	[tilespmem:s6+$0x1030] =	vst v0  }
0x5e: {  	[tilespmem:s6+$0x1040] =	vst v0  }
0x5f: {  	[tilespmem:s6+$0x1050] =	vst v0  }
0x60: {  	[tilespmem:s6+$0x1060] =	vst v0;
	s6 =	sshra.s32 s10, $0x2;
	s10 =	sadd.s32 $0x200, s10  }
0x61: {  	[tilespmem:s6+$0x1070] =	vst v0  }
0x62: {  	[tilespmem:s6+$0x1000] =	vst v0  }
0x63: {  	[tilespmem:s6+$0x1010] =	vst v0  }
0x64: {  	[tilespmem:s6+$0x1020] =	vst v0  }
0x65: {  	[tilespmem:s6+$0x1030] =	vst v0  }
0x66: {  	[tilespmem:s6+$0x1040] =	vst v0  }
0x67: {  	[tilespmem:s6+$0x1050] =	vst v0  }
0x68: {  	[tilespmem:s6+$0x1060] =	vst v0  }
0x69: {  	[spmem:s17] =	stream.linear.scatter [tilespmem:s23], [sflag:$0x8], $0x4000, $0x38;
	[tilespmem:$0x1FB80] =	vst v63  }
0x6a: {  	_ =	swait.ge [sflag:s25], $0x4000  }
0x6b: {  	[sflag:s25] =	ssyncset.done $0x0  }
0x6c: {  	s18 =	rddreg [dreg:$0x8];
	[sflag:s25] =	ssyncadd.s32 $0xFFFFC000  }
0x6d: {  	[spmem:s18] =	stream.linear.scatter [tilespmem:s23], [sflag:$0x8], $0x4000, $0x38;
	[tilespmem:$0x1FB80] =	vst v63  }
0x6e: {  	_ =	swait.ge [sflag:s25], $0x4000  }
0x6f: {  	[sflag:s25] =	ssyncset.done $0x0  }
0x70: {  	s22 =	rddreg [dreg:$0x9];
	[sflag:s25] =	ssyncadd.s32 $0xFFFFC000  }
0x71: {  	[spmem:s22] =	stream.linear.scatter [tilespmem:s23], [sflag:$0x8], $0x4000, $0x38;
	[tilespmem:$0x1FB80] =	vst v63  }
0x72: {  	_ =	swait.ge [sflag:s25], $0x4000  }
0x73: {  	[sflag:s25] =	ssyncset.done $0x0  }
0x74: {  	s24 =	rddreg [dreg:$0xa];
	[sflag:s25] =	ssyncadd.s32 $0xFFFFC000  }
0x75: {  	[spmem:s24] =	stream.linear.scatter [tilespmem:s23], [sflag:$0x8], $0x4000, $0x38;
	[tilespmem:$0x1FB80] =	vst v63  }
0x76: {  	_ =	swait.ge [sflag:s25], $0x4000  }
0x77: {  	[sflag:s25] =	ssyncset.done $0x0  }
0x78: {  	s30 =	rddreg [dreg:$0xb];
	[sflag:s25] =	ssyncadd.s32 $0xFFFFC000  }
0x79: {  	[spmem:s30] =	stream.linear.scatter [tilespmem:s23], [sflag:$0x8], $0x3C00, $0x38;
	[tilespmem:$0x1FB80] =	vst v63  }
0x7a: {  	_ =	swait.ge [sflag:s25], $0x3C00  }
0x7b: {  	[sflag:s25] =	ssyncset.done $0x0  }
0x7c: {  	s6 =	simm.s32 $0x40;
	s10 =	simm.s32 $0x0;
	[sflag:s25] =	ssyncadd.s32 $0xFFFFC400  }
.LBB2_4:
0x7d: {  	p0 =	sne.s32 s6, $0x1FC0;
	[tilespmem:s10+$0x1CC00] =	vst v0;
	s10 =	smov.u32 s6;
	s6 =	sadd.s32 $0x40, s6  }
.Ltmp3:
0x7e: {  	(pc) =	sbr.rel @p0 .LBB2_4-.Ltmp3, $2  }
0x7f: {  	_ =	sdelay $0x2  }
0x80: {  	s10 =	sshra.s32 s10, $0x2  }
0x81: {  	[tilespmem:s10+$0x1CC00] =	vst v0  }
0x82: {  	[spmem:s14] =	stream.linear.scatter [tilespmem:s26], [sflag:$0x8], $0x800, $0x38;
	[tilespmem:$0x1FB80] =	vst v63  }
0x83: {  	_ =	swait.ge [sflag:s25], $0x800  }
0x84: {  	[sflag:s25] =	ssyncset.done $0x0  }
0x85: {  	s6 =	rddreg [dreg:$0xd];
	[sflag:s25] =	ssyncadd.s32 $0xFFFFF800  }
0x86: {  	[spmem:s6] =	stream.linear.scatter [tilespmem:s26], [sflag:$0x8], $0x800, $0x38;
	[tilespmem:$0x1FB80] =	vst v63  }
0x87: {  	_ =	swait.ge [sflag:s25], $0x800  }
0x88: {  	[sflag:s25] =	ssyncset.done $0x0  }
0x89: {  	s22 =	rddreg [dreg:$0xe];
	[sflag:s25] =	ssyncadd.s32 $0xFFFFF800  }
0x8a: {  	[spmem:s22] =	stream.linear.scatter [tilespmem:s26], [sflag:$0x8], $0x800, $0x38;
	[tilespmem:$0x1FB80] =	vst v63  }
0x8b: {  	_ =	swait.ge [sflag:s25], $0x800  }
0x8c: {  	[sflag:s25] =	ssyncset.done $0x0  }
0x8d: {  	s24 =	rddreg [dreg:$0xf];
	[sflag:s25] =	ssyncadd.s32 $0xFFFFF800  }
0x8e: {  	[spmem:s24] =	stream.linear.scatter [tilespmem:s26], [sflag:$0x8], $0x800, $0x38;
	[tilespmem:$0x1FB80] =	vst v63  }
0x8f: {  	_ =	swait.ge [sflag:s25], $0x800  }
0x90: {  	[sflag:s25] =	ssyncset.done $0x0  }
0x91: {  	s30 =	rddreg [dreg:$0x10];
	[sflag:s25] =	ssyncadd.s32 $0xFFFFF800  }
0x92: {  	[spmem:s30] =	stream.linear.scatter [tilespmem:s26], [sflag:$0x8], $0x780, $0x38;
	[tilespmem:$0x1FB80] =	vst v63  }
0x93: {  	_ =	swait.ge [sflag:s25], $0x780  }
0x94: {  	[sflag:s25] =	ssyncset.done $0x0  }
0x95: {  	s10 =	simm.s32 $0x0;
	s6 =	simm.s32 $0x40;
	[sflag:s25] =	ssyncadd.s32 $0xFFFFF880  }
.LBB2_6:
0x96: {  	p0 =	sne.s32 s6, $0x1FC0;
	[tilespmem:s10+$0x1CC00] =	vst v1;
	s10 =	smov.u32 s6;
	s6 =	sadd.s32 $0x40, s6  }
.Ltmp4:
0x97: {  	(pc) =	sbr.rel @p0 .LBB2_6-.Ltmp4, $2  }
0x98: {  	_ =	sdelay $0x2  }
0x99: {  	s10 =	sshra.s32 s10, $0x2  }
.Ltmp5:
0x9a: {  	(pc) =	sbr.rel .LBB2_8-.Ltmp5, $4  }
0x9b: {  	_ = 	snop  }
0x9c: {  	[tilespmem:s10+$0x1CC00] =	vst v1  }
0x9d: {  	[bflag:$0x0] =	sbarrier.arrive $0xFFFF  }
0x9e: {  	s10 =	simm.s32 $0x0;
	s14 =	simm.s32 $0x0  }
.LBB2_10:
0x9f: {  	s10 =	sadd.s32 $0x80, s10  }
0xa0: {  	p0 =	sne.s32 s10, $0x500  }
.Ltmp6:
0xa1: {  	_ = 	snop;
	(pc) =	sbr.rel @!p0 .LBB2_11-.Ltmp6, $2  }
0xa2: {  	_ =	sdelay $0x2  }
0xa3: {  	s14 =	sadd.s32 $0x1, s14  }
.LBB2_8:
0xa4: {  	s16 =	sand.u32 $0x1, s14  }
0xa5: {  	p0 =	seq.s32 s16, $0x1  }
0xa6: {  	s6 =	simm.s32 @!p0 $0x5  }
0xa7: {  	_ =	swait.ge @!p0 [sflag:s6], $0x400  }
0xa8: {  	[sflag:s6] =	ssyncset.done @!p0 $0x0  }
0xa9: {  	[sflag:s6] =	ssyncadd.s32 @!p0 $0xFFFFFC00  }
0xaa: {  	p1 =	sne.s32 @!p0 s10, $0x0;
	_ =	swait.ge @!p0 [sflag:s6], $0x400  }
0xab: {  	p2 =	por !p1, p0;
	[sflag:s6] =	ssyncset.done @!p0 $0x0  }
0xac: {  	[sflag:s6] =	ssyncadd.s32 @!p0 $0xFFFFFC00;
	s6 =	simm.s32 @!p2 $0x3  }
0xad: {  	_ =	swait.ge @!p2 [sflag:s6], $0x4000  }
0xae: {  	[sflag:s6] =	ssyncset.done @!p2 $0x0  }
0xaf: {  	[sflag:s6] =	ssyncadd.s32 @!p2 $0xFFFFC000;
	s6 =	simm.s32 @!p2 $0x7  }
0xb0: {  	_ =	swait.ge @!p2 [sflag:s6], $0x800  }
0xb1: {  	[sflag:s6] =	ssyncset.done @!p2 $0x0  }
0xb2: {  	[sflag:s6] =	ssyncadd.s32 @!p2 $0xFFFFF800  }
0xb3: {  	_ =	swait.ge @!p2 [sflag:s6], $0x800  }
0xb4: {  	[sflag:s6] =	ssyncset.done @!p2 $0x0  }
0xb5: {  	[sflag:s6] =	ssyncadd.s32 @!p2 $0xFFFFF800  }
0xb6: {  	_ =	swait.ge @!p2 [sflag:s6], $0x800  }
0xb7: {  	[sflag:s6] =	ssyncset.done @!p2 $0x0  }
0xb8: {  	[sflag:s6] =	ssyncadd.s32 @!p2 $0xFFFFF800  }
0xb9: {  	_ =	swait.ge @!p2 [sflag:s6], $0x800  }
0xba: {  	[sflag:s6] =	ssyncset.done @!p2 $0x0  }
0xbb: {  	[sflag:s6] =	ssyncadd.s32 @!p2 $0xFFFFF800  }
0xbc: {  	_ =	swait.ge @!p2 [sflag:s6], $0x800  }
0xbd: {  	[sflag:s6] =	ssyncset.done @!p2 $0x0  }
0xbe: {  	[sflag:s6] =	ssyncadd.s32 @!p2 $0xFFFFF800  }
0xbf: {  	_ =	swait.ge @!p2 [sflag:s6], $0x800  }
0xc0: {  	[sflag:s6] =	ssyncset.done @!p2 $0x0  }
0xc1: {  	[sflag:s6] =	ssyncadd.s32 @!p2 $0xFFFFF800  }
0xc2: {  	_ =	swait.ge @!p2 [sflag:s6], $0x800  }
0xc3: {  	[sflag:s6] =	ssyncset.done @!p2 $0x0  }
0xc4: {  	[sflag:s6] =	ssyncadd.s32 @!p2 $0xFFFFF800  }
0xc5: {  	_ =	swait.ge @!p2 [sflag:s6], $0x800  }
0xc6: {  	s13 =	simm.s32 @!p2 $0x0;
	[sflag:s6] =	ssyncset.done @!p2 $0x0  }
0xc7: {  	s18 =	simm.s32 @!p2 $0x1000;
	[sflag:s6] =	ssyncadd.s32 @!p2 $0xFFFFF800;
	s6 =	simm.s32 @!p2 $0x80  }
0xc8: {  	[tilespmem:s18], [sflag:$0x1] =	stream.indirect.gather @!p2 [hbm4b:s1+s6], $0x80, s13, s6, $0xb8;
	[tilespmem:$0x1FB80] =	vst v63  }
0xc9: {  	s13 =	simm.s32 @!p2 $0x2  }
0xca: {  	_ =	swait.ge @!p2 [sflag:s13], $0x4000  }
0xcb: {  	[sflag:s13] =	ssyncset.done @!p2 $0x0  }
0xcc: {  	s18 =	simm.s32 @!p2 $0x5000;
	[sflag:s13] =	ssyncadd.s32 @!p2 $0xFFFFC000;
	s13 =	simm.s32 @!p2 $0xF80  }
0xcd: {  	[spmem:s2] =	stream.indirect.scatter.add.f32 @!p2 [tilespmem:s18], [sflag:$0x4], $0x80, s13, s6, $0xb8;
	[tilespmem:$0x1FB80] =	vst v63  }
0xce: {  	s13 =	simm.s32 @!p2 $0x800;
	s18 =	simm.s32 @!p2 $0x1CC00  }
0xcf: {  	[spmem:s3] =	stream.indirect.scatter.add.f32 @!p2 [tilespmem:s18], [sflag:$0x7], $0x10, s13, s6, $0xb8;
	[tilespmem:$0x1FB80] =	vst v63  }
0xd0: {  	s6 =	simm.s32 @!p2 $0x4  }
0xd1: {  	p1 =	por p1, p0;
	_ =	swait.ge @!p2 [sflag:s6], $0x4000  }
0xd2: {  	s13 =	simm.s32 @!p1 $0x0;
	[sflag:s6] =	ssyncset.done @!p2 $0x0  }
0xd3: {  	s18 =	simm.s32 @!p1 $0x1000;
	[sflag:s6] =	ssyncadd.s32 @!p2 $0xFFFFC000;
	s6 =	simm.s32 @!p1 $0x80  }
0xd4: {  	[tilespmem:s18], [sflag:$0x1] =	stream.indirect.gather @!p1 [hbm4b:s1+s6], $0x80, s13, s6, $0xb8;
	[tilespmem:$0x1FB80] =	vst v63  }
0xd5: {  	s13 =	simm.s32 @!p1 $0x800;
	s18 =	simm.s32 @!p1 $0x1CC00  }
0xd6: {  	[spmem:s3] =	stream.indirect.scatter.add.f32 @!p1 [tilespmem:s18], [sflag:$0x7], $0x10, s13, s6, $0xb8;
	[tilespmem:$0x1FB80] =	vst v63  }
0xd7: {  	s24 =	simm.s32 @!p0 $0x1;
	s18 =	simm.s32 @!p0 $0x80;
	s13 =	simm.s32 @!p0 $0x5000  }
0xd8: {  	[tilespmem:s13], [sflag:$0x2] =	stream.indirect.gather @!p0 [hbm4b:s1+s18], $0x80, s18, s18, $0xb8;
	[tilespmem:$0x1FB80] =	vst v63  }
0xd9: {  	_ =	swait.ge @!p0 [sflag:s24], $0x4000  }
0xda: {  	[sflag:s24] =	ssyncset.done @!p0 $0x0  }
0xdb: {  	s30 =	simm.s32 @!p0 $0x800;
	s6 =	simm.s32 @!p0 $0x1000;
	[sflag:s24] =	ssyncadd.s32 @!p0 $0xFFFFC000  }
0xdc: {  	[spmem:s2] =	stream.indirect.scatter.add.f32 @!p0 [tilespmem:s6], [sflag:$0x3], $0x80, s30, s18, $0xb8;
	[tilespmem:$0x1FB80] =	vst v63  }
0xdd: {  	s7 =	simm.s32 @!p0 $0x880;
	s30 =	simm.s32 @!p0 $0x1CC00  }
0xde: {  	[spmem:s3] =	stream.indirect.scatter.add.f32 @!p0 [tilespmem:s30], [sflag:$0x7], $0x10, s7, s18, $0xb8;
	[tilespmem:$0x1FB80] =	vst v63  }
0xdf: {  	s12 =	sadd.s32 @!p0 s10, s20;
	s15 =	simm.s32 @!p0 $0x0;
	s17 =	simm.s32 @!p0 $0x400  }
0xe0: {  	[tilespmem:s17], [sflag:$0x6] =	stream.linear.gather @!p0 [hbm4b:s12+s15], $0x400, $0x38;
	[tilespmem:$0x1FB80] =	vst v63  }
0xe1: {  	s12 =	sadd.s32 @!p0 s10, s19;
	s17 =	simm.s32 @!p0 $0xC00  }
0xe2: {  	[tilespmem:s17], [sflag:$0x6] =	stream.linear.gather @!p0 [hbm4b:s12+s15], $0x400, $0x38;
	[tilespmem:$0x1FB80] =	vst v63  }
0xe3: {  	s12 =	simm.s32 @!p0 $0x3  }
0xe4: {  	_ =	swait.ge @!p0 [sflag:s12], $0x4000  }
0xe5: {  	[sflag:s12] =	ssyncset.done @!p0 $0x0  }
0xe6: {  	s15 =	simm.s32 @!p0 $0x100;
	[sflag:s12] =	ssyncadd.s32 @!p0 $0xFFFFC000  }
0xe7: {  	[tilespmem:s6], [sflag:$0x1] =	stream.indirect.gather @!p0 [hbm4b:s1+s18], $0x80, s15, s18, $0xb8;
	[tilespmem:$0x1FB80] =	vst v63  }
0xe8: {  	s15 =	simm.s32 @!p0 $0x2  }
0xe9: {  	_ =	swait.ge @!p0 [sflag:s15], $0x4000  }
0xea: {  	[sflag:s15] =	ssyncset.done @!p0 $0x0  }
0xeb: {  	[sflag:s15] =	ssyncadd.s32 @!p0 $0xFFFFC000  }
0xec: {  	[spmem:s2] =	stream.indirect.scatter.add.f32 @!p0 [tilespmem:s13], [sflag:$0x4], $0x80, s7, s18, $0xb8;
	[tilespmem:$0x1FB80] =	vst v63  }
0xed: {  	s17 =	simm.s32 @!p0 $0x4;
	s7 =	simm.s32 @!p0 $0x900  }
0xee: {  	[spmem:s3] =	stream.indirect.scatter.add.f32 @!p0 [tilespmem:s30], [sflag:$0x7], $0x10, s7, s18, $0xb8;
	[tilespmem:$0x1FB80] =	vst v63  }
0xef: {  	_ =	swait.ge @!p0 [sflag:s17], $0x4000  }
0xf0: {  	[sflag:s17] =	ssyncset.done @!p0 $0x0  }
0xf1: {  	s22 =	simm.s32 @!p0 $0x180;
	[sflag:s17] =	ssyncadd.s32 @!p0 $0xFFFFC000  }
0xf2: {  	[tilespmem:s13], [sflag:$0x2] =	stream.indirect.gather @!p0 [hbm4b:s1+s18], $0x80, s22, s18, $0xb8;
	[tilespmem:$0x1FB80] =	vst v63  }
0xf3: {  	_ =	swait.ge @!p0 [sflag:s24], $0x4000  }
0xf4: {  	[sflag:s24] =	ssyncset.done @!p0 $0x0  }
0xf5: {  	[sflag:s24] =	ssyncadd.s32 @!p0 $0xFFFFC000  }
0xf6: {  	[spmem:s2] =	stream.indirect.scatter.add.f32 @!p0 [tilespmem:s6], [sflag:$0x3], $0x80, s7, s18, $0xb8;
	[tilespmem:$0x1FB80] =	vst v63  }
0xf7: {  	s7 =	simm.s32 @!p0 $0x980  }
0xf8: {  	[spmem:s3] =	stream.indirect.scatter.add.f32 @!p0 [tilespmem:s30], [sflag:$0x7], $0x10, s7, s18, $0xb8;
	[tilespmem:$0x1FB80] =	vst v63  }
0xf9: {  	_ =	swait.ge @!p0 [sflag:s12], $0x4000  }
0xfa: {  	[sflag:s12] =	ssyncset.done @!p0 $0x0  }
0xfb: {  	s22 =	simm.s32 @!p0 $0x200;
	[sflag:s12] =	ssyncadd.s32 @!p0 $0xFFFFC000  }
0xfc: {  	[tilespmem:s6], [sflag:$0x1] =	stream.indirect.gather @!p0 [hbm4b:s1+s18], $0x80, s22, s18, $0xb8;
	[tilespmem:$0x1FB80] =	vst v63  }
0xfd: {  	_ =	swait.ge @!p0 [sflag:s15], $0x4000  }
0xfe: {  	[sflag:s15] =	ssyncset.done @!p0 $0x0  }
0xff: {  	[sflag:s15] =	ssyncadd.s32 @!p0 $0xFFFFC000  }
0x100: {  	[spmem:s2] =	stream.indirect.scatter.add.f32 @!p0 [tilespmem:s13], [sflag:$0x4], $0x80, s7, s18, $0xb8;
	[tilespmem:$0x1FB80] =	vst v63  }
0x101: {  	s7 =	simm.s32 @!p0 $0xA00  }
0x102: {  	[spmem:s3] =	stream.indirect.scatter.add.f32 @!p0 [tilespmem:s30], [sflag:$0x7], $0x10, s7, s18, $0xb8;
	[tilespmem:$0x1FB80] =	vst v63  }
0x103: {  	_ =	swait.ge @!p0 [sflag:s17], $0x4000  }
0x104: {  	[sflag:s17] =	ssyncset.done @!p0 $0x0  }
0x105: {  	s22 =	simm.s32 @!p0 $0x280;
	[sflag:s17] =	ssyncadd.s32 @!p0 $0xFFFFC000  }
0x106: {  	[tilespmem:s13], [sflag:$0x2] =	stream.indirect.gather @!p0 [hbm4b:s1+s18], $0x80, s22, s18, $0xb8;
	[tilespmem:$0x1FB80] =	vst v63  }
0x107: {  	_ =	swait.ge @!p0 [sflag:s24], $0x4000  }
0x108: {  	[sflag:s24] =	ssyncset.done @!p0 $0x0  }
0x109: {  	[sflag:s24] =	ssyncadd.s32 @!p0 $0xFFFFC000  }
0x10a: {  	[spmem:s2] =	stream.indirect.scatter.add.f32 @!p0 [tilespmem:s6], [sflag:$0x3], $0x80, s7, s18, $0xb8;
	[tilespmem:$0x1FB80] =	vst v63  }
0x10b: {  	s7 =	simm.s32 @!p0 $0xA80  }
0x10c: {  	[spmem:s3] =	stream.indirect.scatter.add.f32 @!p0 [tilespmem:s30], [sflag:$0x7], $0x10, s7, s18, $0xb8;
	[tilespmem:$0x1FB80] =	vst v63  }
0x10d: {  	_ =	swait.ge @!p0 [sflag:s12], $0x4000  }
0x10e: {  	[sflag:s12] =	ssyncset.done @!p0 $0x0  }
0x10f: {  	[sflag:s12] =	ssyncadd.s32 @!p0 $0xFFFFC000;
	s12 =	simm.s32 @!p0 $0x300  }
0x110: {  	[tilespmem:s6], [sflag:$0x1] =	stream.indirect.gather @!p0 [hbm4b:s1+s18], $0x80, s12, s18, $0xb8;
	[tilespmem:$0x1FB80] =	vst v63  }
0x111: {  	_ =	swait.ge @!p0 [sflag:s15], $0x4000  }
0x112: {  	[sflag:s15] =	ssyncset.done @!p0 $0x0  }
0x113: {  	[sflag:s15] =	ssyncadd.s32 @!p0 $0xFFFFC000  }
0x114: {  	[spmem:s2] =	stream.indirect.scatter.add.f32 @!p0 [tilespmem:s13], [sflag:$0x4], $0x80, s7, s18, $0xb8;
	[tilespmem:$0x1FB80] =	vst v63  }
0x115: {  	s7 =	simm.s32 @!p0 $0xB00  }
0x116: {  	[spmem:s3] =	stream.indirect.scatter.add.f32 @!p0 [tilespmem:s30], [sflag:$0x7], $0x10, s7, s18, $0xb8;
	[tilespmem:$0x1FB80] =	vst v63  }
0x117: {  	_ =	swait.ge @!p0 [sflag:s17], $0x4000  }
0x118: {  	[sflag:s17] =	ssyncset.done @!p0 $0x0  }
0x119: {  	s12 =	simm.s32 @!p0 $0x380;
	[sflag:s17] =	ssyncadd.s32 @!p0 $0xFFFFC000  }
0x11a: {  	[tilespmem:s13], [sflag:$0x2] =	stream.indirect.gather @!p0 [hbm4b:s1+s18], $0x80, s12, s18, $0xb8;
	[tilespmem:$0x1FB80] =	vst v63  }
0x11b: {  	_ =	swait.ge @!p0 [sflag:s24], $0x4000  }
0x11c: {  	[sflag:s24] =	ssyncset.done @!p0 $0x0  }
0x11d: {  	[sflag:s24] =	ssyncadd.s32 @!p0 $0xFFFFC000  }
0x11e: {  	[spmem:s2] =	stream.indirect.scatter.add.f32 @!p0 [tilespmem:s6], [sflag:$0x3], $0x80, s7, s18, $0xb8;
	[tilespmem:$0x1FB80] =	vst v63  }
0x11f: {  	p1 =	seq.s32 @!p0 s16, $0x0;
	s6 =	simm.s32 @!p0 $0xB80  }
0x120: {  	[spmem:s3] =	stream.indirect.scatter.add.f32 @!p0 [tilespmem:s30], [sflag:$0x7], $0x10, s6, s18, $0xb8;
	[tilespmem:$0x1FB80] =	vst v63  }
0x121: {  	p0 =	por p0, !p1  }
.Ltmp7:
0x122: {  	_ = 	snop;
	(pc) =	sbr.rel @!p0 .LBB2_10-.Ltmp7, $1  }
0x123: {  	_ =	sdelay $0x3  }
0x124: {  	_ =	swait.ge [sflag:s5], $0x400  }
0x125: {  	[sflag:s5] =	ssyncset.done $0x0  }
0x126: {  	[sflag:s5] =	ssyncadd.s32 $0xFFFFFC00  }
0x127: {  	_ =	swait.ge [sflag:s5], $0x400  }
0x128: {  	[sflag:s5] =	ssyncset.done $0x0  }
0x129: {  	[sflag:s5] =	ssyncadd.s32 $0xFFFFFC00  }
0x12a: {  	_ =	swait.ge [sflag:s0], $0x4000  }
0x12b: {  	[sflag:s0] =	ssyncset.done $0x0  }
0x12c: {  	[sflag:s0] =	ssyncadd.s32 $0xFFFFC000  }
0x12d: {  	_ =	swait.ge [sflag:s21], $0x800  }
0x12e: {  	[sflag:s21] =	ssyncset.done $0x0  }
0x12f: {  	[sflag:s21] =	ssyncadd.s32 $0xFFFFF800  }
0x130: {  	_ =	swait.ge [sflag:s21], $0x800  }
0x131: {  	[sflag:s21] =	ssyncset.done $0x0  }
0x132: {  	[sflag:s21] =	ssyncadd.s32 $0xFFFFF800  }
0x133: {  	_ =	swait.ge [sflag:s21], $0x800  }
0x134: {  	[sflag:s21] =	ssyncset.done $0x0  }
0x135: {  	[sflag:s21] =	ssyncadd.s32 $0xFFFFF800  }
0x136: {  	_ =	swait.ge [sflag:s21], $0x800  }
0x137: {  	[sflag:s21] =	ssyncset.done $0x0  }
0x138: {  	[sflag:s21] =	ssyncadd.s32 $0xFFFFF800  }
0x139: {  	_ =	swait.ge [sflag:s21], $0x800  }
0x13a: {  	[sflag:s21] =	ssyncset.done $0x0  }
0x13b: {  	[sflag:s21] =	ssyncadd.s32 $0xFFFFF800  }
0x13c: {  	_ =	swait.ge [sflag:s21], $0x800  }
0x13d: {  	[sflag:s21] =	ssyncset.done $0x0  }
0x13e: {  	[sflag:s21] =	ssyncadd.s32 $0xFFFFF800  }
0x13f: {  	_ =	swait.ge [sflag:s21], $0x800  }
0x140: {  	[sflag:s21] =	ssyncset.done $0x0  }
0x141: {  	[sflag:s21] =	ssyncadd.s32 $0xFFFFF800  }
0x142: {  	_ =	swait.ge [sflag:s21], $0x800  }
0x143: {  	[sflag:s21] =	ssyncset.done $0x0  }
0x144: {  	s6 =	simm.s32 $0x400;
	[sflag:s21] =	ssyncadd.s32 $0xFFFFF800  }
0x145: {  	[tilespmem:s23], [sflag:$0x1] =	stream.indirect.gather [hbm4b:s1+s29], $0x80, s6, s29, $0xb8;
	[tilespmem:$0x1FB80] =	vst v63  }
0x146: {  	_ =	swait.ge [sflag:s28], $0x4000  }
0x147: {  	[sflag:s28] =	ssyncset.done $0x0  }
0x148: {  	s24 =	simm.s32 $0xB80;
	[sflag:s28] =	ssyncadd.s32 $0xFFFFC000  }
0x149: {  	[spmem:s2] =	stream.indirect.scatter.add.f32 [tilespmem:s31], [sflag:$0x4], $0x80, s24, s29, $0xb8;
	[tilespmem:$0x1FB80] =	vst v63  }
0x14a: {  	s30 =	simm.s32 $0xC00  }
0x14b: {  	[spmem:s3] =	stream.indirect.scatter.add.f32 [tilespmem:s26], [sflag:$0x7], $0x10, s30, s29, $0xb8;
	[tilespmem:$0x1FB80] =	vst v63  }
0x14c: {  	_ =	swait.ge [sflag:s9], $0x4000  }
0x14d: {  	[sflag:s9] =	ssyncset.done $0x0  }
0x14e: {  	s7 =	simm.s32 $0x480;
	[sflag:s9] =	ssyncadd.s32 $0xFFFFC000  }
0x14f: {  	[tilespmem:s31], [sflag:$0x2] =	stream.indirect.gather [hbm4b:s1+s29], $0x80, s7, s29, $0xb8;
	[tilespmem:$0x1FB80] =	vst v63  }
0x150: {  	_ =	swait.ge [sflag:s11], $0x4000  }
0x151: {  	[sflag:s11] =	ssyncset.done $0x0  }
0x152: {  	[sflag:s11] =	ssyncadd.s32 $0xFFFFC000  }
0x153: {  	[spmem:s2] =	stream.indirect.scatter.add.f32 [tilespmem:s23], [sflag:$0x3], $0x80, s30, s29, $0xb8;
	[tilespmem:$0x1FB80] =	vst v63  }
0x154: {  	s13 =	simm.s32 $0xC80;
	p0 =	seq.s32 s10, $0x480  }
0x155: {  	[spmem:s3] =	stream.indirect.scatter.add.f32 [tilespmem:s26], [sflag:$0x7], $0x10, s13, s29, $0xb8;
	[tilespmem:$0x1FB80] =	vst v63  }
0x156: {  	s6 =	sadd.s32 @!p0 s10, s20;
	s7 =	simm.s32 @!p0 $0x0  }
0x157: {  	[tilespmem:s7], [sflag:$0x5] =	stream.linear.gather @!p0 [hbm4b:s6+s7], $0x400, $0x38;
	[tilespmem:$0x1FB80] =	vst v63  }
0x158: {  	s12 =	simm.s32 @!p0 $0x800;
	s6 =	sadd.s32 @!p0 s10, s19  }
0x159: {  	[tilespmem:s12], [sflag:$0x5] =	stream.linear.gather @!p0 [hbm4b:s6+s7], $0x400, $0x38;
	[tilespmem:$0x1FB80] =	vst v63  }
0x15a: {  	_ =	swait.ge [sflag:s0], $0x4000  }
0x15b: {  	[sflag:s0] =	ssyncset.done $0x0  }
0x15c: {  	s7 =	simm.s32 $0x500;
	[sflag:s0] =	ssyncadd.s32 $0xFFFFC000  }
0x15d: {  	[tilespmem:s23], [sflag:$0x1] =	stream.indirect.gather [hbm4b:s1+s29], $0x80, s7, s29, $0xb8;
	[tilespmem:$0x1FB80] =	vst v63  }
0x15e: {  	_ =	swait.ge [sflag:s28], $0x4000  }
0x15f: {  	[sflag:s28] =	ssyncset.done $0x0  }
0x160: {  	[sflag:s28] =	ssyncadd.s32 $0xFFFFC000  }
0x161: {  	[spmem:s2] =	stream.indirect.scatter.add.f32 [tilespmem:s31], [sflag:$0x4], $0x80, s13, s29, $0xb8;
	[tilespmem:$0x1FB80] =	vst v63  }
0x162: {  	s12 =	simm.s32 $0xD00  }
0x163: {  	[spmem:s3] =	stream.indirect.scatter.add.f32 [tilespmem:s26], [sflag:$0x7], $0x10, s12, s29, $0xb8;
	[tilespmem:$0x1FB80] =	vst v63  }
0x164: {  	_ =	swait.ge [sflag:s9], $0x4000  }
0x165: {  	[sflag:s9] =	ssyncset.done $0x0  }
0x166: {  	s13 =	simm.s32 $0x580;
	[sflag:s9] =	ssyncadd.s32 $0xFFFFC000  }
0x167: {  	[tilespmem:s31], [sflag:$0x2] =	stream.indirect.gather [hbm4b:s1+s29], $0x80, s13, s29, $0xb8;
	[tilespmem:$0x1FB80] =	vst v63  }
0x168: {  	_ =	swait.ge [sflag:s11], $0x4000  }
0x169: {  	[sflag:s11] =	ssyncset.done $0x0  }
0x16a: {  	[sflag:s11] =	ssyncadd.s32 $0xFFFFC000  }
0x16b: {  	[spmem:s2] =	stream.indirect.scatter.add.f32 [tilespmem:s23], [sflag:$0x3], $0x80, s12, s29, $0xb8;
	[tilespmem:$0x1FB80] =	vst v63  }
0x16c: {  	s15 =	simm.s32 $0xD80  }
0x16d: {  	[spmem:s3] =	stream.indirect.scatter.add.f32 [tilespmem:s26], [sflag:$0x7], $0x10, s15, s29, $0xb8;
	[tilespmem:$0x1FB80] =	vst v63  }
0x16e: {  	_ =	swait.ge [sflag:s0], $0x4000  }
0x16f: {  	[sflag:s0] =	ssyncset.done $0x0  }
0x170: {  	s16 =	simm.s32 $0x600;
	[sflag:s0] =	ssyncadd.s32 $0xFFFFC000  }
0x171: {  	[tilespmem:s23], [sflag:$0x1] =	stream.indirect.gather [hbm4b:s1+s29], $0x80, s16, s29, $0xb8;
	[tilespmem:$0x1FB80] =	vst v63  }
0x172: {  	_ =	swait.ge [sflag:s28], $0x4000  }
0x173: {  	[sflag:s28] =	ssyncset.done $0x0  }
0x174: {  	[sflag:s28] =	ssyncadd.s32 $0xFFFFC000  }
0x175: {  	[spmem:s2] =	stream.indirect.scatter.add.f32 [tilespmem:s31], [sflag:$0x4], $0x80, s15, s29, $0xb8;
	[tilespmem:$0x1FB80] =	vst v63  }
0x176: {  	s17 =	simm.s32 $0xE00  }
0x177: {  	[spmem:s3] =	stream.indirect.scatter.add.f32 [tilespmem:s26], [sflag:$0x7], $0x10, s17, s29, $0xb8;
	[tilespmem:$0x1FB80] =	vst v63  }
0x178: {  	_ =	swait.ge [sflag:s9], $0x4000  }
0x179: {  	[sflag:s9] =	ssyncset.done $0x0  }
0x17a: {  	s18 =	simm.s32 $0x680;
	[sflag:s9] =	ssyncadd.s32 $0xFFFFC000  }
0x17b: {  	[tilespmem:s31], [sflag:$0x2] =	stream.indirect.gather [hbm4b:s1+s29], $0x80, s18, s29, $0xb8;
	[tilespmem:$0x1FB80] =	vst v63  }
0x17c: {  	_ =	swait.ge [sflag:s11], $0x4000  }
0x17d: {  	[sflag:s11] =	ssyncset.done $0x0  }
0x17e: {  	[sflag:s11] =	ssyncadd.s32 $0xFFFFC000  }
0x17f: {  	[spmem:s2] =	stream.indirect.scatter.add.f32 [tilespmem:s23], [sflag:$0x3], $0x80, s17, s29, $0xb8;
	[tilespmem:$0x1FB80] =	vst v63  }
0x180: {  	_ = 	snop  }
0x181: {  	[spmem:s3] =	stream.indirect.scatter.add.f32 [tilespmem:s26], [sflag:$0x7], $0x10, s8, s29, $0xb8;
	[tilespmem:$0x1FB80] =	vst v63  }
0x182: {  	_ =	swait.ge [sflag:s0], $0x4000  }
0x183: {  	[sflag:s0] =	ssyncset.done $0x0  }
0x184: {  	s22 =	simm.s32 $0x700;
	[sflag:s0] =	ssyncadd.s32 $0xFFFFC000  }
0x185: {  	[tilespmem:s23], [sflag:$0x1] =	stream.indirect.gather [hbm4b:s1+s29], $0x80, s22, s29, $0xb8;
	[tilespmem:$0x1FB80] =	vst v63  }
0x186: {  	_ =	swait.ge [sflag:s28], $0x4000  }
0x187: {  	[sflag:s28] =	ssyncset.done $0x0  }
0x188: {  	[sflag:s28] =	ssyncadd.s32 $0xFFFFC000  }
0x189: {  	[spmem:s2] =	stream.indirect.scatter.add.f32 [tilespmem:s31], [sflag:$0x4], $0x80, s8, s29, $0xb8;
	[tilespmem:$0x1FB80] =	vst v63  }
0x18a: {  	_ = 	snop  }
0x18b: {  	[spmem:s3] =	stream.indirect.scatter.add.f32 [tilespmem:s26], [sflag:$0x7], $0x10, s4, s29, $0xb8;
	[tilespmem:$0x1FB80] =	vst v63  }
0x18c: {  	_ =	swait.ge [sflag:s9], $0x4000  }
0x18d: {  	[sflag:s9] =	ssyncset.done $0x0  }
0x18e: {  	s24 =	simm.s32 $0x780;
	[sflag:s9] =	ssyncadd.s32 $0xFFFFC000  }
0x18f: {  	[tilespmem:s31], [sflag:$0x2] =	stream.indirect.gather [hbm4b:s1+s29], $0x80, s24, s29, $0xb8;
	[tilespmem:$0x1FB80] =	vst v63  }
0x190: {  	_ =	swait.ge [sflag:s11], $0x4000  }
.Ltmp8:
0x191: {  	[sflag:s11] =	ssyncset.done $0x0;
	(pc) =	sbr.rel .LBB2_10-.Ltmp8, $4  }
0x192: {  	[sflag:s11] =	ssyncadd.s32 $0xFFFFC000  }
0x193: {  	[spmem:s2] =	stream.indirect.scatter.add.f32 [tilespmem:s23], [sflag:$0x3], $0x80, s4, s29, $0xb8;
	[tilespmem:$0x1FB80] =	vst v63  }
0x194: {  	s30 =	simm.s32 $0xF80  }
0x195: {  	[spmem:s3] =	stream.indirect.scatter.add.f32 [tilespmem:s26], [sflag:$0x7], $0x10, s30, s29, $0xb8;
	[tilespmem:$0x1FB80] =	vst v63  }
.LBB2_12:
0x196: {  	_ =	sfence.sel $0x180000  }
0x197: {  	[bflag:$0x0] =	sbarrier.arrive $0xFFFF  }
0x198: {  	_ =	strace $0x90000047  }
0x199: {  	s0 =	stileid.u32;
	[bflag:$0x2] =	sbarrier.arrive $0xFFFF  }
0x19a: {  	p0 =	sne.s32 s0, $0x0;
	s0 =	rddreg [dreg:$0x4]  }
0x19b: {  	s0 =	sadd.s32 @!p0 $0x100000, s0  }
0x19c: {  	[sflag:s0] =	ssyncadd.tile.s32 @!p0 $0x1;
	_ =	shalt  }
.Lfunc_end2:
_tile_overlayer_lowered:
.L_overlay_start_2:
0x19d: {  	(tag) =	ssettag $0x2  }
0x19e: {  	s0 =	rddreg [dreg:$0x0];
	s2 =	stileid.u32  }
0x19f: {  	s1 =	rddreg [dreg:$0x1];
	p0 =	sne.s32 s2, $0x0  }
0x1a0: {  	s3 =	rddreg [dreg:$0x2];
	[bflag:$0x3] =	sbarrier.arrive $0xFFFF;
	s2 =	simm.s32 @!p0 $0x1C08  }
0x1a1: {  	[timem:s3], [sflag:s2] =	dma.local @!p0 [hbm:s0], s1  }
0x1a2: {  	s0 =	simm.s32 @!p0 $0x8  }
0x1a3: {  	_ =	swait.ge @!p0 [sflag:s0], s1  }
0x1a4: {  	s1 =	ssub.s32 @!p0 $0x0, s1;
	[sflag:s0] =	ssyncset.done @!p0 $0x0  }
0x1a5: {  	[sflag:s0] =	ssyncadd.s32 @!p0 s1  }
0x1a6: {  	[bflag:$0x3] =	sbarrier.arrive $0xFFFF  }
0x1a7: {  	_ =	shalt  }

</sc_bundles>
